<compile_context>
chip_gen: v7x
topology: tpu7x:2x2x1
jax: 0.10.2.dev20260603
libtpu: 0.0.44.dev20260713+nightly
codegen_flags: <defaults>
</compile_context>

<pallas_src>
import functools

import jax
import jax.numpy as jnp
from jax import lax
from jax.experimental import pallas as pl
from jax.experimental.pallas import tpu as pltpu
from jax.experimental.pallas import tpu_sc as plsc

S_DIM = 4096
T_DIM = 4096
C = 1048576

OUT_N = S_DIM * T_DIM
WIN = 1048576
NWIN = OUT_N // WIN
PASSES = NWIN // 2
PAD = 16512
STG = 8192
ZCH = 16384


def _prep_body(w_ref, sig_ref, loss_ref):
    w = w_ref[...]
    sig = jax.nn.sigmoid(w)
    sig_ref[...] = sig
    ent = -(sig * jnp.log(sig + 1e-10) + (1.0 - sig) * jnp.log(1.0 - sig + 1e-10))
    part = jnp.sum(ent) * (1.0 / C)

    @pl.when(pl.program_id(0) == 0)
    def _():
        loss_ref[0, 0] = 0.0

    loss_ref[0, 0] += part


_prep = pl.pallas_call(
    _prep_body,
    grid=(8,),
    in_specs=[pl.BlockSpec((128, 1024), lambda i: (i, 0))],
    out_specs=[
        pl.BlockSpec((128, 1024), lambda i: (i, 0)),
        pl.BlockSpec((1, 1), lambda i: (0, 0), memory_space=pltpu.SMEM),
    ],
    out_shape=[
        jax.ShapeDtypeStruct((1024, 1024), jnp.float32),
        jax.ShapeDtypeStruct((1, 1), jnp.float32),
    ],
)


_mesh = plsc.VectorSubcoreMesh(core_axis_name="core", subcore_axis_name="sub")


@functools.partial(
    pl.kernel,
    mesh=_mesh,
    out_type=jax.ShapeDtypeStruct((OUT_N,), jnp.float32),
    scratch_types=[
        pltpu.VMEM_SHARED((WIN + 128,), jnp.float32),
        pltpu.VMEM((ZCH,), jnp.float32),
        pltpu.VMEM((32,), jnp.int32),
        pltpu.VMEM((STG + 16,), jnp.int32),
        pltpu.VMEM((STG,), jnp.float32),
        pltpu.VMEM((STG,), jnp.int32),
        pltpu.SemaphoreType.DMA,
    ],
)
def _sc_scatter(a_hbm, v_hbm, bnd_hbm, out_hbm, shared, zbuf, bbuf, abuf,
                vbuf, ibuf, sem):
    core = lax.axis_index("core")
    sub = lax.axis_index("sub")

    def zb(i, c):
        zbuf[pl.ds(i * 16, 16)] = jnp.zeros((16,), jnp.float32)
        return c

    lax.fori_loop(0, ZCH // 16, zb, 0)
    pltpu.sync_copy(bnd_hbm, bbuf)
    blovec = bbuf[pl.ds(0, 16)]
    bhivec = bbuf[pl.ds(16, 16)]
    iota = lax.iota(jnp.int32, 16)
    tslice = WIN // 16

    def one_pass(widx):
        wlo = widx * WIN

        def zfire(j, c2):
            pltpu.make_async_copy(
                zbuf, shared.at[pl.ds(sub * tslice + j * ZCH, ZCH)], sem
            ).start()
            return c2

        lax.fori_loop(0, tslice // ZCH, zfire, 0)

        def zwait(j, c2):
            pltpu.make_async_copy(
                zbuf, shared.at[pl.ds(sub * tslice + j * ZCH, ZCH)], sem
            ).wait()
            return c2

        lax.fori_loop(0, tslice // ZCH, zwait, 0)
        plsc.subcore_barrier()

        b_lo = blovec[widx]
        b_hi = bhivec[widx]
        share = (b_hi - b_lo + 15) >> 4
        start = b_lo + sub * share
        end = jnp.minimum(start + share, b_hi)
        trips = (share + 8 + STG - 1) >> 13

        def trip(t, c2):
            sbase = pl.multiple_of((start + t * STG) & ~7, 8)
            pltpu.sync_copy(a_hbm.at[pl.ds(sbase, STG + 16)], abuf)
            pltpu.sync_copy(v_hbm.at[pl.ds(sbase, STG)], vbuf)

            def grp(g, c3):
                k = g * 16
                a = abuf[pl.ds(k, 16)]
                an = abuf[pl.ds(k + 1, 16)]
                pos = sbase + k + iota
                keep = (a != an) & (pos >= start) & (pos < end)
                dvec = WIN + (k & 0x70) + iota
                ibuf[pl.ds(k, 16)] = jnp.where(keep, a - wlo, dvec)
                return c3

            lax.fori_loop(0, STG // 16, grp, 0)
            pltpu.sync_copy(vbuf, shared.at[ibuf], add=True)
            return c2

        lax.fori_loop(0, trips, trip, 0)
        plsc.subcore_barrier()

        pltpu.sync_copy(
            shared.at[pl.ds(sub * tslice, tslice)],
            out_hbm.at[pl.ds(wlo + sub * tslice, tslice)],
        )
        plsc.subcore_barrier()

    for p in range(PASSES):
        for cc in range(2):
            @pl.when(core == cc)
            def _(p=p, cc=cc):
                one_pass(cc * PASSES + p)


def kernel(weight, s_idx, t_idx, S, T):
    w2 = weight.reshape(1024, 1024)
    sig, loss = _prep(w2)
    addr = s_idx * T_DIM + t_idx
    a_s, v_s = lax.sort((addr, sig.reshape(C)), dimension=0,
                        is_stable=False, num_keys=1)
    bnd = jnp.searchsorted(a_s, jnp.arange(NWIN + 1, dtype=jnp.int32) * WIN
                           ).astype(jnp.int32)
    bnd = jnp.concatenate([bnd[:16], bnd[1:17]])
    a_pad = jnp.concatenate([a_s, jnp.zeros((PAD,), jnp.int32)])
    v_pad = jnp.concatenate([v_s, jnp.zeros((PAD,), jnp.float32)])
    flat = _sc_scatter(a_pad, v_pad, bnd)
    return flat.reshape(S_DIM, T_DIM), loss.reshape(())

# --- scband reference (transcript-rebuilt; emitter-appended) ---
"""Pipeline reference for scband-action-connection-matrix-60619168416023 (READ-ONLY COPY).

The authoritative reference and input builder live on the scoring server;
editing this copy changes nothing except your own understanding.
"""

import jax, jax.numpy as jnp
import numpy as np

C = 1048576
S_DIM = 4096
T_DIM = 4096

def setup_inputs(seed: int = 0) -> dict:
    key = jax.random.key(seed)
    k1, k2, k3 = jax.random.split(key, 3)
    # weight is the learned nn.Parameter of size C (one scalar per compatible pair),
    # initialized like torch.rand(connections_count)
    weight = jax.random.uniform(k1, (C,), dtype=jnp.float32)
    # connection_to_idx mapping flattened into parallel index arrays:
    # pair idx -> (source_action_index, target_action_index)
    s_idx = jax.random.randint(k2, (C,), 0, S_DIM, dtype=jnp.int32)
    t_idx = jax.random.randint(k3, (C,), 0, T_DIM, dtype=jnp.int32)
    return {"weight": weight, "s_idx": s_idx, "t_idx": t_idx, "S": S_DIM, "T": T_DIM}

def reference(weight, s_idx, t_idx, S, T):
    # forward(): scatter sigmoid(weight[idx]) into full_matrix[s_idx, t_idx]
    w = jax.nn.sigmoid(weight)
    zero = jnp.asarray(S * 0 + T * 0, dtype=weight.dtype)
    full_matrix = jnp.zeros((S_DIM, T_DIM), dtype=weight.dtype).at[s_idx, t_idx].set(w)
    full_matrix = full_matrix + zero
    # get_binary_regularization_loss(): binary entropy on sigmoid(weight)
    reg_loss = -(w * jnp.log(w + 1e-10) + (1.0 - w) * jnp.log(1.0 - w + 1e-10))
    reg_loss = reg_loss.mean() + zero
    return full_matrix, reg_loss

if __name__ == "__main__":
    import jax
    _d = setup_inputs()
    print(jax.jit(kernel)(*tuple(_d.values())))

</pallas_src>

<mosaic_0001>
#map = affine_map<(d0, d1) -> (0)>
module attributes {stable_mosaic.version = 14 : i64} {
  func.func @_sc_scatter(%arg0: i32, %arg1: i32, %arg2: memref<1065088xi32, #tpu.memory_space<hbm>>, %arg3: memref<1065088xf32, #tpu.memory_space<hbm>>, %arg4: memref<32xi32, #tpu.memory_space<hbm>>, %arg5: memref<16777216xf32, #tpu.memory_space<hbm>>, %arg6: memref<1048704xf32, #tpu.memory_space<vmem_shared>>, %arg7: memref<16384xf32, #tpu.memory_space<vmem>>, %arg8: memref<32xi32, #tpu.memory_space<vmem>>, %arg9: memref<8208xi32, #tpu.memory_space<vmem>>, %arg10: memref<8192xf32, #tpu.memory_space<vmem>>, %arg11: memref<8192xi32, #tpu.memory_space<vmem>>, %arg12: memref<!tpu.dma_semaphore, #tpu.memory_space<semaphore_mem>>) attributes {dimension_semantics = [#tpu.dimension_semantics<core_parallel>, #tpu.dimension_semantics<subcore_parallel>], iteration_bounds = array<i64: 2, 16>, scalar_prefetch = 0 : i64, scratch_operands = 7 : i64, tpu.core_type = #tpu.core_type<sc_vector_subcore>, window_params = [{transform_indices = #map}, {transform_indices = #map}, {transform_indices = #map}, {transform_indices = #map}]} {
    %scan3A = arith.constant 0 : i32
    %scan3A_0 = arith.constant 0 : i32
    %scan3A_1 = arith.constant 1024 : i32
    %scan3A_2 = arith.addi %scan3A_0, %scan3A_1 : i32
    %scan3A_3 = arith.constant 1 : i32
    scf.for %scan3A_87 = %scan3A_0 to %scan3A_2 step %scan3A_3  : i32 {
      %broadcast_in_dim3A = arith.constant 0.000000e+00 : f32
      %broadcast_in_dim3A_88 = vector.broadcast %broadcast_in_dim3A : f32 to vector<16xf32>
      %mul3A = arith.constant 16 : i32
      %mul3A_89 = arith.muli %scan3A_87, %mul3A : i32
      %swap3A = arith.index_cast %mul3A_89 : i32 to index
      %swap3A_90 = tpu.vector_load %arg7[%swap3A] {strides = array<i32>} : memref<16384xf32, #tpu.memory_space<vmem>>, vector<16xf32>,
      %swap3A_91 = vector.shape_cast %swap3A_90 : vector<16xf32> to vector<16xf32>
      %swap3A_92 = vector.shape_cast %broadcast_in_dim3A_88 : vector<16xf32> to vector<16xf32>
      tpu.vector_store %arg7[%swap3A], %swap3A_92 {strides = array<i32>} : memref<16384xf32, #tpu.memory_space<vmem>>, vector<16xf32>,
    }
    %scan3A_4 = arith.constant 1024 : i32
    "tpu.region"() ({
      %run_scoped3A = tpu.sem_alloc : memref<!tpu.dma_semaphore, #tpu.memory_space<semaphore_mem>>
      tpu.enqueue_dma source(%arg4 : memref<32xi32, #tpu.memory_space<hbm>>) target(%arg8 : memref<32xi32, #tpu.memory_space<vmem>>) target_semaphore(%run_scoped3A : memref<!tpu.dma_semaphore, #tpu.memory_space<semaphore_mem>>)
      tpu.wait_dma2 semaphore(%run_scoped3A : memref<!tpu.dma_semaphore, #tpu.memory_space<semaphore_mem>>) src(%arg4 : memref<32xi32, #tpu.memory_space<hbm>>) dst(%arg8 : memref<32xi32, #tpu.memory_space<vmem>>)
      tpu.yield
    }) : () -> ()
    %get3A = arith.constant 0 : index
    %get3A_5 = tpu.vector_load %arg8[%get3A] {strides = array<i32>} : memref<32xi32, #tpu.memory_space<vmem>>, vector<16xi32>,
    %get3A_6 = vector.shape_cast %get3A_5 : vector<16xi32> to vector<16xi32>
    %get3A_7 = arith.constant 16 : index
    %get3A_8 = tpu.vector_load %arg8[%get3A_7] {strides = array<i32>} : memref<32xi32, #tpu.memory_space<vmem>>, vector<16xi32>,
    %get3A_9 = vector.shape_cast %get3A_8 : vector<16xi32> to vector<16xi32>
    %iota3A = tpu.iota {dimensions = array<i32: 0>} : vector<16xi32>
    %eq3A = arith.constant 0 : i32
    %eq3A_10 = arith.cmpi eq, %arg0, %eq3A : i32
    %convert_element_type3A = arith.extui %eq3A_10 : i1 to i32
    %cond3A = arith.constant 0 : i32
    %cond3A_11 = arith.cmpi ne, %convert_element_type3A, %cond3A : i32
    scf.if %cond3A_11 {
      %scan3A_87 = arith.constant 0 : i32
      %scan3A_88 = arith.constant 0 : i32
      %scan3A_89 = arith.constant 4 : i32
      %scan3A_90 = arith.addi %scan3A_88, %scan3A_89 : i32
      %scan3A_91 = arith.constant 1 : i32
      scf.for %scan3A_130 = %scan3A_88 to %scan3A_90 step %scan3A_91  : i32 {
        %mul3A_131 = arith.constant 65536 : i32
        %mul3A_132 = arith.muli %arg1, %mul3A_131 : i32
        %mul3A_133 = arith.constant 16384 : i32
        %mul3A_134 = arith.muli %scan3A_130, %mul3A_133 : i32
        %add3A_135 = arith.addi %mul3A_132, %mul3A_134 : i32
        %dma_start3A = tpu.memref_slice %arg6[%add3A_135] : memref<1048704xf32, #tpu.memory_space<vmem_shared>> -> memref<16384xf32, #tpu.memory_space<vmem_shared>>
        %dma_start3A_136 = tpu.memref_slice %arg6[%add3A_135] : memref<1048704xf32, #tpu.memory_space<vmem_shared>> -> memref<16384xf32, #tpu.memory_space<vmem_shared>>
        tpu.enqueue_dma source(%arg7 : memref<16384xf32, #tpu.memory_space<vmem>>) target(%dma_start3A_136 : memref<16384xf32, #tpu.memory_space<vmem_shared>>) target_semaphore(%arg12 : memref<!tpu.dma_semaphore, #tpu.memory_space<semaphore_mem>>)
      }
      %scan3A_92 = arith.constant 4 : i32
      %scan3A_93 = arith.constant 0 : i32
      %scan3A_94 = arith.constant 0 : i32
      %scan3A_95 = arith.constant 4 : i32
      %scan3A_96 = arith.addi %scan3A_94, %scan3A_95 : i32
      %scan3A_97 = arith.constant 1 : i32
      scf.for %scan3A_130 = %scan3A_94 to %scan3A_96 step %scan3A_97  : i32 {
        %mul3A_131 = arith.constant 65536 : i32
        %mul3A_132 = arith.muli %arg1, %mul3A_131 : i32
        %mul3A_133 = arith.constant 16384 : i32
        %mul3A_134 = arith.muli %scan3A_130, %mul3A_133 : i32
        %add3A_135 = arith.addi %mul3A_132, %mul3A_134 : i32
        %dma_wait3A = tpu.memref_slice %arg6[%add3A_135] : memref<1048704xf32, #tpu.memory_space<vmem_shared>> -> memref<16384xf32, #tpu.memory_space<vmem_shared>>
        %dma_wait3A_136 = tpu.memref_slice %arg6[%add3A_135] : memref<1048704xf32, #tpu.memory_space<vmem_shared>> -> memref<16384xf32, #tpu.memory_space<vmem_shared>>
        tpu.wait_dma2 semaphore(%arg12 : memref<!tpu.dma_semaphore, #tpu.memory_space<semaphore_mem>>) src(%arg7 : memref<16384xf32, #tpu.memory_space<vmem>>) dst(%dma_wait3A_136 : memref<16384xf32, #tpu.memory_space<vmem_shared>>)
      }
      %scan3A_98 = arith.constant 4 : i32
      %barrier3A = arith.constant 0 : index
      tpu.barrier barrier_id(%barrier3A)
      %slice3A = vector.extract_strided_slice %get3A_6 {offsets = [0], sizes = [1], strides = [1]} : vector<16xi32> to vector<1xi32>
      %squeeze3A = vector.extract %slice3A[0] : i32 from vector<1xi32>
      %slice3A_99 = vector.extract_strided_slice %get3A_9 {offsets = [0], sizes = [1], strides = [1]} : vector<16xi32> to vector<1xi32>
      %squeeze3A_100 = vector.extract %slice3A_99[0] : i32 from vector<1xi32>
      %sub3A = arith.subi %squeeze3A_100, %squeeze3A : i32
      %add3A = arith.constant 15 : i32
      %add3A_101 = arith.addi %sub3A, %add3A : i32
      %shift_right_arithmetic3A = arith.constant 4 : i32
      %shift_right_arithmetic3A_102 = arith.shrsi %add3A_101, %shift_right_arithmetic3A : i32
      %mul3A = arith.muli %arg1, %shift_right_arithmetic3A_102 : i32
      %add3A_103 = arith.addi %squeeze3A, %mul3A : i32
      %add3A_104 = arith.addi %add3A_103, %shift_right_arithmetic3A_102 : i32
      %min3A = arith.minsi %add3A_104, %squeeze3A_100 : i32
      %add3A_105 = arith.constant 8 : i32
      %add3A_106 = arith.addi %shift_right_arithmetic3A_102, %add3A_105 : i32
      %add3A_107 = arith.constant 8192 : i32
      %add3A_108 = arith.addi %add3A_106, %add3A_107 : i32
      %sub3A_109 = arith.constant 1 : i32
      %sub3A_110 = arith.subi %add3A_108, %sub3A_109 : i32
      %shift_right_arithmetic3A_111 = arith.constant 13 : i32
      %shift_right_arithmetic3A_112 = arith.shrsi %sub3A_110, %shift_right_arithmetic3A_111 : i32
      %while3A = arith.constant 0 : i32
      %while3A_113 = arith.constant 0 : i32
      %while3A_114 = arith.subi %shift_right_arithmetic3A_112, %while3A_113 : i32
      %while3A_115 = arith.addi %while3A_113, %while3A_114 : i32
      %while3A_116 = arith.constant 1 : i32
      %while3A_117 = arith.divsi %while3A_114, %while3A_116 : i32
      %while3A_118 = arith.muli %while3A_117, %while3A_116 : i32
      %while3A_119 = arith.addi %while3A_113, %while3A_118 : i32
      %while3A_120 = arith.constant 1 : i32
      scf.for %while3A_130 = %while3A_113 to %while3A_119 step %while3A_120  : i32 {
        %mul3A_131 = arith.constant 8192 : i32
        %mul3A_132 = arith.muli %while3A_130, %mul3A_131 : i32
        %add3A_133 = arith.addi %add3A_103, %mul3A_132 : i32
        %and3A = arith.constant -8 : i32
        %and3A_134 = arith.andi %add3A_133, %and3A : i32
        %multiple_of3A = tpu.assume_multiple %and3A_134, 8 : i32
        "tpu.region"() ({
          %run_scoped3A = tpu.sem_alloc : memref<!tpu.dma_semaphore, #tpu.memory_space<semaphore_mem>>
          %dma_start3A = tpu.memref_slice %arg2[%multiple_of3A] : memref<1065088xi32, #tpu.memory_space<hbm>> -> memref<8208xi32, #tpu.memory_space<hbm>>
          %dma_start3A_141 = tpu.memref_slice %arg2[%multiple_of3A] : memref<1065088xi32, #tpu.memory_space<hbm>> -> memref<8208xi32, #tpu.memory_space<hbm>>
          tpu.enqueue_dma source(%dma_start3A_141 : memref<8208xi32, #tpu.memory_space<hbm>>) target(%arg9 : memref<8208xi32, #tpu.memory_space<vmem>>) target_semaphore(%run_scoped3A : memref<!tpu.dma_semaphore, #tpu.memory_space<semaphore_mem>>)
          %dma_wait3A = tpu.memref_slice %arg2[%multiple_of3A] : memref<1065088xi32, #tpu.memory_space<hbm>> -> memref<8208xi32, #tpu.memory_space<hbm>>
          %dma_wait3A_142 = tpu.memref_slice %arg2[%multiple_of3A] : memref<1065088xi32, #tpu.memory_space<hbm>> -> memref<8208xi32, #tpu.memory_space<hbm>>
          tpu.wait_dma2 semaphore(%run_scoped3A : memref<!tpu.dma_semaphore, #tpu.memory_space<semaphore_mem>>) src(%dma_wait3A_142 : memref<8208xi32, #tpu.memory_space<hbm>>) dst(%arg9 : memref<8208xi32, #tpu.memory_space<vmem>>)
          tpu.yield
        }) : () -> ()
        "tpu.region"() ({
          %run_scoped3A = tpu.sem_alloc : memref<!tpu.dma_semaphore, #tpu.memory_space<semaphore_mem>>
          %dma_start3A = tpu.memref_slice %arg3[%multiple_of3A] : memref<1065088xf32, #tpu.memory_space<hbm>> -> memref<8192xf32, #tpu.memory_space<hbm>>
          %dma_start3A_141 = tpu.memref_slice %arg3[%multiple_of3A] : memref<1065088xf32, #tpu.memory_space<hbm>> -> memref<8192xf32, #tpu.memory_space<hbm>>
          tpu.enqueue_dma source(%dma_start3A_141 : memref<8192xf32, #tpu.memory_space<hbm>>) target(%arg10 : memref<8192xf32, #tpu.memory_space<vmem>>) target_semaphore(%run_scoped3A : memref<!tpu.dma_semaphore, #tpu.memory_space<semaphore_mem>>)
          %dma_wait3A = tpu.memref_slice %arg3[%multiple_of3A] : memref<1065088xf32, #tpu.memory_space<hbm>> -> memref<8192xf32, #tpu.memory_space<hbm>>
          %dma_wait3A_142 = tpu.memref_slice %arg3[%multiple_of3A] : memref<1065088xf32, #tpu.memory_space<hbm>> -> memref<8192xf32, #tpu.memory_space<hbm>>
          tpu.wait_dma2 semaphore(%run_scoped3A : memref<!tpu.dma_semaphore, #tpu.memory_space<semaphore_mem>>) src(%dma_wait3A_142 : memref<8192xf32, #tpu.memory_space<hbm>>) dst(%arg10 : memref<8192xf32, #tpu.memory_space<vmem>>)
          tpu.yield
        }) : () -> ()
        %scan3A_135 = arith.constant 0 : i32
        %scan3A_136 = arith.constant 0 : i32
        %scan3A_137 = arith.constant 512 : i32
        %scan3A_138 = arith.addi %scan3A_136, %scan3A_137 : i32
        %scan3A_139 = arith.constant 1 : i32
        scf.for %scan3A_141 = %scan3A_136 to %scan3A_138 step %scan3A_139  : i32 {
          %mul3A_142 = arith.constant 16 : i32
          %mul3A_143 = arith.muli %scan3A_141, %mul3A_142 : i32
          %get3A_144 = arith.index_cast %mul3A_143 : i32 to index
          %get3A_145 = tpu.vector_load %arg9[%get3A_144] {strides = array<i32>} : memref<8208xi32, #tpu.memory_space<vmem>>, vector<16xi32>,
          %get3A_146 = vector.shape_cast %get3A_145 : vector<16xi32> to vector<16xi32>
          %add3A_147 = arith.constant 1 : i32
          %add3A_148 = arith.addi %mul3A_143, %add3A_147 : i32
          %get3A_149 = arith.index_cast %add3A_148 : i32 to index
          %get3A_150 = tpu.vector_load %arg9[%get3A_149] {strides = array<i32>} : memref<8208xi32, #tpu.memory_space<vmem>>, vector<16xi32>,
          %get3A_151 = vector.shape_cast %get3A_150 : vector<16xi32> to vector<16xi32>
          %add3A_152 = arith.addi %multiple_of3A, %mul3A_143 : i32
          %add3A_153 = vector.broadcast %add3A_152 : i32 to vector<16xi32>
          %add3A_154 = arith.addi %add3A_153, %iota3A : vector<16xi32>
          %ne3A = arith.cmpi ne, %get3A_146, %get3A_151 : vector<16xi32>
          %ge3A = vector.broadcast %add3A_103 : i32 to vector<16xi32>
          %ge3A_155 = arith.cmpi sge, %add3A_154, %ge3A : vector<16xi32>
          %and3A_156 = arith.andi %ne3A, %ge3A_155 : vector<16xi1>
          %lt3A = vector.broadcast %min3A : i32 to vector<16xi32>
          %lt3A_157 = arith.cmpi slt, %add3A_154, %lt3A : vector<16xi32>
          %and3A_158 = arith.andi %and3A_156, %lt3A_157 : vector<16xi1>
          %and3A_159 = arith.constant 112 : i32
          %and3A_160 = arith.andi %mul3A_143, %and3A_159 : i32
          %add3A_161 = arith.constant 1048576 : i32
          %add3A_162 = arith.addi %add3A_161, %and3A_160 : i32
          %add3A_163 = vector.broadcast %add3A_162 : i32 to vector<16xi32>
          %add3A_164 = arith.addi %add3A_163, %iota3A : vector<16xi32>
          %sub3A_165 = arith.constant 0 : i32
          %sub3A_166 = vector.broadcast %sub3A_165 : i32 to vector<16xi32>
          %sub3A_167 = arith.subi %get3A_146, %sub3A_166 : vector<16xi32>
          %select_n3A = arith.select %and3A_158, %sub3A_167, %add3A_164 : vector<16xi1>, vector<16xi32>
          %swap3A = arith.index_cast %mul3A_143 : i32 to index
          %swap3A_168 = tpu.vector_load %arg11[%swap3A] {strides = array<i32>} : memref<8192xi32, #tpu.memory_space<vmem>>, vector<16xi32>,
          %swap3A_169 = vector.shape_cast %swap3A_168 : vector<16xi32> to vector<16xi32>
          %swap3A_170 = vector.shape_cast %select_n3A : vector<16xi32> to vector<16xi32>
          tpu.vector_store %arg11[%swap3A], %swap3A_170 {strides = array<i32>} : memref<8192xi32, #tpu.memory_space<vmem>>, vector<16xi32>,
        }
        %scan3A_140 = arith.constant 512 : i32
        "tpu.region"() ({
          %run_scoped3A = tpu.sem_alloc : memref<!tpu.dma_semaphore, #tpu.memory_space<semaphore_mem>>
          %dma_start3A = arith.constant 0 : i32
          %dma_start3A_141 = tpu.memref_slice %arg6[%dma_start3A] : memref<1048704xf32, #tpu.memory_space<vmem_shared>> -> memref<1048704xf32, #tpu.memory_space<vmem_shared>>
          tpu.enqueue_indirect_dma source(%arg10 : memref<8192xf32, #tpu.memory_space<vmem>>) target(%dma_start3A_141 : memref<1048704xf32, #tpu.memory_space<vmem_shared>>) offsets(%arg11 : memref<8192xi32, #tpu.memory_space<vmem>>) semaphore(%run_scoped3A : memref<!tpu.dma_semaphore, #tpu.memory_space<semaphore_mem>>) {add = true}
          %dma_wait3A = arith.constant 0 : i32
          %dma_wait3A_142 = tpu.memref_slice %arg6[%dma_wait3A] : memref<1048704xf32, #tpu.memory_space<vmem_shared>> -> memref<1048704xf32, #tpu.memory_space<vmem_shared>>
          tpu.wait_indirect_dma semaphore(%run_scoped3A : memref<!tpu.dma_semaphore, #tpu.memory_space<semaphore_mem>>) src(%arg10 : memref<8192xf32, #tpu.memory_space<vmem>>) dst(%dma_wait3A_142 : memref<1048704xf32, #tpu.memory_space<vmem_shared>>)
          tpu.yield
        }) : () -> ()
      }
      %while3A_121 = arith.constant 1 : i32
      scf.for %while3A_130 = %while3A_119 to %while3A_115 step %while3A_121  : i32 {
        %mul3A_131 = arith.constant 8192 : i32
        %mul3A_132 = arith.muli %while3A_130, %mul3A_131 : i32
        %add3A_133 = arith.addi %add3A_103, %mul3A_132 : i32
        %and3A = arith.constant -8 : i32
        %and3A_134 = arith.andi %add3A_133, %and3A : i32
        %multiple_of3A = tpu.assume_multiple %and3A_134, 8 : i32
        "tpu.region"() ({
          %run_scoped3A = tpu.sem_alloc : memref<!tpu.dma_semaphore, #tpu.memory_space<semaphore_mem>>
          %dma_start3A = tpu.memref_slice %arg2[%multiple_of3A] : memref<1065088xi32, #tpu.memory_space<hbm>> -> memref<8208xi32, #tpu.memory_space<hbm>>
          %dma_start3A_141 = tpu.memref_slice %arg2[%multiple_of3A] : memref<1065088xi32, #tpu.memory_space<hbm>> -> memref<8208xi32, #tpu.memory_space<hbm>>
          tpu.enqueue_dma source(%dma_start3A_141 : memref<8208xi32, #tpu.memory_space<hbm>>) target(%arg9 : memref<8208xi32, #tpu.memory_space<vmem>>) target_semaphore(%run_scoped3A : memref<!tpu.dma_semaphore, #tpu.memory_space<semaphore_mem>>)
          %dma_wait3A = tpu.memref_slice %arg2[%multiple_of3A] : memref<1065088xi32, #tpu.memory_space<hbm>> -> memref<8208xi32, #tpu.memory_space<hbm>>
          %dma_wait3A_142 = tpu.memref_slice %arg2[%multiple_of3A] : memref<1065088xi32, #tpu.memory_space<hbm>> -> memref<8208xi32, #tpu.memory_space<hbm>>
          tpu.wait_dma2 semaphore(%run_scoped3A : memref<!tpu.dma_semaphore, #tpu.memory_space<semaphore_mem>>) src(%dma_wait3A_142 : memref<8208xi32, #tpu.memory_space<hbm>>) dst(%arg9 : memref<8208xi32, #tpu.memory_space<vmem>>)
          tpu.yield
        }) : () -> ()
        "tpu.region"() ({
          %run_scoped3A = tpu.sem_alloc : memref<!tpu.dma_semaphore, #tpu.memory_space<semaphore_mem>>
          %dma_start3A = tpu.memref_slice %arg3[%multiple_of3A] : memref<1065088xf32, #tpu.memory_space<hbm>> -> memref<8192xf32, #tpu.memory_space<hbm>>
          %dma_start3A_141 = tpu.memref_slice %arg3[%multiple_of3A] : memref<1065088xf32, #tpu.memory_space<hbm>> -> memref<8192xf32, #tpu.memory_space<hbm>>
          tpu.enqueue_dma source(%dma_start3A_141 : memref<8192xf32, #tpu.memory_space<hbm>>) target(%arg10 : memref<8192xf32, #tpu.memory_space<vmem>>) target_semaphore(%run_scoped3A : memref<!tpu.dma_semaphore, #tpu.memory_space<semaphore_mem>>)
          %dma_wait3A = tpu.memref_slice %arg3[%multiple_of3A] : memref<1065088xf32, #tpu.memory_space<hbm>> -> memref<8192xf32, #tpu.memory_space<hbm>>
          %dma_wait3A_142 = tpu.memref_slice %arg3[%multiple_of3A] : memref<1065088xf32, #tpu.memory_space<hbm>> -> memref<8192xf32, #tpu.memory_space<hbm>>
          tpu.wait_dma2 semaphore(%run_scoped3A : memref<!tpu.dma_semaphore, #tpu.memory_space<semaphore_mem>>) src(%dma_wait3A_142 : memref<8192xf32, #tpu.memory_space<hbm>>) dst(%arg10 : memref<8192xf32, #tpu.memory_space<vmem>>)
          tpu.yield
        }) : () -> ()
        %scan3A_135 = arith.constant 0 : i32
        %scan3A_136 = arith.constant 0 : i32
        %scan3A_137 = arith.constant 512 : i32
        %scan3A_138 = arith.addi %scan3A_136, %scan3A_137 : i32
        %scan3A_139 = arith.constant 1 : i32
        scf.for %scan3A_141 = %scan3A_136 to %scan3A_138 step %scan3A_139  : i32 {
          %mul3A_142 = arith.constant 16 : i32
          %mul3A_143 = arith.muli %scan3A_141, %mul3A_142 : i32
          %get3A_144 = arith.index_cast %mul3A_143 : i32 to index
          %get3A_145 = tpu.vector_load %arg9[%get3A_144] {strides = array<i32>} : memref<8208xi32, #tpu.memory_space<vmem>>, vector<16xi32>,
          %get3A_146 = vector.shape_cast %get3A_145 : vector<16xi32> to vector<16xi32>
          %add3A_147 = arith.constant 1 : i32
          %add3A_148 = arith.addi %mul3A_143, %add3A_147 : i32
          %get3A_149 = arith.index_cast %add3A_148 : i32 to index
          %get3A_150 = tpu.vector_load %arg9[%get3A_149] {strides = array<i32>} : memref<8208xi32, #tpu.memory_space<vmem>>, vector<16xi32>,
          %get3A_151 = vector.shape_cast %get3A_150 : vector<16xi32> to vector<16xi32>
          %add3A_152 = arith.addi %multiple_of3A, %mul3A_143 : i32
          %add3A_153 = vector.broadcast %add3A_152 : i32 to vector<16xi32>
          %add3A_154 = arith.addi %add3A_153, %iota3A : vector<16xi32>
          %ne3A = arith.cmpi ne, %get3A_146, %get3A_151 : vector<16xi32>
          %ge3A = vector.broadcast %add3A_103 : i32 to vector<16xi32>
          %ge3A_155 = arith.cmpi sge, %add3A_154, %ge3A : vector<16xi32>
          %and3A_156 = arith.andi %ne3A, %ge3A_155 : vector<16xi1>
          %lt3A = vector.broadcast %min3A : i32 to vector<16xi32>
          %lt3A_157 = arith.cmpi slt, %add3A_154, %lt3A : vector<16xi32>
          %and3A_158 = arith.andi %and3A_156, %lt3A_157 : vector<16xi1>
          %and3A_159 = arith.constant 112 : i32
          %and3A_160 = arith.andi %mul3A_143, %and3A_159 : i32
          %add3A_161 = arith.constant 1048576 : i32
          %add3A_162 = arith.addi %add3A_161, %and3A_160 : i32
          %add3A_163 = vector.broadcast %add3A_162 : i32 to vector<16xi32>
          %add3A_164 = arith.addi %add3A_163, %iota3A : vector<16xi32>
          %sub3A_165 = arith.constant 0 : i32
          %sub3A_166 = vector.broadcast %sub3A_165 : i32 to vector<16xi32>
          %sub3A_167 = arith.subi %get3A_146, %sub3A_166 : vector<16xi32>
          %select_n3A = arith.select %and3A_158, %sub3A_167, %add3A_164 : vector<16xi1>, vector<16xi32>
          %swap3A = arith.index_cast %mul3A_143 : i32 to index
          %swap3A_168 = tpu.vector_load %arg11[%swap3A] {strides = array<i32>} : memref<8192xi32, #tpu.memory_space<vmem>>, vector<16xi32>,
          %swap3A_169 = vector.shape_cast %swap3A_168 : vector<16xi32> to vector<16xi32>
          %swap3A_170 = vector.shape_cast %select_n3A : vector<16xi32> to vector<16xi32>
          tpu.vector_store %arg11[%swap3A], %swap3A_170 {strides = array<i32>} : memref<8192xi32, #tpu.memory_space<vmem>>, vector<16xi32>,
        }
        %scan3A_140 = arith.constant 512 : i32
        "tpu.region"() ({
          %run_scoped3A = tpu.sem_alloc : memref<!tpu.dma_semaphore, #tpu.memory_space<semaphore_mem>>
          %dma_start3A = arith.constant 0 : i32
          %dma_start3A_141 = tpu.memref_slice %arg6[%dma_start3A] : memref<1048704xf32, #tpu.memory_space<vmem_shared>> -> memref<1048704xf32, #tpu.memory_space<vmem_shared>>
          tpu.enqueue_indirect_dma source(%arg10 : memref<8192xf32, #tpu.memory_space<vmem>>) target(%dma_start3A_141 : memref<1048704xf32, #tpu.memory_space<vmem_shared>>) offsets(%arg11 : memref<8192xi32, #tpu.memory_space<vmem>>) semaphore(%run_scoped3A : memref<!tpu.dma_semaphore, #tpu.memory_space<semaphore_mem>>) {add = true}
          %dma_wait3A = arith.constant 0 : i32
          %dma_wait3A_142 = tpu.memref_slice %arg6[%dma_wait3A] : memref<1048704xf32, #tpu.memory_space<vmem_shared>> -> memref<1048704xf32, #tpu.memory_space<vmem_shared>>
          tpu.wait_indirect_dma semaphore(%run_scoped3A : memref<!tpu.dma_semaphore, #tpu.memory_space<semaphore_mem>>) src(%arg10 : memref<8192xf32, #tpu.memory_space<vmem>>) dst(%dma_wait3A_142 : memref<1048704xf32, #tpu.memory_space<vmem_shared>>)
          tpu.yield
        }) : () -> ()
      }
      %barrier3A_122 = arith.constant 0 : index
      tpu.barrier barrier_id(%barrier3A_122)
      %mul3A_123 = arith.constant 65536 : i32
      %mul3A_124 = arith.muli %arg1, %mul3A_123 : i32
      %mul3A_125 = arith.constant 65536 : i32
      %mul3A_126 = arith.muli %arg1, %mul3A_125 : i32
      %add3A_127 = arith.constant 0 : i32
      %add3A_128 = arith.addi %add3A_127, %mul3A_126 : i32
      "tpu.region"() ({
        %run_scoped3A = tpu.sem_alloc : memref<!tpu.dma_semaphore, #tpu.memory_space<semaphore_mem>>
        %dma_start3A = tpu.memref_slice %arg5[%add3A_128] : memref<16777216xf32, #tpu.memory_space<hbm>> -> memref<65536xf32, #tpu.memory_space<hbm>>
        %dma_start3A_130 = tpu.memref_slice %arg6[%mul3A_124] : memref<1048704xf32, #tpu.memory_space<vmem_shared>> -> memref<65536xf32, #tpu.memory_space<vmem_shared>>
        tpu.enqueue_dma source(%dma_start3A_130 : memref<65536xf32, #tpu.memory_space<vmem_shared>>) target(%dma_start3A : memref<65536xf32, #tpu.memory_space<hbm>>) target_semaphore(%run_scoped3A : memref<!tpu.dma_semaphore, #tpu.memory_space<semaphore_mem>>)
        %dma_wait3A = tpu.memref_slice %arg5[%add3A_128] : memref<16777216xf32, #tpu.memory_space<hbm>> -> memref<65536xf32, #tpu.memory_space<hbm>>
        %dma_wait3A_131 = tpu.memref_slice %arg6[%mul3A_124] : memref<1048704xf32, #tpu.memory_space<vmem_shared>> -> memref<65536xf32, #tpu.memory_space<vmem_shared>>
        tpu.wait_dma2 semaphore(%run_scoped3A : memref<!tpu.dma_semaphore, #tpu.memory_space<semaphore_mem>>) src(%dma_wait3A_131 : memref<65536xf32, #tpu.memory_space<vmem_shared>>) dst(%dma_wait3A : memref<65536xf32, #tpu.memory_space<hbm>>)
        tpu.yield
      }) : () -> ()
      %barrier3A_129 = arith.constant 0 : index
      tpu.barrier barrier_id(%barrier3A_129)
    } else {
    }
    %eq3A_12 = arith.constant 1 : i32
    %eq3A_13 = arith.cmpi eq, %arg0, %eq3A_12 : i32
    %convert_element_type3A_14 = arith.extui %eq3A_13 : i1 to i32
    %cond3A_15 = arith.constant 0 : i32
    %cond3A_16 = arith.cmpi ne, %convert_element_type3A_14, %cond3A_15 : i32
    scf.if %cond3A_16 {
      %scan3A_87 = arith.constant 0 : i32
      %scan3A_88 = arith.constant 0 : i32
      %scan3A_89 = arith.constant 4 : i32
      %scan3A_90 = arith.addi %scan3A_88, %scan3A_89 : i32
      %scan3A_91 = arith.constant 1 : i32
      scf.for %scan3A_130 = %scan3A_88 to %scan3A_90 step %scan3A_91  : i32 {
        %mul3A_131 = arith.constant 65536 : i32
        %mul3A_132 = arith.muli %arg1, %mul3A_131 : i32
        %mul3A_133 = arith.constant 16384 : i32
        %mul3A_134 = arith.muli %scan3A_130, %mul3A_133 : i32
        %add3A_135 = arith.addi %mul3A_132, %mul3A_134 : i32
        %dma_start3A = tpu.memref_slice %arg6[%add3A_135] : memref<1048704xf32, #tpu.memory_space<vmem_shared>> -> memref<16384xf32, #tpu.memory_space<vmem_shared>>
        %dma_start3A_136 = tpu.memref_slice %arg6[%add3A_135] : memref<1048704xf32, #tpu.memory_space<vmem_shared>> -> memref<16384xf32, #tpu.memory_space<vmem_shared>>
        tpu.enqueue_dma source(%arg7 : memref<16384xf32, #tpu.memory_space<vmem>>) target(%dma_start3A_136 : memref<16384xf32, #tpu.memory_space<vmem_shared>>) target_semaphore(%arg12 : memref<!tpu.dma_semaphore, #tpu.memory_space<semaphore_mem>>)
      }
      %scan3A_92 = arith.constant 4 : i32
      %scan3A_93 = arith.constant 0 : i32
      %scan3A_94 = arith.constant 0 : i32
      %scan3A_95 = arith.constant 4 : i32
      %scan3A_96 = arith.addi %scan3A_94, %scan3A_95 : i32
      %scan3A_97 = arith.constant 1 : i32
      scf.for %scan3A_130 = %scan3A_94 to %scan3A_96 step %scan3A_97  : i32 {
        %mul3A_131 = arith.constant 65536 : i32
        %mul3A_132 = arith.muli %arg1, %mul3A_131 : i32
        %mul3A_133 = arith.constant 16384 : i32
        %mul3A_134 = arith.muli %scan3A_130, %mul3A_133 : i32
        %add3A_135 = arith.addi %mul3A_132, %mul3A_134 : i32
        %dma_wait3A = tpu.memref_slice %arg6[%add3A_135] : memref<1048704xf32, #tpu.memory_space<vmem_shared>> -> memref<16384xf32, #tpu.memory_space<vmem_shared>>
        %dma_wait3A_136 = tpu.memref_slice %arg6[%add3A_135] : memref<1048704xf32, #tpu.memory_space<vmem_shared>> -> memref<16384xf32, #tpu.memory_space<vmem_shared>>
        tpu.wait_dma2 semaphore(%arg12 : memref<!tpu.dma_semaphore, #tpu.memory_space<semaphore_mem>>) src(%arg7 : memref<16384xf32, #tpu.memory_space<vmem>>) dst(%dma_wait3A_136 : memref<16384xf32, #tpu.memory_space<vmem_shared>>)
      }
      %scan3A_98 = arith.constant 4 : i32
      %barrier3A = arith.constant 0 : index
      tpu.barrier barrier_id(%barrier3A)
      %slice3A = vector.extract_strided_slice %get3A_6 {offsets = [8], sizes = [1], strides = [1]} : vector<16xi32> to vector<1xi32>
      %squeeze3A = vector.extract %slice3A[0] : i32 from vector<1xi32>
      %slice3A_99 = vector.extract_strided_slice %get3A_9 {offsets = [8], sizes = [1], strides = [1]} : vector<16xi32> to vector<1xi32>
      %squeeze3A_100 = vector.extract %slice3A_99[0] : i32 from vector<1xi32>
      %sub3A = arith.subi %squeeze3A_100, %squeeze3A : i32
      %add3A = arith.constant 15 : i32
      %add3A_101 = arith.addi %sub3A, %add3A : i32
      %shift_right_arithmetic3A = arith.constant 4 : i32
      %shift_right_arithmetic3A_102 = arith.shrsi %add3A_101, %shift_right_arithmetic3A : i32
      %mul3A = arith.muli %arg1, %shift_right_arithmetic3A_102 : i32
      %add3A_103 = arith.addi %squeeze3A, %mul3A : i32
      %add3A_104 = arith.addi %add3A_103, %shift_right_arithmetic3A_102 : i32
      %min3A = arith.minsi %add3A_104, %squeeze3A_100 : i32
      %add3A_105 = arith.constant 8 : i32
      %add3A_106 = arith.addi %shift_right_arithmetic3A_102, %add3A_105 : i32
      %add3A_107 = arith.constant 8192 : i32
      %add3A_108 = arith.addi %add3A_106, %add3A_107 : i32
      %sub3A_109 = arith.constant 1 : i32
      %sub3A_110 = arith.subi %add3A_108, %sub3A_109 : i32
      %shift_right_arithmetic3A_111 = arith.constant 13 : i32
      %shift_right_arithmetic3A_112 = arith.shrsi %sub3A_110, %shift_right_arithmetic3A_111 : i32
      %while3A = arith.constant 0 : i32
      %while3A_113 = arith.constant 0 : i32
      %while3A_114 = arith.subi %shift_right_arithmetic3A_112, %while3A_113 : i32
      %while3A_115 = arith.addi %while3A_113, %while3A_114 : i32
      %while3A_116 = arith.constant 1 : i32
      %while3A_117 = arith.divsi %while3A_114, %while3A_116 : i32
      %while3A_118 = arith.muli %while3A_117, %while3A_116 : i32
      %while3A_119 = arith.addi %while3A_113, %while3A_118 : i32
      %while3A_120 = arith.constant 1 : i32
      scf.for %while3A_130 = %while3A_113 to %while3A_119 step %while3A_120  : i32 {
        %mul3A_131 = arith.constant 8192 : i32
        %mul3A_132 = arith.muli %while3A_130, %mul3A_131 : i32
        %add3A_133 = arith.addi %add3A_103, %mul3A_132 : i32
        %and3A = arith.constant -8 : i32
        %and3A_134 = arith.andi %add3A_133, %and3A : i32
        %multiple_of3A = tpu.assume_multiple %and3A_134, 8 : i32
        "tpu.region"() ({
          %run_scoped3A = tpu.sem_alloc : memref<!tpu.dma_semaphore, #tpu.memory_space<semaphore_mem>>
          %dma_start3A = tpu.memref_slice %arg2[%multiple_of3A] : memref<1065088xi32, #tpu.memory_space<hbm>> -> memref<8208xi32, #tpu.memory_space<hbm>>
          %dma_start3A_141 = tpu.memref_slice %arg2[%multiple_of3A] : memref<1065088xi32, #tpu.memory_space<hbm>> -> memref<8208xi32, #tpu.memory_space<hbm>>
          tpu.enqueue_dma source(%dma_start3A_141 : memref<8208xi32, #tpu.memory_space<hbm>>) target(%arg9 : memref<8208xi32, #tpu.memory_space<vmem>>) target_semaphore(%run_scoped3A : memref<!tpu.dma_semaphore, #tpu.memory_space<semaphore_mem>>)
          %dma_wait3A = tpu.memref_slice %arg2[%multiple_of3A] : memref<1065088xi32, #tpu.memory_space<hbm>> -> memref<8208xi32, #tpu.memory_space<hbm>>
          %dma_wait3A_142 = tpu.memref_slice %arg2[%multiple_of3A] : memref<1065088xi32, #tpu.memory_space<hbm>> -> memref<8208xi32, #tpu.memory_space<hbm>>
          tpu.wait_dma2 semaphore(%run_scoped3A : memref<!tpu.dma_semaphore, #tpu.memory_space<semaphore_mem>>) src(%dma_wait3A_142 : memref<8208xi32, #tpu.memory_space<hbm>>) dst(%arg9 : memref<8208xi32, #tpu.memory_space<vmem>>)
          tpu.yield
        }) : () -> ()
        "tpu.region"() ({
          %run_scoped3A = tpu.sem_alloc : memref<!tpu.dma_semaphore, #tpu.memory_space<semaphore_mem>>
          %dma_start3A = tpu.memref_slice %arg3[%multiple_of3A] : memref<1065088xf32, #tpu.memory_space<hbm>> -> memref<8192xf32, #tpu.memory_space<hbm>>
          %dma_start3A_141 = tpu.memref_slice %arg3[%multiple_of3A] : memref<1065088xf32, #tpu.memory_space<hbm>> -> memref<8192xf32, #tpu.memory_space<hbm>>
          tpu.enqueue_dma source(%dma_start3A_141 : memref<8192xf32, #tpu.memory_space<hbm>>) target(%arg10 : memref<8192xf32, #tpu.memory_space<vmem>>) target_semaphore(%run_scoped3A : memref<!tpu.dma_semaphore, #tpu.memory_space<semaphore_mem>>)
          %dma_wait3A = tpu.memref_slice %arg3[%multiple_of3A] : memref<1065088xf32, #tpu.memory_space<hbm>> -> memref<8192xf32, #tpu.memory_space<hbm>>
          %dma_wait3A_142 = tpu.memref_slice %arg3[%multiple_of3A] : memref<1065088xf32, #tpu.memory_space<hbm>> -> memref<8192xf32, #tpu.memory_space<hbm>>
          tpu.wait_dma2 semaphore(%run_scoped3A : memref<!tpu.dma_semaphore, #tpu.memory_space<semaphore_mem>>) src(%dma_wait3A_142 : memref<8192xf32, #tpu.memory_space<hbm>>) dst(%arg10 : memref<8192xf32, #tpu.memory_space<vmem>>)
          tpu.yield
        }) : () -> ()
        %scan3A_135 = arith.constant 0 : i32
        %scan3A_136 = arith.constant 0 : i32
        %scan3A_137 = arith.constant 512 : i32
        %scan3A_138 = arith.addi %scan3A_136, %scan3A_137 : i32
        %scan3A_139 = arith.constant 1 : i32
        scf.for %scan3A_141 = %scan3A_136 to %scan3A_138 step %scan3A_139  : i32 {
          %mul3A_142 = arith.constant 16 : i32
          %mul3A_143 = arith.muli %scan3A_141, %mul3A_142 : i32
          %get3A_144 = arith.index_cast %mul3A_143 : i32 to index
          %get3A_145 = tpu.vector_load %arg9[%get3A_144] {strides = array<i32>} : memref<8208xi32, #tpu.memory_space<vmem>>, vector<16xi32>,
          %get3A_146 = vector.shape_cast %get3A_145 : vector<16xi32> to vector<16xi32>
          %add3A_147 = arith.constant 1 : i32
          %add3A_148 = arith.addi %mul3A_143, %add3A_147 : i32
          %get3A_149 = arith.index_cast %add3A_148 : i32 to index
          %get3A_150 = tpu.vector_load %arg9[%get3A_149] {strides = array<i32>} : memref<8208xi32, #tpu.memory_space<vmem>>, vector<16xi32>,
          %get3A_151 = vector.shape_cast %get3A_150 : vector<16xi32> to vector<16xi32>
          %add3A_152 = arith.addi %multiple_of3A, %mul3A_143 : i32
          %add3A_153 = vector.broadcast %add3A_152 : i32 to vector<16xi32>
          %add3A_154 = arith.addi %add3A_153, %iota3A : vector<16xi32>
          %ne3A = arith.cmpi ne, %get3A_146, %get3A_151 : vector<16xi32>
          %ge3A = vector.broadcast %add3A_103 : i32 to vector<16xi32>
          %ge3A_155 = arith.cmpi sge, %add3A_154, %ge3A : vector<16xi32>
          %and3A_156 = arith.andi %ne3A, %ge3A_155 : vector<16xi1>
          %lt3A = vector.broadcast %min3A : i32 to vector<16xi32>
          %lt3A_157 = arith.cmpi slt, %add3A_154, %lt3A : vector<16xi32>
          %and3A_158 = arith.andi %and3A_156, %lt3A_157 : vector<16xi1>
          %and3A_159 = arith.constant 112 : i32
          %and3A_160 = arith.andi %mul3A_143, %and3A_159 : i32
          %add3A_161 = arith.constant 1048576 : i32
          %add3A_162 = arith.addi %add3A_161, %and3A_160 : i32
          %add3A_163 = vector.broadcast %add3A_162 : i32 to vector<16xi32>
          %add3A_164 = arith.addi %add3A_163, %iota3A : vector<16xi32>
          %sub3A_165 = arith.constant 8388608 : i32
          %sub3A_166 = vector.broadcast %sub3A_165 : i32 to vector<16xi32>
          %sub3A_167 = arith.subi %get3A_146, %sub3A_166 : vector<16xi32>
          %select_n3A = arith.select %and3A_158, %sub3A_167, %add3A_164 : vector<16xi1>, vector<16xi32>
          %swap3A = arith.index_cast %mul3A_143 : i32 to index
          %swap3A_168 = tpu.vector_load %arg11[%swap3A] {strides = array<i32>} : memref<8192xi32, #tpu.memory_space<vmem>>, vector<16xi32>,
          %swap3A_169 = vector.shape_cast %swap3A_168 : vector<16xi32> to vector<16xi32>
          %swap3A_170 = vector.shape_cast %select_n3A : vector<16xi32> to vector<16xi32>
          tpu.vector_store %arg11[%swap3A], %swap3A_170 {strides = array<i32>} : memref<8192xi32, #tpu.memory_space<vmem>>, vector<16xi32>,
        }
        %scan3A_140 = arith.constant 512 : i32
        "tpu.region"() ({
          %run_scoped3A = tpu.sem_alloc : memref<!tpu.dma_semaphore, #tpu.memory_space<semaphore_mem>>
          %dma_start3A = arith.constant 0 : i32
          %dma_start3A_141 = tpu.memref_slice %arg6[%dma_start3A] : memref<1048704xf32, #tpu.memory_space<vmem_shared>> -> memref<1048704xf32, #tpu.memory_space<vmem_shared>>
          tpu.enqueue_indirect_dma source(%arg10 : memref<8192xf32, #tpu.memory_space<vmem>>) target(%dma_start3A_141 : memref<1048704xf32, #tpu.memory_space<vmem_shared>>) offsets(%arg11 : memref<8192xi32, #tpu.memory_space<vmem>>) semaphore(%run_scoped3A : memref<!tpu.dma_semaphore, #tpu.memory_space<semaphore_mem>>) {add = true}
          %dma_wait3A = arith.constant 0 : i32
          %dma_wait3A_142 = tpu.memref_slice %arg6[%dma_wait3A] : memref<1048704xf32, #tpu.memory_space<vmem_shared>> -> memref<1048704xf32, #tpu.memory_space<vmem_shared>>
          tpu.wait_indirect_dma semaphore(%run_scoped3A : memref<!tpu.dma_semaphore, #tpu.memory_space<semaphore_mem>>) src(%arg10 : memref<8192xf32, #tpu.memory_space<vmem>>) dst(%dma_wait3A_142 : memref<1048704xf32, #tpu.memory_space<vmem_shared>>)
          tpu.yield
        }) : () -> ()
      }
      %while3A_121 = arith.constant 1 : i32
      scf.for %while3A_130 = %while3A_119 to %while3A_115 step %while3A_121  : i32 {
        %mul3A_131 = arith.constant 8192 : i32
        %mul3A_132 = arith.muli %while3A_130, %mul3A_131 : i32
        %add3A_133 = arith.addi %add3A_103, %mul3A_132 : i32
        %and3A = arith.constant -8 : i32
        %and3A_134 = arith.andi %add3A_133, %and3A : i32
        %multiple_of3A = tpu.assume_multiple %and3A_134, 8 : i32
        "tpu.region"() ({
          %run_scoped3A = tpu.sem_alloc : memref<!tpu.dma_semaphore, #tpu.memory_space<semaphore_mem>>
          %dma_start3A = tpu.memref_slice %arg2[%multiple_of3A] : memref<1065088xi32, #tpu.memory_space<hbm>> -> memref<8208xi32, #tpu.memory_space<hbm>>
          %dma_start3A_141 = tpu.memref_slice %arg2[%multiple_of3A] : memref<1065088xi32, #tpu.memory_space<hbm>> -> memref<8208xi32, #tpu.memory_space<hbm>>
          tpu.enqueue_dma source(%dma_start3A_141 : memref<8208xi32, #tpu.memory_space<hbm>>) target(%arg9 : memref<8208xi32, #tpu.memory_space<vmem>>) target_semaphore(%run_scoped3A : memref<!tpu.dma_semaphore, #tpu.memory_space<semaphore_mem>>)
          %dma_wait3A = tpu.memref_slice %arg2[%multiple_of3A] : memref<1065088xi32, #tpu.memory_space<hbm>> -> memref<8208xi32, #tpu.memory_space<hbm>>
          %dma_wait3A_142 = tpu.memref_slice %arg2[%multiple_of3A] : memref<1065088xi32, #tpu.memory_space<hbm>> -> memref<8208xi32, #tpu.memory_space<hbm>>
          tpu.wait_dma2 semaphore(%run_scoped3A : memref<!tpu.dma_semaphore, #tpu.memory_space<semaphore_mem>>) src(%dma_wait3A_142 : memref<8208xi32, #tpu.memory_space<hbm>>) dst(%arg9 : memref<8208xi32, #tpu.memory_space<vmem>>)
          tpu.yield
        }) : () -> ()
        "tpu.region"() ({
          %run_scoped3A = tpu.sem_alloc : memref<!tpu.dma_semaphore, #tpu.memory_space<semaphore_mem>>
          %dma_start3A = tpu.memref_slice %arg3[%multiple_of3A] : memref<1065088xf32, #tpu.memory_space<hbm>> -> memref<8192xf32, #tpu.memory_space<hbm>>
          %dma_start3A_141 = tpu.memref_slice %arg3[%multiple_of3A] : memref<1065088xf32, #tpu.memory_space<hbm>> -> memref<8192xf32, #tpu.memory_space<hbm>>
          tpu.enqueue_dma source(%dma_start3A_141 : memref<8192xf32, #tpu.memory_space<hbm>>) target(%arg10 : memref<8192xf32, #tpu.memory_space<vmem>>) target_semaphore(%run_scoped3A : memref<!tpu.dma_semaphore, #tpu.memory_space<semaphore_mem>>)
          %dma_wait3A = tpu.memref_slice %arg3[%multiple_of3A] : memref<1065088xf32, #tpu.memory_space<hbm>> -> memref<8192xf32, #tpu.memory_space<hbm>>
          %dma_wait3A_142 = tpu.memref_slice %arg3[%multiple_of3A] : memref<1065088xf32, #tpu.memory_space<hbm>> -> memref<8192xf32, #tpu.memory_space<hbm>>
          tpu.wait_dma2 semaphore(%run_scoped3A : memref<!tpu.dma_semaphore, #tpu.memory_space<semaphore_mem>>) src(%dma_wait3A_142 : memref<8192xf32, #tpu.memory_space<hbm>>) dst(%arg10 : memref<8192xf32, #tpu.memory_space<vmem>>)
          tpu.yield
        }) : () -> ()
        %scan3A_135 = arith.constant 0 : i32
        %scan3A_136 = arith.constant 0 : i32
        %scan3A_137 = arith.constant 512 : i32
        %scan3A_138 = arith.addi %scan3A_136, %scan3A_137 : i32
        %scan3A_139 = arith.constant 1 : i32
        scf.for %scan3A_141 = %scan3A_136 to %scan3A_138 step %scan3A_139  : i32 {
          %mul3A_142 = arith.constant 16 : i32
          %mul3A_143 = arith.muli %scan3A_141, %mul3A_142 : i32
          %get3A_144 = arith.index_cast %mul3A_143 : i32 to index
          %get3A_145 = tpu.vector_load %arg9[%get3A_144] {strides = array<i32>} : memref<8208xi32, #tpu.memory_space<vmem>>, vector<16xi32>,
          %get3A_146 = vector.shape_cast %get3A_145 : vector<16xi32> to vector<16xi32>
          %add3A_147 = arith.constant 1 : i32
          %add3A_148 = arith.addi %mul3A_143, %add3A_147 : i32
          %get3A_149 = arith.index_cast %add3A_148 : i32 to index
          %get3A_150 = tpu.vector_load %arg9[%get3A_149] {strides = array<i32>} : memref<8208xi32, #tpu.memory_space<vmem>>, vector<16xi32>,
          %get3A_151 = vector.shape_cast %get3A_150 : vector<16xi32> to vector<16xi32>
          %add3A_152 = arith.addi %multiple_of3A, %mul3A_143 : i32
          %add3A_153 = vector.broadcast %add3A_152 : i32 to vector<16xi32>
          %add3A_154 = arith.addi %add3A_153, %iota3A : vector<16xi32>
          %ne3A = arith.cmpi ne, %get3A_146, %get3A_151 : vector<16xi32>
          %ge3A = vector.broadcast %add3A_103 : i32 to vector<16xi32>
          %ge3A_155 = arith.cmpi sge, %add3A_154, %ge3A : vector<16xi32>
          %and3A_156 = arith.andi %ne3A, %ge3A_155 : vector<16xi1>
          %lt3A = vector.broadcast %min3A : i32 to vector<16xi32>
          %lt3A_157 = arith.cmpi slt, %add3A_154, %lt3A : vector<16xi32>
          %and3A_158 = arith.andi %and3A_156, %lt3A_157 : vector<16xi1>
          %and3A_159 = arith.constant 112 : i32
          %and3A_160 = arith.andi %mul3A_143, %and3A_159 : i32
          %add3A_161 = arith.constant 1048576 : i32
          %add3A_162 = arith.addi %add3A_161, %and3A_160 : i32
          %add3A_163 = vector.broadcast %add3A_162 : i32 to vector<16xi32>
          %add3A_164 = arith.addi %add3A_163, %iota3A : vector<16xi32>
          %sub3A_165 = arith.constant 8388608 : i32
          %sub3A_166 = vector.broadcast %sub3A_165 : i32 to vector<16xi32>
          %sub3A_167 = arith.subi %get3A_146, %sub3A_166 : vector<16xi32>
          %select_n3A = arith.select %and3A_158, %sub3A_167, %add3A_164 : vector<16xi1>, vector<16xi32>
          %swap3A = arith.index_cast %mul3A_143 : i32 to index
          %swap3A_168 = tpu.vector_load %arg11[%swap3A] {strides = array<i32>} : memref<8192xi32, #tpu.memory_space<vmem>>, vector<16xi32>,
          %swap3A_169 = vector.shape_cast %swap3A_168 : vector<16xi32> to vector<16xi32>
          %swap3A_170 = vector.shape_cast %select_n3A : vector<16xi32> to vector<16xi32>
          tpu.vector_store %arg11[%swap3A], %swap3A_170 {strides = array<i32>} : memref<8192xi32, #tpu.memory_space<vmem>>, vector<16xi32>,
        }
        %scan3A_140 = arith.constant 512 : i32
        "tpu.region"() ({
          %run_scoped3A = tpu.sem_alloc : memref<!tpu.dma_semaphore, #tpu.memory_space<semaphore_mem>>
          %dma_start3A = arith.constant 0 : i32
          %dma_start3A_141 = tpu.memref_slice %arg6[%dma_start3A] : memref<1048704xf32, #tpu.memory_space<vmem_shared>> -> memref<1048704xf32, #tpu.memory_space<vmem_shared>>
          tpu.enqueue_indirect_dma source(%arg10 : memref<8192xf32, #tpu.memory_space<vmem>>) target(%dma_start3A_141 : memref<1048704xf32, #tpu.memory_space<vmem_shared>>) offsets(%arg11 : memref<8192xi32, #tpu.memory_space<vmem>>) semaphore(%run_scoped3A : memref<!tpu.dma_semaphore, #tpu.memory_space<semaphore_mem>>) {add = true}
          %dma_wait3A = arith.constant 0 : i32
          %dma_wait3A_142 = tpu.memref_slice %arg6[%dma_wait3A] : memref<1048704xf32, #tpu.memory_space<vmem_shared>> -> memref<1048704xf32, #tpu.memory_space<vmem_shared>>
          tpu.wait_indirect_dma semaphore(%run_scoped3A : memref<!tpu.dma_semaphore, #tpu.memory_space<semaphore_mem>>) src(%arg10 : memref<8192xf32, #tpu.memory_space<vmem>>) dst(%dma_wait3A_142 : memref<1048704xf32, #tpu.memory_space<vmem_shared>>)
          tpu.yield
        }) : () -> ()
      }
      %barrier3A_122 = arith.constant 0 : index
      tpu.barrier barrier_id(%barrier3A_122)
      %mul3A_123 = arith.constant 65536 : i32
      %mul3A_124 = arith.muli %arg1, %mul3A_123 : i32
      %mul3A_125 = arith.constant 65536 : i32
      %mul3A_126 = arith.muli %arg1, %mul3A_125 : i32
      %add3A_127 = arith.constant 8388608 : i32
      %add3A_128 = arith.addi %add3A_127, %mul3A_126 : i32
      "tpu.region"() ({
        %run_scoped3A = tpu.sem_alloc : memref<!tpu.dma_semaphore, #tpu.memory_space<semaphore_mem>>
        %dma_start3A = tpu.memref_slice %arg5[%add3A_128] : memref<16777216xf32, #tpu.memory_space<hbm>> -> memref<65536xf32, #tpu.memory_space<hbm>>
        %dma_start3A_130 = tpu.memref_slice %arg6[%mul3A_124] : memref<1048704xf32, #tpu.memory_space<vmem_shared>> -> memref<65536xf32, #tpu.memory_space<vmem_shared>>
        tpu.enqueue_dma source(%dma_start3A_130 : memref<65536xf32, #tpu.memory_space<vmem_shared>>) target(%dma_start3A : memref<65536xf32, #tpu.memory_space<hbm>>) target_semaphore(%run_scoped3A : memref<!tpu.dma_semaphore, #tpu.memory_space<semaphore_mem>>)
        %dma_wait3A = tpu.memref_slice %arg5[%add3A_128] : memref<16777216xf32, #tpu.memory_space<hbm>> -> memref<65536xf32, #tpu.memory_space<hbm>>
        %dma_wait3A_131 = tpu.memref_slice %arg6[%mul3A_124] : memref<1048704xf32, #tpu.memory_space<vmem_shared>> -> memref<65536xf32, #tpu.memory_space<vmem_shared>>
        tpu.wait_dma2 semaphore(%run_scoped3A : memref<!tpu.dma_semaphore, #tpu.memory_space<semaphore_mem>>) src(%dma_wait3A_131 : memref<65536xf32, #tpu.memory_space<vmem_shared>>) dst(%dma_wait3A : memref<65536xf32, #tpu.memory_space<hbm>>)
        tpu.yield
      }) : () -> ()
      %barrier3A_129 = arith.constant 0 : index
      tpu.barrier barrier_id(%barrier3A_129)
    } else {
    }
    %eq3A_17 = arith.constant 0 : i32
    %eq3A_18 = arith.cmpi eq, %arg0, %eq3A_17 : i32
    %convert_element_type3A_19 = arith.extui %eq3A_18 : i1 to i32
    %cond3A_20 = arith.constant 0 : i32
    %cond3A_21 = arith.cmpi ne, %convert_element_type3A_19, %cond3A_20 : i32
    scf.if %cond3A_21 {
      %scan3A_87 = arith.constant 0 : i32
      %scan3A_88 = arith.constant 0 : i32
      %scan3A_89 = arith.constant 4 : i32
      %scan3A_90 = arith.addi %scan3A_88, %scan3A_89 : i32
      %scan3A_91 = arith.constant 1 : i32
      scf.for %scan3A_130 = %scan3A_88 to %scan3A_90 step %scan3A_91  : i32 {
        %mul3A_131 = arith.constant 65536 : i32
        %mul3A_132 = arith.muli %arg1, %mul3A_131 : i32
        %mul3A_133 = arith.constant 16384 : i32
        %mul3A_134 = arith.muli %scan3A_130, %mul3A_133 : i32
        %add3A_135 = arith.addi %mul3A_132, %mul3A_134 : i32
        %dma_start3A = tpu.memref_slice %arg6[%add3A_135] : memref<1048704xf32, #tpu.memory_space<vmem_shared>> -> memref<16384xf32, #tpu.memory_space<vmem_shared>>
        %dma_start3A_136 = tpu.memref_slice %arg6[%add3A_135] : memref<1048704xf32, #tpu.memory_space<vmem_shared>> -> memref<16384xf32, #tpu.memory_space<vmem_shared>>
        tpu.enqueue_dma source(%arg7 : memref<16384xf32, #tpu.memory_space<vmem>>) target(%dma_start3A_136 : memref<16384xf32, #tpu.memory_space<vmem_shared>>) target_semaphore(%arg12 : memref<!tpu.dma_semaphore, #tpu.memory_space<semaphore_mem>>)
      }
      %scan3A_92 = arith.constant 4 : i32
      %scan3A_93 = arith.constant 0 : i32
      %scan3A_94 = arith.constant 0 : i32
      %scan3A_95 = arith.constant 4 : i32
      %scan3A_96 = arith.addi %scan3A_94, %scan3A_95 : i32
      %scan3A_97 = arith.constant 1 : i32
      scf.for %scan3A_130 = %scan3A_94 to %scan3A_96 step %scan3A_97  : i32 {
        %mul3A_131 = arith.constant 65536 : i32
        %mul3A_132 = arith.muli %arg1, %mul3A_131 : i32
        %mul3A_133 = arith.constant 16384 : i32
        %mul3A_134 = arith.muli %scan3A_130, %mul3A_133 : i32
        %add3A_135 = arith.addi %mul3A_132, %mul3A_134 : i32
        %dma_wait3A = tpu.memref_slice %arg6[%add3A_135] : memref<1048704xf32, #tpu.memory_space<vmem_shared>> -> memref<16384xf32, #tpu.memory_space<vmem_shared>>
        %dma_wait3A_136 = tpu.memref_slice %arg6[%add3A_135] : memref<1048704xf32, #tpu.memory_space<vmem_shared>> -> memref<16384xf32, #tpu.memory_space<vmem_shared>>
        tpu.wait_dma2 semaphore(%arg12 : memref<!tpu.dma_semaphore, #tpu.memory_space<semaphore_mem>>) src(%arg7 : memref<16384xf32, #tpu.memory_space<vmem>>) dst(%dma_wait3A_136 : memref<16384xf32, #tpu.memory_space<vmem_shared>>)
      }
      %scan3A_98 = arith.constant 4 : i32
      %barrier3A = arith.constant 0 : index
      tpu.barrier barrier_id(%barrier3A)
      %slice3A = vector.extract_strided_slice %get3A_6 {offsets = [1], sizes = [1], strides = [1]} : vector<16xi32> to vector<1xi32>
      %squeeze3A = vector.extract %slice3A[0] : i32 from vector<1xi32>
      %slice3A_99 = vector.extract_strided_slice %get3A_9 {offsets = [1], sizes = [1], strides = [1]} : vector<16xi32> to vector<1xi32>
      %squeeze3A_100 = vector.extract %slice3A_99[0] : i32 from vector<1xi32>
      %sub3A = arith.subi %squeeze3A_100, %squeeze3A : i32
      %add3A = arith.constant 15 : i32
      %add3A_101 = arith.addi %sub3A, %add3A : i32
      %shift_right_arithmetic3A = arith.constant 4 : i32
      %shift_right_arithmetic3A_102 = arith.shrsi %add3A_101, %shift_right_arithmetic3A : i32
      %mul3A = arith.muli %arg1, %shift_right_arithmetic3A_102 : i32
      %add3A_103 = arith.addi %squeeze3A, %mul3A : i32
      %add3A_104 = arith.addi %add3A_103, %shift_right_arithmetic3A_102 : i32
      %min3A = arith.minsi %add3A_104, %squeeze3A_100 : i32
      %add3A_105 = arith.constant 8 : i32
      %add3A_106 = arith.addi %shift_right_arithmetic3A_102, %add3A_105 : i32
      %add3A_107 = arith.constant 8192 : i32
      %add3A_108 = arith.addi %add3A_106, %add3A_107 : i32
      %sub3A_109 = arith.constant 1 : i32
      %sub3A_110 = arith.subi %add3A_108, %sub3A_109 : i32
      %shift_right_arithmetic3A_111 = arith.constant 13 : i32
      %shift_right_arithmetic3A_112 = arith.shrsi %sub3A_110, %shift_right_arithmetic3A_111 : i32
      %while3A = arith.constant 0 : i32
      %while3A_113 = arith.constant 0 : i32
      %while3A_114 = arith.subi %shift_right_arithmetic3A_112, %while3A_113 : i32
      %while3A_115 = arith.addi %while3A_113, %while3A_114 : i32
      %while3A_116 = arith.constant 1 : i32
      %while3A_117 = arith.divsi %while3A_114, %while3A_116 : i32
      %while3A_118 = arith.muli %while3A_117, %while3A_116 : i32
      %while3A_119 = arith.addi %while3A_113, %while3A_118 : i32
      %while3A_120 = arith.constant 1 : i32
      scf.for %while3A_130 = %while3A_113 to %while3A_119 step %while3A_120  : i32 {
        %mul3A_131 = arith.constant 8192 : i32
        %mul3A_132 = arith.muli %while3A_130, %mul3A_131 : i32
        %add3A_133 = arith.addi %add3A_103, %mul3A_132 : i32
        %and3A = arith.constant -8 : i32
        %and3A_134 = arith.andi %add3A_133, %and3A : i32
        %multiple_of3A = tpu.assume_multiple %and3A_134, 8 : i32
        "tpu.region"() ({
          %run_scoped3A = tpu.sem_alloc : memref<!tpu.dma_semaphore, #tpu.memory_space<semaphore_mem>>
          %dma_start3A = tpu.memref_slice %arg2[%multiple_of3A] : memref<1065088xi32, #tpu.memory_space<hbm>> -> memref<8208xi32, #tpu.memory_space<hbm>>
          %dma_start3A_141 = tpu.memref_slice %arg2[%multiple_of3A] : memref<1065088xi32, #tpu.memory_space<hbm>> -> memref<8208xi32, #tpu.memory_space<hbm>>
          tpu.enqueue_dma source(%dma_start3A_141 : memref<8208xi32, #tpu.memory_space<hbm>>) target(%arg9 : memref<8208xi32, #tpu.memory_space<vmem>>) target_semaphore(%run_scoped3A : memref<!tpu.dma_semaphore, #tpu.memory_space<semaphore_mem>>)
          %dma_wait3A = tpu.memref_slice %arg2[%multiple_of3A] : memref<1065088xi32, #tpu.memory_space<hbm>> -> memref<8208xi32, #tpu.memory_space<hbm>>
          %dma_wait3A_142 = tpu.memref_slice %arg2[%multiple_of3A] : memref<1065088xi32, #tpu.memory_space<hbm>> -> memref<8208xi32, #tpu.memory_space<hbm>>
          tpu.wait_dma2 semaphore(%run_scoped3A : memref<!tpu.dma_semaphore, #tpu.memory_space<semaphore_mem>>) src(%dma_wait3A_142 : memref<8208xi32, #tpu.memory_space<hbm>>) dst(%arg9 : memref<8208xi32, #tpu.memory_space<vmem>>)
          tpu.yield
        }) : () -> ()
        "tpu.region"() ({
          %run_scoped3A = tpu.sem_alloc : memref<!tpu.dma_semaphore, #tpu.memory_space<semaphore_mem>>
          %dma_start3A = tpu.memref_slice %arg3[%multiple_of3A] : memref<1065088xf32, #tpu.memory_space<hbm>> -> memref<8192xf32, #tpu.memory_space<hbm>>
          %dma_start3A_141 = tpu.memref_slice %arg3[%multiple_of3A] : memref<1065088xf32, #tpu.memory_space<hbm>> -> memref<8192xf32, #tpu.memory_space<hbm>>
          tpu.enqueue_dma source(%dma_start3A_141 : memref<8192xf32, #tpu.memory_space<hbm>>) target(%arg10 : memref<8192xf32, #tpu.memory_space<vmem>>) target_semaphore(%run_scoped3A : memref<!tpu.dma_semaphore, #tpu.memory_space<semaphore_mem>>)
          %dma_wait3A = tpu.memref_slice %arg3[%multiple_of3A] : memref<1065088xf32, #tpu.memory_space<hbm>> -> memref<8192xf32, #tpu.memory_space<hbm>>
          %dma_wait3A_142 = tpu.memref_slice %arg3[%multiple_of3A] : memref<1065088xf32, #tpu.memory_space<hbm>> -> memref<8192xf32, #tpu.memory_space<hbm>>
          tpu.wait_dma2 semaphore(%run_scoped3A : memref<!tpu.dma_semaphore, #tpu.memory_space<semaphore_mem>>) src(%dma_wait3A_142 : memref<8192xf32, #tpu.memory_space<hbm>>) dst(%arg10 : memref<8192xf32, #tpu.memory_space<vmem>>)
          tpu.yield
        }) : () -> ()
        %scan3A_135 = arith.constant 0 : i32
        %scan3A_136 = arith.constant 0 : i32
        %scan3A_137 = arith.constant 512 : i32
        %scan3A_138 = arith.addi %scan3A_136, %scan3A_137 : i32
        %scan3A_139 = arith.constant 1 : i32
        scf.for %scan3A_141 = %scan3A_136 to %scan3A_138 step %scan3A_139  : i32 {
          %mul3A_142 = arith.constant 16 : i32
          %mul3A_143 = arith.muli %scan3A_141, %mul3A_142 : i32
          %get3A_144 = arith.index_cast %mul3A_143 : i32 to index
          %get3A_145 = tpu.vector_load %arg9[%get3A_144] {strides = array<i32>} : memref<8208xi32, #tpu.memory_space<vmem>>, vector<16xi32>,
          %get3A_146 = vector.shape_cast %get3A_145 : vector<16xi32> to vector<16xi32>
          %add3A_147 = arith.constant 1 : i32
          %add3A_148 = arith.addi %mul3A_143, %add3A_147 : i32
          %get3A_149 = arith.index_cast %add3A_148 : i32 to index
          %get3A_150 = tpu.vector_load %arg9[%get3A_149] {strides = array<i32>} : memref<8208xi32, #tpu.memory_space<vmem>>, vector<16xi32>,
          %get3A_151 = vector.shape_cast %get3A_150 : vector<16xi32> to vector<16xi32>
          %add3A_152 = arith.addi %multiple_of3A, %mul3A_143 : i32
          %add3A_153 = vector.broadcast %add3A_152 : i32 to vector<16xi32>
          %add3A_154 = arith.addi %add3A_153, %iota3A : vector<16xi32>
          %ne3A = arith.cmpi ne, %get3A_146, %get3A_151 : vector<16xi32>
          %ge3A = vector.broadcast %add3A_103 : i32 to vector<16xi32>
          %ge3A_155 = arith.cmpi sge, %add3A_154, %ge3A : vector<16xi32>
          %and3A_156 = arith.andi %ne3A, %ge3A_155 : vector<16xi1>
          %lt3A = vector.broadcast %min3A : i32 to vector<16xi32>
          %lt3A_157 = arith.cmpi slt, %add3A_154, %lt3A : vector<16xi32>
          %and3A_158 = arith.andi %and3A_156, %lt3A_157 : vector<16xi1>
          %and3A_159 = arith.constant 112 : i32
          %and3A_160 = arith.andi %mul3A_143, %and3A_159 : i32
          %add3A_161 = arith.constant 1048576 : i32
          %add3A_162 = arith.addi %add3A_161, %and3A_160 : i32
          %add3A_163 = vector.broadcast %add3A_162 : i32 to vector<16xi32>
          %add3A_164 = arith.addi %add3A_163, %iota3A : vector<16xi32>
          %sub3A_165 = arith.constant 1048576 : i32
          %sub3A_166 = vector.broadcast %sub3A_165 : i32 to vector<16xi32>
          %sub3A_167 = arith.subi %get3A_146, %sub3A_166 : vector<16xi32>
          %select_n3A = arith.select %and3A_158, %sub3A_167, %add3A_164 : vector<16xi1>, vector<16xi32>
          %swap3A = arith.index_cast %mul3A_143 : i32 to index
          %swap3A_168 = tpu.vector_load %arg11[%swap3A] {strides = array<i32>} : memref<8192xi32, #tpu.memory_space<vmem>>, vector<16xi32>,
          %swap3A_169 = vector.shape_cast %swap3A_168 : vector<16xi32> to vector<16xi32>
          %swap3A_170 = vector.shape_cast %select_n3A : vector<16xi32> to vector<16xi32>
          tpu.vector_store %arg11[%swap3A], %swap3A_170 {strides = array<i32>} : memref<8192xi32, #tpu.memory_space<vmem>>, vector<16xi32>,
        }
        %scan3A_140 = arith.constant 512 : i32
        "tpu.region"() ({
          %run_scoped3A = tpu.sem_alloc : memref<!tpu.dma_semaphore, #tpu.memory_space<semaphore_mem>>
          %dma_start3A = arith.constant 0 : i32
          %dma_start3A_141 = tpu.memref_slice %arg6[%dma_start3A] : memref<1048704xf32, #tpu.memory_space<vmem_shared>> -> memref<1048704xf32, #tpu.memory_space<vmem_shared>>
          tpu.enqueue_indirect_dma source(%arg10 : memref<8192xf32, #tpu.memory_space<vmem>>) target(%dma_start3A_141 : memref<1048704xf32, #tpu.memory_space<vmem_shared>>) offsets(%arg11 : memref<8192xi32, #tpu.memory_space<vmem>>) semaphore(%run_scoped3A : memref<!tpu.dma_semaphore, #tpu.memory_space<semaphore_mem>>) {add = true}
          %dma_wait3A = arith.constant 0 : i32
          %dma_wait3A_142 = tpu.memref_slice %arg6[%dma_wait3A] : memref<1048704xf32, #tpu.memory_space<vmem_shared>> -> memref<1048704xf32, #tpu.memory_space<vmem_shared>>
          tpu.wait_indirect_dma semaphore(%run_scoped3A : memref<!tpu.dma_semaphore, #tpu.memory_space<semaphore_mem>>) src(%arg10 : memref<8192xf32, #tpu.memory_space<vmem>>) dst(%dma_wait3A_142 : memref<1048704xf32, #tpu.memory_space<vmem_shared>>)
          tpu.yield
        }) : () -> ()
      }
      %while3A_121 = arith.constant 1 : i32
      scf.for %while3A_130 = %while3A_119 to %while3A_115 step %while3A_121  : i32 {
        %mul3A_131 = arith.constant 8192 : i32
        %mul3A_132 = arith.muli %while3A_130, %mul3A_131 : i32
        %add3A_133 = arith.addi %add3A_103, %mul3A_132 : i32
        %and3A = arith.constant -8 : i32
        %and3A_134 = arith.andi %add3A_133, %and3A : i32
        %multiple_of3A = tpu.assume_multiple %and3A_134, 8 : i32
        "tpu.region"() ({
          %run_scoped3A = tpu.sem_alloc : memref<!tpu.dma_semaphore, #tpu.memory_space<semaphore_mem>>
          %dma_start3A = tpu.memref_slice %arg2[%multiple_of3A] : memref<1065088xi32, #tpu.memory_space<hbm>> -> memref<8208xi32, #tpu.memory_space<hbm>>
          %dma_start3A_141 = tpu.memref_slice %arg2[%multiple_of3A] : memref<1065088xi32, #tpu.memory_space<hbm>> -> memref<8208xi32, #tpu.memory_space<hbm>>
          tpu.enqueue_dma source(%dma_start3A_141 : memref<8208xi32, #tpu.memory_space<hbm>>) target(%arg9 : memref<8208xi32, #tpu.memory_space<vmem>>) target_semaphore(%run_scoped3A : memref<!tpu.dma_semaphore, #tpu.memory_space<semaphore_mem>>)
          %dma_wait3A = tpu.memref_slice %arg2[%multiple_of3A] : memref<1065088xi32, #tpu.memory_space<hbm>> -> memref<8208xi32, #tpu.memory_space<hbm>>
          %dma_wait3A_142 = tpu.memref_slice %arg2[%multiple_of3A] : memref<1065088xi32, #tpu.memory_space<hbm>> -> memref<8208xi32, #tpu.memory_space<hbm>>
          tpu.wait_dma2 semaphore(%run_scoped3A : memref<!tpu.dma_semaphore, #tpu.memory_space<semaphore_mem>>) src(%dma_wait3A_142 : memref<8208xi32, #tpu.memory_space<hbm>>) dst(%arg9 : memref<8208xi32, #tpu.memory_space<vmem>>)
          tpu.yield
        }) : () -> ()
        "tpu.region"() ({
          %run_scoped3A = tpu.sem_alloc : memref<!tpu.dma_semaphore, #tpu.memory_space<semaphore_mem>>
          %dma_start3A = tpu.memref_slice %arg3[%multiple_of3A] : memref<1065088xf32, #tpu.memory_space<hbm>> -> memref<8192xf32, #tpu.memory_space<hbm>>
          %dma_start3A_141 = tpu.memref_slice %arg3[%multiple_of3A] : memref<1065088xf32, #tpu.memory_space<hbm>> -> memref<8192xf32, #tpu.memory_space<hbm>>
          tpu.enqueue_dma source(%dma_start3A_141 : memref<8192xf32, #tpu.memory_space<hbm>>) target(%arg10 : memref<8192xf32, #tpu.memory_space<vmem>>) target_semaphore(%run_scoped3A : memref<!tpu.dma_semaphore, #tpu.memory_space<semaphore_mem>>)
          %dma_wait3A = tpu.memref_slice %arg3[%multiple_of3A] : memref<1065088xf32, #tpu.memory_space<hbm>> -> memref<8192xf32, #tpu.memory_space<hbm>>
          %dma_wait3A_142 = tpu.memref_slice %arg3[%multiple_of3A] : memref<1065088xf32, #tpu.memory_space<hbm>> -> memref<8192xf32, #tpu.memory_space<hbm>>
          tpu.wait_dma2 semaphore(%run_scoped3A : memref<!tpu.dma_semaphore, #tpu.memory_space<semaphore_mem>>) src(%dma_wait3A_142 : memref<8192xf32, #tpu.memory_space<hbm>>) dst(%arg10 : memref<8192xf32, #tpu.memory_space<vmem>>)
          tpu.yield
        }) : () -> ()
        %scan3A_135 = arith.constant 0 : i32
        %scan3A_136 = arith.constant 0 : i32
        %scan3A_137 = arith.constant 512 : i32
        %scan3A_138 = arith.addi %scan3A_136, %scan3A_137 : i32
        %scan3A_139 = arith.constant 1 : i32
        scf.for %scan3A_141 = %scan3A_136 to %scan3A_138 step %scan3A_139  : i32 {
          %mul3A_142 = arith.constant 16 : i32
          %mul3A_143 = arith.muli %scan3A_141, %mul3A_142 : i32
          %get3A_144 = arith.index_cast %mul3A_143 : i32 to index
          %get3A_145 = tpu.vector_load %arg9[%get3A_144] {strides = array<i32>} : memref<8208xi32, #tpu.memory_space<vmem>>, vector<16xi32>,
          %get3A_146 = vector.shape_cast %get3A_145 : vector<16xi32> to vector<16xi32>
          %add3A_147 = arith.constant 1 : i32
          %add3A_148 = arith.addi %mul3A_143, %add3A_147 : i32
          %get3A_149 = arith.index_cast %add3A_148 : i32 to index
          %get3A_150 = tpu.vector_load %arg9[%get3A_149] {strides = array<i32>} : memref<8208xi32, #tpu.memory_space<vmem>>, vector<16xi32>,
          %get3A_151 = vector.shape_cast %get3A_150 : vector<16xi32> to vector<16xi32>
          %add3A_152 = arith.addi %multiple_of3A, %mul3A_143 : i32
          %add3A_153 = vector.broadcast %add3A_152 : i32 to vector<16xi32>
          %add3A_154 = arith.addi %add3A_153, %iota3A : vector<16xi32>
          %ne3A = arith.cmpi ne, %get3A_146, %get3A_151 : vector<16xi32>
          %ge3A = vector.broadcast %add3A_103 : i32 to vector<16xi32>
          %ge3A_155 = arith.cmpi sge, %add3A_154, %ge3A : vector<16xi32>
          %and3A_156 = arith.andi %ne3A, %ge3A_155 : vector<16xi1>
          %lt3A = vector.broadcast %min3A : i32 to vector<16xi32>
          %lt3A_157 = arith.cmpi slt, %add3A_154, %lt3A : vector<16xi32>
          %and3A_158 = arith.andi %and3A_156, %lt3A_157 : vector<16xi1>
          %and3A_159 = arith.constant 112 : i32
          %and3A_160 = arith.andi %mul3A_143, %and3A_159 : i32
          %add3A_161 = arith.constant 1048576 : i32
          %add3A_162 = arith.addi %add3A_161, %and3A_160 : i32
          %add3A_163 = vector.broadcast %add3A_162 : i32 to vector<16xi32>
          %add3A_164 = arith.addi %add3A_163, %iota3A : vector<16xi32>
          %sub3A_165 = arith.constant 1048576 : i32
          %sub3A_166 = vector.broadcast %sub3A_165 : i32 to vector<16xi32>
          %sub3A_167 = arith.subi %get3A_146, %sub3A_166 : vector<16xi32>
          %select_n3A = arith.select %and3A_158, %sub3A_167, %add3A_164 : vector<16xi1>, vector<16xi32>
          %swap3A = arith.index_cast %mul3A_143 : i32 to index
          %swap3A_168 = tpu.vector_load %arg11[%swap3A] {strides = array<i32>} : memref<8192xi32, #tpu.memory_space<vmem>>, vector<16xi32>,
          %swap3A_169 = vector.shape_cast %swap3A_168 : vector<16xi32> to vector<16xi32>
          %swap3A_170 = vector.shape_cast %select_n3A : vector<16xi32> to vector<16xi32>
          tpu.vector_store %arg11[%swap3A], %swap3A_170 {strides = array<i32>} : memref<8192xi32, #tpu.memory_space<vmem>>, vector<16xi32>,
        }
        %scan3A_140 = arith.constant 512 : i32
        "tpu.region"() ({
          %run_scoped3A = tpu.sem_alloc : memref<!tpu.dma_semaphore, #tpu.memory_space<semaphore_mem>>
          %dma_start3A = arith.constant 0 : i32
          %dma_start3A_141 = tpu.memref_slice %arg6[%dma_start3A] : memref<1048704xf32, #tpu.memory_space<vmem_shared>> -> memref<1048704xf32, #tpu.memory_space<vmem_shared>>
          tpu.enqueue_indirect_dma source(%arg10 : memref<8192xf32, #tpu.memory_space<vmem>>) target(%dma_start3A_141 : memref<1048704xf32, #tpu.memory_space<vmem_shared>>) offsets(%arg11 : memref<8192xi32, #tpu.memory_space<vmem>>) semaphore(%run_scoped3A : memref<!tpu.dma_semaphore, #tpu.memory_space<semaphore_mem>>) {add = true}
          %dma_wait3A = arith.constant 0 : i32
          %dma_wait3A_142 = tpu.memref_slice %arg6[%dma_wait3A] : memref<1048704xf32, #tpu.memory_space<vmem_shared>> -> memref<1048704xf32, #tpu.memory_space<vmem_shared>>
          tpu.wait_indirect_dma semaphore(%run_scoped3A : memref<!tpu.dma_semaphore, #tpu.memory_space<semaphore_mem>>) src(%arg10 : memref<8192xf32, #tpu.memory_space<vmem>>) dst(%dma_wait3A_142 : memref<1048704xf32, #tpu.memory_space<vmem_shared>>)
          tpu.yield
        }) : () -> ()
      }
      %barrier3A_122 = arith.constant 0 : index
      tpu.barrier barrier_id(%barrier3A_122)
      %mul3A_123 = arith.constant 65536 : i32
      %mul3A_124 = arith.muli %arg1, %mul3A_123 : i32
      %mul3A_125 = arith.constant 65536 : i32
      %mul3A_126 = arith.muli %arg1, %mul3A_125 : i32
      %add3A_127 = arith.constant 1048576 : i32
      %add3A_128 = arith.addi %add3A_127, %mul3A_126 : i32
      "tpu.region"() ({
        %run_scoped3A = tpu.sem_alloc : memref<!tpu.dma_semaphore, #tpu.memory_space<semaphore_mem>>
        %dma_start3A = tpu.memref_slice %arg5[%add3A_128] : memref<16777216xf32, #tpu.memory_space<hbm>> -> memref<65536xf32, #tpu.memory_space<hbm>>
        %dma_start3A_130 = tpu.memref_slice %arg6[%mul3A_124] : memref<1048704xf32, #tpu.memory_space<vmem_shared>> -> memref<65536xf32, #tpu.memory_space<vmem_shared>>
        tpu.enqueue_dma source(%dma_start3A_130 : memref<65536xf32, #tpu.memory_space<vmem_shared>>) target(%dma_start3A : memref<65536xf32, #tpu.memory_space<hbm>>) target_semaphore(%run_scoped3A : memref<!tpu.dma_semaphore, #tpu.memory_space<semaphore_mem>>)
        %dma_wait3A = tpu.memref_slice %arg5[%add3A_128] : memref<16777216xf32, #tpu.memory_space<hbm>> -> memref<65536xf32, #tpu.memory_space<hbm>>
        %dma_wait3A_131 = tpu.memref_slice %arg6[%mul3A_124] : memref<1048704xf32, #tpu.memory_space<vmem_shared>> -> memref<65536xf32, #tpu.memory_space<vmem_shared>>
        tpu.wait_dma2 semaphore(%run_scoped3A : memref<!tpu.dma_semaphore, #tpu.memory_space<semaphore_mem>>) src(%dma_wait3A_131 : memref<65536xf32, #tpu.memory_space<vmem_shared>>) dst(%dma_wait3A : memref<65536xf32, #tpu.memory_space<hbm>>)
        tpu.yield
      }) : () -> ()
      %barrier3A_129 = arith.constant 0 : index
      tpu.barrier barrier_id(%barrier3A_129)
    } else {
    }
    %eq3A_22 = arith.constant 1 : i32
    %eq3A_23 = arith.cmpi eq, %arg0, %eq3A_22 : i32
    %convert_element_type3A_24 = arith.extui %eq3A_23 : i1 to i32
    %cond3A_25 = arith.constant 0 : i32
    %cond3A_26 = arith.cmpi ne, %convert_element_type3A_24, %cond3A_25 : i32
    scf.if %cond3A_26 {
      %scan3A_87 = arith.constant 0 : i32
      %scan3A_88 = arith.constant 0 : i32
      %scan3A_89 = arith.constant 4 : i32
      %scan3A_90 = arith.addi %scan3A_88, %scan3A_89 : i32
      %scan3A_91 = arith.constant 1 : i32
      scf.for %scan3A_130 = %scan3A_88 to %scan3A_90 step %scan3A_91  : i32 {
        %mul3A_131 = arith.constant 65536 : i32
        %mul3A_132 = arith.muli %arg1, %mul3A_131 : i32
        %mul3A_133 = arith.constant 16384 : i32
        %mul3A_134 = arith.muli %scan3A_130, %mul3A_133 : i32
        %add3A_135 = arith.addi %mul3A_132, %mul3A_134 : i32
        %dma_start3A = tpu.memref_slice %arg6[%add3A_135] : memref<1048704xf32, #tpu.memory_space<vmem_shared>> -> memref<16384xf32, #tpu.memory_space<vmem_shared>>
        %dma_start3A_136 = tpu.memref_slice %arg6[%add3A_135] : memref<1048704xf32, #tpu.memory_space<vmem_shared>> -> memref<16384xf32, #tpu.memory_space<vmem_shared>>
        tpu.enqueue_dma source(%arg7 : memref<16384xf32, #tpu.memory_space<vmem>>) target(%dma_start3A_136 : memref<16384xf32, #tpu.memory_space<vmem_shared>>) target_semaphore(%arg12 : memref<!tpu.dma_semaphore, #tpu.memory_space<semaphore_mem>>)
      }
      %scan3A_92 = arith.constant 4 : i32
      %scan3A_93 = arith.constant 0 : i32
      %scan3A_94 = arith.constant 0 : i32
      %scan3A_95 = arith.constant 4 : i32
      %scan3A_96 = arith.addi %scan3A_94, %scan3A_95 : i32
      %scan3A_97 = arith.constant 1 : i32
      scf.for %scan3A_130 = %scan3A_94 to %scan3A_96 step %scan3A_97  : i32 {
        %mul3A_131 = arith.constant 65536 : i32
        %mul3A_132 = arith.muli %arg1, %mul3A_131 : i32
        %mul3A_133 = arith.constant 16384 : i32
        %mul3A_134 = arith.muli %scan3A_130, %mul3A_133 : i32
        %add3A_135 = arith.addi %mul3A_132, %mul3A_134 : i32
        %dma_wait3A = tpu.memref_slice %arg6[%add3A_135] : memref<1048704xf32, #tpu.memory_space<vmem_shared>> -> memref<16384xf32, #tpu.memory_space<vmem_shared>>
        %dma_wait3A_136 = tpu.memref_slice %arg6[%add3A_135] : memref<1048704xf32, #tpu.memory_space<vmem_shared>> -> memref<16384xf32, #tpu.memory_space<vmem_shared>>
        tpu.wait_dma2 semaphore(%arg12 : memref<!tpu.dma_semaphore, #tpu.memory_space<semaphore_mem>>) src(%arg7 : memref<16384xf32, #tpu.memory_space<vmem>>) dst(%dma_wait3A_136 : memref<16384xf32, #tpu.memory_space<vmem_shared>>)
      }
      %scan3A_98 = arith.constant 4 : i32
      %barrier3A = arith.constant 0 : index
      tpu.barrier barrier_id(%barrier3A)
      %slice3A = vector.extract_strided_slice %get3A_6 {offsets = [9], sizes = [1], strides = [1]} : vector<16xi32> to vector<1xi32>
      %squeeze3A = vector.extract %slice3A[0] : i32 from vector<1xi32>
      %slice3A_99 = vector.extract_strided_slice %get3A_9 {offsets = [9], sizes = [1], strides = [1]} : vector<16xi32> to vector<1xi32>
      %squeeze3A_100 = vector.extract %slice3A_99[0] : i32 from vector<1xi32>
      %sub3A = arith.subi %squeeze3A_100, %squeeze3A : i32
      %add3A = arith.constant 15 : i32
      %add3A_101 = arith.addi %sub3A, %add3A : i32
      %shift_right_arithmetic3A = arith.constant 4 : i32
      %shift_right_arithmetic3A_102 = arith.shrsi %add3A_101, %shift_right_arithmetic3A : i32
      %mul3A = arith.muli %arg1, %shift_right_arithmetic3A_102 : i32
      %add3A_103 = arith.addi %squeeze3A, %mul3A : i32
      %add3A_104 = arith.addi %add3A_103, %shift_right_arithmetic3A_102 : i32
      %min3A = arith.minsi %add3A_104, %squeeze3A_100 : i32
      %add3A_105 = arith.constant 8 : i32
      %add3A_106 = arith.addi %shift_right_arithmetic3A_102, %add3A_105 : i32
      %add3A_107 = arith.constant 8192 : i32
      %add3A_108 = arith.addi %add3A_106, %add3A_107 : i32
      %sub3A_109 = arith.constant 1 : i32
      %sub3A_110 = arith.subi %add3A_108, %sub3A_109 : i32
      %shift_right_arithmetic3A_111 = arith.constant 13 : i32
      %shift_right_arithmetic3A_112 = arith.shrsi %sub3A_110, %shift_right_arithmetic3A_111 : i32
      %while3A = arith.constant 0 : i32
      %while3A_113 = arith.constant 0 : i32
      %while3A_114 = arith.subi %shift_right_arithmetic3A_112, %while3A_113 : i32
      %while3A_115 = arith.addi %while3A_113, %while3A_114 : i32
      %while3A_116 = arith.constant 1 : i32
      %while3A_117 = arith.divsi %while3A_114, %while3A_116 : i32
      %while3A_118 = arith.muli %while3A_117, %while3A_116 : i32
      %while3A_119 = arith.addi %while3A_113, %while3A_118 : i32
      %while3A_120 = arith.constant 1 : i32
      scf.for %while3A_130 = %while3A_113 to %while3A_119 step %while3A_120  : i32 {
        %mul3A_131 = arith.constant 8192 : i32
        %mul3A_132 = arith.muli %while3A_130, %mul3A_131 : i32
        %add3A_133 = arith.addi %add3A_103, %mul3A_132 : i32
        %and3A = arith.constant -8 : i32
        %and3A_134 = arith.andi %add3A_133, %and3A : i32
        %multiple_of3A = tpu.assume_multiple %and3A_134, 8 : i32
        "tpu.region"() ({
          %run_scoped3A = tpu.sem_alloc : memref<!tpu.dma_semaphore, #tpu.memory_space<semaphore_mem>>
          %dma_start3A = tpu.memref_slice %arg2[%multiple_of3A] : memref<1065088xi32, #tpu.memory_space<hbm>> -> memref<8208xi32, #tpu.memory_space<hbm>>
          %dma_start3A_141 = tpu.memref_slice %arg2[%multiple_of3A] : memref<1065088xi32, #tpu.memory_space<hbm>> -> memref<8208xi32, #tpu.memory_space<hbm>>
          tpu.enqueue_dma source(%dma_start3A_141 : memref<8208xi32, #tpu.memory_space<hbm>>) target(%arg9 : memref<8208xi32, #tpu.memory_space<vmem>>) target_semaphore(%run_scoped3A : memref<!tpu.dma_semaphore, #tpu.memory_space<semaphore_mem>>)
          %dma_wait3A = tpu.memref_slice %arg2[%multiple_of3A] : memref<1065088xi32, #tpu.memory_space<hbm>> -> memref<8208xi32, #tpu.memory_space<hbm>>
          %dma_wait3A_142 = tpu.memref_slice %arg2[%multiple_of3A] : memref<1065088xi32, #tpu.memory_space<hbm>> -> memref<8208xi32, #tpu.memory_space<hbm>>
          tpu.wait_dma2 semaphore(%run_scoped3A : memref<!tpu.dma_semaphore, #tpu.memory_space<semaphore_mem>>) src(%dma_wait3A_142 : memref<8208xi32, #tpu.memory_space<hbm>>) dst(%arg9 : memref<8208xi32, #tpu.memory_space<vmem>>)
          tpu.yield
        }) : () -> ()
        "tpu.region"() ({
          %run_scoped3A = tpu.sem_alloc : memref<!tpu.dma_semaphore, #tpu.memory_space<semaphore_mem>>
          %dma_start3A = tpu.memref_slice %arg3[%multiple_of3A] : memref<1065088xf32, #tpu.memory_space<hbm>> -> memref<8192xf32, #tpu.memory_space<hbm>>
          %dma_start3A_141 = tpu.memref_slice %arg3[%multiple_of3A] : memref<1065088xf32, #tpu.memory_space<hbm>> -> memref<8192xf32, #tpu.memory_space<hbm>>
          tpu.enqueue_dma source(%dma_start3A_141 : memref<8192xf32, #tpu.memory_space<hbm>>) target(%arg10 : memref<8192xf32, #tpu.memory_space<vmem>>) target_semaphore(%run_scoped3A : memref<!tpu.dma_semaphore, #tpu.memory_space<semaphore_mem>>)
          %dma_wait3A = tpu.memref_slice %arg3[%multiple_of3A] : memref<1065088xf32, #tpu.memory_space<hbm>> -> memref<8192xf32, #tpu.memory_space<hbm>>
          %dma_wait3A_142 = tpu.memref_slice %arg3[%multiple_of3A] : memref<1065088xf32, #tpu.memory_space<hbm>> -> memref<8192xf32, #tpu.memory_space<hbm>>
          tpu.wait_dma2 semaphore(%run_scoped3A : memref<!tpu.dma_semaphore, #tpu.memory_space<semaphore_mem>>) src(%dma_wait3A_142 : memref<8192xf32, #tpu.memory_space<hbm>>) dst(%arg10 : memref<8192xf32, #tpu.memory_space<vmem>>)
          tpu.yield
        }) : () -> ()
        %scan3A_135 = arith.constant 0 : i32
        %scan3A_136 = arith.constant 0 : i32
        %scan3A_137 = arith.constant 512 : i32
        %scan3A_138 = arith.addi %scan3A_136, %scan3A_137 : i32
        %scan3A_139 = arith.constant 1 : i32
        scf.for %scan3A_141 = %scan3A_136 to %scan3A_138 step %scan3A_139  : i32 {
          %mul3A_142 = arith.constant 16 : i32
          %mul3A_143 = arith.muli %scan3A_141, %mul3A_142 : i32
          %get3A_144 = arith.index_cast %mul3A_143 : i32 to index
          %get3A_145 = tpu.vector_load %arg9[%get3A_144] {strides = array<i32>} : memref<8208xi32, #tpu.memory_space<vmem>>, vector<16xi32>,
          %get3A_146 = vector.shape_cast %get3A_145 : vector<16xi32> to vector<16xi32>
          %add3A_147 = arith.constant 1 : i32
          %add3A_148 = arith.addi %mul3A_143, %add3A_147 : i32
          %get3A_149 = arith.index_cast %add3A_148 : i32 to index
          %get3A_150 = tpu.vector_load %arg9[%get3A_149] {strides = array<i32>} : memref<8208xi32, #tpu.memory_space<vmem>>, vector<16xi32>,
          %get3A_151 = vector.shape_cast %get3A_150 : vector<16xi32> to vector<16xi32>
          %add3A_152 = arith.addi %multiple_of3A, %mul3A_143 : i32
          %add3A_153 = vector.broadcast %add3A_152 : i32 to vector<16xi32>
          %add3A_154 = arith.addi %add3A_153, %iota3A : vector<16xi32>
          %ne3A = arith.cmpi ne, %get3A_146, %get3A_151 : vector<16xi32>
          %ge3A = vector.broadcast %add3A_103 : i32 to vector<16xi32>
          %ge3A_155 = arith.cmpi sge, %add3A_154, %ge3A : vector<16xi32>
          %and3A_156 = arith.andi %ne3A, %ge3A_155 : vector<16xi1>
          %lt3A = vector.broadcast %min3A : i32 to vector<16xi32>
          %lt3A_157 = arith.cmpi slt, %add3A_154, %lt3A : vector<16xi32>
          %and3A_158 = arith.andi %and3A_156, %lt3A_157 : vector<16xi1>
          %and3A_159 = arith.constant 112 : i32
          %and3A_160 = arith.andi %mul3A_143, %and3A_159 : i32
          %add3A_161 = arith.constant 1048576 : i32
          %add3A_162 = arith.addi %add3A_161, %and3A_160 : i32
          %add3A_163 = vector.broadcast %add3A_162 : i32 to vector<16xi32>
          %add3A_164 = arith.addi %add3A_163, %iota3A : vector<16xi32>
          %sub3A_165 = arith.constant 9437184 : i32
          %sub3A_166 = vector.broadcast %sub3A_165 : i32 to vector<16xi32>
          %sub3A_167 = arith.subi %get3A_146, %sub3A_166 : vector<16xi32>
          %select_n3A = arith.select %and3A_158, %sub3A_167, %add3A_164 : vector<16xi1>, vector<16xi32>
          %swap3A = arith.index_cast %mul3A_143 : i32 to index
          %swap3A_168 = tpu.vector_load %arg11[%swap3A] {strides = array<i32>} : memref<8192xi32, #tpu.memory_space<vmem>>, vector<16xi32>,
          %swap3A_169 = vector.shape_cast %swap3A_168 : vector<16xi32> to vector<16xi32>
          %swap3A_170 = vector.shape_cast %select_n3A : vector<16xi32> to vector<16xi32>
          tpu.vector_store %arg11[%swap3A], %swap3A_170 {strides = array<i32>} : memref<8192xi32, #tpu.memory_space<vmem>>, vector<16xi32>,
        }
        %scan3A_140 = arith.constant 512 : i32
        "tpu.region"() ({
          %run_scoped3A = tpu.sem_alloc : memref<!tpu.dma_semaphore, #tpu.memory_space<semaphore_mem>>
          %dma_start3A = arith.constant 0 : i32
          %dma_start3A_141 = tpu.memref_slice %arg6[%dma_start3A] : memref<1048704xf32, #tpu.memory_space<vmem_shared>> -> memref<1048704xf32, #tpu.memory_space<vmem_shared>>
          tpu.enqueue_indirect_dma source(%arg10 : memref<8192xf32, #tpu.memory_space<vmem>>) target(%dma_start3A_141 : memref<1048704xf32, #tpu.memory_space<vmem_shared>>) offsets(%arg11 : memref<8192xi32, #tpu.memory_space<vmem>>) semaphore(%run_scoped3A : memref<!tpu.dma_semaphore, #tpu.memory_space<semaphore_mem>>) {add = true}
          %dma_wait3A = arith.constant 0 : i32
          %dma_wait3A_142 = tpu.memref_slice %arg6[%dma_wait3A] : memref<1048704xf32, #tpu.memory_space<vmem_shared>> -> memref<1048704xf32, #tpu.memory_space<vmem_shared>>
          tpu.wait_indirect_dma semaphore(%run_scoped3A : memref<!tpu.dma_semaphore, #tpu.memory_space<semaphore_mem>>) src(%arg10 : memref<8192xf32, #tpu.memory_space<vmem>>) dst(%dma_wait3A_142 : memref<1048704xf32, #tpu.memory_space<vmem_shared>>)
          tpu.yield
        }) : () -> ()
      }
      %while3A_121 = arith.constant 1 : i32
      scf.for %while3A_130 = %while3A_119 to %while3A_115 step %while3A_121  : i32 {
        %mul3A_131 = arith.constant 8192 : i32
        %mul3A_132 = arith.muli %while3A_130, %mul3A_131 : i32
        %add3A_133 = arith.addi %add3A_103, %mul3A_132 : i32
        %and3A = arith.constant -8 : i32
        %and3A_134 = arith.andi %add3A_133, %and3A : i32
        %multiple_of3A = tpu.assume_multiple %and3A_134, 8 : i32
        "tpu.region"() ({
          %run_scoped3A = tpu.sem_alloc : memref<!tpu.dma_semaphore, #tpu.memory_space<semaphore_mem>>
          %dma_start3A = tpu.memref_slice %arg2[%multiple_of3A] : memref<1065088xi32, #tpu.memory_space<hbm>> -> memref<8208xi32, #tpu.memory_space<hbm>>
          %dma_start3A_141 = tpu.memref_slice %arg2[%multiple_of3A] : memref<1065088xi32, #tpu.memory_space<hbm>> -> memref<8208xi32, #tpu.memory_space<hbm>>
          tpu.enqueue_dma source(%dma_start3A_141 : memref<8208xi32, #tpu.memory_space<hbm>>) target(%arg9 : memref<8208xi32, #tpu.memory_space<vmem>>) target_semaphore(%run_scoped3A : memref<!tpu.dma_semaphore, #tpu.memory_space<semaphore_mem>>)
          %dma_wait3A = tpu.memref_slice %arg2[%multiple_of3A] : memref<1065088xi32, #tpu.memory_space<hbm>> -> memref<8208xi32, #tpu.memory_space<hbm>>
          %dma_wait3A_142 = tpu.memref_slice %arg2[%multiple_of3A] : memref<1065088xi32, #tpu.memory_space<hbm>> -> memref<8208xi32, #tpu.memory_space<hbm>>
          tpu.wait_dma2 semaphore(%run_scoped3A : memref<!tpu.dma_semaphore, #tpu.memory_space<semaphore_mem>>) src(%dma_wait3A_142 : memref<8208xi32, #tpu.memory_space<hbm>>) dst(%arg9 : memref<8208xi32, #tpu.memory_space<vmem>>)
          tpu.yield
        }) : () -> ()
        "tpu.region"() ({
          %run_scoped3A = tpu.sem_alloc : memref<!tpu.dma_semaphore, #tpu.memory_space<semaphore_mem>>
          %dma_start3A = tpu.memref_slice %arg3[%multiple_of3A] : memref<1065088xf32, #tpu.memory_space<hbm>> -> memref<8192xf32, #tpu.memory_space<hbm>>
          %dma_start3A_141 = tpu.memref_slice %arg3[%multiple_of3A] : memref<1065088xf32, #tpu.memory_space<hbm>> -> memref<8192xf32, #tpu.memory_space<hbm>>
          tpu.enqueue_dma source(%dma_start3A_141 : memref<8192xf32, #tpu.memory_space<hbm>>) target(%arg10 : memref<8192xf32, #tpu.memory_space<vmem>>) target_semaphore(%run_scoped3A : memref<!tpu.dma_semaphore, #tpu.memory_space<semaphore_mem>>)
          %dma_wait3A = tpu.memref_slice %arg3[%multiple_of3A] : memref<1065088xf32, #tpu.memory_space<hbm>> -> memref<8192xf32, #tpu.memory_space<hbm>>
          %dma_wait3A_142 = tpu.memref_slice %arg3[%multiple_of3A] : memref<1065088xf32, #tpu.memory_space<hbm>> -> memref<8192xf32, #tpu.memory_space<hbm>>
          tpu.wait_dma2 semaphore(%run_scoped3A : memref<!tpu.dma_semaphore, #tpu.memory_space<semaphore_mem>>) src(%dma_wait3A_142 : memref<8192xf32, #tpu.memory_space<hbm>>) dst(%arg10 : memref<8192xf32, #tpu.memory_space<vmem>>)
          tpu.yield
        }) : () -> ()
        %scan3A_135 = arith.constant 0 : i32
        %scan3A_136 = arith.constant 0 : i32
        %scan3A_137 = arith.constant 512 : i32
        %scan3A_138 = arith.addi %scan3A_136, %scan3A_137 : i32
        %scan3A_139 = arith.constant 1 : i32
        scf.for %scan3A_141 = %scan3A_136 to %scan3A_138 step %scan3A_139  : i32 {
          %mul3A_142 = arith.constant 16 : i32
          %mul3A_143 = arith.muli %scan3A_141, %mul3A_142 : i32
          %get3A_144 = arith.index_cast %mul3A_143 : i32 to index
          %get3A_145 = tpu.vector_load %arg9[%get3A_144] {strides = array<i32>} : memref<8208xi32, #tpu.memory_space<vmem>>, vector<16xi32>,
          %get3A_146 = vector.shape_cast %get3A_145 : vector<16xi32> to vector<16xi32>
          %add3A_147 = arith.constant 1 : i32
          %add3A_148 = arith.addi %mul3A_143, %add3A_147 : i32
          %get3A_149 = arith.index_cast %add3A_148 : i32 to index
          %get3A_150 = tpu.vector_load %arg9[%get3A_149] {strides = array<i32>} : memref<8208xi32, #tpu.memory_space<vmem>>, vector<16xi32>,
          %get3A_151 = vector.shape_cast %get3A_150 : vector<16xi32> to vector<16xi32>
          %add3A_152 = arith.addi %multiple_of3A, %mul3A_143 : i32
          %add3A_153 = vector.broadcast %add3A_152 : i32 to vector<16xi32>
          %add3A_154 = arith.addi %add3A_153, %iota3A : vector<16xi32>
          %ne3A = arith.cmpi ne, %get3A_146, %get3A_151 : vector<16xi32>
          %ge3A = vector.broadcast %add3A_103 : i32 to vector<16xi32>
          %ge3A_155 = arith.cmpi sge, %add3A_154, %ge3A : vector<16xi32>
          %and3A_156 = arith.andi %ne3A, %ge3A_155 : vector<16xi1>
          %lt3A = vector.broadcast %min3A : i32 to vector<16xi32>
          %lt3A_157 = arith.cmpi slt, %add3A_154, %lt3A : vector<16xi32>
          %and3A_158 = arith.andi %and3A_156, %lt3A_157 : vector<16xi1>
          %and3A_159 = arith.constant 112 : i32
          %and3A_160 = arith.andi %mul3A_143, %and3A_159 : i32
          %add3A_161 = arith.constant 1048576 : i32
          %add3A_162 = arith.addi %add3A_161, %and3A_160 : i32
          %add3A_163 = vector.broadcast %add3A_162 : i32 to vector<16xi32>
          %add3A_164 = arith.addi %add3A_163, %iota3A : vector<16xi32>
          %sub3A_165 = arith.constant 9437184 : i32
          %sub3A_166 = vector.broadcast %sub3A_165 : i32 to vector<16xi32>
          %sub3A_167 = arith.subi %get3A_146, %sub3A_166 : vector<16xi32>
          %select_n3A = arith.select %and3A_158, %sub3A_167, %add3A_164 : vector<16xi1>, vector<16xi32>
          %swap3A = arith.index_cast %mul3A_143 : i32 to index
          %swap3A_168 = tpu.vector_load %arg11[%swap3A] {strides = array<i32>} : memref<8192xi32, #tpu.memory_space<vmem>>, vector<16xi32>,
          %swap3A_169 = vector.shape_cast %swap3A_168 : vector<16xi32> to vector<16xi32>
          %swap3A_170 = vector.shape_cast %select_n3A : vector<16xi32> to vector<16xi32>
          tpu.vector_store %arg11[%swap3A], %swap3A_170 {strides = array<i32>} : memref<8192xi32, #tpu.memory_space<vmem>>, vector<16xi32>,
        }
        %scan3A_140 = arith.constant 512 : i32
        "tpu.region"() ({
          %run_scoped3A = tpu.sem_alloc : memref<!tpu.dma_semaphore, #tpu.memory_space<semaphore_mem>>
          %dma_start3A = arith.constant 0 : i32
          %dma_start3A_141 = tpu.memref_slice %arg6[%dma_start3A] : memref<1048704xf32, #tpu.memory_space<vmem_shared>> -> memref<1048704xf32, #tpu.memory_space<vmem_shared>>
          tpu.enqueue_indirect_dma source(%arg10 : memref<8192xf32, #tpu.memory_space<vmem>>) target(%dma_start3A_141 : memref<1048704xf32, #tpu.memory_space<vmem_shared>>) offsets(%arg11 : memref<8192xi32, #tpu.memory_space<vmem>>) semaphore(%run_scoped3A : memref<!tpu.dma_semaphore, #tpu.memory_space<semaphore_mem>>) {add = true}
          %dma_wait3A = arith.constant 0 : i32
          %dma_wait3A_142 = tpu.memref_slice %arg6[%dma_wait3A] : memref<1048704xf32, #tpu.memory_space<vmem_shared>> -> memref<1048704xf32, #tpu.memory_space<vmem_shared>>
          tpu.wait_indirect_dma semaphore(%run_scoped3A : memref<!tpu.dma_semaphore, #tpu.memory_space<semaphore_mem>>) src(%arg10 : memref<8192xf32, #tpu.memory_space<vmem>>) dst(%dma_wait3A_142 : memref<1048704xf32, #tpu.memory_space<vmem_shared>>)
          tpu.yield
        }) : () -> ()
      }
      %barrier3A_122 = arith.constant 0 : index
      tpu.barrier barrier_id(%barrier3A_122)
      %mul3A_123 = arith.constant 65536 : i32
      %mul3A_124 = arith.muli %arg1, %mul3A_123 : i32
      %mul3A_125 = arith.constant 65536 : i32
      %mul3A_126 = arith.muli %arg1, %mul3A_125 : i32
      %add3A_127 = arith.constant 9437184 : i32
      %add3A_128 = arith.addi %add3A_127, %mul3A_126 : i32
      "tpu.region"() ({
        %run_scoped3A = tpu.sem_alloc : memref<!tpu.dma_semaphore, #tpu.memory_space<semaphore_mem>>
        %dma_start3A = tpu.memref_slice %arg5[%add3A_128] : memref<16777216xf32, #tpu.memory_space<hbm>> -> memref<65536xf32, #tpu.memory_space<hbm>>
        %dma_start3A_130 = tpu.memref_slice %arg6[%mul3A_124] : memref<1048704xf32, #tpu.memory_space<vmem_shared>> -> memref<65536xf32, #tpu.memory_space<vmem_shared>>
        tpu.enqueue_dma source(%dma_start3A_130 : memref<65536xf32, #tpu.memory_space<vmem_shared>>) target(%dma_start3A : memref<65536xf32, #tpu.memory_space<hbm>>) target_semaphore(%run_scoped3A : memref<!tpu.dma_semaphore, #tpu.memory_space<semaphore_mem>>)
        %dma_wait3A = tpu.memref_slice %arg5[%add3A_128] : memref<16777216xf32, #tpu.memory_space<hbm>> -> memref<65536xf32, #tpu.memory_space<hbm>>
        %dma_wait3A_131 = tpu.memref_slice %arg6[%mul3A_124] : memref<1048704xf32, #tpu.memory_space<vmem_shared>> -> memref<65536xf32, #tpu.memory_space<vmem_shared>>
        tpu.wait_dma2 semaphore(%run_scoped3A : memref<!tpu.dma_semaphore, #tpu.memory_space<semaphore_mem>>) src(%dma_wait3A_131 : memref<65536xf32, #tpu.memory_space<vmem_shared>>) dst(%dma_wait3A : memref<65536xf32, #tpu.memory_space<hbm>>)
        tpu.yield
      }) : () -> ()
      %barrier3A_129 = arith.constant 0 : index
      tpu.barrier barrier_id(%barrier3A_129)
    } else {
    }
    %eq3A_27 = arith.constant 0 : i32
    %eq3A_28 = arith.cmpi eq, %arg0, %eq3A_27 : i32
    %convert_element_type3A_29 = arith.extui %eq3A_28 : i1 to i32
    %cond3A_30 = arith.constant 0 : i32
    %cond3A_31 = arith.cmpi ne, %convert_element_type3A_29, %cond3A_30 : i32
    scf.if %cond3A_31 {
      %scan3A_87 = arith.constant 0 : i32
      %scan3A_88 = arith.constant 0 : i32
      %scan3A_89 = arith.constant 4 : i32
      %scan3A_90 = arith.addi %scan3A_88, %scan3A_89 : i32
      %scan3A_91 = arith.constant 1 : i32
      scf.for %scan3A_130 = %scan3A_88 to %scan3A_90 step %scan3A_91  : i32 {
        %mul3A_131 = arith.constant 65536 : i32
        %mul3A_132 = arith.muli %arg1, %mul3A_131 : i32
        %mul3A_133 = arith.constant 16384 : i32
        %mul3A_134 = arith.muli %scan3A_130, %mul3A_133 : i32
        %add3A_135 = arith.addi %mul3A_132, %mul3A_134 : i32
        %dma_start3A = tpu.memref_slice %arg6[%add3A_135] : memref<1048704xf32, #tpu.memory_space<vmem_shared>> -> memref<16384xf32, #tpu.memory_space<vmem_shared>>
        %dma_start3A_136 = tpu.memref_slice %arg6[%add3A_135] : memref<1048704xf32, #tpu.memory_space<vmem_shared>> -> memref<16384xf32, #tpu.memory_space<vmem_shared>>
        tpu.enqueue_dma source(%arg7 : memref<16384xf32, #tpu.memory_space<vmem>>) target(%dma_start3A_136 : memref<16384xf32, #tpu.memory_space<vmem_shared>>) target_semaphore(%arg12 : memref<!tpu.dma_semaphore, #tpu.memory_space<semaphore_mem>>)
      }
      %scan3A_92 = arith.constant 4 : i32
      %scan3A_93 = arith.constant 0 : i32
      %scan3A_94 = arith.constant 0 : i32
      %scan3A_95 = arith.constant 4 : i32
      %scan3A_96 = arith.addi %scan3A_94, %scan3A_95 : i32
      %scan3A_97 = arith.constant 1 : i32
      scf.for %scan3A_130 = %scan3A_94 to %scan3A_96 step %scan3A_97  : i32 {
        %mul3A_131 = arith.constant 65536 : i32
        %mul3A_132 = arith.muli %arg1, %mul3A_131 : i32
        %mul3A_133 = arith.constant 16384 : i32
        %mul3A_134 = arith.muli %scan3A_130, %mul3A_133 : i32
        %add3A_135 = arith.addi %mul3A_132, %mul3A_134 : i32
        %dma_wait3A = tpu.memref_slice %arg6[%add3A_135] : memref<1048704xf32, #tpu.memory_space<vmem_shared>> -> memref<16384xf32, #tpu.memory_space<vmem_shared>>
        %dma_wait3A_136 = tpu.memref_slice %arg6[%add3A_135] : memref<1048704xf32, #tpu.memory_space<vmem_shared>> -> memref<16384xf32, #tpu.memory_space<vmem_shared>>
        tpu.wait_dma2 semaphore(%arg12 : memref<!tpu.dma_semaphore, #tpu.memory_space<semaphore_mem>>) src(%arg7 : memref<16384xf32, #tpu.memory_space<vmem>>) dst(%dma_wait3A_136 : memref<16384xf32, #tpu.memory_space<vmem_shared>>)
      }
      %scan3A_98 = arith.constant 4 : i32
      %barrier3A = arith.constant 0 : index
      tpu.barrier barrier_id(%barrier3A)
      %slice3A = vector.extract_strided_slice %get3A_6 {offsets = [2], sizes = [1], strides = [1]} : vector<16xi32> to vector<1xi32>
      %squeeze3A = vector.extract %slice3A[0] : i32 from vector<1xi32>
      %slice3A_99 = vector.extract_strided_slice %get3A_9 {offsets = [2], sizes = [1], strides = [1]} : vector<16xi32> to vector<1xi32>
      %squeeze3A_100 = vector.extract %slice3A_99[0] : i32 from vector<1xi32>
      %sub3A = arith.subi %squeeze3A_100, %squeeze3A : i32
      %add3A = arith.constant 15 : i32
      %add3A_101 = arith.addi %sub3A, %add3A : i32
      %shift_right_arithmetic3A = arith.constant 4 : i32
      %shift_right_arithmetic3A_102 = arith.shrsi %add3A_101, %shift_right_arithmetic3A : i32
      %mul3A = arith.muli %arg1, %shift_right_arithmetic3A_102 : i32
      %add3A_103 = arith.addi %squeeze3A, %mul3A : i32
      %add3A_104 = arith.addi %add3A_103, %shift_right_arithmetic3A_102 : i32
      %min3A = arith.minsi %add3A_104, %squeeze3A_100 : i32
      %add3A_105 = arith.constant 8 : i32
      %add3A_106 = arith.addi %shift_right_arithmetic3A_102, %add3A_105 : i32
      %add3A_107 = arith.constant 8192 : i32
      %add3A_108 = arith.addi %add3A_106, %add3A_107 : i32
      %sub3A_109 = arith.constant 1 : i32
      %sub3A_110 = arith.subi %add3A_108, %sub3A_109 : i32
      %shift_right_arithmetic3A_111 = arith.constant 13 : i32
      %shift_right_arithmetic3A_112 = arith.shrsi %sub3A_110, %shift_right_arithmetic3A_111 : i32
      %while3A = arith.constant 0 : i32
      %while3A_113 = arith.constant 0 : i32
      %while3A_114 = arith.subi %shift_right_arithmetic3A_112, %while3A_113 : i32
      %while3A_115 = arith.addi %while3A_113, %while3A_114 : i32
      %while3A_116 = arith.constant 1 : i32
      %while3A_117 = arith.divsi %while3A_114, %while3A_116 : i32
      %while3A_118 = arith.muli %while3A_117, %while3A_116 : i32
      %while3A_119 = arith.addi %while3A_113, %while3A_118 : i32
      %while3A_120 = arith.constant 1 : i32
      scf.for %while3A_130 = %while3A_113 to %while3A_119 step %while3A_120  : i32 {
        %mul3A_131 = arith.constant 8192 : i32
        %mul3A_132 = arith.muli %while3A_130, %mul3A_131 : i32
        %add3A_133 = arith.addi %add3A_103, %mul3A_132 : i32
        %and3A = arith.constant -8 : i32
        %and3A_134 = arith.andi %add3A_133, %and3A : i32
        %multiple_of3A = tpu.assume_multiple %and3A_134, 8 : i32
        "tpu.region"() ({
          %run_scoped3A = tpu.sem_alloc : memref<!tpu.dma_semaphore, #tpu.memory_space<semaphore_mem>>
          %dma_start3A = tpu.memref_slice %arg2[%multiple_of3A] : memref<1065088xi32, #tpu.memory_space<hbm>> -> memref<8208xi32, #tpu.memory_space<hbm>>
          %dma_start3A_141 = tpu.memref_slice %arg2[%multiple_of3A] : memref<1065088xi32, #tpu.memory_space<hbm>> -> memref<8208xi32, #tpu.memory_space<hbm>>
          tpu.enqueue_dma source(%dma_start3A_141 : memref<8208xi32, #tpu.memory_space<hbm>>) target(%arg9 : memref<8208xi32, #tpu.memory_space<vmem>>) target_semaphore(%run_scoped3A : memref<!tpu.dma_semaphore, #tpu.memory_space<semaphore_mem>>)
          %dma_wait3A = tpu.memref_slice %arg2[%multiple_of3A] : memref<1065088xi32, #tpu.memory_space<hbm>> -> memref<8208xi32, #tpu.memory_space<hbm>>
          %dma_wait3A_142 = tpu.memref_slice %arg2[%multiple_of3A] : memref<1065088xi32, #tpu.memory_space<hbm>> -> memref<8208xi32, #tpu.memory_space<hbm>>
          tpu.wait_dma2 semaphore(%run_scoped3A : memref<!tpu.dma_semaphore, #tpu.memory_space<semaphore_mem>>) src(%dma_wait3A_142 : memref<8208xi32, #tpu.memory_space<hbm>>) dst(%arg9 : memref<8208xi32, #tpu.memory_space<vmem>>)
          tpu.yield
        }) : () -> ()
        "tpu.region"() ({
          %run_scoped3A = tpu.sem_alloc : memref<!tpu.dma_semaphore, #tpu.memory_space<semaphore_mem>>
          %dma_start3A = tpu.memref_slice %arg3[%multiple_of3A] : memref<1065088xf32, #tpu.memory_space<hbm>> -> memref<8192xf32, #tpu.memory_space<hbm>>
          %dma_start3A_141 = tpu.memref_slice %arg3[%multiple_of3A] : memref<1065088xf32, #tpu.memory_space<hbm>> -> memref<8192xf32, #tpu.memory_space<hbm>>
          tpu.enqueue_dma source(%dma_start3A_141 : memref<8192xf32, #tpu.memory_space<hbm>>) target(%arg10 : memref<8192xf32, #tpu.memory_space<vmem>>) target_semaphore(%run_scoped3A : memref<!tpu.dma_semaphore, #tpu.memory_space<semaphore_mem>>)
          %dma_wait3A = tpu.memref_slice %arg3[%multiple_of3A] : memref<1065088xf32, #tpu.memory_space<hbm>> -> memref<8192xf32, #tpu.memory_space<hbm>>
          %dma_wait3A_142 = tpu.memref_slice %arg3[%multiple_of3A] : memref<1065088xf32, #tpu.memory_space<hbm>> -> memref<8192xf32, #tpu.memory_space<hbm>>
          tpu.wait_dma2 semaphore(%run_scoped3A : memref<!tpu.dma_semaphore, #tpu.memory_space<semaphore_mem>>) src(%dma_wait3A_142 : memref<8192xf32, #tpu.memory_space<hbm>>) dst(%arg10 : memref<8192xf32, #tpu.memory_space<vmem>>)
          tpu.yield
        }) : () -> ()
        %scan3A_135 = arith.constant 0 : i32
        %scan3A_136 = arith.constant 0 : i32
        %scan3A_137 = arith.constant 512 : i32
        %scan3A_138 = arith.addi %scan3A_136, %scan3A_137 : i32
        %scan3A_139 = arith.constant 1 : i32
        scf.for %scan3A_141 = %scan3A_136 to %scan3A_138 step %scan3A_139  : i32 {
          %mul3A_142 = arith.constant 16 : i32
          %mul3A_143 = arith.muli %scan3A_141, %mul3A_142 : i32
          %get3A_144 = arith.index_cast %mul3A_143 : i32 to index
          %get3A_145 = tpu.vector_load %arg9[%get3A_144] {strides = array<i32>} : memref<8208xi32, #tpu.memory_space<vmem>>, vector<16xi32>,
          %get3A_146 = vector.shape_cast %get3A_145 : vector<16xi32> to vector<16xi32>
          %add3A_147 = arith.constant 1 : i32
          %add3A_148 = arith.addi %mul3A_143, %add3A_147 : i32
          %get3A_149 = arith.index_cast %add3A_148 : i32 to index
          %get3A_150 = tpu.vector_load %arg9[%get3A_149] {strides = array<i32>} : memref<8208xi32, #tpu.memory_space<vmem>>, vector<16xi32>,
          %get3A_151 = vector.shape_cast %get3A_150 : vector<16xi32> to vector<16xi32>
          %add3A_152 = arith.addi %multiple_of3A, %mul3A_143 : i32
          %add3A_153 = vector.broadcast %add3A_152 : i32 to vector<16xi32>
          %add3A_154 = arith.addi %add3A_153, %iota3A : vector<16xi32>
          %ne3A = arith.cmpi ne, %get3A_146, %get3A_151 : vector<16xi32>
          %ge3A = vector.broadcast %add3A_103 : i32 to vector<16xi32>
          %ge3A_155 = arith.cmpi sge, %add3A_154, %ge3A : vector<16xi32>
          %and3A_156 = arith.andi %ne3A, %ge3A_155 : vector<16xi1>
          %lt3A = vector.broadcast %min3A : i32 to vector<16xi32>
          %lt3A_157 = arith.cmpi slt, %add3A_154, %lt3A : vector<16xi32>
          %and3A_158 = arith.andi %and3A_156, %lt3A_157 : vector<16xi1>
          %and3A_159 = arith.constant 112 : i32
          %and3A_160 = arith.andi %mul3A_143, %and3A_159 : i32
          %add3A_161 = arith.constant 1048576 : i32
          %add3A_162 = arith.addi %add3A_161, %and3A_160 : i32
          %add3A_163 = vector.broadcast %add3A_162 : i32 to vector<16xi32>
          %add3A_164 = arith.addi %add3A_163, %iota3A : vector<16xi32>
          %sub3A_165 = arith.constant 2097152 : i32
          %sub3A_166 = vector.broadcast %sub3A_165 : i32 to vector<16xi32>
          %sub3A_167 = arith.subi %get3A_146, %sub3A_166 : vector<16xi32>
          %select_n3A = arith.select %and3A_158, %sub3A_167, %add3A_164 : vector<16xi1>, vector<16xi32>
          %swap3A = arith.index_cast %mul3A_143 : i32 to index
          %swap3A_168 = tpu.vector_load %arg11[%swap3A] {strides = array<i32>} : memref<8192xi32, #tpu.memory_space<vmem>>, vector<16xi32>,
          %swap3A_169 = vector.shape_cast %swap3A_168 : vector<16xi32> to vector<16xi32>
          %swap3A_170 = vector.shape_cast %select_n3A : vector<16xi32> to vector<16xi32>
          tpu.vector_store %arg11[%swap3A], %swap3A_170 {strides = array<i32>} : memref<8192xi32, #tpu.memory_space<vmem>>, vector<16xi32>,
        }
        %scan3A_140 = arith.constant 512 : i32
        "tpu.region"() ({
          %run_scoped3A = tpu.sem_alloc : memref<!tpu.dma_semaphore, #tpu.memory_space<semaphore_mem>>
          %dma_start3A = arith.constant 0 : i32
          %dma_start3A_141 = tpu.memref_slice %arg6[%dma_start3A] : memref<1048704xf32, #tpu.memory_space<vmem_shared>> -> memref<1048704xf32, #tpu.memory_space<vmem_shared>>
          tpu.enqueue_indirect_dma source(%arg10 : memref<8192xf32, #tpu.memory_space<vmem>>) target(%dma_start3A_141 : memref<1048704xf32, #tpu.memory_space<vmem_shared>>) offsets(%arg11 : memref<8192xi32, #tpu.memory_space<vmem>>) semaphore(%run_scoped3A : memref<!tpu.dma_semaphore, #tpu.memory_space<semaphore_mem>>) {add = true}
          %dma_wait3A = arith.constant 0 : i32
          %dma_wait3A_142 = tpu.memref_slice %arg6[%dma_wait3A] : memref<1048704xf32, #tpu.memory_space<vmem_shared>> -> memref<1048704xf32, #tpu.memory_space<vmem_shared>>
          tpu.wait_indirect_dma semaphore(%run_scoped3A : memref<!tpu.dma_semaphore, #tpu.memory_space<semaphore_mem>>) src(%arg10 : memref<8192xf32, #tpu.memory_space<vmem>>) dst(%dma_wait3A_142 : memref<1048704xf32, #tpu.memory_space<vmem_shared>>)
          tpu.yield
        }) : () -> ()
      }
      %while3A_121 = arith.constant 1 : i32
      scf.for %while3A_130 = %while3A_119 to %while3A_115 step %while3A_121  : i32 {
        %mul3A_131 = arith.constant 8192 : i32
        %mul3A_132 = arith.muli %while3A_130, %mul3A_131 : i32
        %add3A_133 = arith.addi %add3A_103, %mul3A_132 : i32
        %and3A = arith.constant -8 : i32
        %and3A_134 = arith.andi %add3A_133, %and3A : i32
        %multiple_of3A = tpu.assume_multiple %and3A_134, 8 : i32
        "tpu.region"() ({
          %run_scoped3A = tpu.sem_alloc : memref<!tpu.dma_semaphore, #tpu.memory_space<semaphore_mem>>
          %dma_start3A = tpu.memref_slice %arg2[%multiple_of3A] : memref<1065088xi32, #tpu.memory_space<hbm>> -> memref<8208xi32, #tpu.memory_space<hbm>>
          %dma_start3A_141 = tpu.memref_slice %arg2[%multiple_of3A] : memref<1065088xi32, #tpu.memory_space<hbm>> -> memref<8208xi32, #tpu.memory_space<hbm>>
          tpu.enqueue_dma source(%dma_start3A_141 : memref<8208xi32, #tpu.memory_space<hbm>>) target(%arg9 : memref<8208xi32, #tpu.memory_space<vmem>>) target_semaphore(%run_scoped3A : memref<!tpu.dma_semaphore, #tpu.memory_space<semaphore_mem>>)
          %dma_wait3A = tpu.memref_slice %arg2[%multiple_of3A] : memref<1065088xi32, #tpu.memory_space<hbm>> -> memref<8208xi32, #tpu.memory_space<hbm>>
          %dma_wait3A_142 = tpu.memref_slice %arg2[%multiple_of3A] : memref<1065088xi32, #tpu.memory_space<hbm>> -> memref<8208xi32, #tpu.memory_space<hbm>>
          tpu.wait_dma2 semaphore(%run_scoped3A : memref<!tpu.dma_semaphore, #tpu.memory_space<semaphore_mem>>) src(%dma_wait3A_142 : memref<8208xi32, #tpu.memory_space<hbm>>) dst(%arg9 : memref<8208xi32, #tpu.memory_space<vmem>>)
          tpu.yield
        }) : () -> ()
        "tpu.region"() ({
          %run_scoped3A = tpu.sem_alloc : memref<!tpu.dma_semaphore, #tpu.memory_space<semaphore_mem>>
          %dma_start3A = tpu.memref_slice %arg3[%multiple_of3A] : memref<1065088xf32, #tpu.memory_space<hbm>> -> memref<8192xf32, #tpu.memory_space<hbm>>
          %dma_start3A_141 = tpu.memref_slice %arg3[%multiple_of3A] : memref<1065088xf32, #tpu.memory_space<hbm>> -> memref<8192xf32, #tpu.memory_space<hbm>>
          tpu.enqueue_dma source(%dma_start3A_141 : memref<8192xf32, #tpu.memory_space<hbm>>) target(%arg10 : memref<8192xf32, #tpu.memory_space<vmem>>) target_semaphore(%run_scoped3A : memref<!tpu.dma_semaphore, #tpu.memory_space<semaphore_mem>>)
          %dma_wait3A = tpu.memref_slice %arg3[%multiple_of3A] : memref<1065088xf32, #tpu.memory_space<hbm>> -> memref<8192xf32, #tpu.memory_space<hbm>>
          %dma_wait3A_142 = tpu.memref_slice %arg3[%multiple_of3A] : memref<1065088xf32, #tpu.memory_space<hbm>> -> memref<8192xf32, #tpu.memory_space<hbm>>
          tpu.wait_dma2 semaphore(%run_scoped3A : memref<!tpu.dma_semaphore, #tpu.memory_space<semaphore_mem>>) src(%dma_wait3A_142 : memref<8192xf32, #tpu.memory_space<hbm>>) dst(%arg10 : memref<8192xf32, #tpu.memory_space<vmem>>)
          tpu.yield
        }) : () -> ()
        %scan3A_135 = arith.constant 0 : i32
        %scan3A_136 = arith.constant 0 : i32
        %scan3A_137 = arith.constant 512 : i32
        %scan3A_138 = arith.addi %scan3A_136, %scan3A_137 : i32
        %scan3A_139 = arith.constant 1 : i32
        scf.for %scan3A_141 = %scan3A_136 to %scan3A_138 step %scan3A_139  : i32 {
          %mul3A_142 = arith.constant 16 : i32
          %mul3A_143 = arith.muli %scan3A_141, %mul3A_142 : i32
          %get3A_144 = arith.index_cast %mul3A_143 : i32 to index
          %get3A_145 = tpu.vector_load %arg9[%get3A_144] {strides = array<i32>} : memref<8208xi32, #tpu.memory_space<vmem>>, vector<16xi32>,
          %get3A_146 = vector.shape_cast %get3A_145 : vector<16xi32> to vector<16xi32>
          %add3A_147 = arith.constant 1 : i32
          %add3A_148 = arith.addi %mul3A_143, %add3A_147 : i32
          %get3A_149 = arith.index_cast %add3A_148 : i32 to index
          %get3A_150 = tpu.vector_load %arg9[%get3A_149] {strides = array<i32>} : memref<8208xi32, #tpu.memory_space<vmem>>, vector<16xi32>,
          %get3A_151 = vector.shape_cast %get3A_150 : vector<16xi32> to vector<16xi32>
          %add3A_152 = arith.addi %multiple_of3A, %mul3A_143 : i32
          %add3A_153 = vector.broadcast %add3A_152 : i32 to vector<16xi32>
          %add3A_154 = arith.addi %add3A_153, %iota3A : vector<16xi32>
          %ne3A = arith.cmpi ne, %get3A_146, %get3A_151 : vector<16xi32>
          %ge3A = vector.broadcast %add3A_103 : i32 to vector<16xi32>
          %ge3A_155 = arith.cmpi sge, %add3A_154, %ge3A : vector<16xi32>
          %and3A_156 = arith.andi %ne3A, %ge3A_155 : vector<16xi1>
          %lt3A = vector.broadcast %min3A : i32 to vector<16xi32>
          %lt3A_157 = arith.cmpi slt, %add3A_154, %lt3A : vector<16xi32>
          %and3A_158 = arith.andi %and3A_156, %lt3A_157 : vector<16xi1>
          %and3A_159 = arith.constant 112 : i32
          %and3A_160 = arith.andi %mul3A_143, %and3A_159 : i32
          %add3A_161 = arith.constant 1048576 : i32
          %add3A_162 = arith.addi %add3A_161, %and3A_160 : i32
          %add3A_163 = vector.broadcast %add3A_162 : i32 to vector<16xi32>
          %add3A_164 = arith.addi %add3A_163, %iota3A : vector<16xi32>
          %sub3A_165 = arith.constant 2097152 : i32
          %sub3A_166 = vector.broadcast %sub3A_165 : i32 to vector<16xi32>
          %sub3A_167 = arith.subi %get3A_146, %sub3A_166 : vector<16xi32>
          %select_n3A = arith.select %and3A_158, %sub3A_167, %add3A_164 : vector<16xi1>, vector<16xi32>
          %swap3A = arith.index_cast %mul3A_143 : i32 to index
          %swap3A_168 = tpu.vector_load %arg11[%swap3A] {strides = array<i32>} : memref<8192xi32, #tpu.memory_space<vmem>>, vector<16xi32>,
          %swap3A_169 = vector.shape_cast %swap3A_168 : vector<16xi32> to vector<16xi32>
          %swap3A_170 = vector.shape_cast %select_n3A : vector<16xi32> to vector<16xi32>
          tpu.vector_store %arg11[%swap3A], %swap3A_170 {strides = array<i32>} : memref<8192xi32, #tpu.memory_space<vmem>>, vector<16xi32>,
        }
        %scan3A_140 = arith.constant 512 : i32
        "tpu.region"() ({
          %run_scoped3A = tpu.sem_alloc : memref<!tpu.dma_semaphore, #tpu.memory_space<semaphore_mem>>
          %dma_start3A = arith.constant 0 : i32
          %dma_start3A_141 = tpu.memref_slice %arg6[%dma_start3A] : memref<1048704xf32, #tpu.memory_space<vmem_shared>> -> memref<1048704xf32, #tpu.memory_space<vmem_shared>>
          tpu.enqueue_indirect_dma source(%arg10 : memref<8192xf32, #tpu.memory_space<vmem>>) target(%dma_start3A_141 : memref<1048704xf32, #tpu.memory_space<vmem_shared>>) offsets(%arg11 : memref<8192xi32, #tpu.memory_space<vmem>>) semaphore(%run_scoped3A : memref<!tpu.dma_semaphore, #tpu.memory_space<semaphore_mem>>) {add = true}
          %dma_wait3A = arith.constant 0 : i32
          %dma_wait3A_142 = tpu.memref_slice %arg6[%dma_wait3A] : memref<1048704xf32, #tpu.memory_space<vmem_shared>> -> memref<1048704xf32, #tpu.memory_space<vmem_shared>>
          tpu.wait_indirect_dma semaphore(%run_scoped3A : memref<!tpu.dma_semaphore, #tpu.memory_space<semaphore_mem>>) src(%arg10 : memref<8192xf32, #tpu.memory_space<vmem>>) dst(%dma_wait3A_142 : memref<1048704xf32, #tpu.memory_space<vmem_shared>>)
          tpu.yield
        }) : () -> ()
      }
      %barrier3A_122 = arith.constant 0 : index
      tpu.barrier barrier_id(%barrier3A_122)
      %mul3A_123 = arith.constant 65536 : i32
      %mul3A_124 = arith.muli %arg1, %mul3A_123 : i32
      %mul3A_125 = arith.constant 65536 : i32
      %mul3A_126 = arith.muli %arg1, %mul3A_125 : i32
      %add3A_127 = arith.constant 2097152 : i32
      %add3A_128 = arith.addi %add3A_127, %mul3A_126 : i32
      "tpu.region"() ({
        %run_scoped3A = tpu.sem_alloc : memref<!tpu.dma_semaphore, #tpu.memory_space<semaphore_mem>>
        %dma_start3A = tpu.memref_slice %arg5[%add3A_128] : memref<16777216xf32, #tpu.memory_space<hbm>> -> memref<65536xf32, #tpu.memory_space<hbm>>
        %dma_start3A_130 = tpu.memref_slice %arg6[%mul3A_124] : memref<1048704xf32, #tpu.memory_space<vmem_shared>> -> memref<65536xf32, #tpu.memory_space<vmem_shared>>
        tpu.enqueue_dma source(%dma_start3A_130 : memref<65536xf32, #tpu.memory_space<vmem_shared>>) target(%dma_start3A : memref<65536xf32, #tpu.memory_space<hbm>>) target_semaphore(%run_scoped3A : memref<!tpu.dma_semaphore, #tpu.memory_space<semaphore_mem>>)
        %dma_wait3A = tpu.memref_slice %arg5[%add3A_128] : memref<16777216xf32, #tpu.memory_space<hbm>> -> memref<65536xf32, #tpu.memory_space<hbm>>
        %dma_wait3A_131 = tpu.memref_slice %arg6[%mul3A_124] : memref<1048704xf32, #tpu.memory_space<vmem_shared>> -> memref<65536xf32, #tpu.memory_space<vmem_shared>>
        tpu.wait_dma2 semaphore(%run_scoped3A : memref<!tpu.dma_semaphore, #tpu.memory_space<semaphore_mem>>) src(%dma_wait3A_131 : memref<65536xf32, #tpu.memory_space<vmem_shared>>) dst(%dma_wait3A : memref<65536xf32, #tpu.memory_space<hbm>>)
        tpu.yield
      }) : () -> ()
      %barrier3A_129 = arith.constant 0 : index
      tpu.barrier barrier_id(%barrier3A_129)
    } else {
    }
    %eq3A_32 = arith.constant 1 : i32
    %eq3A_33 = arith.cmpi eq, %arg0, %eq3A_32 : i32
    %convert_element_type3A_34 = arith.extui %eq3A_33 : i1 to i32
    %cond3A_35 = arith.constant 0 : i32
    %cond3A_36 = arith.cmpi ne, %convert_element_type3A_34, %cond3A_35 : i32
    scf.if %cond3A_36 {
      %scan3A_87 = arith.constant 0 : i32
      %scan3A_88 = arith.constant 0 : i32
      %scan3A_89 = arith.constant 4 : i32
      %scan3A_90 = arith.addi %scan3A_88, %scan3A_89 : i32
      %scan3A_91 = arith.constant 1 : i32
      scf.for %scan3A_130 = %scan3A_88 to %scan3A_90 step %scan3A_91  : i32 {
        %mul3A_131 = arith.constant 65536 : i32
        %mul3A_132 = arith.muli %arg1, %mul3A_131 : i32
        %mul3A_133 = arith.constant 16384 : i32
        %mul3A_134 = arith.muli %scan3A_130, %mul3A_133 : i32
        %add3A_135 = arith.addi %mul3A_132, %mul3A_134 : i32
        %dma_start3A = tpu.memref_slice %arg6[%add3A_135] : memref<1048704xf32, #tpu.memory_space<vmem_shared>> -> memref<16384xf32, #tpu.memory_space<vmem_shared>>
        %dma_start3A_136 = tpu.memref_slice %arg6[%add3A_135] : memref<1048704xf32, #tpu.memory_space<vmem_shared>> -> memref<16384xf32, #tpu.memory_space<vmem_shared>>
        tpu.enqueue_dma source(%arg7 : memref<16384xf32, #tpu.memory_space<vmem>>) target(%dma_start3A_136 : memref<16384xf32, #tpu.memory_space<vmem_shared>>) target_semaphore(%arg12 : memref<!tpu.dma_semaphore, #tpu.memory_space<semaphore_mem>>)
      }
      %scan3A_92 = arith.constant 4 : i32
      %scan3A_93 = arith.constant 0 : i32
      %scan3A_94 = arith.constant 0 : i32
      %scan3A_95 = arith.constant 4 : i32
      %scan3A_96 = arith.addi %scan3A_94, %scan3A_95 : i32
      %scan3A_97 = arith.constant 1 : i32
      scf.for %scan3A_130 = %scan3A_94 to %scan3A_96 step %scan3A_97  : i32 {
        %mul3A_131 = arith.constant 65536 : i32
        %mul3A_132 = arith.muli %arg1, %mul3A_131 : i32
        %mul3A_133 = arith.constant 16384 : i32
        %mul3A_134 = arith.muli %scan3A_130, %mul3A_133 : i32
        %add3A_135 = arith.addi %mul3A_132, %mul3A_134 : i32
        %dma_wait3A = tpu.memref_slice %arg6[%add3A_135] : memref<1048704xf32, #tpu.memory_space<vmem_shared>> -> memref<16384xf32, #tpu.memory_space<vmem_shared>>
        %dma_wait3A_136 = tpu.memref_slice %arg6[%add3A_135] : memref<1048704xf32, #tpu.memory_space<vmem_shared>> -> memref<16384xf32, #tpu.memory_space<vmem_shared>>
        tpu.wait_dma2 semaphore(%arg12 : memref<!tpu.dma_semaphore, #tpu.memory_space<semaphore_mem>>) src(%arg7 : memref<16384xf32, #tpu.memory_space<vmem>>) dst(%dma_wait3A_136 : memref<16384xf32, #tpu.memory_space<vmem_shared>>)
      }
      %scan3A_98 = arith.constant 4 : i32
      %barrier3A = arith.constant 0 : index
      tpu.barrier barrier_id(%barrier3A)
      %slice3A = vector.extract_strided_slice %get3A_6 {offsets = [10], sizes = [1], strides = [1]} : vector<16xi32> to vector<1xi32>
      %squeeze3A = vector.extract %slice3A[0] : i32 from vector<1xi32>
      %slice3A_99 = vector.extract_strided_slice %get3A_9 {offsets = [10], sizes = [1], strides = [1]} : vector<16xi32> to vector<1xi32>
      %squeeze3A_100 = vector.extract %slice3A_99[0] : i32 from vector<1xi32>
      %sub3A = arith.subi %squeeze3A_100, %squeeze3A : i32
      %add3A = arith.constant 15 : i32
      %add3A_101 = arith.addi %sub3A, %add3A : i32
      %shift_right_arithmetic3A = arith.constant 4 : i32
      %shift_right_arithmetic3A_102 = arith.shrsi %add3A_101, %shift_right_arithmetic3A : i32
      %mul3A = arith.muli %arg1, %shift_right_arithmetic3A_102 : i32
      %add3A_103 = arith.addi %squeeze3A, %mul3A : i32
      %add3A_104 = arith.addi %add3A_103, %shift_right_arithmetic3A_102 : i32
      %min3A = arith.minsi %add3A_104, %squeeze3A_100 : i32
      %add3A_105 = arith.constant 8 : i32
      %add3A_106 = arith.addi %shift_right_arithmetic3A_102, %add3A_105 : i32
      %add3A_107 = arith.constant 8192 : i32
      %add3A_108 = arith.addi %add3A_106, %add3A_107 : i32
      %sub3A_109 = arith.constant 1 : i32
      %sub3A_110 = arith.subi %add3A_108, %sub3A_109 : i32
      %shift_right_arithmetic3A_111 = arith.constant 13 : i32
      %shift_right_arithmetic3A_112 = arith.shrsi %sub3A_110, %shift_right_arithmetic3A_111 : i32
      %while3A = arith.constant 0 : i32
      %while3A_113 = arith.constant 0 : i32
      %while3A_114 = arith.subi %shift_right_arithmetic3A_112, %while3A_113 : i32
      %while3A_115 = arith.addi %while3A_113, %while3A_114 : i32
      %while3A_116 = arith.constant 1 : i32
      %while3A_117 = arith.divsi %while3A_114, %while3A_116 : i32
      %while3A_118 = arith.muli %while3A_117, %while3A_116 : i32
      %while3A_119 = arith.addi %while3A_113, %while3A_118 : i32
      %while3A_120 = arith.constant 1 : i32
      scf.for %while3A_130 = %while3A_113 to %while3A_119 step %while3A_120  : i32 {
        %mul3A_131 = arith.constant 8192 : i32
        %mul3A_132 = arith.muli %while3A_130, %mul3A_131 : i32
        %add3A_133 = arith.addi %add3A_103, %mul3A_132 : i32
        %and3A = arith.constant -8 : i32
        %and3A_134 = arith.andi %add3A_133, %and3A : i32
        %multiple_of3A = tpu.assume_multiple %and3A_134, 8 : i32
        "tpu.region"() ({
          %run_scoped3A = tpu.sem_alloc : memref<!tpu.dma_semaphore, #tpu.memory_space<semaphore_mem>>
          %dma_start3A = tpu.memref_slice %arg2[%multiple_of3A] : memref<1065088xi32, #tpu.memory_space<hbm>> -> memref<8208xi32, #tpu.memory_space<hbm>>
          %dma_start3A_141 = tpu.memref_slice %arg2[%multiple_of3A] : memref<1065088xi32, #tpu.memory_space<hbm>> -> memref<8208xi32, #tpu.memory_space<hbm>>
          tpu.enqueue_dma source(%dma_start3A_141 : memref<8208xi32, #tpu.memory_space<hbm>>) target(%arg9 : memref<8208xi32, #tpu.memory_space<vmem>>) target_semaphore(%run_scoped3A : memref<!tpu.dma_semaphore, #tpu.memory_space<semaphore_mem>>)
          %dma_wait3A = tpu.memref_slice %arg2[%multiple_of3A] : memref<1065088xi32, #tpu.memory_space<hbm>> -> memref<8208xi32, #tpu.memory_space<hbm>>
          %dma_wait3A_142 = tpu.memref_slice %arg2[%multiple_of3A] : memref<1065088xi32, #tpu.memory_space<hbm>> -> memref<8208xi32, #tpu.memory_space<hbm>>
          tpu.wait_dma2 semaphore(%run_scoped3A : memref<!tpu.dma_semaphore, #tpu.memory_space<semaphore_mem>>) src(%dma_wait3A_142 : memref<8208xi32, #tpu.memory_space<hbm>>) dst(%arg9 : memref<8208xi32, #tpu.memory_space<vmem>>)
          tpu.yield
        }) : () -> ()
        "tpu.region"() ({
          %run_scoped3A = tpu.sem_alloc : memref<!tpu.dma_semaphore, #tpu.memory_space<semaphore_mem>>
          %dma_start3A = tpu.memref_slice %arg3[%multiple_of3A] : memref<1065088xf32, #tpu.memory_space<hbm>> -> memref<8192xf32, #tpu.memory_space<hbm>>
          %dma_start3A_141 = tpu.memref_slice %arg3[%multiple_of3A] : memref<1065088xf32, #tpu.memory_space<hbm>> -> memref<8192xf32, #tpu.memory_space<hbm>>
          tpu.enqueue_dma source(%dma_start3A_141 : memref<8192xf32, #tpu.memory_space<hbm>>) target(%arg10 : memref<8192xf32, #tpu.memory_space<vmem>>) target_semaphore(%run_scoped3A : memref<!tpu.dma_semaphore, #tpu.memory_space<semaphore_mem>>)
          %dma_wait3A = tpu.memref_slice %arg3[%multiple_of3A] : memref<1065088xf32, #tpu.memory_space<hbm>> -> memref<8192xf32, #tpu.memory_space<hbm>>
          %dma_wait3A_142 = tpu.memref_slice %arg3[%multiple_of3A] : memref<1065088xf32, #tpu.memory_space<hbm>> -> memref<8192xf32, #tpu.memory_space<hbm>>
          tpu.wait_dma2 semaphore(%run_scoped3A : memref<!tpu.dma_semaphore, #tpu.memory_space<semaphore_mem>>) src(%dma_wait3A_142 : memref<8192xf32, #tpu.memory_space<hbm>>) dst(%arg10 : memref<8192xf32, #tpu.memory_space<vmem>>)
          tpu.yield
        }) : () -> ()
        %scan3A_135 = arith.constant 0 : i32
        %scan3A_136 = arith.constant 0 : i32
        %scan3A_137 = arith.constant 512 : i32
        %scan3A_138 = arith.addi %scan3A_136, %scan3A_137 : i32
        %scan3A_139 = arith.constant 1 : i32
        scf.for %scan3A_141 = %scan3A_136 to %scan3A_138 step %scan3A_139  : i32 {
          %mul3A_142 = arith.constant 16 : i32
          %mul3A_143 = arith.muli %scan3A_141, %mul3A_142 : i32
          %get3A_144 = arith.index_cast %mul3A_143 : i32 to index
          %get3A_145 = tpu.vector_load %arg9[%get3A_144] {strides = array<i32>} : memref<8208xi32, #tpu.memory_space<vmem>>, vector<16xi32>,
          %get3A_146 = vector.shape_cast %get3A_145 : vector<16xi32> to vector<16xi32>
          %add3A_147 = arith.constant 1 : i32
          %add3A_148 = arith.addi %mul3A_143, %add3A_147 : i32
          %get3A_149 = arith.index_cast %add3A_148 : i32 to index
          %get3A_150 = tpu.vector_load %arg9[%get3A_149] {strides = array<i32>} : memref<8208xi32, #tpu.memory_space<vmem>>, vector<16xi32>,
          %get3A_151 = vector.shape_cast %get3A_150 : vector<16xi32> to vector<16xi32>
          %add3A_152 = arith.addi %multiple_of3A, %mul3A_143 : i32
          %add3A_153 = vector.broadcast %add3A_152 : i32 to vector<16xi32>
          %add3A_154 = arith.addi %add3A_153, %iota3A : vector<16xi32>
          %ne3A = arith.cmpi ne, %get3A_146, %get3A_151 : vector<16xi32>
          %ge3A = vector.broadcast %add3A_103 : i32 to vector<16xi32>
          %ge3A_155 = arith.cmpi sge, %add3A_154, %ge3A : vector<16xi32>
          %and3A_156 = arith.andi %ne3A, %ge3A_155 : vector<16xi1>
          %lt3A = vector.broadcast %min3A : i32 to vector<16xi32>
          %lt3A_157 = arith.cmpi slt, %add3A_154, %lt3A : vector<16xi32>
          %and3A_158 = arith.andi %and3A_156, %lt3A_157 : vector<16xi1>
          %and3A_159 = arith.constant 112 : i32
          %and3A_160 = arith.andi %mul3A_143, %and3A_159 : i32
          %add3A_161 = arith.constant 1048576 : i32
          %add3A_162 = arith.addi %add3A_161, %and3A_160 : i32
          %add3A_163 = vector.broadcast %add3A_162 : i32 to vector<16xi32>
          %add3A_164 = arith.addi %add3A_163, %iota3A : vector<16xi32>
          %sub3A_165 = arith.constant 10485760 : i32
          %sub3A_166 = vector.broadcast %sub3A_165 : i32 to vector<16xi32>
          %sub3A_167 = arith.subi %get3A_146, %sub3A_166 : vector<16xi32>
          %select_n3A = arith.select %and3A_158, %sub3A_167, %add3A_164 : vector<16xi1>, vector<16xi32>
          %swap3A = arith.index_cast %mul3A_143 : i32 to index
          %swap3A_168 = tpu.vector_load %arg11[%swap3A] {strides = array<i32>} : memref<8192xi32, #tpu.memory_space<vmem>>, vector<16xi32>,
          %swap3A_169 = vector.shape_cast %swap3A_168 : vector<16xi32> to vector<16xi32>
          %swap3A_170 = vector.shape_cast %select_n3A : vector<16xi32> to vector<16xi32>
          tpu.vector_store %arg11[%swap3A], %swap3A_170 {strides = array<i32>} : memref<8192xi32, #tpu.memory_space<vmem>>, vector<16xi32>,
        }
        %scan3A_140 = arith.constant 512 : i32
        "tpu.region"() ({
          %run_scoped3A = tpu.sem_alloc : memref<!tpu.dma_semaphore, #tpu.memory_space<semaphore_mem>>
          %dma_start3A = arith.constant 0 : i32
          %dma_start3A_141 = tpu.memref_slice %arg6[%dma_start3A] : memref<1048704xf32, #tpu.memory_space<vmem_shared>> -> memref<1048704xf32, #tpu.memory_space<vmem_shared>>
          tpu.enqueue_indirect_dma source(%arg10 : memref<8192xf32, #tpu.memory_space<vmem>>) target(%dma_start3A_141 : memref<1048704xf32, #tpu.memory_space<vmem_shared>>) offsets(%arg11 : memref<8192xi32, #tpu.memory_space<vmem>>) semaphore(%run_scoped3A : memref<!tpu.dma_semaphore, #tpu.memory_space<semaphore_mem>>) {add = true}
          %dma_wait3A = arith.constant 0 : i32
          %dma_wait3A_142 = tpu.memref_slice %arg6[%dma_wait3A] : memref<1048704xf32, #tpu.memory_space<vmem_shared>> -> memref<1048704xf32, #tpu.memory_space<vmem_shared>>
          tpu.wait_indirect_dma semaphore(%run_scoped3A : memref<!tpu.dma_semaphore, #tpu.memory_space<semaphore_mem>>) src(%arg10 : memref<8192xf32, #tpu.memory_space<vmem>>) dst(%dma_wait3A_142 : memref<1048704xf32, #tpu.memory_space<vmem_shared>>)
          tpu.yield
        }) : () -> ()
      }
      %while3A_121 = arith.constant 1 : i32
      scf.for %while3A_130 = %while3A_119 to %while3A_115 step %while3A_121  : i32 {
        %mul3A_131 = arith.constant 8192 : i32
        %mul3A_132 = arith.muli %while3A_130, %mul3A_131 : i32
        %add3A_133 = arith.addi %add3A_103, %mul3A_132 : i32
        %and3A = arith.constant -8 : i32
        %and3A_134 = arith.andi %add3A_133, %and3A : i32
        %multiple_of3A = tpu.assume_multiple %and3A_134, 8 : i32
        "tpu.region"() ({
          %run_scoped3A = tpu.sem_alloc : memref<!tpu.dma_semaphore, #tpu.memory_space<semaphore_mem>>
          %dma_start3A = tpu.memref_slice %arg2[%multiple_of3A] : memref<1065088xi32, #tpu.memory_space<hbm>> -> memref<8208xi32, #tpu.memory_space<hbm>>
          %dma_start3A_141 = tpu.memref_slice %arg2[%multiple_of3A] : memref<1065088xi32, #tpu.memory_space<hbm>> -> memref<8208xi32, #tpu.memory_space<hbm>>
          tpu.enqueue_dma source(%dma_start3A_141 : memref<8208xi32, #tpu.memory_space<hbm>>) target(%arg9 : memref<8208xi32, #tpu.memory_space<vmem>>) target_semaphore(%run_scoped3A : memref<!tpu.dma_semaphore, #tpu.memory_space<semaphore_mem>>)
          %dma_wait3A = tpu.memref_slice %arg2[%multiple_of3A] : memref<1065088xi32, #tpu.memory_space<hbm>> -> memref<8208xi32, #tpu.memory_space<hbm>>
          %dma_wait3A_142 = tpu.memref_slice %arg2[%multiple_of3A] : memref<1065088xi32, #tpu.memory_space<hbm>> -> memref<8208xi32, #tpu.memory_space<hbm>>
          tpu.wait_dma2 semaphore(%run_scoped3A : memref<!tpu.dma_semaphore, #tpu.memory_space<semaphore_mem>>) src(%dma_wait3A_142 : memref<8208xi32, #tpu.memory_space<hbm>>) dst(%arg9 : memref<8208xi32, #tpu.memory_space<vmem>>)
          tpu.yield
        }) : () -> ()
        "tpu.region"() ({
          %run_scoped3A = tpu.sem_alloc : memref<!tpu.dma_semaphore, #tpu.memory_space<semaphore_mem>>
          %dma_start3A = tpu.memref_slice %arg3[%multiple_of3A] : memref<1065088xf32, #tpu.memory_space<hbm>> -> memref<8192xf32, #tpu.memory_space<hbm>>
          %dma_start3A_141 = tpu.memref_slice %arg3[%multiple_of3A] : memref<1065088xf32, #tpu.memory_space<hbm>> -> memref<8192xf32, #tpu.memory_space<hbm>>
          tpu.enqueue_dma source(%dma_start3A_141 : memref<8192xf32, #tpu.memory_space<hbm>>) target(%arg10 : memref<8192xf32, #tpu.memory_space<vmem>>) target_semaphore(%run_scoped3A : memref<!tpu.dma_semaphore, #tpu.memory_space<semaphore_mem>>)
          %dma_wait3A = tpu.memref_slice %arg3[%multiple_of3A] : memref<1065088xf32, #tpu.memory_space<hbm>> -> memref<8192xf32, #tpu.memory_space<hbm>>
          %dma_wait3A_142 = tpu.memref_slice %arg3[%multiple_of3A] : memref<1065088xf32, #tpu.memory_space<hbm>> -> memref<8192xf32, #tpu.memory_space<hbm>>
          tpu.wait_dma2 semaphore(%run_scoped3A : memref<!tpu.dma_semaphore, #tpu.memory_space<semaphore_mem>>) src(%dma_wait3A_142 : memref<8192xf32, #tpu.memory_space<hbm>>) dst(%arg10 : memref<8192xf32, #tpu.memory_space<vmem>>)
          tpu.yield
        }) : () -> ()
        %scan3A_135 = arith.constant 0 : i32
        %scan3A_136 = arith.constant 0 : i32
        %scan3A_137 = arith.constant 512 : i32
        %scan3A_138 = arith.addi %scan3A_136, %scan3A_137 : i32
        %scan3A_139 = arith.constant 1 : i32
        scf.for %scan3A_141 = %scan3A_136 to %scan3A_138 step %scan3A_139  : i32 {
          %mul3A_142 = arith.constant 16 : i32
          %mul3A_143 = arith.muli %scan3A_141, %mul3A_142 : i32
          %get3A_144 = arith.index_cast %mul3A_143 : i32 to index
          %get3A_145 = tpu.vector_load %arg9[%get3A_144] {strides = array<i32>} : memref<8208xi32, #tpu.memory_space<vmem>>, vector<16xi32>,
          %get3A_146 = vector.shape_cast %get3A_145 : vector<16xi32> to vector<16xi32>
          %add3A_147 = arith.constant 1 : i32
          %add3A_148 = arith.addi %mul3A_143, %add3A_147 : i32
          %get3A_149 = arith.index_cast %add3A_148 : i32 to index
          %get3A_150 = tpu.vector_load %arg9[%get3A_149] {strides = array<i32>} : memref<8208xi32, #tpu.memory_space<vmem>>, vector<16xi32>,
          %get3A_151 = vector.shape_cast %get3A_150 : vector<16xi32> to vector<16xi32>
          %add3A_152 = arith.addi %multiple_of3A, %mul3A_143 : i32
          %add3A_153 = vector.broadcast %add3A_152 : i32 to vector<16xi32>
          %add3A_154 = arith.addi %add3A_153, %iota3A : vector<16xi32>
          %ne3A = arith.cmpi ne, %get3A_146, %get3A_151 : vector<16xi32>
          %ge3A = vector.broadcast %add3A_103 : i32 to vector<16xi32>
          %ge3A_155 = arith.cmpi sge, %add3A_154, %ge3A : vector<16xi32>
          %and3A_156 = arith.andi %ne3A, %ge3A_155 : vector<16xi1>
          %lt3A = vector.broadcast %min3A : i32 to vector<16xi32>
          %lt3A_157 = arith.cmpi slt, %add3A_154, %lt3A : vector<16xi32>
          %and3A_158 = arith.andi %and3A_156, %lt3A_157 : vector<16xi1>
          %and3A_159 = arith.constant 112 : i32
          %and3A_160 = arith.andi %mul3A_143, %and3A_159 : i32
          %add3A_161 = arith.constant 1048576 : i32
          %add3A_162 = arith.addi %add3A_161, %and3A_160 : i32
          %add3A_163 = vector.broadcast %add3A_162 : i32 to vector<16xi32>
          %add3A_164 = arith.addi %add3A_163, %iota3A : vector<16xi32>
          %sub3A_165 = arith.constant 10485760 : i32
          %sub3A_166 = vector.broadcast %sub3A_165 : i32 to vector<16xi32>
          %sub3A_167 = arith.subi %get3A_146, %sub3A_166 : vector<16xi32>
          %select_n3A = arith.select %and3A_158, %sub3A_167, %add3A_164 : vector<16xi1>, vector<16xi32>
          %swap3A = arith.index_cast %mul3A_143 : i32 to index
          %swap3A_168 = tpu.vector_load %arg11[%swap3A] {strides = array<i32>} : memref<8192xi32, #tpu.memory_space<vmem>>, vector<16xi32>,
          %swap3A_169 = vector.shape_cast %swap3A_168 : vector<16xi32> to vector<16xi32>
          %swap3A_170 = vector.shape_cast %select_n3A : vector<16xi32> to vector<16xi32>
          tpu.vector_store %arg11[%swap3A], %swap3A_170 {strides = array<i32>} : memref<8192xi32, #tpu.memory_space<vmem>>, vector<16xi32>,
        }
        %scan3A_140 = arith.constant 512 : i32
        "tpu.region"() ({
          %run_scoped3A = tpu.sem_alloc : memref<!tpu.dma_semaphore, #tpu.memory_space<semaphore_mem>>
          %dma_start3A = arith.constant 0 : i32
          %dma_start3A_141 = tpu.memref_slice %arg6[%dma_start3A] : memref<1048704xf32, #tpu.memory_space<vmem_shared>> -> memref<1048704xf32, #tpu.memory_space<vmem_shared>>
          tpu.enqueue_indirect_dma source(%arg10 : memref<8192xf32, #tpu.memory_space<vmem>>) target(%dma_start3A_141 : memref<1048704xf32, #tpu.memory_space<vmem_shared>>) offsets(%arg11 : memref<8192xi32, #tpu.memory_space<vmem>>) semaphore(%run_scoped3A : memref<!tpu.dma_semaphore, #tpu.memory_space<semaphore_mem>>) {add = true}
          %dma_wait3A = arith.constant 0 : i32
          %dma_wait3A_142 = tpu.memref_slice %arg6[%dma_wait3A] : memref<1048704xf32, #tpu.memory_space<vmem_shared>> -> memref<1048704xf32, #tpu.memory_space<vmem_shared>>
          tpu.wait_indirect_dma semaphore(%run_scoped3A : memref<!tpu.dma_semaphore, #tpu.memory_space<semaphore_mem>>) src(%arg10 : memref<8192xf32, #tpu.memory_space<vmem>>) dst(%dma_wait3A_142 : memref<1048704xf32, #tpu.memory_space<vmem_shared>>)
          tpu.yield
        }) : () -> ()
      }
      %barrier3A_122 = arith.constant 0 : index
      tpu.barrier barrier_id(%barrier3A_122)
      %mul3A_123 = arith.constant 65536 : i32
      %mul3A_124 = arith.muli %arg1, %mul3A_123 : i32
      %mul3A_125 = arith.constant 65536 : i32
      %mul3A_126 = arith.muli %arg1, %mul3A_125 : i32
      %add3A_127 = arith.constant 10485760 : i32
      %add3A_128 = arith.addi %add3A_127, %mul3A_126 : i32
      "tpu.region"() ({
        %run_scoped3A = tpu.sem_alloc : memref<!tpu.dma_semaphore, #tpu.memory_space<semaphore_mem>>
        %dma_start3A = tpu.memref_slice %arg5[%add3A_128] : memref<16777216xf32, #tpu.memory_space<hbm>> -> memref<65536xf32, #tpu.memory_space<hbm>>
        %dma_start3A_130 = tpu.memref_slice %arg6[%mul3A_124] : memref<1048704xf32, #tpu.memory_space<vmem_shared>> -> memref<65536xf32, #tpu.memory_space<vmem_shared>>
        tpu.enqueue_dma source(%dma_start3A_130 : memref<65536xf32, #tpu.memory_space<vmem_shared>>) target(%dma_start3A : memref<65536xf32, #tpu.memory_space<hbm>>) target_semaphore(%run_scoped3A : memref<!tpu.dma_semaphore, #tpu.memory_space<semaphore_mem>>)
        %dma_wait3A = tpu.memref_slice %arg5[%add3A_128] : memref<16777216xf32, #tpu.memory_space<hbm>> -> memref<65536xf32, #tpu.memory_space<hbm>>
        %dma_wait3A_131 = tpu.memref_slice %arg6[%mul3A_124] : memref<1048704xf32, #tpu.memory_space<vmem_shared>> -> memref<65536xf32, #tpu.memory_space<vmem_shared>>
        tpu.wait_dma2 semaphore(%run_scoped3A : memref<!tpu.dma_semaphore, #tpu.memory_space<semaphore_mem>>) src(%dma_wait3A_131 : memref<65536xf32, #tpu.memory_space<vmem_shared>>) dst(%dma_wait3A : memref<65536xf32, #tpu.memory_space<hbm>>)
        tpu.yield
      }) : () -> ()
      %barrier3A_129 = arith.constant 0 : index
      tpu.barrier barrier_id(%barrier3A_129)
    } else {
    }
    %eq3A_37 = arith.constant 0 : i32
    %eq3A_38 = arith.cmpi eq, %arg0, %eq3A_37 : i32
    %convert_element_type3A_39 = arith.extui %eq3A_38 : i1 to i32
    %cond3A_40 = arith.constant 0 : i32
    %cond3A_41 = arith.cmpi ne, %convert_element_type3A_39, %cond3A_40 : i32
    scf.if %cond3A_41 {
      %scan3A_87 = arith.constant 0 : i32
      %scan3A_88 = arith.constant 0 : i32
      %scan3A_89 = arith.constant 4 : i32
      %scan3A_90 = arith.addi %scan3A_88, %scan3A_89 : i32
      %scan3A_91 = arith.constant 1 : i32
      scf.for %scan3A_130 = %scan3A_88 to %scan3A_90 step %scan3A_91  : i32 {
        %mul3A_131 = arith.constant 65536 : i32
        %mul3A_132 = arith.muli %arg1, %mul3A_131 : i32
        %mul3A_133 = arith.constant 16384 : i32
        %mul3A_134 = arith.muli %scan3A_130, %mul3A_133 : i32
        %add3A_135 = arith.addi %mul3A_132, %mul3A_134 : i32
        %dma_start3A = tpu.memref_slice %arg6[%add3A_135] : memref<1048704xf32, #tpu.memory_space<vmem_shared>> -> memref<16384xf32, #tpu.memory_space<vmem_shared>>
        %dma_start3A_136 = tpu.memref_slice %arg6[%add3A_135] : memref<1048704xf32, #tpu.memory_space<vmem_shared>> -> memref<16384xf32, #tpu.memory_space<vmem_shared>>
        tpu.enqueue_dma source(%arg7 : memref<16384xf32, #tpu.memory_space<vmem>>) target(%dma_start3A_136 : memref<16384xf32, #tpu.memory_space<vmem_shared>>) target_semaphore(%arg12 : memref<!tpu.dma_semaphore, #tpu.memory_space<semaphore_mem>>)
      }
      %scan3A_92 = arith.constant 4 : i32
      %scan3A_93 = arith.constant 0 : i32
      %scan3A_94 = arith.constant 0 : i32
      %scan3A_95 = arith.constant 4 : i32
      %scan3A_96 = arith.addi %scan3A_94, %scan3A_95 : i32
      %scan3A_97 = arith.constant 1 : i32
      scf.for %scan3A_130 = %scan3A_94 to %scan3A_96 step %scan3A_97  : i32 {
        %mul3A_131 = arith.constant 65536 : i32
        %mul3A_132 = arith.muli %arg1, %mul3A_131 : i32
        %mul3A_133 = arith.constant 16384 : i32
        %mul3A_134 = arith.muli %scan3A_130, %mul3A_133 : i32
        %add3A_135 = arith.addi %mul3A_132, %mul3A_134 : i32
        %dma_wait3A = tpu.memref_slice %arg6[%add3A_135] : memref<1048704xf32, #tpu.memory_space<vmem_shared>> -> memref<16384xf32, #tpu.memory_space<vmem_shared>>
        %dma_wait3A_136 = tpu.memref_slice %arg6[%add3A_135] : memref<1048704xf32, #tpu.memory_space<vmem_shared>> -> memref<16384xf32, #tpu.memory_space<vmem_shared>>
        tpu.wait_dma2 semaphore(%arg12 : memref<!tpu.dma_semaphore, #tpu.memory_space<semaphore_mem>>) src(%arg7 : memref<16384xf32, #tpu.memory_space<vmem>>) dst(%dma_wait3A_136 : memref<16384xf32, #tpu.memory_space<vmem_shared>>)
      }
      %scan3A_98 = arith.constant 4 : i32
      %barrier3A = arith.constant 0 : index
      tpu.barrier barrier_id(%barrier3A)
      %slice3A = vector.extract_strided_slice %get3A_6 {offsets = [3], sizes = [1], strides = [1]} : vector<16xi32> to vector<1xi32>
      %squeeze3A = vector.extract %slice3A[0] : i32 from vector<1xi32>
      %slice3A_99 = vector.extract_strided_slice %get3A_9 {offsets = [3], sizes = [1], strides = [1]} : vector<16xi32> to vector<1xi32>
      %squeeze3A_100 = vector.extract %slice3A_99[0] : i32 from vector<1xi32>
      %sub3A = arith.subi %squeeze3A_100, %squeeze3A : i32
      %add3A = arith.constant 15 : i32
      %add3A_101 = arith.addi %sub3A, %add3A : i32
      %shift_right_arithmetic3A = arith.constant 4 : i32
      %shift_right_arithmetic3A_102 = arith.shrsi %add3A_101, %shift_right_arithmetic3A : i32
      %mul3A = arith.muli %arg1, %shift_right_arithmetic3A_102 : i32
      %add3A_103 = arith.addi %squeeze3A, %mul3A : i32
      %add3A_104 = arith.addi %add3A_103, %shift_right_arithmetic3A_102 : i32
      %min3A = arith.minsi %add3A_104, %squeeze3A_100 : i32
      %add3A_105 = arith.constant 8 : i32
      %add3A_106 = arith.addi %shift_right_arithmetic3A_102, %add3A_105 : i32
      %add3A_107 = arith.constant 8192 : i32
      %add3A_108 = arith.addi %add3A_106, %add3A_107 : i32
      %sub3A_109 = arith.constant 1 : i32
      %sub3A_110 = arith.subi %add3A_108, %sub3A_109 : i32
      %shift_right_arithmetic3A_111 = arith.constant 13 : i32
      %shift_right_arithmetic3A_112 = arith.shrsi %sub3A_110, %shift_right_arithmetic3A_111 : i32
      %while3A = arith.constant 0 : i32
      %while3A_113 = arith.constant 0 : i32
      %while3A_114 = arith.subi %shift_right_arithmetic3A_112, %while3A_113 : i32
      %while3A_115 = arith.addi %while3A_113, %while3A_114 : i32
      %while3A_116 = arith.constant 1 : i32
      %while3A_117 = arith.divsi %while3A_114, %while3A_116 : i32
      %while3A_118 = arith.muli %while3A_117, %while3A_116 : i32
      %while3A_119 = arith.addi %while3A_113, %while3A_118 : i32
      %while3A_120 = arith.constant 1 : i32
      scf.for %while3A_130 = %while3A_113 to %while3A_119 step %while3A_120  : i32 {
        %mul3A_131 = arith.constant 8192 : i32
        %mul3A_132 = arith.muli %while3A_130, %mul3A_131 : i32
        %add3A_133 = arith.addi %add3A_103, %mul3A_132 : i32
        %and3A = arith.constant -8 : i32
        %and3A_134 = arith.andi %add3A_133, %and3A : i32
        %multiple_of3A = tpu.assume_multiple %and3A_134, 8 : i32
        "tpu.region"() ({
          %run_scoped3A = tpu.sem_alloc : memref<!tpu.dma_semaphore, #tpu.memory_space<semaphore_mem>>
          %dma_start3A = tpu.memref_slice %arg2[%multiple_of3A] : memref<1065088xi32, #tpu.memory_space<hbm>> -> memref<8208xi32, #tpu.memory_space<hbm>>
          %dma_start3A_141 = tpu.memref_slice %arg2[%multiple_of3A] : memref<1065088xi32, #tpu.memory_space<hbm>> -> memref<8208xi32, #tpu.memory_space<hbm>>
          tpu.enqueue_dma source(%dma_start3A_141 : memref<8208xi32, #tpu.memory_space<hbm>>) target(%arg9 : memref<8208xi32, #tpu.memory_space<vmem>>) target_semaphore(%run_scoped3A : memref<!tpu.dma_semaphore, #tpu.memory_space<semaphore_mem>>)
          %dma_wait3A = tpu.memref_slice %arg2[%multiple_of3A] : memref<1065088xi32, #tpu.memory_space<hbm>> -> memref<8208xi32, #tpu.memory_space<hbm>>
          %dma_wait3A_142 = tpu.memref_slice %arg2[%multiple_of3A] : memref<1065088xi32, #tpu.memory_space<hbm>> -> memref<8208xi32, #tpu.memory_space<hbm>>
          tpu.wait_dma2 semaphore(%run_scoped3A : memref<!tpu.dma_semaphore, #tpu.memory_space<semaphore_mem>>) src(%dma_wait3A_142 : memref<8208xi32, #tpu.memory_space<hbm>>) dst(%arg9 : memref<8208xi32, #tpu.memory_space<vmem>>)
          tpu.yield
        }) : () -> ()
        "tpu.region"() ({
          %run_scoped3A = tpu.sem_alloc : memref<!tpu.dma_semaphore, #tpu.memory_space<semaphore_mem>>
          %dma_start3A = tpu.memref_slice %arg3[%multiple_of3A] : memref<1065088xf32, #tpu.memory_space<hbm>> -> memref<8192xf32, #tpu.memory_space<hbm>>
          %dma_start3A_141 = tpu.memref_slice %arg3[%multiple_of3A] : memref<1065088xf32, #tpu.memory_space<hbm>> -> memref<8192xf32, #tpu.memory_space<hbm>>
          tpu.enqueue_dma source(%dma_start3A_141 : memref<8192xf32, #tpu.memory_space<hbm>>) target(%arg10 : memref<8192xf32, #tpu.memory_space<vmem>>) target_semaphore(%run_scoped3A : memref<!tpu.dma_semaphore, #tpu.memory_space<semaphore_mem>>)
          %dma_wait3A = tpu.memref_slice %arg3[%multiple_of3A] : memref<1065088xf32, #tpu.memory_space<hbm>> -> memref<8192xf32, #tpu.memory_space<hbm>>
          %dma_wait3A_142 = tpu.memref_slice %arg3[%multiple_of3A] : memref<1065088xf32, #tpu.memory_space<hbm>> -> memref<8192xf32, #tpu.memory_space<hbm>>
          tpu.wait_dma2 semaphore(%run_scoped3A : memref<!tpu.dma_semaphore, #tpu.memory_space<semaphore_mem>>) src(%dma_wait3A_142 : memref<8192xf32, #tpu.memory_space<hbm>>) dst(%arg10 : memref<8192xf32, #tpu.memory_space<vmem>>)
          tpu.yield
        }) : () -> ()
        %scan3A_135 = arith.constant 0 : i32
        %scan3A_136 = arith.constant 0 : i32
        %scan3A_137 = arith.constant 512 : i32
        %scan3A_138 = arith.addi %scan3A_136, %scan3A_137 : i32
        %scan3A_139 = arith.constant 1 : i32
        scf.for %scan3A_141 = %scan3A_136 to %scan3A_138 step %scan3A_139  : i32 {
          %mul3A_142 = arith.constant 16 : i32
          %mul3A_143 = arith.muli %scan3A_141, %mul3A_142 : i32
          %get3A_144 = arith.index_cast %mul3A_143 : i32 to index
          %get3A_145 = tpu.vector_load %arg9[%get3A_144] {strides = array<i32>} : memref<8208xi32, #tpu.memory_space<vmem>>, vector<16xi32>,
          %get3A_146 = vector.shape_cast %get3A_145 : vector<16xi32> to vector<16xi32>
          %add3A_147 = arith.constant 1 : i32
          %add3A_148 = arith.addi %mul3A_143, %add3A_147 : i32
          %get3A_149 = arith.index_cast %add3A_148 : i32 to index
          %get3A_150 = tpu.vector_load %arg9[%get3A_149] {strides = array<i32>} : memref<8208xi32, #tpu.memory_space<vmem>>, vector<16xi32>,
          %get3A_151 = vector.shape_cast %get3A_150 : vector<16xi32> to vector<16xi32>
          %add3A_152 = arith.addi %multiple_of3A, %mul3A_143 : i32
          %add3A_153 = vector.broadcast %add3A_152 : i32 to vector<16xi32>
          %add3A_154 = arith.addi %add3A_153, %iota3A : vector<16xi32>
          %ne3A = arith.cmpi ne, %get3A_146, %get3A_151 : vector<16xi32>
          %ge3A = vector.broadcast %add3A_103 : i32 to vector<16xi32>
          %ge3A_155 = arith.cmpi sge, %add3A_154, %ge3A : vector<16xi32>
          %and3A_156 = arith.andi %ne3A, %ge3A_155 : vector<16xi1>
          %lt3A = vector.broadcast %min3A : i32 to vector<16xi32>
          %lt3A_157 = arith.cmpi slt, %add3A_154, %lt3A : vector<16xi32>
          %and3A_158 = arith.andi %and3A_156, %lt3A_157 : vector<16xi1>
          %and3A_159 = arith.constant 112 : i32
          %and3A_160 = arith.andi %mul3A_143, %and3A_159 : i32
          %add3A_161 = arith.constant 1048576 : i32
          %add3A_162 = arith.addi %add3A_161, %and3A_160 : i32
          %add3A_163 = vector.broadcast %add3A_162 : i32 to vector<16xi32>
          %add3A_164 = arith.addi %add3A_163, %iota3A : vector<16xi32>
          %sub3A_165 = arith.constant 3145728 : i32
          %sub3A_166 = vector.broadcast %sub3A_165 : i32 to vector<16xi32>
          %sub3A_167 = arith.subi %get3A_146, %sub3A_166 : vector<16xi32>
          %select_n3A = arith.select %and3A_158, %sub3A_167, %add3A_164 : vector<16xi1>, vector<16xi32>
          %swap3A = arith.index_cast %mul3A_143 : i32 to index
          %swap3A_168 = tpu.vector_load %arg11[%swap3A] {strides = array<i32>} : memref<8192xi32, #tpu.memory_space<vmem>>, vector<16xi32>,
          %swap3A_169 = vector.shape_cast %swap3A_168 : vector<16xi32> to vector<16xi32>
          %swap3A_170 = vector.shape_cast %select_n3A : vector<16xi32> to vector<16xi32>
          tpu.vector_store %arg11[%swap3A], %swap3A_170 {strides = array<i32>} : memref<8192xi32, #tpu.memory_space<vmem>>, vector<16xi32>,
        }
        %scan3A_140 = arith.constant 512 : i32
        "tpu.region"() ({
          %run_scoped3A = tpu.sem_alloc : memref<!tpu.dma_semaphore, #tpu.memory_space<semaphore_mem>>
          %dma_start3A = arith.constant 0 : i32
          %dma_start3A_141 = tpu.memref_slice %arg6[%dma_start3A] : memref<1048704xf32, #tpu.memory_space<vmem_shared>> -> memref<1048704xf32, #tpu.memory_space<vmem_shared>>
          tpu.enqueue_indirect_dma source(%arg10 : memref<8192xf32, #tpu.memory_space<vmem>>) target(%dma_start3A_141 : memref<1048704xf32, #tpu.memory_space<vmem_shared>>) offsets(%arg11 : memref<8192xi32, #tpu.memory_space<vmem>>) semaphore(%run_scoped3A : memref<!tpu.dma_semaphore, #tpu.memory_space<semaphore_mem>>) {add = true}
          %dma_wait3A = arith.constant 0 : i32
          %dma_wait3A_142 = tpu.memref_slice %arg6[%dma_wait3A] : memref<1048704xf32, #tpu.memory_space<vmem_shared>> -> memref<1048704xf32, #tpu.memory_space<vmem_shared>>
          tpu.wait_indirect_dma semaphore(%run_scoped3A : memref<!tpu.dma_semaphore, #tpu.memory_space<semaphore_mem>>) src(%arg10 : memref<8192xf32, #tpu.memory_space<vmem>>) dst(%dma_wait3A_142 : memref<1048704xf32, #tpu.memory_space<vmem_shared>>)
          tpu.yield
        }) : () -> ()
      }
      %while3A_121 = arith.constant 1 : i32
      scf.for %while3A_130 = %while3A_119 to %while3A_115 step %while3A_121  : i32 {
        %mul3A_131 = arith.constant 8192 : i32
        %mul3A_132 = arith.muli %while3A_130, %mul3A_131 : i32
        %add3A_133 = arith.addi %add3A_103, %mul3A_132 : i32
        %and3A = arith.constant -8 : i32
        %and3A_134 = arith.andi %add3A_133, %and3A : i32
        %multiple_of3A = tpu.assume_multiple %and3A_134, 8 : i32
        "tpu.region"() ({
          %run_scoped3A = tpu.sem_alloc : memref<!tpu.dma_semaphore, #tpu.memory_space<semaphore_mem>>
          %dma_start3A = tpu.memref_slice %arg2[%multiple_of3A] : memref<1065088xi32, #tpu.memory_space<hbm>> -> memref<8208xi32, #tpu.memory_space<hbm>>
          %dma_start3A_141 = tpu.memref_slice %arg2[%multiple_of3A] : memref<1065088xi32, #tpu.memory_space<hbm>> -> memref<8208xi32, #tpu.memory_space<hbm>>
          tpu.enqueue_dma source(%dma_start3A_141 : memref<8208xi32, #tpu.memory_space<hbm>>) target(%arg9 : memref<8208xi32, #tpu.memory_space<vmem>>) target_semaphore(%run_scoped3A : memref<!tpu.dma_semaphore, #tpu.memory_space<semaphore_mem>>)
          %dma_wait3A = tpu.memref_slice %arg2[%multiple_of3A] : memref<1065088xi32, #tpu.memory_space<hbm>> -> memref<8208xi32, #tpu.memory_space<hbm>>
          %dma_wait3A_142 = tpu.memref_slice %arg2[%multiple_of3A] : memref<1065088xi32, #tpu.memory_space<hbm>> -> memref<8208xi32, #tpu.memory_space<hbm>>
          tpu.wait_dma2 semaphore(%run_scoped3A : memref<!tpu.dma_semaphore, #tpu.memory_space<semaphore_mem>>) src(%dma_wait3A_142 : memref<8208xi32, #tpu.memory_space<hbm>>) dst(%arg9 : memref<8208xi32, #tpu.memory_space<vmem>>)
          tpu.yield
        }) : () -> ()
        "tpu.region"() ({
          %run_scoped3A = tpu.sem_alloc : memref<!tpu.dma_semaphore, #tpu.memory_space<semaphore_mem>>
          %dma_start3A = tpu.memref_slice %arg3[%multiple_of3A] : memref<1065088xf32, #tpu.memory_space<hbm>> -> memref<8192xf32, #tpu.memory_space<hbm>>
          %dma_start3A_141 = tpu.memref_slice %arg3[%multiple_of3A] : memref<1065088xf32, #tpu.memory_space<hbm>> -> memref<8192xf32, #tpu.memory_space<hbm>>
          tpu.enqueue_dma source(%dma_start3A_141 : memref<8192xf32, #tpu.memory_space<hbm>>) target(%arg10 : memref<8192xf32, #tpu.memory_space<vmem>>) target_semaphore(%run_scoped3A : memref<!tpu.dma_semaphore, #tpu.memory_space<semaphore_mem>>)
          %dma_wait3A = tpu.memref_slice %arg3[%multiple_of3A] : memref<1065088xf32, #tpu.memory_space<hbm>> -> memref<8192xf32, #tpu.memory_space<hbm>>
          %dma_wait3A_142 = tpu.memref_slice %arg3[%multiple_of3A] : memref<1065088xf32, #tpu.memory_space<hbm>> -> memref<8192xf32, #tpu.memory_space<hbm>>
          tpu.wait_dma2 semaphore(%run_scoped3A : memref<!tpu.dma_semaphore, #tpu.memory_space<semaphore_mem>>) src(%dma_wait3A_142 : memref<8192xf32, #tpu.memory_space<hbm>>) dst(%arg10 : memref<8192xf32, #tpu.memory_space<vmem>>)
          tpu.yield
        }) : () -> ()
        %scan3A_135 = arith.constant 0 : i32
        %scan3A_136 = arith.constant 0 : i32
        %scan3A_137 = arith.constant 512 : i32
        %scan3A_138 = arith.addi %scan3A_136, %scan3A_137 : i32
        %scan3A_139 = arith.constant 1 : i32
        scf.for %scan3A_141 = %scan3A_136 to %scan3A_138 step %scan3A_139  : i32 {
          %mul3A_142 = arith.constant 16 : i32
          %mul3A_143 = arith.muli %scan3A_141, %mul3A_142 : i32
          %get3A_144 = arith.index_cast %mul3A_143 : i32 to index
          %get3A_145 = tpu.vector_load %arg9[%get3A_144] {strides = array<i32>} : memref<8208xi32, #tpu.memory_space<vmem>>, vector<16xi32>,
          %get3A_146 = vector.shape_cast %get3A_145 : vector<16xi32> to vector<16xi32>
          %add3A_147 = arith.constant 1 : i32
          %add3A_148 = arith.addi %mul3A_143, %add3A_147 : i32
          %get3A_149 = arith.index_cast %add3A_148 : i32 to index
          %get3A_150 = tpu.vector_load %arg9[%get3A_149] {strides = array<i32>} : memref<8208xi32, #tpu.memory_space<vmem>>, vector<16xi32>,
          %get3A_151 = vector.shape_cast %get3A_150 : vector<16xi32> to vector<16xi32>
          %add3A_152 = arith.addi %multiple_of3A, %mul3A_143 : i32
          %add3A_153 = vector.broadcast %add3A_152 : i32 to vector<16xi32>
          %add3A_154 = arith.addi %add3A_153, %iota3A : vector<16xi32>
          %ne3A = arith.cmpi ne, %get3A_146, %get3A_151 : vector<16xi32>
          %ge3A = vector.broadcast %add3A_103 : i32 to vector<16xi32>
          %ge3A_155 = arith.cmpi sge, %add3A_154, %ge3A : vector<16xi32>
          %and3A_156 = arith.andi %ne3A, %ge3A_155 : vector<16xi1>
          %lt3A = vector.broadcast %min3A : i32 to vector<16xi32>
          %lt3A_157 = arith.cmpi slt, %add3A_154, %lt3A : vector<16xi32>
          %and3A_158 = arith.andi %and3A_156, %lt3A_157 : vector<16xi1>
          %and3A_159 = arith.constant 112 : i32
          %and3A_160 = arith.andi %mul3A_143, %and3A_159 : i32
          %add3A_161 = arith.constant 1048576 : i32
          %add3A_162 = arith.addi %add3A_161, %and3A_160 : i32
          %add3A_163 = vector.broadcast %add3A_162 : i32 to vector<16xi32>
          %add3A_164 = arith.addi %add3A_163, %iota3A : vector<16xi32>
          %sub3A_165 = arith.constant 3145728 : i32
          %sub3A_166 = vector.broadcast %sub3A_165 : i32 to vector<16xi32>
          %sub3A_167 = arith.subi %get3A_146, %sub3A_166 : vector<16xi32>
          %select_n3A = arith.select %and3A_158, %sub3A_167, %add3A_164 : vector<16xi1>, vector<16xi32>
          %swap3A = arith.index_cast %mul3A_143 : i32 to index
          %swap3A_168 = tpu.vector_load %arg11[%swap3A] {strides = array<i32>} : memref<8192xi32, #tpu.memory_space<vmem>>, vector<16xi32>,
          %swap3A_169 = vector.shape_cast %swap3A_168 : vector<16xi32> to vector<16xi32>
          %swap3A_170 = vector.shape_cast %select_n3A : vector<16xi32> to vector<16xi32>
          tpu.vector_store %arg11[%swap3A], %swap3A_170 {strides = array<i32>} : memref<8192xi32, #tpu.memory_space<vmem>>, vector<16xi32>,
        }
        %scan3A_140 = arith.constant 512 : i32
        "tpu.region"() ({
          %run_scoped3A = tpu.sem_alloc : memref<!tpu.dma_semaphore, #tpu.memory_space<semaphore_mem>>
          %dma_start3A = arith.constant 0 : i32
          %dma_start3A_141 = tpu.memref_slice %arg6[%dma_start3A] : memref<1048704xf32, #tpu.memory_space<vmem_shared>> -> memref<1048704xf32, #tpu.memory_space<vmem_shared>>
          tpu.enqueue_indirect_dma source(%arg10 : memref<8192xf32, #tpu.memory_space<vmem>>) target(%dma_start3A_141 : memref<1048704xf32, #tpu.memory_space<vmem_shared>>) offsets(%arg11 : memref<8192xi32, #tpu.memory_space<vmem>>) semaphore(%run_scoped3A : memref<!tpu.dma_semaphore, #tpu.memory_space<semaphore_mem>>) {add = true}
          %dma_wait3A = arith.constant 0 : i32
          %dma_wait3A_142 = tpu.memref_slice %arg6[%dma_wait3A] : memref<1048704xf32, #tpu.memory_space<vmem_shared>> -> memref<1048704xf32, #tpu.memory_space<vmem_shared>>
          tpu.wait_indirect_dma semaphore(%run_scoped3A : memref<!tpu.dma_semaphore, #tpu.memory_space<semaphore_mem>>) src(%arg10 : memref<8192xf32, #tpu.memory_space<vmem>>) dst(%dma_wait3A_142 : memref<1048704xf32, #tpu.memory_space<vmem_shared>>)
          tpu.yield
        }) : () -> ()
      }
      %barrier3A_122 = arith.constant 0 : index
      tpu.barrier barrier_id(%barrier3A_122)
      %mul3A_123 = arith.constant 65536 : i32
      %mul3A_124 = arith.muli %arg1, %mul3A_123 : i32
      %mul3A_125 = arith.constant 65536 : i32
      %mul3A_126 = arith.muli %arg1, %mul3A_125 : i32
      %add3A_127 = arith.constant 3145728 : i32
      %add3A_128 = arith.addi %add3A_127, %mul3A_126 : i32
      "tpu.region"() ({
        %run_scoped3A = tpu.sem_alloc : memref<!tpu.dma_semaphore, #tpu.memory_space<semaphore_mem>>
        %dma_start3A = tpu.memref_slice %arg5[%add3A_128] : memref<16777216xf32, #tpu.memory_space<hbm>> -> memref<65536xf32, #tpu.memory_space<hbm>>
        %dma_start3A_130 = tpu.memref_slice %arg6[%mul3A_124] : memref<1048704xf32, #tpu.memory_space<vmem_shared>> -> memref<65536xf32, #tpu.memory_space<vmem_shared>>
        tpu.enqueue_dma source(%dma_start3A_130 : memref<65536xf32, #tpu.memory_space<vmem_shared>>) target(%dma_start3A : memref<65536xf32, #tpu.memory_space<hbm>>) target_semaphore(%run_scoped3A : memref<!tpu.dma_semaphore, #tpu.memory_space<semaphore_mem>>)
        %dma_wait3A = tpu.memref_slice %arg5[%add3A_128] : memref<16777216xf32, #tpu.memory_space<hbm>> -> memref<65536xf32, #tpu.memory_space<hbm>>
        %dma_wait3A_131 = tpu.memref_slice %arg6[%mul3A_124] : memref<1048704xf32, #tpu.memory_space<vmem_shared>> -> memref<65536xf32, #tpu.memory_space<vmem_shared>>
        tpu.wait_dma2 semaphore(%run_scoped3A : memref<!tpu.dma_semaphore, #tpu.memory_space<semaphore_mem>>) src(%dma_wait3A_131 : memref<65536xf32, #tpu.memory_space<vmem_shared>>) dst(%dma_wait3A : memref<65536xf32, #tpu.memory_space<hbm>>)
        tpu.yield
      }) : () -> ()
      %barrier3A_129 = arith.constant 0 : index
      tpu.barrier barrier_id(%barrier3A_129)
    } else {
    }
    %eq3A_42 = arith.constant 1 : i32
    %eq3A_43 = arith.cmpi eq, %arg0, %eq3A_42 : i32
    %convert_element_type3A_44 = arith.extui %eq3A_43 : i1 to i32
    %cond3A_45 = arith.constant 0 : i32
    %cond3A_46 = arith.cmpi ne, %convert_element_type3A_44, %cond3A_45 : i32
    scf.if %cond3A_46 {
      %scan3A_87 = arith.constant 0 : i32
      %scan3A_88 = arith.constant 0 : i32
      %scan3A_89 = arith.constant 4 : i32
      %scan3A_90 = arith.addi %scan3A_88, %scan3A_89 : i32
      %scan3A_91 = arith.constant 1 : i32
      scf.for %scan3A_130 = %scan3A_88 to %scan3A_90 step %scan3A_91  : i32 {
        %mul3A_131 = arith.constant 65536 : i32
        %mul3A_132 = arith.muli %arg1, %mul3A_131 : i32
        %mul3A_133 = arith.constant 16384 : i32
        %mul3A_134 = arith.muli %scan3A_130, %mul3A_133 : i32
        %add3A_135 = arith.addi %mul3A_132, %mul3A_134 : i32
        %dma_start3A = tpu.memref_slice %arg6[%add3A_135] : memref<1048704xf32, #tpu.memory_space<vmem_shared>> -> memref<16384xf32, #tpu.memory_space<vmem_shared>>
        %dma_start3A_136 = tpu.memref_slice %arg6[%add3A_135] : memref<1048704xf32, #tpu.memory_space<vmem_shared>> -> memref<16384xf32, #tpu.memory_space<vmem_shared>>
        tpu.enqueue_dma source(%arg7 : memref<16384xf32, #tpu.memory_space<vmem>>) target(%dma_start3A_136 : memref<16384xf32, #tpu.memory_space<vmem_shared>>) target_semaphore(%arg12 : memref<!tpu.dma_semaphore, #tpu.memory_space<semaphore_mem>>)
      }
      %scan3A_92 = arith.constant 4 : i32
      %scan3A_93 = arith.constant 0 : i32
      %scan3A_94 = arith.constant 0 : i32
      %scan3A_95 = arith.constant 4 : i32
      %scan3A_96 = arith.addi %scan3A_94, %scan3A_95 : i32
      %scan3A_97 = arith.constant 1 : i32
      scf.for %scan3A_130 = %scan3A_94 to %scan3A_96 step %scan3A_97  : i32 {
        %mul3A_131 = arith.constant 65536 : i32
        %mul3A_132 = arith.muli %arg1, %mul3A_131 : i32
        %mul3A_133 = arith.constant 16384 : i32
        %mul3A_134 = arith.muli %scan3A_130, %mul3A_133 : i32
        %add3A_135 = arith.addi %mul3A_132, %mul3A_134 : i32
        %dma_wait3A = tpu.memref_slice %arg6[%add3A_135] : memref<1048704xf32, #tpu.memory_space<vmem_shared>> -> memref<16384xf32, #tpu.memory_space<vmem_shared>>
        %dma_wait3A_136 = tpu.memref_slice %arg6[%add3A_135] : memref<1048704xf32, #tpu.memory_space<vmem_shared>> -> memref<16384xf32, #tpu.memory_space<vmem_shared>>
        tpu.wait_dma2 semaphore(%arg12 : memref<!tpu.dma_semaphore, #tpu.memory_space<semaphore_mem>>) src(%arg7 : memref<16384xf32, #tpu.memory_space<vmem>>) dst(%dma_wait3A_136 : memref<16384xf32, #tpu.memory_space<vmem_shared>>)
      }
      %scan3A_98 = arith.constant 4 : i32
      %barrier3A = arith.constant 0 : index
      tpu.barrier barrier_id(%barrier3A)
      %slice3A = vector.extract_strided_slice %get3A_6 {offsets = [11], sizes = [1], strides = [1]} : vector<16xi32> to vector<1xi32>
      %squeeze3A = vector.extract %slice3A[0] : i32 from vector<1xi32>
      %slice3A_99 = vector.extract_strided_slice %get3A_9 {offsets = [11], sizes = [1], strides = [1]} : vector<16xi32> to vector<1xi32>
      %squeeze3A_100 = vector.extract %slice3A_99[0] : i32 from vector<1xi32>
      %sub3A = arith.subi %squeeze3A_100, %squeeze3A : i32
      %add3A = arith.constant 15 : i32
      %add3A_101 = arith.addi %sub3A, %add3A : i32
      %shift_right_arithmetic3A = arith.constant 4 : i32
      %shift_right_arithmetic3A_102 = arith.shrsi %add3A_101, %shift_right_arithmetic3A : i32
      %mul3A = arith.muli %arg1, %shift_right_arithmetic3A_102 : i32
      %add3A_103 = arith.addi %squeeze3A, %mul3A : i32
      %add3A_104 = arith.addi %add3A_103, %shift_right_arithmetic3A_102 : i32
      %min3A = arith.minsi %add3A_104, %squeeze3A_100 : i32
      %add3A_105 = arith.constant 8 : i32
      %add3A_106 = arith.addi %shift_right_arithmetic3A_102, %add3A_105 : i32
      %add3A_107 = arith.constant 8192 : i32
      %add3A_108 = arith.addi %add3A_106, %add3A_107 : i32
      %sub3A_109 = arith.constant 1 : i32
      %sub3A_110 = arith.subi %add3A_108, %sub3A_109 : i32
      %shift_right_arithmetic3A_111 = arith.constant 13 : i32
      %shift_right_arithmetic3A_112 = arith.shrsi %sub3A_110, %shift_right_arithmetic3A_111 : i32
      %while3A = arith.constant 0 : i32
      %while3A_113 = arith.constant 0 : i32
      %while3A_114 = arith.subi %shift_right_arithmetic3A_112, %while3A_113 : i32
      %while3A_115 = arith.addi %while3A_113, %while3A_114 : i32
      %while3A_116 = arith.constant 1 : i32
      %while3A_117 = arith.divsi %while3A_114, %while3A_116 : i32
      %while3A_118 = arith.muli %while3A_117, %while3A_116 : i32
      %while3A_119 = arith.addi %while3A_113, %while3A_118 : i32
      %while3A_120 = arith.constant 1 : i32
      scf.for %while3A_130 = %while3A_113 to %while3A_119 step %while3A_120  : i32 {
        %mul3A_131 = arith.constant 8192 : i32
        %mul3A_132 = arith.muli %while3A_130, %mul3A_131 : i32
        %add3A_133 = arith.addi %add3A_103, %mul3A_132 : i32
        %and3A = arith.constant -8 : i32
        %and3A_134 = arith.andi %add3A_133, %and3A : i32
        %multiple_of3A = tpu.assume_multiple %and3A_134, 8 : i32
        "tpu.region"() ({
          %run_scoped3A = tpu.sem_alloc : memref<!tpu.dma_semaphore, #tpu.memory_space<semaphore_mem>>
          %dma_start3A = tpu.memref_slice %arg2[%multiple_of3A] : memref<1065088xi32, #tpu.memory_space<hbm>> -> memref<8208xi32, #tpu.memory_space<hbm>>
          %dma_start3A_141 = tpu.memref_slice %arg2[%multiple_of3A] : memref<1065088xi32, #tpu.memory_space<hbm>> -> memref<8208xi32, #tpu.memory_space<hbm>>
          tpu.enqueue_dma source(%dma_start3A_141 : memref<8208xi32, #tpu.memory_space<hbm>>) target(%arg9 : memref<8208xi32, #tpu.memory_space<vmem>>) target_semaphore(%run_scoped3A : memref<!tpu.dma_semaphore, #tpu.memory_space<semaphore_mem>>)
          %dma_wait3A = tpu.memref_slice %arg2[%multiple_of3A] : memref<1065088xi32, #tpu.memory_space<hbm>> -> memref<8208xi32, #tpu.memory_space<hbm>>
          %dma_wait3A_142 = tpu.memref_slice %arg2[%multiple_of3A] : memref<1065088xi32, #tpu.memory_space<hbm>> -> memref<8208xi32, #tpu.memory_space<hbm>>
          tpu.wait_dma2 semaphore(%run_scoped3A : memref<!tpu.dma_semaphore, #tpu.memory_space<semaphore_mem>>) src(%dma_wait3A_142 : memref<8208xi32, #tpu.memory_space<hbm>>) dst(%arg9 : memref<8208xi32, #tpu.memory_space<vmem>>)
          tpu.yield
        }) : () -> ()
        "tpu.region"() ({
          %run_scoped3A = tpu.sem_alloc : memref<!tpu.dma_semaphore, #tpu.memory_space<semaphore_mem>>
          %dma_start3A = tpu.memref_slice %arg3[%multiple_of3A] : memref<1065088xf32, #tpu.memory_space<hbm>> -> memref<8192xf32, #tpu.memory_space<hbm>>
          %dma_start3A_141 = tpu.memref_slice %arg3[%multiple_of3A] : memref<1065088xf32, #tpu.memory_space<hbm>> -> memref<8192xf32, #tpu.memory_space<hbm>>
          tpu.enqueue_dma source(%dma_start3A_141 : memref<8192xf32, #tpu.memory_space<hbm>>) target(%arg10 : memref<8192xf32, #tpu.memory_space<vmem>>) target_semaphore(%run_scoped3A : memref<!tpu.dma_semaphore, #tpu.memory_space<semaphore_mem>>)
          %dma_wait3A = tpu.memref_slice %arg3[%multiple_of3A] : memref<1065088xf32, #tpu.memory_space<hbm>> -> memref<8192xf32, #tpu.memory_space<hbm>>
          %dma_wait3A_142 = tpu.memref_slice %arg3[%multiple_of3A] : memref<1065088xf32, #tpu.memory_space<hbm>> -> memref<8192xf32, #tpu.memory_space<hbm>>
          tpu.wait_dma2 semaphore(%run_scoped3A : memref<!tpu.dma_semaphore, #tpu.memory_space<semaphore_mem>>) src(%dma_wait3A_142 : memref<8192xf32, #tpu.memory_space<hbm>>) dst(%arg10 : memref<8192xf32, #tpu.memory_space<vmem>>)
          tpu.yield
        }) : () -> ()
        %scan3A_135 = arith.constant 0 : i32
        %scan3A_136 = arith.constant 0 : i32
        %scan3A_137 = arith.constant 512 : i32
        %scan3A_138 = arith.addi %scan3A_136, %scan3A_137 : i32
        %scan3A_139 = arith.constant 1 : i32
        scf.for %scan3A_141 = %scan3A_136 to %scan3A_138 step %scan3A_139  : i32 {
          %mul3A_142 = arith.constant 16 : i32
          %mul3A_143 = arith.muli %scan3A_141, %mul3A_142 : i32
          %get3A_144 = arith.index_cast %mul3A_143 : i32 to index
          %get3A_145 = tpu.vector_load %arg9[%get3A_144] {strides = array<i32>} : memref<8208xi32, #tpu.memory_space<vmem>>, vector<16xi32>,
          %get3A_146 = vector.shape_cast %get3A_145 : vector<16xi32> to vector<16xi32>
          %add3A_147 = arith.constant 1 : i32
          %add3A_148 = arith.addi %mul3A_143, %add3A_147 : i32
          %get3A_149 = arith.index_cast %add3A_148 : i32 to index
          %get3A_150 = tpu.vector_load %arg9[%get3A_149] {strides = array<i32>} : memref<8208xi32, #tpu.memory_space<vmem>>, vector<16xi32>,
          %get3A_151 = vector.shape_cast %get3A_150 : vector<16xi32> to vector<16xi32>
          %add3A_152 = arith.addi %multiple_of3A, %mul3A_143 : i32
          %add3A_153 = vector.broadcast %add3A_152 : i32 to vector<16xi32>
          %add3A_154 = arith.addi %add3A_153, %iota3A : vector<16xi32>
          %ne3A = arith.cmpi ne, %get3A_146, %get3A_151 : vector<16xi32>
          %ge3A = vector.broadcast %add3A_103 : i32 to vector<16xi32>
          %ge3A_155 = arith.cmpi sge, %add3A_154, %ge3A : vector<16xi32>
          %and3A_156 = arith.andi %ne3A, %ge3A_155 : vector<16xi1>
          %lt3A = vector.broadcast %min3A : i32 to vector<16xi32>
          %lt3A_157 = arith.cmpi slt, %add3A_154, %lt3A : vector<16xi32>
          %and3A_158 = arith.andi %and3A_156, %lt3A_157 : vector<16xi1>
          %and3A_159 = arith.constant 112 : i32
          %and3A_160 = arith.andi %mul3A_143, %and3A_159 : i32
          %add3A_161 = arith.constant 1048576 : i32
          %add3A_162 = arith.addi %add3A_161, %and3A_160 : i32
          %add3A_163 = vector.broadcast %add3A_162 : i32 to vector<16xi32>
          %add3A_164 = arith.addi %add3A_163, %iota3A : vector<16xi32>
          %sub3A_165 = arith.constant 11534336 : i32
          %sub3A_166 = vector.broadcast %sub3A_165 : i32 to vector<16xi32>
          %sub3A_167 = arith.subi %get3A_146, %sub3A_166 : vector<16xi32>
          %select_n3A = arith.select %and3A_158, %sub3A_167, %add3A_164 : vector<16xi1>, vector<16xi32>
          %swap3A = arith.index_cast %mul3A_143 : i32 to index
          %swap3A_168 = tpu.vector_load %arg11[%swap3A] {strides = array<i32>} : memref<8192xi32, #tpu.memory_space<vmem>>, vector<16xi32>,
          %swap3A_169 = vector.shape_cast %swap3A_168 : vector<16xi32> to vector<16xi32>
          %swap3A_170 = vector.shape_cast %select_n3A : vector<16xi32> to vector<16xi32>
          tpu.vector_store %arg11[%swap3A], %swap3A_170 {strides = array<i32>} : memref<8192xi32, #tpu.memory_space<vmem>>, vector<16xi32>,
        }
        %scan3A_140 = arith.constant 512 : i32
        "tpu.region"() ({
          %run_scoped3A = tpu.sem_alloc : memref<!tpu.dma_semaphore, #tpu.memory_space<semaphore_mem>>
          %dma_start3A = arith.constant 0 : i32
          %dma_start3A_141 = tpu.memref_slice %arg6[%dma_start3A] : memref<1048704xf32, #tpu.memory_space<vmem_shared>> -> memref<1048704xf32, #tpu.memory_space<vmem_shared>>
          tpu.enqueue_indirect_dma source(%arg10 : memref<8192xf32, #tpu.memory_space<vmem>>) target(%dma_start3A_141 : memref<1048704xf32, #tpu.memory_space<vmem_shared>>) offsets(%arg11 : memref<8192xi32, #tpu.memory_space<vmem>>) semaphore(%run_scoped3A : memref<!tpu.dma_semaphore, #tpu.memory_space<semaphore_mem>>) {add = true}
          %dma_wait3A = arith.constant 0 : i32
          %dma_wait3A_142 = tpu.memref_slice %arg6[%dma_wait3A] : memref<1048704xf32, #tpu.memory_space<vmem_shared>> -> memref<1048704xf32, #tpu.memory_space<vmem_shared>>
          tpu.wait_indirect_dma semaphore(%run_scoped3A : memref<!tpu.dma_semaphore, #tpu.memory_space<semaphore_mem>>) src(%arg10 : memref<8192xf32, #tpu.memory_space<vmem>>) dst(%dma_wait3A_142 : memref<1048704xf32, #tpu.memory_space<vmem_shared>>)
          tpu.yield
        }) : () -> ()
      }
      %while3A_121 = arith.constant 1 : i32
      scf.for %while3A_130 = %while3A_119 to %while3A_115 step %while3A_121  : i32 {
        %mul3A_131 = arith.constant 8192 : i32
        %mul3A_132 = arith.muli %while3A_130, %mul3A_131 : i32
        %add3A_133 = arith.addi %add3A_103, %mul3A_132 : i32
        %and3A = arith.constant -8 : i32
        %and3A_134 = arith.andi %add3A_133, %and3A : i32
        %multiple_of3A = tpu.assume_multiple %and3A_134, 8 : i32
        "tpu.region"() ({
          %run_scoped3A = tpu.sem_alloc : memref<!tpu.dma_semaphore, #tpu.memory_space<semaphore_mem>>
          %dma_start3A = tpu.memref_slice %arg2[%multiple_of3A] : memref<1065088xi32, #tpu.memory_space<hbm>> -> memref<8208xi32, #tpu.memory_space<hbm>>
          %dma_start3A_141 = tpu.memref_slice %arg2[%multiple_of3A] : memref<1065088xi32, #tpu.memory_space<hbm>> -> memref<8208xi32, #tpu.memory_space<hbm>>
          tpu.enqueue_dma source(%dma_start3A_141 : memref<8208xi32, #tpu.memory_space<hbm>>) target(%arg9 : memref<8208xi32, #tpu.memory_space<vmem>>) target_semaphore(%run_scoped3A : memref<!tpu.dma_semaphore, #tpu.memory_space<semaphore_mem>>)
          %dma_wait3A = tpu.memref_slice %arg2[%multiple_of3A] : memref<1065088xi32, #tpu.memory_space<hbm>> -> memref<8208xi32, #tpu.memory_space<hbm>>
          %dma_wait3A_142 = tpu.memref_slice %arg2[%multiple_of3A] : memref<1065088xi32, #tpu.memory_space<hbm>> -> memref<8208xi32, #tpu.memory_space<hbm>>
          tpu.wait_dma2 semaphore(%run_scoped3A : memref<!tpu.dma_semaphore, #tpu.memory_space<semaphore_mem>>) src(%dma_wait3A_142 : memref<8208xi32, #tpu.memory_space<hbm>>) dst(%arg9 : memref<8208xi32, #tpu.memory_space<vmem>>)
          tpu.yield
        }) : () -> ()
        "tpu.region"() ({
          %run_scoped3A = tpu.sem_alloc : memref<!tpu.dma_semaphore, #tpu.memory_space<semaphore_mem>>
          %dma_start3A = tpu.memref_slice %arg3[%multiple_of3A] : memref<1065088xf32, #tpu.memory_space<hbm>> -> memref<8192xf32, #tpu.memory_space<hbm>>
          %dma_start3A_141 = tpu.memref_slice %arg3[%multiple_of3A] : memref<1065088xf32, #tpu.memory_space<hbm>> -> memref<8192xf32, #tpu.memory_space<hbm>>
          tpu.enqueue_dma source(%dma_start3A_141 : memref<8192xf32, #tpu.memory_space<hbm>>) target(%arg10 : memref<8192xf32, #tpu.memory_space<vmem>>) target_semaphore(%run_scoped3A : memref<!tpu.dma_semaphore, #tpu.memory_space<semaphore_mem>>)
          %dma_wait3A = tpu.memref_slice %arg3[%multiple_of3A] : memref<1065088xf32, #tpu.memory_space<hbm>> -> memref<8192xf32, #tpu.memory_space<hbm>>
          %dma_wait3A_142 = tpu.memref_slice %arg3[%multiple_of3A] : memref<1065088xf32, #tpu.memory_space<hbm>> -> memref<8192xf32, #tpu.memory_space<hbm>>
          tpu.wait_dma2 semaphore(%run_scoped3A : memref<!tpu.dma_semaphore, #tpu.memory_space<semaphore_mem>>) src(%dma_wait3A_142 : memref<8192xf32, #tpu.memory_space<hbm>>) dst(%arg10 : memref<8192xf32, #tpu.memory_space<vmem>>)
          tpu.yield
        }) : () -> ()
        %scan3A_135 = arith.constant 0 : i32
        %scan3A_136 = arith.constant 0 : i32
        %scan3A_137 = arith.constant 512 : i32
        %scan3A_138 = arith.addi %scan3A_136, %scan3A_137 : i32
        %scan3A_139 = arith.constant 1 : i32
        scf.for %scan3A_141 = %scan3A_136 to %scan3A_138 step %scan3A_139  : i32 {
          %mul3A_142 = arith.constant 16 : i32
          %mul3A_143 = arith.muli %scan3A_141, %mul3A_142 : i32
          %get3A_144 = arith.index_cast %mul3A_143 : i32 to index
          %get3A_145 = tpu.vector_load %arg9[%get3A_144] {strides = array<i32>} : memref<8208xi32, #tpu.memory_space<vmem>>, vector<16xi32>,
          %get3A_146 = vector.shape_cast %get3A_145 : vector<16xi32> to vector<16xi32>
          %add3A_147 = arith.constant 1 : i32
          %add3A_148 = arith.addi %mul3A_143, %add3A_147 : i32
          %get3A_149 = arith.index_cast %add3A_148 : i32 to index
          %get3A_150 = tpu.vector_load %arg9[%get3A_149] {strides = array<i32>} : memref<8208xi32, #tpu.memory_space<vmem>>, vector<16xi32>,
          %get3A_151 = vector.shape_cast %get3A_150 : vector<16xi32> to vector<16xi32>
          %add3A_152 = arith.addi %multiple_of3A, %mul3A_143 : i32
          %add3A_153 = vector.broadcast %add3A_152 : i32 to vector<16xi32>
          %add3A_154 = arith.addi %add3A_153, %iota3A : vector<16xi32>
          %ne3A = arith.cmpi ne, %get3A_146, %get3A_151 : vector<16xi32>
          %ge3A = vector.broadcast %add3A_103 : i32 to vector<16xi32>
          %ge3A_155 = arith.cmpi sge, %add3A_154, %ge3A : vector<16xi32>
          %and3A_156 = arith.andi %ne3A, %ge3A_155 : vector<16xi1>
          %lt3A = vector.broadcast %min3A : i32 to vector<16xi32>
          %lt3A_157 = arith.cmpi slt, %add3A_154, %lt3A : vector<16xi32>
          %and3A_158 = arith.andi %and3A_156, %lt3A_157 : vector<16xi1>
          %and3A_159 = arith.constant 112 : i32
          %and3A_160 = arith.andi %mul3A_143, %and3A_159 : i32
          %add3A_161 = arith.constant 1048576 : i32
          %add3A_162 = arith.addi %add3A_161, %and3A_160 : i32
          %add3A_163 = vector.broadcast %add3A_162 : i32 to vector<16xi32>
          %add3A_164 = arith.addi %add3A_163, %iota3A : vector<16xi32>
          %sub3A_165 = arith.constant 11534336 : i32
          %sub3A_166 = vector.broadcast %sub3A_165 : i32 to vector<16xi32>
          %sub3A_167 = arith.subi %get3A_146, %sub3A_166 : vector<16xi32>
          %select_n3A = arith.select %and3A_158, %sub3A_167, %add3A_164 : vector<16xi1>, vector<16xi32>
          %swap3A = arith.index_cast %mul3A_143 : i32 to index
          %swap3A_168 = tpu.vector_load %arg11[%swap3A] {strides = array<i32>} : memref<8192xi32, #tpu.memory_space<vmem>>, vector<16xi32>,
          %swap3A_169 = vector.shape_cast %swap3A_168 : vector<16xi32> to vector<16xi32>
          %swap3A_170 = vector.shape_cast %select_n3A : vector<16xi32> to vector<16xi32>
          tpu.vector_store %arg11[%swap3A], %swap3A_170 {strides = array<i32>} : memref<8192xi32, #tpu.memory_space<vmem>>, vector<16xi32>,
        }
        %scan3A_140 = arith.constant 512 : i32
        "tpu.region"() ({
          %run_scoped3A = tpu.sem_alloc : memref<!tpu.dma_semaphore, #tpu.memory_space<semaphore_mem>>
          %dma_start3A = arith.constant 0 : i32
          %dma_start3A_141 = tpu.memref_slice %arg6[%dma_start3A] : memref<1048704xf32, #tpu.memory_space<vmem_shared>> -> memref<1048704xf32, #tpu.memory_space<vmem_shared>>
          tpu.enqueue_indirect_dma source(%arg10 : memref<8192xf32, #tpu.memory_space<vmem>>) target(%dma_start3A_141 : memref<1048704xf32, #tpu.memory_space<vmem_shared>>) offsets(%arg11 : memref<8192xi32, #tpu.memory_space<vmem>>) semaphore(%run_scoped3A : memref<!tpu.dma_semaphore, #tpu.memory_space<semaphore_mem>>) {add = true}
          %dma_wait3A = arith.constant 0 : i32
          %dma_wait3A_142 = tpu.memref_slice %arg6[%dma_wait3A] : memref<1048704xf32, #tpu.memory_space<vmem_shared>> -> memref<1048704xf32, #tpu.memory_space<vmem_shared>>
          tpu.wait_indirect_dma semaphore(%run_scoped3A : memref<!tpu.dma_semaphore, #tpu.memory_space<semaphore_mem>>) src(%arg10 : memref<8192xf32, #tpu.memory_space<vmem>>) dst(%dma_wait3A_142 : memref<1048704xf32, #tpu.memory_space<vmem_shared>>)
          tpu.yield
        }) : () -> ()
      }
      %barrier3A_122 = arith.constant 0 : index
      tpu.barrier barrier_id(%barrier3A_122)
      %mul3A_123 = arith.constant 65536 : i32
      %mul3A_124 = arith.muli %arg1, %mul3A_123 : i32
      %mul3A_125 = arith.constant 65536 : i32
      %mul3A_126 = arith.muli %arg1, %mul3A_125 : i32
      %add3A_127 = arith.constant 11534336 : i32
      %add3A_128 = arith.addi %add3A_127, %mul3A_126 : i32
      "tpu.region"() ({
        %run_scoped3A = tpu.sem_alloc : memref<!tpu.dma_semaphore, #tpu.memory_space<semaphore_mem>>
        %dma_start3A = tpu.memref_slice %arg5[%add3A_128] : memref<16777216xf32, #tpu.memory_space<hbm>> -> memref<65536xf32, #tpu.memory_space<hbm>>
        %dma_start3A_130 = tpu.memref_slice %arg6[%mul3A_124] : memref<1048704xf32, #tpu.memory_space<vmem_shared>> -> memref<65536xf32, #tpu.memory_space<vmem_shared>>
        tpu.enqueue_dma source(%dma_start3A_130 : memref<65536xf32, #tpu.memory_space<vmem_shared>>) target(%dma_start3A : memref<65536xf32, #tpu.memory_space<hbm>>) target_semaphore(%run_scoped3A : memref<!tpu.dma_semaphore, #tpu.memory_space<semaphore_mem>>)
        %dma_wait3A = tpu.memref_slice %arg5[%add3A_128] : memref<16777216xf32, #tpu.memory_space<hbm>> -> memref<65536xf32, #tpu.memory_space<hbm>>
        %dma_wait3A_131 = tpu.memref_slice %arg6[%mul3A_124] : memref<1048704xf32, #tpu.memory_space<vmem_shared>> -> memref<65536xf32, #tpu.memory_space<vmem_shared>>
        tpu.wait_dma2 semaphore(%run_scoped3A : memref<!tpu.dma_semaphore, #tpu.memory_space<semaphore_mem>>) src(%dma_wait3A_131 : memref<65536xf32, #tpu.memory_space<vmem_shared>>) dst(%dma_wait3A : memref<65536xf32, #tpu.memory_space<hbm>>)
        tpu.yield
      }) : () -> ()
      %barrier3A_129 = arith.constant 0 : index
      tpu.barrier barrier_id(%barrier3A_129)
    } else {
    }
    %eq3A_47 = arith.constant 0 : i32
    %eq3A_48 = arith.cmpi eq, %arg0, %eq3A_47 : i32
    %convert_element_type3A_49 = arith.extui %eq3A_48 : i1 to i32
    %cond3A_50 = arith.constant 0 : i32
    %cond3A_51 = arith.cmpi ne, %convert_element_type3A_49, %cond3A_50 : i32
    scf.if %cond3A_51 {
      %scan3A_87 = arith.constant 0 : i32
      %scan3A_88 = arith.constant 0 : i32
      %scan3A_89 = arith.constant 4 : i32
      %scan3A_90 = arith.addi %scan3A_88, %scan3A_89 : i32
      %scan3A_91 = arith.constant 1 : i32
      scf.for %scan3A_130 = %scan3A_88 to %scan3A_90 step %scan3A_91  : i32 {
        %mul3A_131 = arith.constant 65536 : i32
        %mul3A_132 = arith.muli %arg1, %mul3A_131 : i32
        %mul3A_133 = arith.constant 16384 : i32
        %mul3A_134 = arith.muli %scan3A_130, %mul3A_133 : i32
        %add3A_135 = arith.addi %mul3A_132, %mul3A_134 : i32
        %dma_start3A = tpu.memref_slice %arg6[%add3A_135] : memref<1048704xf32, #tpu.memory_space<vmem_shared>> -> memref<16384xf32, #tpu.memory_space<vmem_shared>>
        %dma_start3A_136 = tpu.memref_slice %arg6[%add3A_135] : memref<1048704xf32, #tpu.memory_space<vmem_shared>> -> memref<16384xf32, #tpu.memory_space<vmem_shared>>
        tpu.enqueue_dma source(%arg7 : memref<16384xf32, #tpu.memory_space<vmem>>) target(%dma_start3A_136 : memref<16384xf32, #tpu.memory_space<vmem_shared>>) target_semaphore(%arg12 : memref<!tpu.dma_semaphore, #tpu.memory_space<semaphore_mem>>)
      }
      %scan3A_92 = arith.constant 4 : i32
      %scan3A_93 = arith.constant 0 : i32
      %scan3A_94 = arith.constant 0 : i32
      %scan3A_95 = arith.constant 4 : i32
      %scan3A_96 = arith.addi %scan3A_94, %scan3A_95 : i32
      %scan3A_97 = arith.constant 1 : i32
      scf.for %scan3A_130 = %scan3A_94 to %scan3A_96 step %scan3A_97  : i32 {
        %mul3A_131 = arith.constant 65536 : i32
        %mul3A_132 = arith.muli %arg1, %mul3A_131 : i32
        %mul3A_133 = arith.constant 16384 : i32
        %mul3A_134 = arith.muli %scan3A_130, %mul3A_133 : i32
        %add3A_135 = arith.addi %mul3A_132, %mul3A_134 : i32
        %dma_wait3A = tpu.memref_slice %arg6[%add3A_135] : memref<1048704xf32, #tpu.memory_space<vmem_shared>> -> memref<16384xf32, #tpu.memory_space<vmem_shared>>
        %dma_wait3A_136 = tpu.memref_slice %arg6[%add3A_135] : memref<1048704xf32, #tpu.memory_space<vmem_shared>> -> memref<16384xf32, #tpu.memory_space<vmem_shared>>
        tpu.wait_dma2 semaphore(%arg12 : memref<!tpu.dma_semaphore, #tpu.memory_space<semaphore_mem>>) src(%arg7 : memref<16384xf32, #tpu.memory_space<vmem>>) dst(%dma_wait3A_136 : memref<16384xf32, #tpu.memory_space<vmem_shared>>)
      }
      %scan3A_98 = arith.constant 4 : i32
      %barrier3A = arith.constant 0 : index
      tpu.barrier barrier_id(%barrier3A)
      %slice3A = vector.extract_strided_slice %get3A_6 {offsets = [4], sizes = [1], strides = [1]} : vector<16xi32> to vector<1xi32>
      %squeeze3A = vector.extract %slice3A[0] : i32 from vector<1xi32>
      %slice3A_99 = vector.extract_strided_slice %get3A_9 {offsets = [4], sizes = [1], strides = [1]} : vector<16xi32> to vector<1xi32>
      %squeeze3A_100 = vector.extract %slice3A_99[0] : i32 from vector<1xi32>
      %sub3A = arith.subi %squeeze3A_100, %squeeze3A : i32
      %add3A = arith.constant 15 : i32
      %add3A_101 = arith.addi %sub3A, %add3A : i32
      %shift_right_arithmetic3A = arith.constant 4 : i32
      %shift_right_arithmetic3A_102 = arith.shrsi %add3A_101, %shift_right_arithmetic3A : i32
      %mul3A = arith.muli %arg1, %shift_right_arithmetic3A_102 : i32
      %add3A_103 = arith.addi %squeeze3A, %mul3A : i32
      %add3A_104 = arith.addi %add3A_103, %shift_right_arithmetic3A_102 : i32
      %min3A = arith.minsi %add3A_104, %squeeze3A_100 : i32
      %add3A_105 = arith.constant 8 : i32
      %add3A_106 = arith.addi %shift_right_arithmetic3A_102, %add3A_105 : i32
      %add3A_107 = arith.constant 8192 : i32
      %add3A_108 = arith.addi %add3A_106, %add3A_107 : i32
      %sub3A_109 = arith.constant 1 : i32
      %sub3A_110 = arith.subi %add3A_108, %sub3A_109 : i32
      %shift_right_arithmetic3A_111 = arith.constant 13 : i32
      %shift_right_arithmetic3A_112 = arith.shrsi %sub3A_110, %shift_right_arithmetic3A_111 : i32
      %while3A = arith.constant 0 : i32
      %while3A_113 = arith.constant 0 : i32
      %while3A_114 = arith.subi %shift_right_arithmetic3A_112, %while3A_113 : i32
      %while3A_115 = arith.addi %while3A_113, %while3A_114 : i32
      %while3A_116 = arith.constant 1 : i32
      %while3A_117 = arith.divsi %while3A_114, %while3A_116 : i32
      %while3A_118 = arith.muli %while3A_117, %while3A_116 : i32
      %while3A_119 = arith.addi %while3A_113, %while3A_118 : i32
      %while3A_120 = arith.constant 1 : i32
      scf.for %while3A_130 = %while3A_113 to %while3A_119 step %while3A_120  : i32 {
        %mul3A_131 = arith.constant 8192 : i32
        %mul3A_132 = arith.muli %while3A_130, %mul3A_131 : i32
        %add3A_133 = arith.addi %add3A_103, %mul3A_132 : i32
        %and3A = arith.constant -8 : i32
        %and3A_134 = arith.andi %add3A_133, %and3A : i32
        %multiple_of3A = tpu.assume_multiple %and3A_134, 8 : i32
        "tpu.region"() ({
          %run_scoped3A = tpu.sem_alloc : memref<!tpu.dma_semaphore, #tpu.memory_space<semaphore_mem>>
          %dma_start3A = tpu.memref_slice %arg2[%multiple_of3A] : memref<1065088xi32, #tpu.memory_space<hbm>> -> memref<8208xi32, #tpu.memory_space<hbm>>
          %dma_start3A_141 = tpu.memref_slice %arg2[%multiple_of3A] : memref<1065088xi32, #tpu.memory_space<hbm>> -> memref<8208xi32, #tpu.memory_space<hbm>>
          tpu.enqueue_dma source(%dma_start3A_141 : memref<8208xi32, #tpu.memory_space<hbm>>) target(%arg9 : memref<8208xi32, #tpu.memory_space<vmem>>) target_semaphore(%run_scoped3A : memref<!tpu.dma_semaphore, #tpu.memory_space<semaphore_mem>>)
          %dma_wait3A = tpu.memref_slice %arg2[%multiple_of3A] : memref<1065088xi32, #tpu.memory_space<hbm>> -> memref<8208xi32, #tpu.memory_space<hbm>>
          %dma_wait3A_142 = tpu.memref_slice %arg2[%multiple_of3A] : memref<1065088xi32, #tpu.memory_space<hbm>> -> memref<8208xi32, #tpu.memory_space<hbm>>
          tpu.wait_dma2 semaphore(%run_scoped3A : memref<!tpu.dma_semaphore, #tpu.memory_space<semaphore_mem>>) src(%dma_wait3A_142 : memref<8208xi32, #tpu.memory_space<hbm>>) dst(%arg9 : memref<8208xi32, #tpu.memory_space<vmem>>)
          tpu.yield
        }) : () -> ()
        "tpu.region"() ({
          %run_scoped3A = tpu.sem_alloc : memref<!tpu.dma_semaphore, #tpu.memory_space<semaphore_mem>>
          %dma_start3A = tpu.memref_slice %arg3[%multiple_of3A] : memref<1065088xf32, #tpu.memory_space<hbm>> -> memref<8192xf32, #tpu.memory_space<hbm>>
          %dma_start3A_141 = tpu.memref_slice %arg3[%multiple_of3A] : memref<1065088xf32, #tpu.memory_space<hbm>> -> memref<8192xf32, #tpu.memory_space<hbm>>
          tpu.enqueue_dma source(%dma_start3A_141 : memref<8192xf32, #tpu.memory_space<hbm>>) target(%arg10 : memref<8192xf32, #tpu.memory_space<vmem>>) target_semaphore(%run_scoped3A : memref<!tpu.dma_semaphore, #tpu.memory_space<semaphore_mem>>)
          %dma_wait3A = tpu.memref_slice %arg3[%multiple_of3A] : memref<1065088xf32, #tpu.memory_space<hbm>> -> memref<8192xf32, #tpu.memory_space<hbm>>
          %dma_wait3A_142 = tpu.memref_slice %arg3[%multiple_of3A] : memref<1065088xf32, #tpu.memory_space<hbm>> -> memref<8192xf32, #tpu.memory_space<hbm>>
          tpu.wait_dma2 semaphore(%run_scoped3A : memref<!tpu.dma_semaphore, #tpu.memory_space<semaphore_mem>>) src(%dma_wait3A_142 : memref<8192xf32, #tpu.memory_space<hbm>>) dst(%arg10 : memref<8192xf32, #tpu.memory_space<vmem>>)
          tpu.yield
        }) : () -> ()
        %scan3A_135 = arith.constant 0 : i32
        %scan3A_136 = arith.constant 0 : i32
        %scan3A_137 = arith.constant 512 : i32
        %scan3A_138 = arith.addi %scan3A_136, %scan3A_137 : i32
        %scan3A_139 = arith.constant 1 : i32
        scf.for %scan3A_141 = %scan3A_136 to %scan3A_138 step %scan3A_139  : i32 {
          %mul3A_142 = arith.constant 16 : i32
          %mul3A_143 = arith.muli %scan3A_141, %mul3A_142 : i32
          %get3A_144 = arith.index_cast %mul3A_143 : i32 to index
          %get3A_145 = tpu.vector_load %arg9[%get3A_144] {strides = array<i32>} : memref<8208xi32, #tpu.memory_space<vmem>>, vector<16xi32>,
          %get3A_146 = vector.shape_cast %get3A_145 : vector<16xi32> to vector<16xi32>
          %add3A_147 = arith.constant 1 : i32
          %add3A_148 = arith.addi %mul3A_143, %add3A_147 : i32
          %get3A_149 = arith.index_cast %add3A_148 : i32 to index
          %get3A_150 = tpu.vector_load %arg9[%get3A_149] {strides = array<i32>} : memref<8208xi32, #tpu.memory_space<vmem>>, vector<16xi32>,
          %get3A_151 = vector.shape_cast %get3A_150 : vector<16xi32> to vector<16xi32>
          %add3A_152 = arith.addi %multiple_of3A, %mul3A_143 : i32
          %add3A_153 = vector.broadcast %add3A_152 : i32 to vector<16xi32>
          %add3A_154 = arith.addi %add3A_153, %iota3A : vector<16xi32>
          %ne3A = arith.cmpi ne, %get3A_146, %get3A_151 : vector<16xi32>
          %ge3A = vector.broadcast %add3A_103 : i32 to vector<16xi32>
          %ge3A_155 = arith.cmpi sge, %add3A_154, %ge3A : vector<16xi32>
          %and3A_156 = arith.andi %ne3A, %ge3A_155 : vector<16xi1>
          %lt3A = vector.broadcast %min3A : i32 to vector<16xi32>
          %lt3A_157 = arith.cmpi slt, %add3A_154, %lt3A : vector<16xi32>
          %and3A_158 = arith.andi %and3A_156, %lt3A_157 : vector<16xi1>
          %and3A_159 = arith.constant 112 : i32
          %and3A_160 = arith.andi %mul3A_143, %and3A_159 : i32
          %add3A_161 = arith.constant 1048576 : i32
          %add3A_162 = arith.addi %add3A_161, %and3A_160 : i32
          %add3A_163 = vector.broadcast %add3A_162 : i32 to vector<16xi32>
          %add3A_164 = arith.addi %add3A_163, %iota3A : vector<16xi32>
          %sub3A_165 = arith.constant 4194304 : i32
          %sub3A_166 = vector.broadcast %sub3A_165 : i32 to vector<16xi32>
          %sub3A_167 = arith.subi %get3A_146, %sub3A_166 : vector<16xi32>
          %select_n3A = arith.select %and3A_158, %sub3A_167, %add3A_164 : vector<16xi1>, vector<16xi32>
          %swap3A = arith.index_cast %mul3A_143 : i32 to index
          %swap3A_168 = tpu.vector_load %arg11[%swap3A] {strides = array<i32>} : memref<8192xi32, #tpu.memory_space<vmem>>, vector<16xi32>,
          %swap3A_169 = vector.shape_cast %swap3A_168 : vector<16xi32> to vector<16xi32>
          %swap3A_170 = vector.shape_cast %select_n3A : vector<16xi32> to vector<16xi32>
          tpu.vector_store %arg11[%swap3A], %swap3A_170 {strides = array<i32>} : memref<8192xi32, #tpu.memory_space<vmem>>, vector<16xi32>,
        }
        %scan3A_140 = arith.constant 512 : i32
        "tpu.region"() ({
          %run_scoped3A = tpu.sem_alloc : memref<!tpu.dma_semaphore, #tpu.memory_space<semaphore_mem>>
          %dma_start3A = arith.constant 0 : i32
          %dma_start3A_141 = tpu.memref_slice %arg6[%dma_start3A] : memref<1048704xf32, #tpu.memory_space<vmem_shared>> -> memref<1048704xf32, #tpu.memory_space<vmem_shared>>
          tpu.enqueue_indirect_dma source(%arg10 : memref<8192xf32, #tpu.memory_space<vmem>>) target(%dma_start3A_141 : memref<1048704xf32, #tpu.memory_space<vmem_shared>>) offsets(%arg11 : memref<8192xi32, #tpu.memory_space<vmem>>) semaphore(%run_scoped3A : memref<!tpu.dma_semaphore, #tpu.memory_space<semaphore_mem>>) {add = true}
          %dma_wait3A = arith.constant 0 : i32
          %dma_wait3A_142 = tpu.memref_slice %arg6[%dma_wait3A] : memref<1048704xf32, #tpu.memory_space<vmem_shared>> -> memref<1048704xf32, #tpu.memory_space<vmem_shared>>
          tpu.wait_indirect_dma semaphore(%run_scoped3A : memref<!tpu.dma_semaphore, #tpu.memory_space<semaphore_mem>>) src(%arg10 : memref<8192xf32, #tpu.memory_space<vmem>>) dst(%dma_wait3A_142 : memref<1048704xf32, #tpu.memory_space<vmem_shared>>)
          tpu.yield
        }) : () -> ()
      }
      %while3A_121 = arith.constant 1 : i32
      scf.for %while3A_130 = %while3A_119 to %while3A_115 step %while3A_121  : i32 {
        %mul3A_131 = arith.constant 8192 : i32
        %mul3A_132 = arith.muli %while3A_130, %mul3A_131 : i32
        %add3A_133 = arith.addi %add3A_103, %mul3A_132 : i32
        %and3A = arith.constant -8 : i32
        %and3A_134 = arith.andi %add3A_133, %and3A : i32
        %multiple_of3A = tpu.assume_multiple %and3A_134, 8 : i32
        "tpu.region"() ({
          %run_scoped3A = tpu.sem_alloc : memref<!tpu.dma_semaphore, #tpu.memory_space<semaphore_mem>>
          %dma_start3A = tpu.memref_slice %arg2[%multiple_of3A] : memref<1065088xi32, #tpu.memory_space<hbm>> -> memref<8208xi32, #tpu.memory_space<hbm>>
          %dma_start3A_141 = tpu.memref_slice %arg2[%multiple_of3A] : memref<1065088xi32, #tpu.memory_space<hbm>> -> memref<8208xi32, #tpu.memory_space<hbm>>
          tpu.enqueue_dma source(%dma_start3A_141 : memref<8208xi32, #tpu.memory_space<hbm>>) target(%arg9 : memref<8208xi32, #tpu.memory_space<vmem>>) target_semaphore(%run_scoped3A : memref<!tpu.dma_semaphore, #tpu.memory_space<semaphore_mem>>)
          %dma_wait3A = tpu.memref_slice %arg2[%multiple_of3A] : memref<1065088xi32, #tpu.memory_space<hbm>> -> memref<8208xi32, #tpu.memory_space<hbm>>
          %dma_wait3A_142 = tpu.memref_slice %arg2[%multiple_of3A] : memref<1065088xi32, #tpu.memory_space<hbm>> -> memref<8208xi32, #tpu.memory_space<hbm>>
          tpu.wait_dma2 semaphore(%run_scoped3A : memref<!tpu.dma_semaphore, #tpu.memory_space<semaphore_mem>>) src(%dma_wait3A_142 : memref<8208xi32, #tpu.memory_space<hbm>>) dst(%arg9 : memref<8208xi32, #tpu.memory_space<vmem>>)
          tpu.yield
        }) : () -> ()
        "tpu.region"() ({
          %run_scoped3A = tpu.sem_alloc : memref<!tpu.dma_semaphore, #tpu.memory_space<semaphore_mem>>
          %dma_start3A = tpu.memref_slice %arg3[%multiple_of3A] : memref<1065088xf32, #tpu.memory_space<hbm>> -> memref<8192xf32, #tpu.memory_space<hbm>>
          %dma_start3A_141 = tpu.memref_slice %arg3[%multiple_of3A] : memref<1065088xf32, #tpu.memory_space<hbm>> -> memref<8192xf32, #tpu.memory_space<hbm>>
          tpu.enqueue_dma source(%dma_start3A_141 : memref<8192xf32, #tpu.memory_space<hbm>>) target(%arg10 : memref<8192xf32, #tpu.memory_space<vmem>>) target_semaphore(%run_scoped3A : memref<!tpu.dma_semaphore, #tpu.memory_space<semaphore_mem>>)
          %dma_wait3A = tpu.memref_slice %arg3[%multiple_of3A] : memref<1065088xf32, #tpu.memory_space<hbm>> -> memref<8192xf32, #tpu.memory_space<hbm>>
          %dma_wait3A_142 = tpu.memref_slice %arg3[%multiple_of3A] : memref<1065088xf32, #tpu.memory_space<hbm>> -> memref<8192xf32, #tpu.memory_space<hbm>>
          tpu.wait_dma2 semaphore(%run_scoped3A : memref<!tpu.dma_semaphore, #tpu.memory_space<semaphore_mem>>) src(%dma_wait3A_142 : memref<8192xf32, #tpu.memory_space<hbm>>) dst(%arg10 : memref<8192xf32, #tpu.memory_space<vmem>>)
          tpu.yield
        }) : () -> ()
        %scan3A_135 = arith.constant 0 : i32
        %scan3A_136 = arith.constant 0 : i32
        %scan3A_137 = arith.constant 512 : i32
        %scan3A_138 = arith.addi %scan3A_136, %scan3A_137 : i32
        %scan3A_139 = arith.constant 1 : i32
        scf.for %scan3A_141 = %scan3A_136 to %scan3A_138 step %scan3A_139  : i32 {
          %mul3A_142 = arith.constant 16 : i32
          %mul3A_143 = arith.muli %scan3A_141, %mul3A_142 : i32
          %get3A_144 = arith.index_cast %mul3A_143 : i32 to index
          %get3A_145 = tpu.vector_load %arg9[%get3A_144] {strides = array<i32>} : memref<8208xi32, #tpu.memory_space<vmem>>, vector<16xi32>,
          %get3A_146 = vector.shape_cast %get3A_145 : vector<16xi32> to vector<16xi32>
          %add3A_147 = arith.constant 1 : i32
          %add3A_148 = arith.addi %mul3A_143, %add3A_147 : i32
          %get3A_149 = arith.index_cast %add3A_148 : i32 to index
          %get3A_150 = tpu.vector_load %arg9[%get3A_149] {strides = array<i32>} : memref<8208xi32, #tpu.memory_space<vmem>>, vector<16xi32>,
          %get3A_151 = vector.shape_cast %get3A_150 : vector<16xi32> to vector<16xi32>
          %add3A_152 = arith.addi %multiple_of3A, %mul3A_143 : i32
          %add3A_153 = vector.broadcast %add3A_152 : i32 to vector<16xi32>
          %add3A_154 = arith.addi %add3A_153, %iota3A : vector<16xi32>
          %ne3A = arith.cmpi ne, %get3A_146, %get3A_151 : vector<16xi32>
          %ge3A = vector.broadcast %add3A_103 : i32 to vector<16xi32>
          %ge3A_155 = arith.cmpi sge, %add3A_154, %ge3A : vector<16xi32>
          %and3A_156 = arith.andi %ne3A, %ge3A_155 : vector<16xi1>
          %lt3A = vector.broadcast %min3A : i32 to vector<16xi32>
          %lt3A_157 = arith.cmpi slt, %add3A_154, %lt3A : vector<16xi32>
          %and3A_158 = arith.andi %and3A_156, %lt3A_157 : vector<16xi1>
          %and3A_159 = arith.constant 112 : i32
          %and3A_160 = arith.andi %mul3A_143, %and3A_159 : i32
          %add3A_161 = arith.constant 1048576 : i32
          %add3A_162 = arith.addi %add3A_161, %and3A_160 : i32
          %add3A_163 = vector.broadcast %add3A_162 : i32 to vector<16xi32>
          %add3A_164 = arith.addi %add3A_163, %iota3A : vector<16xi32>
          %sub3A_165 = arith.constant 4194304 : i32
          %sub3A_166 = vector.broadcast %sub3A_165 : i32 to vector<16xi32>
          %sub3A_167 = arith.subi %get3A_146, %sub3A_166 : vector<16xi32>
          %select_n3A = arith.select %and3A_158, %sub3A_167, %add3A_164 : vector<16xi1>, vector<16xi32>
          %swap3A = arith.index_cast %mul3A_143 : i32 to index
          %swap3A_168 = tpu.vector_load %arg11[%swap3A] {strides = array<i32>} : memref<8192xi32, #tpu.memory_space<vmem>>, vector<16xi32>,
          %swap3A_169 = vector.shape_cast %swap3A_168 : vector<16xi32> to vector<16xi32>
          %swap3A_170 = vector.shape_cast %select_n3A : vector<16xi32> to vector<16xi32>
          tpu.vector_store %arg11[%swap3A], %swap3A_170 {strides = array<i32>} : memref<8192xi32, #tpu.memory_space<vmem>>, vector<16xi32>,
        }
        %scan3A_140 = arith.constant 512 : i32
        "tpu.region"() ({
          %run_scoped3A = tpu.sem_alloc : memref<!tpu.dma_semaphore, #tpu.memory_space<semaphore_mem>>
          %dma_start3A = arith.constant 0 : i32
          %dma_start3A_141 = tpu.memref_slice %arg6[%dma_start3A] : memref<1048704xf32, #tpu.memory_space<vmem_shared>> -> memref<1048704xf32, #tpu.memory_space<vmem_shared>>
          tpu.enqueue_indirect_dma source(%arg10 : memref<8192xf32, #tpu.memory_space<vmem>>) target(%dma_start3A_141 : memref<1048704xf32, #tpu.memory_space<vmem_shared>>) offsets(%arg11 : memref<8192xi32, #tpu.memory_space<vmem>>) semaphore(%run_scoped3A : memref<!tpu.dma_semaphore, #tpu.memory_space<semaphore_mem>>) {add = true}
          %dma_wait3A = arith.constant 0 : i32
          %dma_wait3A_142 = tpu.memref_slice %arg6[%dma_wait3A] : memref<1048704xf32, #tpu.memory_space<vmem_shared>> -> memref<1048704xf32, #tpu.memory_space<vmem_shared>>
          tpu.wait_indirect_dma semaphore(%run_scoped3A : memref<!tpu.dma_semaphore, #tpu.memory_space<semaphore_mem>>) src(%arg10 : memref<8192xf32, #tpu.memory_space<vmem>>) dst(%dma_wait3A_142 : memref<1048704xf32, #tpu.memory_space<vmem_shared>>)
          tpu.yield
        }) : () -> ()
      }
      %barrier3A_122 = arith.constant 0 : index
      tpu.barrier barrier_id(%barrier3A_122)
      %mul3A_123 = arith.constant 65536 : i32
      %mul3A_124 = arith.muli %arg1, %mul3A_123 : i32
      %mul3A_125 = arith.constant 65536 : i32
      %mul3A_126 = arith.muli %arg1, %mul3A_125 : i32
      %add3A_127 = arith.constant 4194304 : i32
      %add3A_128 = arith.addi %add3A_127, %mul3A_126 : i32
      "tpu.region"() ({
        %run_scoped3A = tpu.sem_alloc : memref<!tpu.dma_semaphore, #tpu.memory_space<semaphore_mem>>
        %dma_start3A = tpu.memref_slice %arg5[%add3A_128] : memref<16777216xf32, #tpu.memory_space<hbm>> -> memref<65536xf32, #tpu.memory_space<hbm>>
        %dma_start3A_130 = tpu.memref_slice %arg6[%mul3A_124] : memref<1048704xf32, #tpu.memory_space<vmem_shared>> -> memref<65536xf32, #tpu.memory_space<vmem_shared>>
        tpu.enqueue_dma source(%dma_start3A_130 : memref<65536xf32, #tpu.memory_space<vmem_shared>>) target(%dma_start3A : memref<65536xf32, #tpu.memory_space<hbm>>) target_semaphore(%run_scoped3A : memref<!tpu.dma_semaphore, #tpu.memory_space<semaphore_mem>>)
        %dma_wait3A = tpu.memref_slice %arg5[%add3A_128] : memref<16777216xf32, #tpu.memory_space<hbm>> -> memref<65536xf32, #tpu.memory_space<hbm>>
        %dma_wait3A_131 = tpu.memref_slice %arg6[%mul3A_124] : memref<1048704xf32, #tpu.memory_space<vmem_shared>> -> memref<65536xf32, #tpu.memory_space<vmem_shared>>
        tpu.wait_dma2 semaphore(%run_scoped3A : memref<!tpu.dma_semaphore, #tpu.memory_space<semaphore_mem>>) src(%dma_wait3A_131 : memref<65536xf32, #tpu.memory_space<vmem_shared>>) dst(%dma_wait3A : memref<65536xf32, #tpu.memory_space<hbm>>)
        tpu.yield
      }) : () -> ()
      %barrier3A_129 = arith.constant 0 : index
      tpu.barrier barrier_id(%barrier3A_129)
    } else {
    }
    %eq3A_52 = arith.constant 1 : i32
    %eq3A_53 = arith.cmpi eq, %arg0, %eq3A_52 : i32
    %convert_element_type3A_54 = arith.extui %eq3A_53 : i1 to i32
    %cond3A_55 = arith.constant 0 : i32
    %cond3A_56 = arith.cmpi ne, %convert_element_type3A_54, %cond3A_55 : i32
    scf.if %cond3A_56 {
      %scan3A_87 = arith.constant 0 : i32
      %scan3A_88 = arith.constant 0 : i32
      %scan3A_89 = arith.constant 4 : i32
      %scan3A_90 = arith.addi %scan3A_88, %scan3A_89 : i32
      %scan3A_91 = arith.constant 1 : i32
      scf.for %scan3A_130 = %scan3A_88 to %scan3A_90 step %scan3A_91  : i32 {
        %mul3A_131 = arith.constant 65536 : i32
        %mul3A_132 = arith.muli %arg1, %mul3A_131 : i32
        %mul3A_133 = arith.constant 16384 : i32
        %mul3A_134 = arith.muli %scan3A_130, %mul3A_133 : i32
        %add3A_135 = arith.addi %mul3A_132, %mul3A_134 : i32
        %dma_start3A = tpu.memref_slice %arg6[%add3A_135] : memref<1048704xf32, #tpu.memory_space<vmem_shared>> -> memref<16384xf32, #tpu.memory_space<vmem_shared>>
        %dma_start3A_136 = tpu.memref_slice %arg6[%add3A_135] : memref<1048704xf32, #tpu.memory_space<vmem_shared>> -> memref<16384xf32, #tpu.memory_space<vmem_shared>>
        tpu.enqueue_dma source(%arg7 : memref<16384xf32, #tpu.memory_space<vmem>>) target(%dma_start3A_136 : memref<16384xf32, #tpu.memory_space<vmem_shared>>) target_semaphore(%arg12 : memref<!tpu.dma_semaphore, #tpu.memory_space<semaphore_mem>>)
      }
      %scan3A_92 = arith.constant 4 : i32
      %scan3A_93 = arith.constant 0 : i32
      %scan3A_94 = arith.constant 0 : i32
      %scan3A_95 = arith.constant 4 : i32
      %scan3A_96 = arith.addi %scan3A_94, %scan3A_95 : i32
      %scan3A_97 = arith.constant 1 : i32
      scf.for %scan3A_130 = %scan3A_94 to %scan3A_96 step %scan3A_97  : i32 {
        %mul3A_131 = arith.constant 65536 : i32
        %mul3A_132 = arith.muli %arg1, %mul3A_131 : i32
        %mul3A_133 = arith.constant 16384 : i32
        %mul3A_134 = arith.muli %scan3A_130, %mul3A_133 : i32
        %add3A_135 = arith.addi %mul3A_132, %mul3A_134 : i32
        %dma_wait3A = tpu.memref_slice %arg6[%add3A_135] : memref<1048704xf32, #tpu.memory_space<vmem_shared>> -> memref<16384xf32, #tpu.memory_space<vmem_shared>>
        %dma_wait3A_136 = tpu.memref_slice %arg6[%add3A_135] : memref<1048704xf32, #tpu.memory_space<vmem_shared>> -> memref<16384xf32, #tpu.memory_space<vmem_shared>>
        tpu.wait_dma2 semaphore(%arg12 : memref<!tpu.dma_semaphore, #tpu.memory_space<semaphore_mem>>) src(%arg7 : memref<16384xf32, #tpu.memory_space<vmem>>) dst(%dma_wait3A_136 : memref<16384xf32, #tpu.memory_space<vmem_shared>>)
      }
      %scan3A_98 = arith.constant 4 : i32
      %barrier3A = arith.constant 0 : index
      tpu.barrier barrier_id(%barrier3A)
      %slice3A = vector.extract_strided_slice %get3A_6 {offsets = [12], sizes = [1], strides = [1]} : vector<16xi32> to vector<1xi32>
      %squeeze3A = vector.extract %slice3A[0] : i32 from vector<1xi32>
      %slice3A_99 = vector.extract_strided_slice %get3A_9 {offsets = [12], sizes = [1], strides = [1]} : vector<16xi32> to vector<1xi32>
      %squeeze3A_100 = vector.extract %slice3A_99[0] : i32 from vector<1xi32>
      %sub3A = arith.subi %squeeze3A_100, %squeeze3A : i32
      %add3A = arith.constant 15 : i32
      %add3A_101 = arith.addi %sub3A, %add3A : i32
      %shift_right_arithmetic3A = arith.constant 4 : i32
      %shift_right_arithmetic3A_102 = arith.shrsi %add3A_101, %shift_right_arithmetic3A : i32
      %mul3A = arith.muli %arg1, %shift_right_arithmetic3A_102 : i32
      %add3A_103 = arith.addi %squeeze3A, %mul3A : i32
      %add3A_104 = arith.addi %add3A_103, %shift_right_arithmetic3A_102 : i32
      %min3A = arith.minsi %add3A_104, %squeeze3A_100 : i32
      %add3A_105 = arith.constant 8 : i32
      %add3A_106 = arith.addi %shift_right_arithmetic3A_102, %add3A_105 : i32
      %add3A_107 = arith.constant 8192 : i32
      %add3A_108 = arith.addi %add3A_106, %add3A_107 : i32
      %sub3A_109 = arith.constant 1 : i32
      %sub3A_110 = arith.subi %add3A_108, %sub3A_109 : i32
      %shift_right_arithmetic3A_111 = arith.constant 13 : i32
      %shift_right_arithmetic3A_112 = arith.shrsi %sub3A_110, %shift_right_arithmetic3A_111 : i32
      %while3A = arith.constant 0 : i32
      %while3A_113 = arith.constant 0 : i32
      %while3A_114 = arith.subi %shift_right_arithmetic3A_112, %while3A_113 : i32
      %while3A_115 = arith.addi %while3A_113, %while3A_114 : i32
      %while3A_116 = arith.constant 1 : i32
      %while3A_117 = arith.divsi %while3A_114, %while3A_116 : i32
      %while3A_118 = arith.muli %while3A_117, %while3A_116 : i32
      %while3A_119 = arith.addi %while3A_113, %while3A_118 : i32
      %while3A_120 = arith.constant 1 : i32
      scf.for %while3A_130 = %while3A_113 to %while3A_119 step %while3A_120  : i32 {
        %mul3A_131 = arith.constant 8192 : i32
        %mul3A_132 = arith.muli %while3A_130, %mul3A_131 : i32
        %add3A_133 = arith.addi %add3A_103, %mul3A_132 : i32
        %and3A = arith.constant -8 : i32
        %and3A_134 = arith.andi %add3A_133, %and3A : i32
        %multiple_of3A = tpu.assume_multiple %and3A_134, 8 : i32
        "tpu.region"() ({
          %run_scoped3A = tpu.sem_alloc : memref<!tpu.dma_semaphore, #tpu.memory_space<semaphore_mem>>
          %dma_start3A = tpu.memref_slice %arg2[%multiple_of3A] : memref<1065088xi32, #tpu.memory_space<hbm>> -> memref<8208xi32, #tpu.memory_space<hbm>>
          %dma_start3A_141 = tpu.memref_slice %arg2[%multiple_of3A] : memref<1065088xi32, #tpu.memory_space<hbm>> -> memref<8208xi32, #tpu.memory_space<hbm>>
          tpu.enqueue_dma source(%dma_start3A_141 : memref<8208xi32, #tpu.memory_space<hbm>>) target(%arg9 : memref<8208xi32, #tpu.memory_space<vmem>>) target_semaphore(%run_scoped3A : memref<!tpu.dma_semaphore, #tpu.memory_space<semaphore_mem>>)
          %dma_wait3A = tpu.memref_slice %arg2[%multiple_of3A] : memref<1065088xi32, #tpu.memory_space<hbm>> -> memref<8208xi32, #tpu.memory_space<hbm>>
          %dma_wait3A_142 = tpu.memref_slice %arg2[%multiple_of3A] : memref<1065088xi32, #tpu.memory_space<hbm>> -> memref<8208xi32, #tpu.memory_space<hbm>>
          tpu.wait_dma2 semaphore(%run_scoped3A : memref<!tpu.dma_semaphore, #tpu.memory_space<semaphore_mem>>) src(%dma_wait3A_142 : memref<8208xi32, #tpu.memory_space<hbm>>) dst(%arg9 : memref<8208xi32, #tpu.memory_space<vmem>>)
          tpu.yield
        }) : () -> ()
        "tpu.region"() ({
          %run_scoped3A = tpu.sem_alloc : memref<!tpu.dma_semaphore, #tpu.memory_space<semaphore_mem>>
          %dma_start3A = tpu.memref_slice %arg3[%multiple_of3A] : memref<1065088xf32, #tpu.memory_space<hbm>> -> memref<8192xf32, #tpu.memory_space<hbm>>
          %dma_start3A_141 = tpu.memref_slice %arg3[%multiple_of3A] : memref<1065088xf32, #tpu.memory_space<hbm>> -> memref<8192xf32, #tpu.memory_space<hbm>>
          tpu.enqueue_dma source(%dma_start3A_141 : memref<8192xf32, #tpu.memory_space<hbm>>) target(%arg10 : memref<8192xf32, #tpu.memory_space<vmem>>) target_semaphore(%run_scoped3A : memref<!tpu.dma_semaphore, #tpu.memory_space<semaphore_mem>>)
          %dma_wait3A = tpu.memref_slice %arg3[%multiple_of3A] : memref<1065088xf32, #tpu.memory_space<hbm>> -> memref<8192xf32, #tpu.memory_space<hbm>>
          %dma_wait3A_142 = tpu.memref_slice %arg3[%multiple_of3A] : memref<1065088xf32, #tpu.memory_space<hbm>> -> memref<8192xf32, #tpu.memory_space<hbm>>
          tpu.wait_dma2 semaphore(%run_scoped3A : memref<!tpu.dma_semaphore, #tpu.memory_space<semaphore_mem>>) src(%dma_wait3A_142 : memref<8192xf32, #tpu.memory_space<hbm>>) dst(%arg10 : memref<8192xf32, #tpu.memory_space<vmem>>)
          tpu.yield
        }) : () -> ()
        %scan3A_135 = arith.constant 0 : i32
        %scan3A_136 = arith.constant 0 : i32
        %scan3A_137 = arith.constant 512 : i32
        %scan3A_138 = arith.addi %scan3A_136, %scan3A_137 : i32
        %scan3A_139 = arith.constant 1 : i32
        scf.for %scan3A_141 = %scan3A_136 to %scan3A_138 step %scan3A_139  : i32 {
          %mul3A_142 = arith.constant 16 : i32
          %mul3A_143 = arith.muli %scan3A_141, %mul3A_142 : i32
          %get3A_144 = arith.index_cast %mul3A_143 : i32 to index
          %get3A_145 = tpu.vector_load %arg9[%get3A_144] {strides = array<i32>} : memref<8208xi32, #tpu.memory_space<vmem>>, vector<16xi32>,
          %get3A_146 = vector.shape_cast %get3A_145 : vector<16xi32> to vector<16xi32>
          %add3A_147 = arith.constant 1 : i32
          %add3A_148 = arith.addi %mul3A_143, %add3A_147 : i32
          %get3A_149 = arith.index_cast %add3A_148 : i32 to index
          %get3A_150 = tpu.vector_load %arg9[%get3A_149] {strides = array<i32>} : memref<8208xi32, #tpu.memory_space<vmem>>, vector<16xi32>,
          %get3A_151 = vector.shape_cast %get3A_150 : vector<16xi32> to vector<16xi32>
          %add3A_152 = arith.addi %multiple_of3A, %mul3A_143 : i32
          %add3A_153 = vector.broadcast %add3A_152 : i32 to vector<16xi32>
          %add3A_154 = arith.addi %add3A_153, %iota3A : vector<16xi32>
          %ne3A = arith.cmpi ne, %get3A_146, %get3A_151 : vector<16xi32>
          %ge3A = vector.broadcast %add3A_103 : i32 to vector<16xi32>
          %ge3A_155 = arith.cmpi sge, %add3A_154, %ge3A : vector<16xi32>
          %and3A_156 = arith.andi %ne3A, %ge3A_155 : vector<16xi1>
          %lt3A = vector.broadcast %min3A : i32 to vector<16xi32>
          %lt3A_157 = arith.cmpi slt, %add3A_154, %lt3A : vector<16xi32>
          %and3A_158 = arith.andi %and3A_156, %lt3A_157 : vector<16xi1>
          %and3A_159 = arith.constant 112 : i32
          %and3A_160 = arith.andi %mul3A_143, %and3A_159 : i32
          %add3A_161 = arith.constant 1048576 : i32
          %add3A_162 = arith.addi %add3A_161, %and3A_160 : i32
          %add3A_163 = vector.broadcast %add3A_162 : i32 to vector<16xi32>
          %add3A_164 = arith.addi %add3A_163, %iota3A : vector<16xi32>
          %sub3A_165 = arith.constant 12582912 : i32
          %sub3A_166 = vector.broadcast %sub3A_165 : i32 to vector<16xi32>
          %sub3A_167 = arith.subi %get3A_146, %sub3A_166 : vector<16xi32>
          %select_n3A = arith.select %and3A_158, %sub3A_167, %add3A_164 : vector<16xi1>, vector<16xi32>
          %swap3A = arith.index_cast %mul3A_143 : i32 to index
          %swap3A_168 = tpu.vector_load %arg11[%swap3A] {strides = array<i32>} : memref<8192xi32, #tpu.memory_space<vmem>>, vector<16xi32>,
          %swap3A_169 = vector.shape_cast %swap3A_168 : vector<16xi32> to vector<16xi32>
          %swap3A_170 = vector.shape_cast %select_n3A : vector<16xi32> to vector<16xi32>
          tpu.vector_store %arg11[%swap3A], %swap3A_170 {strides = array<i32>} : memref<8192xi32, #tpu.memory_space<vmem>>, vector<16xi32>,
        }
        %scan3A_140 = arith.constant 512 : i32
        "tpu.region"() ({
          %run_scoped3A = tpu.sem_alloc : memref<!tpu.dma_semaphore, #tpu.memory_space<semaphore_mem>>
          %dma_start3A = arith.constant 0 : i32
          %dma_start3A_141 = tpu.memref_slice %arg6[%dma_start3A] : memref<1048704xf32, #tpu.memory_space<vmem_shared>> -> memref<1048704xf32, #tpu.memory_space<vmem_shared>>
          tpu.enqueue_indirect_dma source(%arg10 : memref<8192xf32, #tpu.memory_space<vmem>>) target(%dma_start3A_141 : memref<1048704xf32, #tpu.memory_space<vmem_shared>>) offsets(%arg11 : memref<8192xi32, #tpu.memory_space<vmem>>) semaphore(%run_scoped3A : memref<!tpu.dma_semaphore, #tpu.memory_space<semaphore_mem>>) {add = true}
          %dma_wait3A = arith.constant 0 : i32
          %dma_wait3A_142 = tpu.memref_slice %arg6[%dma_wait3A] : memref<1048704xf32, #tpu.memory_space<vmem_shared>> -> memref<1048704xf32, #tpu.memory_space<vmem_shared>>
          tpu.wait_indirect_dma semaphore(%run_scoped3A : memref<!tpu.dma_semaphore, #tpu.memory_space<semaphore_mem>>) src(%arg10 : memref<8192xf32, #tpu.memory_space<vmem>>) dst(%dma_wait3A_142 : memref<1048704xf32, #tpu.memory_space<vmem_shared>>)
          tpu.yield
        }) : () -> ()
      }
      %while3A_121 = arith.constant 1 : i32
      scf.for %while3A_130 = %while3A_119 to %while3A_115 step %while3A_121  : i32 {
        %mul3A_131 = arith.constant 8192 : i32
        %mul3A_132 = arith.muli %while3A_130, %mul3A_131 : i32
        %add3A_133 = arith.addi %add3A_103, %mul3A_132 : i32
        %and3A = arith.constant -8 : i32
        %and3A_134 = arith.andi %add3A_133, %and3A : i32
        %multiple_of3A = tpu.assume_multiple %and3A_134, 8 : i32
        "tpu.region"() ({
          %run_scoped3A = tpu.sem_alloc : memref<!tpu.dma_semaphore, #tpu.memory_space<semaphore_mem>>
          %dma_start3A = tpu.memref_slice %arg2[%multiple_of3A] : memref<1065088xi32, #tpu.memory_space<hbm>> -> memref<8208xi32, #tpu.memory_space<hbm>>
          %dma_start3A_141 = tpu.memref_slice %arg2[%multiple_of3A] : memref<1065088xi32, #tpu.memory_space<hbm>> -> memref<8208xi32, #tpu.memory_space<hbm>>
          tpu.enqueue_dma source(%dma_start3A_141 : memref<8208xi32, #tpu.memory_space<hbm>>) target(%arg9 : memref<8208xi32, #tpu.memory_space<vmem>>) target_semaphore(%run_scoped3A : memref<!tpu.dma_semaphore, #tpu.memory_space<semaphore_mem>>)
          %dma_wait3A = tpu.memref_slice %arg2[%multiple_of3A] : memref<1065088xi32, #tpu.memory_space<hbm>> -> memref<8208xi32, #tpu.memory_space<hbm>>
          %dma_wait3A_142 = tpu.memref_slice %arg2[%multiple_of3A] : memref<1065088xi32, #tpu.memory_space<hbm>> -> memref<8208xi32, #tpu.memory_space<hbm>>
          tpu.wait_dma2 semaphore(%run_scoped3A : memref<!tpu.dma_semaphore, #tpu.memory_space<semaphore_mem>>) src(%dma_wait3A_142 : memref<8208xi32, #tpu.memory_space<hbm>>) dst(%arg9 : memref<8208xi32, #tpu.memory_space<vmem>>)
          tpu.yield
        }) : () -> ()
        "tpu.region"() ({
          %run_scoped3A = tpu.sem_alloc : memref<!tpu.dma_semaphore, #tpu.memory_space<semaphore_mem>>
          %dma_start3A = tpu.memref_slice %arg3[%multiple_of3A] : memref<1065088xf32, #tpu.memory_space<hbm>> -> memref<8192xf32, #tpu.memory_space<hbm>>
          %dma_start3A_141 = tpu.memref_slice %arg3[%multiple_of3A] : memref<1065088xf32, #tpu.memory_space<hbm>> -> memref<8192xf32, #tpu.memory_space<hbm>>
          tpu.enqueue_dma source(%dma_start3A_141 : memref<8192xf32, #tpu.memory_space<hbm>>) target(%arg10 : memref<8192xf32, #tpu.memory_space<vmem>>) target_semaphore(%run_scoped3A : memref<!tpu.dma_semaphore, #tpu.memory_space<semaphore_mem>>)
          %dma_wait3A = tpu.memref_slice %arg3[%multiple_of3A] : memref<1065088xf32, #tpu.memory_space<hbm>> -> memref<8192xf32, #tpu.memory_space<hbm>>
          %dma_wait3A_142 = tpu.memref_slice %arg3[%multiple_of3A] : memref<1065088xf32, #tpu.memory_space<hbm>> -> memref<8192xf32, #tpu.memory_space<hbm>>
          tpu.wait_dma2 semaphore(%run_scoped3A : memref<!tpu.dma_semaphore, #tpu.memory_space<semaphore_mem>>) src(%dma_wait3A_142 : memref<8192xf32, #tpu.memory_space<hbm>>) dst(%arg10 : memref<8192xf32, #tpu.memory_space<vmem>>)
          tpu.yield
        }) : () -> ()
        %scan3A_135 = arith.constant 0 : i32
        %scan3A_136 = arith.constant 0 : i32
        %scan3A_137 = arith.constant 512 : i32
        %scan3A_138 = arith.addi %scan3A_136, %scan3A_137 : i32
        %scan3A_139 = arith.constant 1 : i32
        scf.for %scan3A_141 = %scan3A_136 to %scan3A_138 step %scan3A_139  : i32 {
          %mul3A_142 = arith.constant 16 : i32
          %mul3A_143 = arith.muli %scan3A_141, %mul3A_142 : i32
          %get3A_144 = arith.index_cast %mul3A_143 : i32 to index
          %get3A_145 = tpu.vector_load %arg9[%get3A_144] {strides = array<i32>} : memref<8208xi32, #tpu.memory_space<vmem>>, vector<16xi32>,
          %get3A_146 = vector.shape_cast %get3A_145 : vector<16xi32> to vector<16xi32>
          %add3A_147 = arith.constant 1 : i32
          %add3A_148 = arith.addi %mul3A_143, %add3A_147 : i32
          %get3A_149 = arith.index_cast %add3A_148 : i32 to index
          %get3A_150 = tpu.vector_load %arg9[%get3A_149] {strides = array<i32>} : memref<8208xi32, #tpu.memory_space<vmem>>, vector<16xi32>,
          %get3A_151 = vector.shape_cast %get3A_150 : vector<16xi32> to vector<16xi32>
          %add3A_152 = arith.addi %multiple_of3A, %mul3A_143 : i32
          %add3A_153 = vector.broadcast %add3A_152 : i32 to vector<16xi32>
          %add3A_154 = arith.addi %add3A_153, %iota3A : vector<16xi32>
          %ne3A = arith.cmpi ne, %get3A_146, %get3A_151 : vector<16xi32>
          %ge3A = vector.broadcast %add3A_103 : i32 to vector<16xi32>
          %ge3A_155 = arith.cmpi sge, %add3A_154, %ge3A : vector<16xi32>
          %and3A_156 = arith.andi %ne3A, %ge3A_155 : vector<16xi1>
          %lt3A = vector.broadcast %min3A : i32 to vector<16xi32>
          %lt3A_157 = arith.cmpi slt, %add3A_154, %lt3A : vector<16xi32>
          %and3A_158 = arith.andi %and3A_156, %lt3A_157 : vector<16xi1>
          %and3A_159 = arith.constant 112 : i32
          %and3A_160 = arith.andi %mul3A_143, %and3A_159 : i32
          %add3A_161 = arith.constant 1048576 : i32
          %add3A_162 = arith.addi %add3A_161, %and3A_160 : i32
          %add3A_163 = vector.broadcast %add3A_162 : i32 to vector<16xi32>
          %add3A_164 = arith.addi %add3A_163, %iota3A : vector<16xi32>
          %sub3A_165 = arith.constant 12582912 : i32
          %sub3A_166 = vector.broadcast %sub3A_165 : i32 to vector<16xi32>
          %sub3A_167 = arith.subi %get3A_146, %sub3A_166 : vector<16xi32>
          %select_n3A = arith.select %and3A_158, %sub3A_167, %add3A_164 : vector<16xi1>, vector<16xi32>
          %swap3A = arith.index_cast %mul3A_143 : i32 to index
          %swap3A_168 = tpu.vector_load %arg11[%swap3A] {strides = array<i32>} : memref<8192xi32, #tpu.memory_space<vmem>>, vector<16xi32>,
          %swap3A_169 = vector.shape_cast %swap3A_168 : vector<16xi32> to vector<16xi32>
          %swap3A_170 = vector.shape_cast %select_n3A : vector<16xi32> to vector<16xi32>
          tpu.vector_store %arg11[%swap3A], %swap3A_170 {strides = array<i32>} : memref<8192xi32, #tpu.memory_space<vmem>>, vector<16xi32>,
        }
        %scan3A_140 = arith.constant 512 : i32
        "tpu.region"() ({
          %run_scoped3A = tpu.sem_alloc : memref<!tpu.dma_semaphore, #tpu.memory_space<semaphore_mem>>
          %dma_start3A = arith.constant 0 : i32
          %dma_start3A_141 = tpu.memref_slice %arg6[%dma_start3A] : memref<1048704xf32, #tpu.memory_space<vmem_shared>> -> memref<1048704xf32, #tpu.memory_space<vmem_shared>>
          tpu.enqueue_indirect_dma source(%arg10 : memref<8192xf32, #tpu.memory_space<vmem>>) target(%dma_start3A_141 : memref<1048704xf32, #tpu.memory_space<vmem_shared>>) offsets(%arg11 : memref<8192xi32, #tpu.memory_space<vmem>>) semaphore(%run_scoped3A : memref<!tpu.dma_semaphore, #tpu.memory_space<semaphore_mem>>) {add = true}
          %dma_wait3A = arith.constant 0 : i32
          %dma_wait3A_142 = tpu.memref_slice %arg6[%dma_wait3A] : memref<1048704xf32, #tpu.memory_space<vmem_shared>> -> memref<1048704xf32, #tpu.memory_space<vmem_shared>>
          tpu.wait_indirect_dma semaphore(%run_scoped3A : memref<!tpu.dma_semaphore, #tpu.memory_space<semaphore_mem>>) src(%arg10 : memref<8192xf32, #tpu.memory_space<vmem>>) dst(%dma_wait3A_142 : memref<1048704xf32, #tpu.memory_space<vmem_shared>>)
          tpu.yield
        }) : () -> ()
      }
      %barrier3A_122 = arith.constant 0 : index
      tpu.barrier barrier_id(%barrier3A_122)
      %mul3A_123 = arith.constant 65536 : i32
      %mul3A_124 = arith.muli %arg1, %mul3A_123 : i32
      %mul3A_125 = arith.constant 65536 : i32
      %mul3A_126 = arith.muli %arg1, %mul3A_125 : i32
      %add3A_127 = arith.constant 12582912 : i32
      %add3A_128 = arith.addi %add3A_127, %mul3A_126 : i32
      "tpu.region"() ({
        %run_scoped3A = tpu.sem_alloc : memref<!tpu.dma_semaphore, #tpu.memory_space<semaphore_mem>>
        %dma_start3A = tpu.memref_slice %arg5[%add3A_128] : memref<16777216xf32, #tpu.memory_space<hbm>> -> memref<65536xf32, #tpu.memory_space<hbm>>
        %dma_start3A_130 = tpu.memref_slice %arg6[%mul3A_124] : memref<1048704xf32, #tpu.memory_space<vmem_shared>> -> memref<65536xf32, #tpu.memory_space<vmem_shared>>
        tpu.enqueue_dma source(%dma_start3A_130 : memref<65536xf32, #tpu.memory_space<vmem_shared>>) target(%dma_start3A : memref<65536xf32, #tpu.memory_space<hbm>>) target_semaphore(%run_scoped3A : memref<!tpu.dma_semaphore, #tpu.memory_space<semaphore_mem>>)
        %dma_wait3A = tpu.memref_slice %arg5[%add3A_128] : memref<16777216xf32, #tpu.memory_space<hbm>> -> memref<65536xf32, #tpu.memory_space<hbm>>
        %dma_wait3A_131 = tpu.memref_slice %arg6[%mul3A_124] : memref<1048704xf32, #tpu.memory_space<vmem_shared>> -> memref<65536xf32, #tpu.memory_space<vmem_shared>>
        tpu.wait_dma2 semaphore(%run_scoped3A : memref<!tpu.dma_semaphore, #tpu.memory_space<semaphore_mem>>) src(%dma_wait3A_131 : memref<65536xf32, #tpu.memory_space<vmem_shared>>) dst(%dma_wait3A : memref<65536xf32, #tpu.memory_space<hbm>>)
        tpu.yield
      }) : () -> ()
      %barrier3A_129 = arith.constant 0 : index
      tpu.barrier barrier_id(%barrier3A_129)
    } else {
    }
    %eq3A_57 = arith.constant 0 : i32
    %eq3A_58 = arith.cmpi eq, %arg0, %eq3A_57 : i32
    %convert_element_type3A_59 = arith.extui %eq3A_58 : i1 to i32
    %cond3A_60 = arith.constant 0 : i32
    %cond3A_61 = arith.cmpi ne, %convert_element_type3A_59, %cond3A_60 : i32
    scf.if %cond3A_61 {
      %scan3A_87 = arith.constant 0 : i32
      %scan3A_88 = arith.constant 0 : i32
      %scan3A_89 = arith.constant 4 : i32
      %scan3A_90 = arith.addi %scan3A_88, %scan3A_89 : i32
      %scan3A_91 = arith.constant 1 : i32
      scf.for %scan3A_130 = %scan3A_88 to %scan3A_90 step %scan3A_91  : i32 {
        %mul3A_131 = arith.constant 65536 : i32
        %mul3A_132 = arith.muli %arg1, %mul3A_131 : i32
        %mul3A_133 = arith.constant 16384 : i32
        %mul3A_134 = arith.muli %scan3A_130, %mul3A_133 : i32
        %add3A_135 = arith.addi %mul3A_132, %mul3A_134 : i32
        %dma_start3A = tpu.memref_slice %arg6[%add3A_135] : memref<1048704xf32, #tpu.memory_space<vmem_shared>> -> memref<16384xf32, #tpu.memory_space<vmem_shared>>
        %dma_start3A_136 = tpu.memref_slice %arg6[%add3A_135] : memref<1048704xf32, #tpu.memory_space<vmem_shared>> -> memref<16384xf32, #tpu.memory_space<vmem_shared>>
        tpu.enqueue_dma source(%arg7 : memref<16384xf32, #tpu.memory_space<vmem>>) target(%dma_start3A_136 : memref<16384xf32, #tpu.memory_space<vmem_shared>>) target_semaphore(%arg12 : memref<!tpu.dma_semaphore, #tpu.memory_space<semaphore_mem>>)
      }
      %scan3A_92 = arith.constant 4 : i32
      %scan3A_93 = arith.constant 0 : i32
      %scan3A_94 = arith.constant 0 : i32
      %scan3A_95 = arith.constant 4 : i32
      %scan3A_96 = arith.addi %scan3A_94, %scan3A_95 : i32
      %scan3A_97 = arith.constant 1 : i32
      scf.for %scan3A_130 = %scan3A_94 to %scan3A_96 step %scan3A_97  : i32 {
        %mul3A_131 = arith.constant 65536 : i32
        %mul3A_132 = arith.muli %arg1, %mul3A_131 : i32
        %mul3A_133 = arith.constant 16384 : i32
        %mul3A_134 = arith.muli %scan3A_130, %mul3A_133 : i32
        %add3A_135 = arith.addi %mul3A_132, %mul3A_134 : i32
        %dma_wait3A = tpu.memref_slice %arg6[%add3A_135] : memref<1048704xf32, #tpu.memory_space<vmem_shared>> -> memref<16384xf32, #tpu.memory_space<vmem_shared>>
        %dma_wait3A_136 = tpu.memref_slice %arg6[%add3A_135] : memref<1048704xf32, #tpu.memory_space<vmem_shared>> -> memref<16384xf32, #tpu.memory_space<vmem_shared>>
        tpu.wait_dma2 semaphore(%arg12 : memref<!tpu.dma_semaphore, #tpu.memory_space<semaphore_mem>>) src(%arg7 : memref<16384xf32, #tpu.memory_space<vmem>>) dst(%dma_wait3A_136 : memref<16384xf32, #tpu.memory_space<vmem_shared>>)
      }
      %scan3A_98 = arith.constant 4 : i32
      %barrier3A = arith.constant 0 : index
      tpu.barrier barrier_id(%barrier3A)
      %slice3A = vector.extract_strided_slice %get3A_6 {offsets = [5], sizes = [1], strides = [1]} : vector<16xi32> to vector<1xi32>
      %squeeze3A = vector.extract %slice3A[0] : i32 from vector<1xi32>
      %slice3A_99 = vector.extract_strided_slice %get3A_9 {offsets = [5], sizes = [1], strides = [1]} : vector<16xi32> to vector<1xi32>
      %squeeze3A_100 = vector.extract %slice3A_99[0] : i32 from vector<1xi32>
      %sub3A = arith.subi %squeeze3A_100, %squeeze3A : i32
      %add3A = arith.constant 15 : i32
      %add3A_101 = arith.addi %sub3A, %add3A : i32
      %shift_right_arithmetic3A = arith.constant 4 : i32
      %shift_right_arithmetic3A_102 = arith.shrsi %add3A_101, %shift_right_arithmetic3A : i32
      %mul3A = arith.muli %arg1, %shift_right_arithmetic3A_102 : i32
      %add3A_103 = arith.addi %squeeze3A, %mul3A : i32
      %add3A_104 = arith.addi %add3A_103, %shift_right_arithmetic3A_102 : i32
      %min3A = arith.minsi %add3A_104, %squeeze3A_100 : i32
      %add3A_105 = arith.constant 8 : i32
      %add3A_106 = arith.addi %shift_right_arithmetic3A_102, %add3A_105 : i32
      %add3A_107 = arith.constant 8192 : i32
      %add3A_108 = arith.addi %add3A_106, %add3A_107 : i32
      %sub3A_109 = arith.constant 1 : i32
      %sub3A_110 = arith.subi %add3A_108, %sub3A_109 : i32
      %shift_right_arithmetic3A_111 = arith.constant 13 : i32
      %shift_right_arithmetic3A_112 = arith.shrsi %sub3A_110, %shift_right_arithmetic3A_111 : i32
      %while3A = arith.constant 0 : i32
      %while3A_113 = arith.constant 0 : i32
      %while3A_114 = arith.subi %shift_right_arithmetic3A_112, %while3A_113 : i32
      %while3A_115 = arith.addi %while3A_113, %while3A_114 : i32
      %while3A_116 = arith.constant 1 : i32
      %while3A_117 = arith.divsi %while3A_114, %while3A_116 : i32
      %while3A_118 = arith.muli %while3A_117, %while3A_116 : i32
      %while3A_119 = arith.addi %while3A_113, %while3A_118 : i32
      %while3A_120 = arith.constant 1 : i32
      scf.for %while3A_130 = %while3A_113 to %while3A_119 step %while3A_120  : i32 {
        %mul3A_131 = arith.constant 8192 : i32
        %mul3A_132 = arith.muli %while3A_130, %mul3A_131 : i32
        %add3A_133 = arith.addi %add3A_103, %mul3A_132 : i32
        %and3A = arith.constant -8 : i32
        %and3A_134 = arith.andi %add3A_133, %and3A : i32
        %multiple_of3A = tpu.assume_multiple %and3A_134, 8 : i32
        "tpu.region"() ({
          %run_scoped3A = tpu.sem_alloc : memref<!tpu.dma_semaphore, #tpu.memory_space<semaphore_mem>>
          %dma_start3A = tpu.memref_slice %arg2[%multiple_of3A] : memref<1065088xi32, #tpu.memory_space<hbm>> -> memref<8208xi32, #tpu.memory_space<hbm>>
          %dma_start3A_141 = tpu.memref_slice %arg2[%multiple_of3A] : memref<1065088xi32, #tpu.memory_space<hbm>> -> memref<8208xi32, #tpu.memory_space<hbm>>
          tpu.enqueue_dma source(%dma_start3A_141 : memref<8208xi32, #tpu.memory_space<hbm>>) target(%arg9 : memref<8208xi32, #tpu.memory_space<vmem>>) target_semaphore(%run_scoped3A : memref<!tpu.dma_semaphore, #tpu.memory_space<semaphore_mem>>)
          %dma_wait3A = tpu.memref_slice %arg2[%multiple_of3A] : memref<1065088xi32, #tpu.memory_space<hbm>> -> memref<8208xi32, #tpu.memory_space<hbm>>
          %dma_wait3A_142 = tpu.memref_slice %arg2[%multiple_of3A] : memref<1065088xi32, #tpu.memory_space<hbm>> -> memref<8208xi32, #tpu.memory_space<hbm>>
          tpu.wait_dma2 semaphore(%run_scoped3A : memref<!tpu.dma_semaphore, #tpu.memory_space<semaphore_mem>>) src(%dma_wait3A_142 : memref<8208xi32, #tpu.memory_space<hbm>>) dst(%arg9 : memref<8208xi32, #tpu.memory_space<vmem>>)
          tpu.yield
        }) : () -> ()
        "tpu.region"() ({
          %run_scoped3A = tpu.sem_alloc : memref<!tpu.dma_semaphore, #tpu.memory_space<semaphore_mem>>
          %dma_start3A = tpu.memref_slice %arg3[%multiple_of3A] : memref<1065088xf32, #tpu.memory_space<hbm>> -> memref<8192xf32, #tpu.memory_space<hbm>>
          %dma_start3A_141 = tpu.memref_slice %arg3[%multiple_of3A] : memref<1065088xf32, #tpu.memory_space<hbm>> -> memref<8192xf32, #tpu.memory_space<hbm>>
          tpu.enqueue_dma source(%dma_start3A_141 : memref<8192xf32, #tpu.memory_space<hbm>>) target(%arg10 : memref<8192xf32, #tpu.memory_space<vmem>>) target_semaphore(%run_scoped3A : memref<!tpu.dma_semaphore, #tpu.memory_space<semaphore_mem>>)
          %dma_wait3A = tpu.memref_slice %arg3[%multiple_of3A] : memref<1065088xf32, #tpu.memory_space<hbm>> -> memref<8192xf32, #tpu.memory_space<hbm>>
          %dma_wait3A_142 = tpu.memref_slice %arg3[%multiple_of3A] : memref<1065088xf32, #tpu.memory_space<hbm>> -> memref<8192xf32, #tpu.memory_space<hbm>>
          tpu.wait_dma2 semaphore(%run_scoped3A : memref<!tpu.dma_semaphore, #tpu.memory_space<semaphore_mem>>) src(%dma_wait3A_142 : memref<8192xf32, #tpu.memory_space<hbm>>) dst(%arg10 : memref<8192xf32, #tpu.memory_space<vmem>>)
          tpu.yield
        }) : () -> ()
        %scan3A_135 = arith.constant 0 : i32
        %scan3A_136 = arith.constant 0 : i32
        %scan3A_137 = arith.constant 512 : i32
        %scan3A_138 = arith.addi %scan3A_136, %scan3A_137 : i32
        %scan3A_139 = arith.constant 1 : i32
        scf.for %scan3A_141 = %scan3A_136 to %scan3A_138 step %scan3A_139  : i32 {
          %mul3A_142 = arith.constant 16 : i32
          %mul3A_143 = arith.muli %scan3A_141, %mul3A_142 : i32
          %get3A_144 = arith.index_cast %mul3A_143 : i32 to index
          %get3A_145 = tpu.vector_load %arg9[%get3A_144] {strides = array<i32>} : memref<8208xi32, #tpu.memory_space<vmem>>, vector<16xi32>,
          %get3A_146 = vector.shape_cast %get3A_145 : vector<16xi32> to vector<16xi32>
          %add3A_147 = arith.constant 1 : i32
          %add3A_148 = arith.addi %mul3A_143, %add3A_147 : i32
          %get3A_149 = arith.index_cast %add3A_148 : i32 to index
          %get3A_150 = tpu.vector_load %arg9[%get3A_149] {strides = array<i32>} : memref<8208xi32, #tpu.memory_space<vmem>>, vector<16xi32>,
          %get3A_151 = vector.shape_cast %get3A_150 : vector<16xi32> to vector<16xi32>
          %add3A_152 = arith.addi %multiple_of3A, %mul3A_143 : i32
          %add3A_153 = vector.broadcast %add3A_152 : i32 to vector<16xi32>
          %add3A_154 = arith.addi %add3A_153, %iota3A : vector<16xi32>
          %ne3A = arith.cmpi ne, %get3A_146, %get3A_151 : vector<16xi32>
          %ge3A = vector.broadcast %add3A_103 : i32 to vector<16xi32>
          %ge3A_155 = arith.cmpi sge, %add3A_154, %ge3A : vector<16xi32>
          %and3A_156 = arith.andi %ne3A, %ge3A_155 : vector<16xi1>
          %lt3A = vector.broadcast %min3A : i32 to vector<16xi32>
          %lt3A_157 = arith.cmpi slt, %add3A_154, %lt3A : vector<16xi32>
          %and3A_158 = arith.andi %and3A_156, %lt3A_157 : vector<16xi1>
          %and3A_159 = arith.constant 112 : i32
          %and3A_160 = arith.andi %mul3A_143, %and3A_159 : i32
          %add3A_161 = arith.constant 1048576 : i32
          %add3A_162 = arith.addi %add3A_161, %and3A_160 : i32
          %add3A_163 = vector.broadcast %add3A_162 : i32 to vector<16xi32>
          %add3A_164 = arith.addi %add3A_163, %iota3A : vector<16xi32>
          %sub3A_165 = arith.constant 5242880 : i32
          %sub3A_166 = vector.broadcast %sub3A_165 : i32 to vector<16xi32>
          %sub3A_167 = arith.subi %get3A_146, %sub3A_166 : vector<16xi32>
          %select_n3A = arith.select %and3A_158, %sub3A_167, %add3A_164 : vector<16xi1>, vector<16xi32>
          %swap3A = arith.index_cast %mul3A_143 : i32 to index
          %swap3A_168 = tpu.vector_load %arg11[%swap3A] {strides = array<i32>} : memref<8192xi32, #tpu.memory_space<vmem>>, vector<16xi32>,
          %swap3A_169 = vector.shape_cast %swap3A_168 : vector<16xi32> to vector<16xi32>
          %swap3A_170 = vector.shape_cast %select_n3A : vector<16xi32> to vector<16xi32>
          tpu.vector_store %arg11[%swap3A], %swap3A_170 {strides = array<i32>} : memref<8192xi32, #tpu.memory_space<vmem>>, vector<16xi32>,
        }
        %scan3A_140 = arith.constant 512 : i32
        "tpu.region"() ({
          %run_scoped3A = tpu.sem_alloc : memref<!tpu.dma_semaphore, #tpu.memory_space<semaphore_mem>>
          %dma_start3A = arith.constant 0 : i32
          %dma_start3A_141 = tpu.memref_slice %arg6[%dma_start3A] : memref<1048704xf32, #tpu.memory_space<vmem_shared>> -> memref<1048704xf32, #tpu.memory_space<vmem_shared>>
          tpu.enqueue_indirect_dma source(%arg10 : memref<8192xf32, #tpu.memory_space<vmem>>) target(%dma_start3A_141 : memref<1048704xf32, #tpu.memory_space<vmem_shared>>) offsets(%arg11 : memref<8192xi32, #tpu.memory_space<vmem>>) semaphore(%run_scoped3A : memref<!tpu.dma_semaphore, #tpu.memory_space<semaphore_mem>>) {add = true}
          %dma_wait3A = arith.constant 0 : i32
          %dma_wait3A_142 = tpu.memref_slice %arg6[%dma_wait3A] : memref<1048704xf32, #tpu.memory_space<vmem_shared>> -> memref<1048704xf32, #tpu.memory_space<vmem_shared>>
          tpu.wait_indirect_dma semaphore(%run_scoped3A : memref<!tpu.dma_semaphore, #tpu.memory_space<semaphore_mem>>) src(%arg10 : memref<8192xf32, #tpu.memory_space<vmem>>) dst(%dma_wait3A_142 : memref<1048704xf32, #tpu.memory_space<vmem_shared>>)
          tpu.yield
        }) : () -> ()
      }
      %while3A_121 = arith.constant 1 : i32
      scf.for %while3A_130 = %while3A_119 to %while3A_115 step %while3A_121  : i32 {
        %mul3A_131 = arith.constant 8192 : i32
        %mul3A_132 = arith.muli %while3A_130, %mul3A_131 : i32
        %add3A_133 = arith.addi %add3A_103, %mul3A_132 : i32
        %and3A = arith.constant -8 : i32
        %and3A_134 = arith.andi %add3A_133, %and3A : i32
        %multiple_of3A = tpu.assume_multiple %and3A_134, 8 : i32
        "tpu.region"() ({
          %run_scoped3A = tpu.sem_alloc : memref<!tpu.dma_semaphore, #tpu.memory_space<semaphore_mem>>
          %dma_start3A = tpu.memref_slice %arg2[%multiple_of3A] : memref<1065088xi32, #tpu.memory_space<hbm>> -> memref<8208xi32, #tpu.memory_space<hbm>>
          %dma_start3A_141 = tpu.memref_slice %arg2[%multiple_of3A] : memref<1065088xi32, #tpu.memory_space<hbm>> -> memref<8208xi32, #tpu.memory_space<hbm>>
          tpu.enqueue_dma source(%dma_start3A_141 : memref<8208xi32, #tpu.memory_space<hbm>>) target(%arg9 : memref<8208xi32, #tpu.memory_space<vmem>>) target_semaphore(%run_scoped3A : memref<!tpu.dma_semaphore, #tpu.memory_space<semaphore_mem>>)
          %dma_wait3A = tpu.memref_slice %arg2[%multiple_of3A] : memref<1065088xi32, #tpu.memory_space<hbm>> -> memref<8208xi32, #tpu.memory_space<hbm>>
          %dma_wait3A_142 = tpu.memref_slice %arg2[%multiple_of3A] : memref<1065088xi32, #tpu.memory_space<hbm>> -> memref<8208xi32, #tpu.memory_space<hbm>>
          tpu.wait_dma2 semaphore(%run_scoped3A : memref<!tpu.dma_semaphore, #tpu.memory_space<semaphore_mem>>) src(%dma_wait3A_142 : memref<8208xi32, #tpu.memory_space<hbm>>) dst(%arg9 : memref<8208xi32, #tpu.memory_space<vmem>>)
          tpu.yield
        }) : () -> ()
        "tpu.region"() ({
          %run_scoped3A = tpu.sem_alloc : memref<!tpu.dma_semaphore, #tpu.memory_space<semaphore_mem>>
          %dma_start3A = tpu.memref_slice %arg3[%multiple_of3A] : memref<1065088xf32, #tpu.memory_space<hbm>> -> memref<8192xf32, #tpu.memory_space<hbm>>
          %dma_start3A_141 = tpu.memref_slice %arg3[%multiple_of3A] : memref<1065088xf32, #tpu.memory_space<hbm>> -> memref<8192xf32, #tpu.memory_space<hbm>>
          tpu.enqueue_dma source(%dma_start3A_141 : memref<8192xf32, #tpu.memory_space<hbm>>) target(%arg10 : memref<8192xf32, #tpu.memory_space<vmem>>) target_semaphore(%run_scoped3A : memref<!tpu.dma_semaphore, #tpu.memory_space<semaphore_mem>>)
          %dma_wait3A = tpu.memref_slice %arg3[%multiple_of3A] : memref<1065088xf32, #tpu.memory_space<hbm>> -> memref<8192xf32, #tpu.memory_space<hbm>>
          %dma_wait3A_142 = tpu.memref_slice %arg3[%multiple_of3A] : memref<1065088xf32, #tpu.memory_space<hbm>> -> memref<8192xf32, #tpu.memory_space<hbm>>
          tpu.wait_dma2 semaphore(%run_scoped3A : memref<!tpu.dma_semaphore, #tpu.memory_space<semaphore_mem>>) src(%dma_wait3A_142 : memref<8192xf32, #tpu.memory_space<hbm>>) dst(%arg10 : memref<8192xf32, #tpu.memory_space<vmem>>)
          tpu.yield
        }) : () -> ()
        %scan3A_135 = arith.constant 0 : i32
        %scan3A_136 = arith.constant 0 : i32
        %scan3A_137 = arith.constant 512 : i32
        %scan3A_138 = arith.addi %scan3A_136, %scan3A_137 : i32
        %scan3A_139 = arith.constant 1 : i32
        scf.for %scan3A_141 = %scan3A_136 to %scan3A_138 step %scan3A_139  : i32 {
          %mul3A_142 = arith.constant 16 : i32
          %mul3A_143 = arith.muli %scan3A_141, %mul3A_142 : i32
          %get3A_144 = arith.index_cast %mul3A_143 : i32 to index
          %get3A_145 = tpu.vector_load %arg9[%get3A_144] {strides = array<i32>} : memref<8208xi32, #tpu.memory_space<vmem>>, vector<16xi32>,
          %get3A_146 = vector.shape_cast %get3A_145 : vector<16xi32> to vector<16xi32>
          %add3A_147 = arith.constant 1 : i32
          %add3A_148 = arith.addi %mul3A_143, %add3A_147 : i32
          %get3A_149 = arith.index_cast %add3A_148 : i32 to index
          %get3A_150 = tpu.vector_load %arg9[%get3A_149] {strides = array<i32>} : memref<8208xi32, #tpu.memory_space<vmem>>, vector<16xi32>,
          %get3A_151 = vector.shape_cast %get3A_150 : vector<16xi32> to vector<16xi32>
          %add3A_152 = arith.addi %multiple_of3A, %mul3A_143 : i32
          %add3A_153 = vector.broadcast %add3A_152 : i32 to vector<16xi32>
          %add3A_154 = arith.addi %add3A_153, %iota3A : vector<16xi32>
          %ne3A = arith.cmpi ne, %get3A_146, %get3A_151 : vector<16xi32>
          %ge3A = vector.broadcast %add3A_103 : i32 to vector<16xi32>
          %ge3A_155 = arith.cmpi sge, %add3A_154, %ge3A : vector<16xi32>
          %and3A_156 = arith.andi %ne3A, %ge3A_155 : vector<16xi1>
          %lt3A = vector.broadcast %min3A : i32 to vector<16xi32>
          %lt3A_157 = arith.cmpi slt, %add3A_154, %lt3A : vector<16xi32>
          %and3A_158 = arith.andi %and3A_156, %lt3A_157 : vector<16xi1>
          %and3A_159 = arith.constant 112 : i32
          %and3A_160 = arith.andi %mul3A_143, %and3A_159 : i32
          %add3A_161 = arith.constant 1048576 : i32
          %add3A_162 = arith.addi %add3A_161, %and3A_160 : i32
          %add3A_163 = vector.broadcast %add3A_162 : i32 to vector<16xi32>
          %add3A_164 = arith.addi %add3A_163, %iota3A : vector<16xi32>
          %sub3A_165 = arith.constant 5242880 : i32
          %sub3A_166 = vector.broadcast %sub3A_165 : i32 to vector<16xi32>
          %sub3A_167 = arith.subi %get3A_146, %sub3A_166 : vector<16xi32>
          %select_n3A = arith.select %and3A_158, %sub3A_167, %add3A_164 : vector<16xi1>, vector<16xi32>
          %swap3A = arith.index_cast %mul3A_143 : i32 to index
          %swap3A_168 = tpu.vector_load %arg11[%swap3A] {strides = array<i32>} : memref<8192xi32, #tpu.memory_space<vmem>>, vector<16xi32>,
          %swap3A_169 = vector.shape_cast %swap3A_168 : vector<16xi32> to vector<16xi32>
          %swap3A_170 = vector.shape_cast %select_n3A : vector<16xi32> to vector<16xi32>
          tpu.vector_store %arg11[%swap3A], %swap3A_170 {strides = array<i32>} : memref<8192xi32, #tpu.memory_space<vmem>>, vector<16xi32>,
        }
        %scan3A_140 = arith.constant 512 : i32
        "tpu.region"() ({
          %run_scoped3A = tpu.sem_alloc : memref<!tpu.dma_semaphore, #tpu.memory_space<semaphore_mem>>
          %dma_start3A = arith.constant 0 : i32
          %dma_start3A_141 = tpu.memref_slice %arg6[%dma_start3A] : memref<1048704xf32, #tpu.memory_space<vmem_shared>> -> memref<1048704xf32, #tpu.memory_space<vmem_shared>>
          tpu.enqueue_indirect_dma source(%arg10 : memref<8192xf32, #tpu.memory_space<vmem>>) target(%dma_start3A_141 : memref<1048704xf32, #tpu.memory_space<vmem_shared>>) offsets(%arg11 : memref<8192xi32, #tpu.memory_space<vmem>>) semaphore(%run_scoped3A : memref<!tpu.dma_semaphore, #tpu.memory_space<semaphore_mem>>) {add = true}
          %dma_wait3A = arith.constant 0 : i32
          %dma_wait3A_142 = tpu.memref_slice %arg6[%dma_wait3A] : memref<1048704xf32, #tpu.memory_space<vmem_shared>> -> memref<1048704xf32, #tpu.memory_space<vmem_shared>>
          tpu.wait_indirect_dma semaphore(%run_scoped3A : memref<!tpu.dma_semaphore, #tpu.memory_space<semaphore_mem>>) src(%arg10 : memref<8192xf32, #tpu.memory_space<vmem>>) dst(%dma_wait3A_142 : memref<1048704xf32, #tpu.memory_space<vmem_shared>>)
          tpu.yield
        }) : () -> ()
      }
      %barrier3A_122 = arith.constant 0 : index
      tpu.barrier barrier_id(%barrier3A_122)
      %mul3A_123 = arith.constant 65536 : i32
      %mul3A_124 = arith.muli %arg1, %mul3A_123 : i32
      %mul3A_125 = arith.constant 65536 : i32
      %mul3A_126 = arith.muli %arg1, %mul3A_125 : i32
      %add3A_127 = arith.constant 5242880 : i32
      %add3A_128 = arith.addi %add3A_127, %mul3A_126 : i32
      "tpu.region"() ({
        %run_scoped3A = tpu.sem_alloc : memref<!tpu.dma_semaphore, #tpu.memory_space<semaphore_mem>>
        %dma_start3A = tpu.memref_slice %arg5[%add3A_128] : memref<16777216xf32, #tpu.memory_space<hbm>> -> memref<65536xf32, #tpu.memory_space<hbm>>
        %dma_start3A_130 = tpu.memref_slice %arg6[%mul3A_124] : memref<1048704xf32, #tpu.memory_space<vmem_shared>> -> memref<65536xf32, #tpu.memory_space<vmem_shared>>
        tpu.enqueue_dma source(%dma_start3A_130 : memref<65536xf32, #tpu.memory_space<vmem_shared>>) target(%dma_start3A : memref<65536xf32, #tpu.memory_space<hbm>>) target_semaphore(%run_scoped3A : memref<!tpu.dma_semaphore, #tpu.memory_space<semaphore_mem>>)
        %dma_wait3A = tpu.memref_slice %arg5[%add3A_128] : memref<16777216xf32, #tpu.memory_space<hbm>> -> memref<65536xf32, #tpu.memory_space<hbm>>
        %dma_wait3A_131 = tpu.memref_slice %arg6[%mul3A_124] : memref<1048704xf32, #tpu.memory_space<vmem_shared>> -> memref<65536xf32, #tpu.memory_space<vmem_shared>>
        tpu.wait_dma2 semaphore(%run_scoped3A : memref<!tpu.dma_semaphore, #tpu.memory_space<semaphore_mem>>) src(%dma_wait3A_131 : memref<65536xf32, #tpu.memory_space<vmem_shared>>) dst(%dma_wait3A : memref<65536xf32, #tpu.memory_space<hbm>>)
        tpu.yield
      }) : () -> ()
      %barrier3A_129 = arith.constant 0 : index
      tpu.barrier barrier_id(%barrier3A_129)
    } else {
    }
    %eq3A_62 = arith.constant 1 : i32
    %eq3A_63 = arith.cmpi eq, %arg0, %eq3A_62 : i32
    %convert_element_type3A_64 = arith.extui %eq3A_63 : i1 to i32
    %cond3A_65 = arith.constant 0 : i32
    %cond3A_66 = arith.cmpi ne, %convert_element_type3A_64, %cond3A_65 : i32
    scf.if %cond3A_66 {
      %scan3A_87 = arith.constant 0 : i32
      %scan3A_88 = arith.constant 0 : i32
      %scan3A_89 = arith.constant 4 : i32
      %scan3A_90 = arith.addi %scan3A_88, %scan3A_89 : i32
      %scan3A_91 = arith.constant 1 : i32
      scf.for %scan3A_130 = %scan3A_88 to %scan3A_90 step %scan3A_91  : i32 {
        %mul3A_131 = arith.constant 65536 : i32
        %mul3A_132 = arith.muli %arg1, %mul3A_131 : i32
        %mul3A_133 = arith.constant 16384 : i32
        %mul3A_134 = arith.muli %scan3A_130, %mul3A_133 : i32
        %add3A_135 = arith.addi %mul3A_132, %mul3A_134 : i32
        %dma_start3A = tpu.memref_slice %arg6[%add3A_135] : memref<1048704xf32, #tpu.memory_space<vmem_shared>> -> memref<16384xf32, #tpu.memory_space<vmem_shared>>
        %dma_start3A_136 = tpu.memref_slice %arg6[%add3A_135] : memref<1048704xf32, #tpu.memory_space<vmem_shared>> -> memref<16384xf32, #tpu.memory_space<vmem_shared>>
        tpu.enqueue_dma source(%arg7 : memref<16384xf32, #tpu.memory_space<vmem>>) target(%dma_start3A_136 : memref<16384xf32, #tpu.memory_space<vmem_shared>>) target_semaphore(%arg12 : memref<!tpu.dma_semaphore, #tpu.memory_space<semaphore_mem>>)
      }
      %scan3A_92 = arith.constant 4 : i32
      %scan3A_93 = arith.constant 0 : i32
      %scan3A_94 = arith.constant 0 : i32
      %scan3A_95 = arith.constant 4 : i32
      %scan3A_96 = arith.addi %scan3A_94, %scan3A_95 : i32
      %scan3A_97 = arith.constant 1 : i32
      scf.for %scan3A_130 = %scan3A_94 to %scan3A_96 step %scan3A_97  : i32 {
        %mul3A_131 = arith.constant 65536 : i32
        %mul3A_132 = arith.muli %arg1, %mul3A_131 : i32
        %mul3A_133 = arith.constant 16384 : i32
        %mul3A_134 = arith.muli %scan3A_130, %mul3A_133 : i32
        %add3A_135 = arith.addi %mul3A_132, %mul3A_134 : i32
        %dma_wait3A = tpu.memref_slice %arg6[%add3A_135] : memref<1048704xf32, #tpu.memory_space<vmem_shared>> -> memref<16384xf32, #tpu.memory_space<vmem_shared>>
        %dma_wait3A_136 = tpu.memref_slice %arg6[%add3A_135] : memref<1048704xf32, #tpu.memory_space<vmem_shared>> -> memref<16384xf32, #tpu.memory_space<vmem_shared>>
        tpu.wait_dma2 semaphore(%arg12 : memref<!tpu.dma_semaphore, #tpu.memory_space<semaphore_mem>>) src(%arg7 : memref<16384xf32, #tpu.memory_space<vmem>>) dst(%dma_wait3A_136 : memref<16384xf32, #tpu.memory_space<vmem_shared>>)
      }
      %scan3A_98 = arith.constant 4 : i32
      %barrier3A = arith.constant 0 : index
      tpu.barrier barrier_id(%barrier3A)
      %slice3A = vector.extract_strided_slice %get3A_6 {offsets = [13], sizes = [1], strides = [1]} : vector<16xi32> to vector<1xi32>
      %squeeze3A = vector.extract %slice3A[0] : i32 from vector<1xi32>
      %slice3A_99 = vector.extract_strided_slice %get3A_9 {offsets = [13], sizes = [1], strides = [1]} : vector<16xi32> to vector<1xi32>
      %squeeze3A_100 = vector.extract %slice3A_99[0] : i32 from vector<1xi32>
      %sub3A = arith.subi %squeeze3A_100, %squeeze3A : i32
      %add3A = arith.constant 15 : i32
      %add3A_101 = arith.addi %sub3A, %add3A : i32
      %shift_right_arithmetic3A = arith.constant 4 : i32
      %shift_right_arithmetic3A_102 = arith.shrsi %add3A_101, %shift_right_arithmetic3A : i32
      %mul3A = arith.muli %arg1, %shift_right_arithmetic3A_102 : i32
      %add3A_103 = arith.addi %squeeze3A, %mul3A : i32
      %add3A_104 = arith.addi %add3A_103, %shift_right_arithmetic3A_102 : i32
      %min3A = arith.minsi %add3A_104, %squeeze3A_100 : i32
      %add3A_105 = arith.constant 8 : i32
      %add3A_106 = arith.addi %shift_right_arithmetic3A_102, %add3A_105 : i32
      %add3A_107 = arith.constant 8192 : i32
      %add3A_108 = arith.addi %add3A_106, %add3A_107 : i32
      %sub3A_109 = arith.constant 1 : i32
      %sub3A_110 = arith.subi %add3A_108, %sub3A_109 : i32
      %shift_right_arithmetic3A_111 = arith.constant 13 : i32
      %shift_right_arithmetic3A_112 = arith.shrsi %sub3A_110, %shift_right_arithmetic3A_111 : i32
      %while3A = arith.constant 0 : i32
      %while3A_113 = arith.constant 0 : i32
      %while3A_114 = arith.subi %shift_right_arithmetic3A_112, %while3A_113 : i32
      %while3A_115 = arith.addi %while3A_113, %while3A_114 : i32
      %while3A_116 = arith.constant 1 : i32
      %while3A_117 = arith.divsi %while3A_114, %while3A_116 : i32
      %while3A_118 = arith.muli %while3A_117, %while3A_116 : i32
      %while3A_119 = arith.addi %while3A_113, %while3A_118 : i32
      %while3A_120 = arith.constant 1 : i32
      scf.for %while3A_130 = %while3A_113 to %while3A_119 step %while3A_120  : i32 {
        %mul3A_131 = arith.constant 8192 : i32
        %mul3A_132 = arith.muli %while3A_130, %mul3A_131 : i32
        %add3A_133 = arith.addi %add3A_103, %mul3A_132 : i32
        %and3A = arith.constant -8 : i32
        %and3A_134 = arith.andi %add3A_133, %and3A : i32
        %multiple_of3A = tpu.assume_multiple %and3A_134, 8 : i32
        "tpu.region"() ({
          %run_scoped3A = tpu.sem_alloc : memref<!tpu.dma_semaphore, #tpu.memory_space<semaphore_mem>>
          %dma_start3A = tpu.memref_slice %arg2[%multiple_of3A] : memref<1065088xi32, #tpu.memory_space<hbm>> -> memref<8208xi32, #tpu.memory_space<hbm>>
          %dma_start3A_141 = tpu.memref_slice %arg2[%multiple_of3A] : memref<1065088xi32, #tpu.memory_space<hbm>> -> memref<8208xi32, #tpu.memory_space<hbm>>
          tpu.enqueue_dma source(%dma_start3A_141 : memref<8208xi32, #tpu.memory_space<hbm>>) target(%arg9 : memref<8208xi32, #tpu.memory_space<vmem>>) target_semaphore(%run_scoped3A : memref<!tpu.dma_semaphore, #tpu.memory_space<semaphore_mem>>)
          %dma_wait3A = tpu.memref_slice %arg2[%multiple_of3A] : memref<1065088xi32, #tpu.memory_space<hbm>> -> memref<8208xi32, #tpu.memory_space<hbm>>
          %dma_wait3A_142 = tpu.memref_slice %arg2[%multiple_of3A] : memref<1065088xi32, #tpu.memory_space<hbm>> -> memref<8208xi32, #tpu.memory_space<hbm>>
          tpu.wait_dma2 semaphore(%run_scoped3A : memref<!tpu.dma_semaphore, #tpu.memory_space<semaphore_mem>>) src(%dma_wait3A_142 : memref<8208xi32, #tpu.memory_space<hbm>>) dst(%arg9 : memref<8208xi32, #tpu.memory_space<vmem>>)
          tpu.yield
        }) : () -> ()
        "tpu.region"() ({
          %run_scoped3A = tpu.sem_alloc : memref<!tpu.dma_semaphore, #tpu.memory_space<semaphore_mem>>
          %dma_start3A = tpu.memref_slice %arg3[%multiple_of3A] : memref<1065088xf32, #tpu.memory_space<hbm>> -> memref<8192xf32, #tpu.memory_space<hbm>>
          %dma_start3A_141 = tpu.memref_slice %arg3[%multiple_of3A] : memref<1065088xf32, #tpu.memory_space<hbm>> -> memref<8192xf32, #tpu.memory_space<hbm>>
          tpu.enqueue_dma source(%dma_start3A_141 : memref<8192xf32, #tpu.memory_space<hbm>>) target(%arg10 : memref<8192xf32, #tpu.memory_space<vmem>>) target_semaphore(%run_scoped3A : memref<!tpu.dma_semaphore, #tpu.memory_space<semaphore_mem>>)
          %dma_wait3A = tpu.memref_slice %arg3[%multiple_of3A] : memref<1065088xf32, #tpu.memory_space<hbm>> -> memref<8192xf32, #tpu.memory_space<hbm>>
          %dma_wait3A_142 = tpu.memref_slice %arg3[%multiple_of3A] : memref<1065088xf32, #tpu.memory_space<hbm>> -> memref<8192xf32, #tpu.memory_space<hbm>>
          tpu.wait_dma2 semaphore(%run_scoped3A : memref<!tpu.dma_semaphore, #tpu.memory_space<semaphore_mem>>) src(%dma_wait3A_142 : memref<8192xf32, #tpu.memory_space<hbm>>) dst(%arg10 : memref<8192xf32, #tpu.memory_space<vmem>>)
          tpu.yield
        }) : () -> ()
        %scan3A_135 = arith.constant 0 : i32
        %scan3A_136 = arith.constant 0 : i32
        %scan3A_137 = arith.constant 512 : i32
        %scan3A_138 = arith.addi %scan3A_136, %scan3A_137 : i32
        %scan3A_139 = arith.constant 1 : i32
        scf.for %scan3A_141 = %scan3A_136 to %scan3A_138 step %scan3A_139  : i32 {
          %mul3A_142 = arith.constant 16 : i32
          %mul3A_143 = arith.muli %scan3A_141, %mul3A_142 : i32
          %get3A_144 = arith.index_cast %mul3A_143 : i32 to index
          %get3A_145 = tpu.vector_load %arg9[%get3A_144] {strides = array<i32>} : memref<8208xi32, #tpu.memory_space<vmem>>, vector<16xi32>,
          %get3A_146 = vector.shape_cast %get3A_145 : vector<16xi32> to vector<16xi32>
          %add3A_147 = arith.constant 1 : i32
          %add3A_148 = arith.addi %mul3A_143, %add3A_147 : i32
          %get3A_149 = arith.index_cast %add3A_148 : i32 to index
          %get3A_150 = tpu.vector_load %arg9[%get3A_149] {strides = array<i32>} : memref<8208xi32, #tpu.memory_space<vmem>>, vector<16xi32>,
          %get3A_151 = vector.shape_cast %get3A_150 : vector<16xi32> to vector<16xi32>
          %add3A_152 = arith.addi %multiple_of3A, %mul3A_143 : i32
          %add3A_153 = vector.broadcast %add3A_152 : i32 to vector<16xi32>
          %add3A_154 = arith.addi %add3A_153, %iota3A : vector<16xi32>
          %ne3A = arith.cmpi ne, %get3A_146, %get3A_151 : vector<16xi32>
          %ge3A = vector.broadcast %add3A_103 : i32 to vector<16xi32>
          %ge3A_155 = arith.cmpi sge, %add3A_154, %ge3A : vector<16xi32>
          %and3A_156 = arith.andi %ne3A, %ge3A_155 : vector<16xi1>
          %lt3A = vector.broadcast %min3A : i32 to vector<16xi32>
          %lt3A_157 = arith.cmpi slt, %add3A_154, %lt3A : vector<16xi32>
          %and3A_158 = arith.andi %and3A_156, %lt3A_157 : vector<16xi1>
          %and3A_159 = arith.constant 112 : i32
          %and3A_160 = arith.andi %mul3A_143, %and3A_159 : i32
          %add3A_161 = arith.constant 1048576 : i32
          %add3A_162 = arith.addi %add3A_161, %and3A_160 : i32
          %add3A_163 = vector.broadcast %add3A_162 : i32 to vector<16xi32>
          %add3A_164 = arith.addi %add3A_163, %iota3A : vector<16xi32>
          %sub3A_165 = arith.constant 13631488 : i32
          %sub3A_166 = vector.broadcast %sub3A_165 : i32 to vector<16xi32>
          %sub3A_167 = arith.subi %get3A_146, %sub3A_166 : vector<16xi32>
          %select_n3A = arith.select %and3A_158, %sub3A_167, %add3A_164 : vector<16xi1>, vector<16xi32>
          %swap3A = arith.index_cast %mul3A_143 : i32 to index
          %swap3A_168 = tpu.vector_load %arg11[%swap3A] {strides = array<i32>} : memref<8192xi32, #tpu.memory_space<vmem>>, vector<16xi32>,
          %swap3A_169 = vector.shape_cast %swap3A_168 : vector<16xi32> to vector<16xi32>
          %swap3A_170 = vector.shape_cast %select_n3A : vector<16xi32> to vector<16xi32>
          tpu.vector_store %arg11[%swap3A], %swap3A_170 {strides = array<i32>} : memref<8192xi32, #tpu.memory_space<vmem>>, vector<16xi32>,
        }
        %scan3A_140 = arith.constant 512 : i32
        "tpu.region"() ({
          %run_scoped3A = tpu.sem_alloc : memref<!tpu.dma_semaphore, #tpu.memory_space<semaphore_mem>>
          %dma_start3A = arith.constant 0 : i32
          %dma_start3A_141 = tpu.memref_slice %arg6[%dma_start3A] : memref<1048704xf32, #tpu.memory_space<vmem_shared>> -> memref<1048704xf32, #tpu.memory_space<vmem_shared>>
          tpu.enqueue_indirect_dma source(%arg10 : memref<8192xf32, #tpu.memory_space<vmem>>) target(%dma_start3A_141 : memref<1048704xf32, #tpu.memory_space<vmem_shared>>) offsets(%arg11 : memref<8192xi32, #tpu.memory_space<vmem>>) semaphore(%run_scoped3A : memref<!tpu.dma_semaphore, #tpu.memory_space<semaphore_mem>>) {add = true}
          %dma_wait3A = arith.constant 0 : i32
          %dma_wait3A_142 = tpu.memref_slice %arg6[%dma_wait3A] : memref<1048704xf32, #tpu.memory_space<vmem_shared>> -> memref<1048704xf32, #tpu.memory_space<vmem_shared>>
          tpu.wait_indirect_dma semaphore(%run_scoped3A : memref<!tpu.dma_semaphore, #tpu.memory_space<semaphore_mem>>) src(%arg10 : memref<8192xf32, #tpu.memory_space<vmem>>) dst(%dma_wait3A_142 : memref<1048704xf32, #tpu.memory_space<vmem_shared>>)
          tpu.yield
        }) : () -> ()
      }
      %while3A_121 = arith.constant 1 : i32
      scf.for %while3A_130 = %while3A_119 to %while3A_115 step %while3A_121  : i32 {
        %mul3A_131 = arith.constant 8192 : i32
        %mul3A_132 = arith.muli %while3A_130, %mul3A_131 : i32
        %add3A_133 = arith.addi %add3A_103, %mul3A_132 : i32
        %and3A = arith.constant -8 : i32
        %and3A_134 = arith.andi %add3A_133, %and3A : i32
        %multiple_of3A = tpu.assume_multiple %and3A_134, 8 : i32
        "tpu.region"() ({
          %run_scoped3A = tpu.sem_alloc : memref<!tpu.dma_semaphore, #tpu.memory_space<semaphore_mem>>
          %dma_start3A = tpu.memref_slice %arg2[%multiple_of3A] : memref<1065088xi32, #tpu.memory_space<hbm>> -> memref<8208xi32, #tpu.memory_space<hbm>>
          %dma_start3A_141 = tpu.memref_slice %arg2[%multiple_of3A] : memref<1065088xi32, #tpu.memory_space<hbm>> -> memref<8208xi32, #tpu.memory_space<hbm>>
          tpu.enqueue_dma source(%dma_start3A_141 : memref<8208xi32, #tpu.memory_space<hbm>>) target(%arg9 : memref<8208xi32, #tpu.memory_space<vmem>>) target_semaphore(%run_scoped3A : memref<!tpu.dma_semaphore, #tpu.memory_space<semaphore_mem>>)
          %dma_wait3A = tpu.memref_slice %arg2[%multiple_of3A] : memref<1065088xi32, #tpu.memory_space<hbm>> -> memref<8208xi32, #tpu.memory_space<hbm>>
          %dma_wait3A_142 = tpu.memref_slice %arg2[%multiple_of3A] : memref<1065088xi32, #tpu.memory_space<hbm>> -> memref<8208xi32, #tpu.memory_space<hbm>>
          tpu.wait_dma2 semaphore(%run_scoped3A : memref<!tpu.dma_semaphore, #tpu.memory_space<semaphore_mem>>) src(%dma_wait3A_142 : memref<8208xi32, #tpu.memory_space<hbm>>) dst(%arg9 : memref<8208xi32, #tpu.memory_space<vmem>>)
          tpu.yield
        }) : () -> ()
        "tpu.region"() ({
          %run_scoped3A = tpu.sem_alloc : memref<!tpu.dma_semaphore, #tpu.memory_space<semaphore_mem>>
          %dma_start3A = tpu.memref_slice %arg3[%multiple_of3A] : memref<1065088xf32, #tpu.memory_space<hbm>> -> memref<8192xf32, #tpu.memory_space<hbm>>
          %dma_start3A_141 = tpu.memref_slice %arg3[%multiple_of3A] : memref<1065088xf32, #tpu.memory_space<hbm>> -> memref<8192xf32, #tpu.memory_space<hbm>>
          tpu.enqueue_dma source(%dma_start3A_141 : memref<8192xf32, #tpu.memory_space<hbm>>) target(%arg10 : memref<8192xf32, #tpu.memory_space<vmem>>) target_semaphore(%run_scoped3A : memref<!tpu.dma_semaphore, #tpu.memory_space<semaphore_mem>>)
          %dma_wait3A = tpu.memref_slice %arg3[%multiple_of3A] : memref<1065088xf32, #tpu.memory_space<hbm>> -> memref<8192xf32, #tpu.memory_space<hbm>>
          %dma_wait3A_142 = tpu.memref_slice %arg3[%multiple_of3A] : memref<1065088xf32, #tpu.memory_space<hbm>> -> memref<8192xf32, #tpu.memory_space<hbm>>
          tpu.wait_dma2 semaphore(%run_scoped3A : memref<!tpu.dma_semaphore, #tpu.memory_space<semaphore_mem>>) src(%dma_wait3A_142 : memref<8192xf32, #tpu.memory_space<hbm>>) dst(%arg10 : memref<8192xf32, #tpu.memory_space<vmem>>)
          tpu.yield
        }) : () -> ()
        %scan3A_135 = arith.constant 0 : i32
        %scan3A_136 = arith.constant 0 : i32
        %scan3A_137 = arith.constant 512 : i32
        %scan3A_138 = arith.addi %scan3A_136, %scan3A_137 : i32
        %scan3A_139 = arith.constant 1 : i32
        scf.for %scan3A_141 = %scan3A_136 to %scan3A_138 step %scan3A_139  : i32 {
          %mul3A_142 = arith.constant 16 : i32
          %mul3A_143 = arith.muli %scan3A_141, %mul3A_142 : i32
          %get3A_144 = arith.index_cast %mul3A_143 : i32 to index
          %get3A_145 = tpu.vector_load %arg9[%get3A_144] {strides = array<i32>} : memref<8208xi32, #tpu.memory_space<vmem>>, vector<16xi32>,
          %get3A_146 = vector.shape_cast %get3A_145 : vector<16xi32> to vector<16xi32>
          %add3A_147 = arith.constant 1 : i32
          %add3A_148 = arith.addi %mul3A_143, %add3A_147 : i32
          %get3A_149 = arith.index_cast %add3A_148 : i32 to index
          %get3A_150 = tpu.vector_load %arg9[%get3A_149] {strides = array<i32>} : memref<8208xi32, #tpu.memory_space<vmem>>, vector<16xi32>,
          %get3A_151 = vector.shape_cast %get3A_150 : vector<16xi32> to vector<16xi32>
          %add3A_152 = arith.addi %multiple_of3A, %mul3A_143 : i32
          %add3A_153 = vector.broadcast %add3A_152 : i32 to vector<16xi32>
          %add3A_154 = arith.addi %add3A_153, %iota3A : vector<16xi32>
          %ne3A = arith.cmpi ne, %get3A_146, %get3A_151 : vector<16xi32>
          %ge3A = vector.broadcast %add3A_103 : i32 to vector<16xi32>
          %ge3A_155 = arith.cmpi sge, %add3A_154, %ge3A : vector<16xi32>
          %and3A_156 = arith.andi %ne3A, %ge3A_155 : vector<16xi1>
          %lt3A = vector.broadcast %min3A : i32 to vector<16xi32>
          %lt3A_157 = arith.cmpi slt, %add3A_154, %lt3A : vector<16xi32>
          %and3A_158 = arith.andi %and3A_156, %lt3A_157 : vector<16xi1>
          %and3A_159 = arith.constant 112 : i32
          %and3A_160 = arith.andi %mul3A_143, %and3A_159 : i32
          %add3A_161 = arith.constant 1048576 : i32
          %add3A_162 = arith.addi %add3A_161, %and3A_160 : i32
          %add3A_163 = vector.broadcast %add3A_162 : i32 to vector<16xi32>
          %add3A_164 = arith.addi %add3A_163, %iota3A : vector<16xi32>
          %sub3A_165 = arith.constant 13631488 : i32
          %sub3A_166 = vector.broadcast %sub3A_165 : i32 to vector<16xi32>
          %sub3A_167 = arith.subi %get3A_146, %sub3A_166 : vector<16xi32>
          %select_n3A = arith.select %and3A_158, %sub3A_167, %add3A_164 : vector<16xi1>, vector<16xi32>
          %swap3A = arith.index_cast %mul3A_143 : i32 to index
          %swap3A_168 = tpu.vector_load %arg11[%swap3A] {strides = array<i32>} : memref<8192xi32, #tpu.memory_space<vmem>>, vector<16xi32>,
          %swap3A_169 = vector.shape_cast %swap3A_168 : vector<16xi32> to vector<16xi32>
          %swap3A_170 = vector.shape_cast %select_n3A : vector<16xi32> to vector<16xi32>
          tpu.vector_store %arg11[%swap3A], %swap3A_170 {strides = array<i32>} : memref<8192xi32, #tpu.memory_space<vmem>>, vector<16xi32>,
        }
        %scan3A_140 = arith.constant 512 : i32
        "tpu.region"() ({
          %run_scoped3A = tpu.sem_alloc : memref<!tpu.dma_semaphore, #tpu.memory_space<semaphore_mem>>
          %dma_start3A = arith.constant 0 : i32
          %dma_start3A_141 = tpu.memref_slice %arg6[%dma_start3A] : memref<1048704xf32, #tpu.memory_space<vmem_shared>> -> memref<1048704xf32, #tpu.memory_space<vmem_shared>>
          tpu.enqueue_indirect_dma source(%arg10 : memref<8192xf32, #tpu.memory_space<vmem>>) target(%dma_start3A_141 : memref<1048704xf32, #tpu.memory_space<vmem_shared>>) offsets(%arg11 : memref<8192xi32, #tpu.memory_space<vmem>>) semaphore(%run_scoped3A : memref<!tpu.dma_semaphore, #tpu.memory_space<semaphore_mem>>) {add = true}
          %dma_wait3A = arith.constant 0 : i32
          %dma_wait3A_142 = tpu.memref_slice %arg6[%dma_wait3A] : memref<1048704xf32, #tpu.memory_space<vmem_shared>> -> memref<1048704xf32, #tpu.memory_space<vmem_shared>>
          tpu.wait_indirect_dma semaphore(%run_scoped3A : memref<!tpu.dma_semaphore, #tpu.memory_space<semaphore_mem>>) src(%arg10 : memref<8192xf32, #tpu.memory_space<vmem>>) dst(%dma_wait3A_142 : memref<1048704xf32, #tpu.memory_space<vmem_shared>>)
          tpu.yield
        }) : () -> ()
      }
      %barrier3A_122 = arith.constant 0 : index
      tpu.barrier barrier_id(%barrier3A_122)
      %mul3A_123 = arith.constant 65536 : i32
      %mul3A_124 = arith.muli %arg1, %mul3A_123 : i32
      %mul3A_125 = arith.constant 65536 : i32
      %mul3A_126 = arith.muli %arg1, %mul3A_125 : i32
      %add3A_127 = arith.constant 13631488 : i32
      %add3A_128 = arith.addi %add3A_127, %mul3A_126 : i32
      "tpu.region"() ({
        %run_scoped3A = tpu.sem_alloc : memref<!tpu.dma_semaphore, #tpu.memory_space<semaphore_mem>>
        %dma_start3A = tpu.memref_slice %arg5[%add3A_128] : memref<16777216xf32, #tpu.memory_space<hbm>> -> memref<65536xf32, #tpu.memory_space<hbm>>
        %dma_start3A_130 = tpu.memref_slice %arg6[%mul3A_124] : memref<1048704xf32, #tpu.memory_space<vmem_shared>> -> memref<65536xf32, #tpu.memory_space<vmem_shared>>
        tpu.enqueue_dma source(%dma_start3A_130 : memref<65536xf32, #tpu.memory_space<vmem_shared>>) target(%dma_start3A : memref<65536xf32, #tpu.memory_space<hbm>>) target_semaphore(%run_scoped3A : memref<!tpu.dma_semaphore, #tpu.memory_space<semaphore_mem>>)
        %dma_wait3A = tpu.memref_slice %arg5[%add3A_128] : memref<16777216xf32, #tpu.memory_space<hbm>> -> memref<65536xf32, #tpu.memory_space<hbm>>
        %dma_wait3A_131 = tpu.memref_slice %arg6[%mul3A_124] : memref<1048704xf32, #tpu.memory_space<vmem_shared>> -> memref<65536xf32, #tpu.memory_space<vmem_shared>>
        tpu.wait_dma2 semaphore(%run_scoped3A : memref<!tpu.dma_semaphore, #tpu.memory_space<semaphore_mem>>) src(%dma_wait3A_131 : memref<65536xf32, #tpu.memory_space<vmem_shared>>) dst(%dma_wait3A : memref<65536xf32, #tpu.memory_space<hbm>>)
        tpu.yield
      }) : () -> ()
      %barrier3A_129 = arith.constant 0 : index
      tpu.barrier barrier_id(%barrier3A_129)
    } else {
    }
    %eq3A_67 = arith.constant 0 : i32
    %eq3A_68 = arith.cmpi eq, %arg0, %eq3A_67 : i32
    %convert_element_type3A_69 = arith.extui %eq3A_68 : i1 to i32
    %cond3A_70 = arith.constant 0 : i32
    %cond3A_71 = arith.cmpi ne, %convert_element_type3A_69, %cond3A_70 : i32
    scf.if %cond3A_71 {
      %scan3A_87 = arith.constant 0 : i32
      %scan3A_88 = arith.constant 0 : i32
      %scan3A_89 = arith.constant 4 : i32
      %scan3A_90 = arith.addi %scan3A_88, %scan3A_89 : i32
      %scan3A_91 = arith.constant 1 : i32
      scf.for %scan3A_130 = %scan3A_88 to %scan3A_90 step %scan3A_91  : i32 {
        %mul3A_131 = arith.constant 65536 : i32
        %mul3A_132 = arith.muli %arg1, %mul3A_131 : i32
        %mul3A_133 = arith.constant 16384 : i32
        %mul3A_134 = arith.muli %scan3A_130, %mul3A_133 : i32
        %add3A_135 = arith.addi %mul3A_132, %mul3A_134 : i32
        %dma_start3A = tpu.memref_slice %arg6[%add3A_135] : memref<1048704xf32, #tpu.memory_space<vmem_shared>> -> memref<16384xf32, #tpu.memory_space<vmem_shared>>
        %dma_start3A_136 = tpu.memref_slice %arg6[%add3A_135] : memref<1048704xf32, #tpu.memory_space<vmem_shared>> -> memref<16384xf32, #tpu.memory_space<vmem_shared>>
        tpu.enqueue_dma source(%arg7 : memref<16384xf32, #tpu.memory_space<vmem>>) target(%dma_start3A_136 : memref<16384xf32, #tpu.memory_space<vmem_shared>>) target_semaphore(%arg12 : memref<!tpu.dma_semaphore, #tpu.memory_space<semaphore_mem>>)
      }
      %scan3A_92 = arith.constant 4 : i32
      %scan3A_93 = arith.constant 0 : i32
      %scan3A_94 = arith.constant 0 : i32
      %scan3A_95 = arith.constant 4 : i32
      %scan3A_96 = arith.addi %scan3A_94, %scan3A_95 : i32
      %scan3A_97 = arith.constant 1 : i32
      scf.for %scan3A_130 = %scan3A_94 to %scan3A_96 step %scan3A_97  : i32 {
        %mul3A_131 = arith.constant 65536 : i32
        %mul3A_132 = arith.muli %arg1, %mul3A_131 : i32
        %mul3A_133 = arith.constant 16384 : i32
        %mul3A_134 = arith.muli %scan3A_130, %mul3A_133 : i32
        %add3A_135 = arith.addi %mul3A_132, %mul3A_134 : i32
        %dma_wait3A = tpu.memref_slice %arg6[%add3A_135] : memref<1048704xf32, #tpu.memory_space<vmem_shared>> -> memref<16384xf32, #tpu.memory_space<vmem_shared>>
        %dma_wait3A_136 = tpu.memref_slice %arg6[%add3A_135] : memref<1048704xf32, #tpu.memory_space<vmem_shared>> -> memref<16384xf32, #tpu.memory_space<vmem_shared>>
        tpu.wait_dma2 semaphore(%arg12 : memref<!tpu.dma_semaphore, #tpu.memory_space<semaphore_mem>>) src(%arg7 : memref<16384xf32, #tpu.memory_space<vmem>>) dst(%dma_wait3A_136 : memref<16384xf32, #tpu.memory_space<vmem_shared>>)
      }
      %scan3A_98 = arith.constant 4 : i32
      %barrier3A = arith.constant 0 : index
      tpu.barrier barrier_id(%barrier3A)
      %slice3A = vector.extract_strided_slice %get3A_6 {offsets = [6], sizes = [1], strides = [1]} : vector<16xi32> to vector<1xi32>
      %squeeze3A = vector.extract %slice3A[0] : i32 from vector<1xi32>
      %slice3A_99 = vector.extract_strided_slice %get3A_9 {offsets = [6], sizes = [1], strides = [1]} : vector<16xi32> to vector<1xi32>
      %squeeze3A_100 = vector.extract %slice3A_99[0] : i32 from vector<1xi32>
      %sub3A = arith.subi %squeeze3A_100, %squeeze3A : i32
      %add3A = arith.constant 15 : i32
      %add3A_101 = arith.addi %sub3A, %add3A : i32
      %shift_right_arithmetic3A = arith.constant 4 : i32
      %shift_right_arithmetic3A_102 = arith.shrsi %add3A_101, %shift_right_arithmetic3A : i32
      %mul3A = arith.muli %arg1, %shift_right_arithmetic3A_102 : i32
      %add3A_103 = arith.addi %squeeze3A, %mul3A : i32
      %add3A_104 = arith.addi %add3A_103, %shift_right_arithmetic3A_102 : i32
      %min3A = arith.minsi %add3A_104, %squeeze3A_100 : i32
      %add3A_105 = arith.constant 8 : i32
      %add3A_106 = arith.addi %shift_right_arithmetic3A_102, %add3A_105 : i32
      %add3A_107 = arith.constant 8192 : i32
      %add3A_108 = arith.addi %add3A_106, %add3A_107 : i32
      %sub3A_109 = arith.constant 1 : i32
      %sub3A_110 = arith.subi %add3A_108, %sub3A_109 : i32
      %shift_right_arithmetic3A_111 = arith.constant 13 : i32
      %shift_right_arithmetic3A_112 = arith.shrsi %sub3A_110, %shift_right_arithmetic3A_111 : i32
      %while3A = arith.constant 0 : i32
      %while3A_113 = arith.constant 0 : i32
      %while3A_114 = arith.subi %shift_right_arithmetic3A_112, %while3A_113 : i32
      %while3A_115 = arith.addi %while3A_113, %while3A_114 : i32
      %while3A_116 = arith.constant 1 : i32
      %while3A_117 = arith.divsi %while3A_114, %while3A_116 : i32
      %while3A_118 = arith.muli %while3A_117, %while3A_116 : i32
      %while3A_119 = arith.addi %while3A_113, %while3A_118 : i32
      %while3A_120 = arith.constant 1 : i32
      scf.for %while3A_130 = %while3A_113 to %while3A_119 step %while3A_120  : i32 {
        %mul3A_131 = arith.constant 8192 : i32
        %mul3A_132 = arith.muli %while3A_130, %mul3A_131 : i32
        %add3A_133 = arith.addi %add3A_103, %mul3A_132 : i32
        %and3A = arith.constant -8 : i32
        %and3A_134 = arith.andi %add3A_133, %and3A : i32
        %multiple_of3A = tpu.assume_multiple %and3A_134, 8 : i32
        "tpu.region"() ({
          %run_scoped3A = tpu.sem_alloc : memref<!tpu.dma_semaphore, #tpu.memory_space<semaphore_mem>>
          %dma_start3A = tpu.memref_slice %arg2[%multiple_of3A] : memref<1065088xi32, #tpu.memory_space<hbm>> -> memref<8208xi32, #tpu.memory_space<hbm>>
          %dma_start3A_141 = tpu.memref_slice %arg2[%multiple_of3A] : memref<1065088xi32, #tpu.memory_space<hbm>> -> memref<8208xi32, #tpu.memory_space<hbm>>
          tpu.enqueue_dma source(%dma_start3A_141 : memref<8208xi32, #tpu.memory_space<hbm>>) target(%arg9 : memref<8208xi32, #tpu.memory_space<vmem>>) target_semaphore(%run_scoped3A : memref<!tpu.dma_semaphore, #tpu.memory_space<semaphore_mem>>)
          %dma_wait3A = tpu.memref_slice %arg2[%multiple_of3A] : memref<1065088xi32, #tpu.memory_space<hbm>> -> memref<8208xi32, #tpu.memory_space<hbm>>
          %dma_wait3A_142 = tpu.memref_slice %arg2[%multiple_of3A] : memref<1065088xi32, #tpu.memory_space<hbm>> -> memref<8208xi32, #tpu.memory_space<hbm>>
          tpu.wait_dma2 semaphore(%run_scoped3A : memref<!tpu.dma_semaphore, #tpu.memory_space<semaphore_mem>>) src(%dma_wait3A_142 : memref<8208xi32, #tpu.memory_space<hbm>>) dst(%arg9 : memref<8208xi32, #tpu.memory_space<vmem>>)
          tpu.yield
        }) : () -> ()
        "tpu.region"() ({
          %run_scoped3A = tpu.sem_alloc : memref<!tpu.dma_semaphore, #tpu.memory_space<semaphore_mem>>
          %dma_start3A = tpu.memref_slice %arg3[%multiple_of3A] : memref<1065088xf32, #tpu.memory_space<hbm>> -> memref<8192xf32, #tpu.memory_space<hbm>>
          %dma_start3A_141 = tpu.memref_slice %arg3[%multiple_of3A] : memref<1065088xf32, #tpu.memory_space<hbm>> -> memref<8192xf32, #tpu.memory_space<hbm>>
          tpu.enqueue_dma source(%dma_start3A_141 : memref<8192xf32, #tpu.memory_space<hbm>>) target(%arg10 : memref<8192xf32, #tpu.memory_space<vmem>>) target_semaphore(%run_scoped3A : memref<!tpu.dma_semaphore, #tpu.memory_space<semaphore_mem>>)
          %dma_wait3A = tpu.memref_slice %arg3[%multiple_of3A] : memref<1065088xf32, #tpu.memory_space<hbm>> -> memref<8192xf32, #tpu.memory_space<hbm>>
          %dma_wait3A_142 = tpu.memref_slice %arg3[%multiple_of3A] : memref<1065088xf32, #tpu.memory_space<hbm>> -> memref<8192xf32, #tpu.memory_space<hbm>>
          tpu.wait_dma2 semaphore(%run_scoped3A : memref<!tpu.dma_semaphore, #tpu.memory_space<semaphore_mem>>) src(%dma_wait3A_142 : memref<8192xf32, #tpu.memory_space<hbm>>) dst(%arg10 : memref<8192xf32, #tpu.memory_space<vmem>>)
          tpu.yield
        }) : () -> ()
        %scan3A_135 = arith.constant 0 : i32
        %scan3A_136 = arith.constant 0 : i32
        %scan3A_137 = arith.constant 512 : i32
        %scan3A_138 = arith.addi %scan3A_136, %scan3A_137 : i32
        %scan3A_139 = arith.constant 1 : i32
        scf.for %scan3A_141 = %scan3A_136 to %scan3A_138 step %scan3A_139  : i32 {
          %mul3A_142 = arith.constant 16 : i32
          %mul3A_143 = arith.muli %scan3A_141, %mul3A_142 : i32
          %get3A_144 = arith.index_cast %mul3A_143 : i32 to index
          %get3A_145 = tpu.vector_load %arg9[%get3A_144] {strides = array<i32>} : memref<8208xi32, #tpu.memory_space<vmem>>, vector<16xi32>,
          %get3A_146 = vector.shape_cast %get3A_145 : vector<16xi32> to vector<16xi32>
          %add3A_147 = arith.constant 1 : i32
          %add3A_148 = arith.addi %mul3A_143, %add3A_147 : i32
          %get3A_149 = arith.index_cast %add3A_148 : i32 to index
          %get3A_150 = tpu.vector_load %arg9[%get3A_149] {strides = array<i32>} : memref<8208xi32, #tpu.memory_space<vmem>>, vector<16xi32>,
          %get3A_151 = vector.shape_cast %get3A_150 : vector<16xi32> to vector<16xi32>
          %add3A_152 = arith.addi %multiple_of3A, %mul3A_143 : i32
          %add3A_153 = vector.broadcast %add3A_152 : i32 to vector<16xi32>
          %add3A_154 = arith.addi %add3A_153, %iota3A : vector<16xi32>
          %ne3A = arith.cmpi ne, %get3A_146, %get3A_151 : vector<16xi32>
          %ge3A = vector.broadcast %add3A_103 : i32 to vector<16xi32>
          %ge3A_155 = arith.cmpi sge, %add3A_154, %ge3A : vector<16xi32>
          %and3A_156 = arith.andi %ne3A, %ge3A_155 : vector<16xi1>
          %lt3A = vector.broadcast %min3A : i32 to vector<16xi32>
          %lt3A_157 = arith.cmpi slt, %add3A_154, %lt3A : vector<16xi32>
          %and3A_158 = arith.andi %and3A_156, %lt3A_157 : vector<16xi1>
          %and3A_159 = arith.constant 112 : i32
          %and3A_160 = arith.andi %mul3A_143, %and3A_159 : i32
          %add3A_161 = arith.constant 1048576 : i32
          %add3A_162 = arith.addi %add3A_161, %and3A_160 : i32
          %add3A_163 = vector.broadcast %add3A_162 : i32 to vector<16xi32>
          %add3A_164 = arith.addi %add3A_163, %iota3A : vector<16xi32>
          %sub3A_165 = arith.constant 6291456 : i32
          %sub3A_166 = vector.broadcast %sub3A_165 : i32 to vector<16xi32>
          %sub3A_167 = arith.subi %get3A_146, %sub3A_166 : vector<16xi32>
          %select_n3A = arith.select %and3A_158, %sub3A_167, %add3A_164 : vector<16xi1>, vector<16xi32>
          %swap3A = arith.index_cast %mul3A_143 : i32 to index
          %swap3A_168 = tpu.vector_load %arg11[%swap3A] {strides = array<i32>} : memref<8192xi32, #tpu.memory_space<vmem>>, vector<16xi32>,
          %swap3A_169 = vector.shape_cast %swap3A_168 : vector<16xi32> to vector<16xi32>
          %swap3A_170 = vector.shape_cast %select_n3A : vector<16xi32> to vector<16xi32>
          tpu.vector_store %arg11[%swap3A], %swap3A_170 {strides = array<i32>} : memref<8192xi32, #tpu.memory_space<vmem>>, vector<16xi32>,
        }
        %scan3A_140 = arith.constant 512 : i32
        "tpu.region"() ({
          %run_scoped3A = tpu.sem_alloc : memref<!tpu.dma_semaphore, #tpu.memory_space<semaphore_mem>>
          %dma_start3A = arith.constant 0 : i32
          %dma_start3A_141 = tpu.memref_slice %arg6[%dma_start3A] : memref<1048704xf32, #tpu.memory_space<vmem_shared>> -> memref<1048704xf32, #tpu.memory_space<vmem_shared>>
          tpu.enqueue_indirect_dma source(%arg10 : memref<8192xf32, #tpu.memory_space<vmem>>) target(%dma_start3A_141 : memref<1048704xf32, #tpu.memory_space<vmem_shared>>) offsets(%arg11 : memref<8192xi32, #tpu.memory_space<vmem>>) semaphore(%run_scoped3A : memref<!tpu.dma_semaphore, #tpu.memory_space<semaphore_mem>>) {add = true}
          %dma_wait3A = arith.constant 0 : i32
          %dma_wait3A_142 = tpu.memref_slice %arg6[%dma_wait3A] : memref<1048704xf32, #tpu.memory_space<vmem_shared>> -> memref<1048704xf32, #tpu.memory_space<vmem_shared>>
          tpu.wait_indirect_dma semaphore(%run_scoped3A : memref<!tpu.dma_semaphore, #tpu.memory_space<semaphore_mem>>) src(%arg10 : memref<8192xf32, #tpu.memory_space<vmem>>) dst(%dma_wait3A_142 : memref<1048704xf32, #tpu.memory_space<vmem_shared>>)
          tpu.yield
        }) : () -> ()
      }
      %while3A_121 = arith.constant 1 : i32
      scf.for %while3A_130 = %while3A_119 to %while3A_115 step %while3A_121  : i32 {
        %mul3A_131 = arith.constant 8192 : i32
        %mul3A_132 = arith.muli %while3A_130, %mul3A_131 : i32
        %add3A_133 = arith.addi %add3A_103, %mul3A_132 : i32
        %and3A = arith.constant -8 : i32
        %and3A_134 = arith.andi %add3A_133, %and3A : i32
        %multiple_of3A = tpu.assume_multiple %and3A_134, 8 : i32
        "tpu.region"() ({
          %run_scoped3A = tpu.sem_alloc : memref<!tpu.dma_semaphore, #tpu.memory_space<semaphore_mem>>
          %dma_start3A = tpu.memref_slice %arg2[%multiple_of3A] : memref<1065088xi32, #tpu.memory_space<hbm>> -> memref<8208xi32, #tpu.memory_space<hbm>>
          %dma_start3A_141 = tpu.memref_slice %arg2[%multiple_of3A] : memref<1065088xi32, #tpu.memory_space<hbm>> -> memref<8208xi32, #tpu.memory_space<hbm>>
          tpu.enqueue_dma source(%dma_start3A_141 : memref<8208xi32, #tpu.memory_space<hbm>>) target(%arg9 : memref<8208xi32, #tpu.memory_space<vmem>>) target_semaphore(%run_scoped3A : memref<!tpu.dma_semaphore, #tpu.memory_space<semaphore_mem>>)
          %dma_wait3A = tpu.memref_slice %arg2[%multiple_of3A] : memref<1065088xi32, #tpu.memory_space<hbm>> -> memref<8208xi32, #tpu.memory_space<hbm>>
          %dma_wait3A_142 = tpu.memref_slice %arg2[%multiple_of3A] : memref<1065088xi32, #tpu.memory_space<hbm>> -> memref<8208xi32, #tpu.memory_space<hbm>>
          tpu.wait_dma2 semaphore(%run_scoped3A : memref<!tpu.dma_semaphore, #tpu.memory_space<semaphore_mem>>) src(%dma_wait3A_142 : memref<8208xi32, #tpu.memory_space<hbm>>) dst(%arg9 : memref<8208xi32, #tpu.memory_space<vmem>>)
          tpu.yield
        }) : () -> ()
        "tpu.region"() ({
          %run_scoped3A = tpu.sem_alloc : memref<!tpu.dma_semaphore, #tpu.memory_space<semaphore_mem>>
          %dma_start3A = tpu.memref_slice %arg3[%multiple_of3A] : memref<1065088xf32, #tpu.memory_space<hbm>> -> memref<8192xf32, #tpu.memory_space<hbm>>
          %dma_start3A_141 = tpu.memref_slice %arg3[%multiple_of3A] : memref<1065088xf32, #tpu.memory_space<hbm>> -> memref<8192xf32, #tpu.memory_space<hbm>>
          tpu.enqueue_dma source(%dma_start3A_141 : memref<8192xf32, #tpu.memory_space<hbm>>) target(%arg10 : memref<8192xf32, #tpu.memory_space<vmem>>) target_semaphore(%run_scoped3A : memref<!tpu.dma_semaphore, #tpu.memory_space<semaphore_mem>>)
          %dma_wait3A = tpu.memref_slice %arg3[%multiple_of3A] : memref<1065088xf32, #tpu.memory_space<hbm>> -> memref<8192xf32, #tpu.memory_space<hbm>>
          %dma_wait3A_142 = tpu.memref_slice %arg3[%multiple_of3A] : memref<1065088xf32, #tpu.memory_space<hbm>> -> memref<8192xf32, #tpu.memory_space<hbm>>
          tpu.wait_dma2 semaphore(%run_scoped3A : memref<!tpu.dma_semaphore, #tpu.memory_space<semaphore_mem>>) src(%dma_wait3A_142 : memref<8192xf32, #tpu.memory_space<hbm>>) dst(%arg10 : memref<8192xf32, #tpu.memory_space<vmem>>)
          tpu.yield
        }) : () -> ()
        %scan3A_135 = arith.constant 0 : i32
        %scan3A_136 = arith.constant 0 : i32
        %scan3A_137 = arith.constant 512 : i32
        %scan3A_138 = arith.addi %scan3A_136, %scan3A_137 : i32
        %scan3A_139 = arith.constant 1 : i32
        scf.for %scan3A_141 = %scan3A_136 to %scan3A_138 step %scan3A_139  : i32 {
          %mul3A_142 = arith.constant 16 : i32
          %mul3A_143 = arith.muli %scan3A_141, %mul3A_142 : i32
          %get3A_144 = arith.index_cast %mul3A_143 : i32 to index
          %get3A_145 = tpu.vector_load %arg9[%get3A_144] {strides = array<i32>} : memref<8208xi32, #tpu.memory_space<vmem>>, vector<16xi32>,
          %get3A_146 = vector.shape_cast %get3A_145 : vector<16xi32> to vector<16xi32>
          %add3A_147 = arith.constant 1 : i32
          %add3A_148 = arith.addi %mul3A_143, %add3A_147 : i32
          %get3A_149 = arith.index_cast %add3A_148 : i32 to index
          %get3A_150 = tpu.vector_load %arg9[%get3A_149] {strides = array<i32>} : memref<8208xi32, #tpu.memory_space<vmem>>, vector<16xi32>,
          %get3A_151 = vector.shape_cast %get3A_150 : vector<16xi32> to vector<16xi32>
          %add3A_152 = arith.addi %multiple_of3A, %mul3A_143 : i32
          %add3A_153 = vector.broadcast %add3A_152 : i32 to vector<16xi32>
          %add3A_154 = arith.addi %add3A_153, %iota3A : vector<16xi32>
          %ne3A = arith.cmpi ne, %get3A_146, %get3A_151 : vector<16xi32>
          %ge3A = vector.broadcast %add3A_103 : i32 to vector<16xi32>
          %ge3A_155 = arith.cmpi sge, %add3A_154, %ge3A : vector<16xi32>
          %and3A_156 = arith.andi %ne3A, %ge3A_155 : vector<16xi1>
          %lt3A = vector.broadcast %min3A : i32 to vector<16xi32>
          %lt3A_157 = arith.cmpi slt, %add3A_154, %lt3A : vector<16xi32>
          %and3A_158 = arith.andi %and3A_156, %lt3A_157 : vector<16xi1>
          %and3A_159 = arith.constant 112 : i32
          %and3A_160 = arith.andi %mul3A_143, %and3A_159 : i32
          %add3A_161 = arith.constant 1048576 : i32
          %add3A_162 = arith.addi %add3A_161, %and3A_160 : i32
          %add3A_163 = vector.broadcast %add3A_162 : i32 to vector<16xi32>
          %add3A_164 = arith.addi %add3A_163, %iota3A : vector<16xi32>
          %sub3A_165 = arith.constant 6291456 : i32
          %sub3A_166 = vector.broadcast %sub3A_165 : i32 to vector<16xi32>
          %sub3A_167 = arith.subi %get3A_146, %sub3A_166 : vector<16xi32>
          %select_n3A = arith.select %and3A_158, %sub3A_167, %add3A_164 : vector<16xi1>, vector<16xi32>
          %swap3A = arith.index_cast %mul3A_143 : i32 to index
          %swap3A_168 = tpu.vector_load %arg11[%swap3A] {strides = array<i32>} : memref<8192xi32, #tpu.memory_space<vmem>>, vector<16xi32>,
          %swap3A_169 = vector.shape_cast %swap3A_168 : vector<16xi32> to vector<16xi32>
          %swap3A_170 = vector.shape_cast %select_n3A : vector<16xi32> to vector<16xi32>
          tpu.vector_store %arg11[%swap3A], %swap3A_170 {strides = array<i32>} : memref<8192xi32, #tpu.memory_space<vmem>>, vector<16xi32>,
        }
        %scan3A_140 = arith.constant 512 : i32
        "tpu.region"() ({
          %run_scoped3A = tpu.sem_alloc : memref<!tpu.dma_semaphore, #tpu.memory_space<semaphore_mem>>
          %dma_start3A = arith.constant 0 : i32
          %dma_start3A_141 = tpu.memref_slice %arg6[%dma_start3A] : memref<1048704xf32, #tpu.memory_space<vmem_shared>> -> memref<1048704xf32, #tpu.memory_space<vmem_shared>>
          tpu.enqueue_indirect_dma source(%arg10 : memref<8192xf32, #tpu.memory_space<vmem>>) target(%dma_start3A_141 : memref<1048704xf32, #tpu.memory_space<vmem_shared>>) offsets(%arg11 : memref<8192xi32, #tpu.memory_space<vmem>>) semaphore(%run_scoped3A : memref<!tpu.dma_semaphore, #tpu.memory_space<semaphore_mem>>) {add = true}
          %dma_wait3A = arith.constant 0 : i32
          %dma_wait3A_142 = tpu.memref_slice %arg6[%dma_wait3A] : memref<1048704xf32, #tpu.memory_space<vmem_shared>> -> memref<1048704xf32, #tpu.memory_space<vmem_shared>>
          tpu.wait_indirect_dma semaphore(%run_scoped3A : memref<!tpu.dma_semaphore, #tpu.memory_space<semaphore_mem>>) src(%arg10 : memref<8192xf32, #tpu.memory_space<vmem>>) dst(%dma_wait3A_142 : memref<1048704xf32, #tpu.memory_space<vmem_shared>>)
          tpu.yield
        }) : () -> ()
      }
      %barrier3A_122 = arith.constant 0 : index
      tpu.barrier barrier_id(%barrier3A_122)
      %mul3A_123 = arith.constant 65536 : i32
      %mul3A_124 = arith.muli %arg1, %mul3A_123 : i32
      %mul3A_125 = arith.constant 65536 : i32
      %mul3A_126 = arith.muli %arg1, %mul3A_125 : i32
      %add3A_127 = arith.constant 6291456 : i32
      %add3A_128 = arith.addi %add3A_127, %mul3A_126 : i32
      "tpu.region"() ({
        %run_scoped3A = tpu.sem_alloc : memref<!tpu.dma_semaphore, #tpu.memory_space<semaphore_mem>>
        %dma_start3A = tpu.memref_slice %arg5[%add3A_128] : memref<16777216xf32, #tpu.memory_space<hbm>> -> memref<65536xf32, #tpu.memory_space<hbm>>
        %dma_start3A_130 = tpu.memref_slice %arg6[%mul3A_124] : memref<1048704xf32, #tpu.memory_space<vmem_shared>> -> memref<65536xf32, #tpu.memory_space<vmem_shared>>
        tpu.enqueue_dma source(%dma_start3A_130 : memref<65536xf32, #tpu.memory_space<vmem_shared>>) target(%dma_start3A : memref<65536xf32, #tpu.memory_space<hbm>>) target_semaphore(%run_scoped3A : memref<!tpu.dma_semaphore, #tpu.memory_space<semaphore_mem>>)
        %dma_wait3A = tpu.memref_slice %arg5[%add3A_128] : memref<16777216xf32, #tpu.memory_space<hbm>> -> memref<65536xf32, #tpu.memory_space<hbm>>
        %dma_wait3A_131 = tpu.memref_slice %arg6[%mul3A_124] : memref<1048704xf32, #tpu.memory_space<vmem_shared>> -> memref<65536xf32, #tpu.memory_space<vmem_shared>>
        tpu.wait_dma2 semaphore(%run_scoped3A : memref<!tpu.dma_semaphore, #tpu.memory_space<semaphore_mem>>) src(%dma_wait3A_131 : memref<65536xf32, #tpu.memory_space<vmem_shared>>) dst(%dma_wait3A : memref<65536xf32, #tpu.memory_space<hbm>>)
        tpu.yield
      }) : () -> ()
      %barrier3A_129 = arith.constant 0 : index
      tpu.barrier barrier_id(%barrier3A_129)
    } else {
    }
    %eq3A_72 = arith.constant 1 : i32
    %eq3A_73 = arith.cmpi eq, %arg0, %eq3A_72 : i32
    %convert_element_type3A_74 = arith.extui %eq3A_73 : i1 to i32
    %cond3A_75 = arith.constant 0 : i32
    %cond3A_76 = arith.cmpi ne, %convert_element_type3A_74, %cond3A_75 : i32
    scf.if %cond3A_76 {
      %scan3A_87 = arith.constant 0 : i32
      %scan3A_88 = arith.constant 0 : i32
      %scan3A_89 = arith.constant 4 : i32
      %scan3A_90 = arith.addi %scan3A_88, %scan3A_89 : i32
      %scan3A_91 = arith.constant 1 : i32
      scf.for %scan3A_130 = %scan3A_88 to %scan3A_90 step %scan3A_91  : i32 {
        %mul3A_131 = arith.constant 65536 : i32
        %mul3A_132 = arith.muli %arg1, %mul3A_131 : i32
        %mul3A_133 = arith.constant 16384 : i32
        %mul3A_134 = arith.muli %scan3A_130, %mul3A_133 : i32
        %add3A_135 = arith.addi %mul3A_132, %mul3A_134 : i32
        %dma_start3A = tpu.memref_slice %arg6[%add3A_135] : memref<1048704xf32, #tpu.memory_space<vmem_shared>> -> memref<16384xf32, #tpu.memory_space<vmem_shared>>
        %dma_start3A_136 = tpu.memref_slice %arg6[%add3A_135] : memref<1048704xf32, #tpu.memory_space<vmem_shared>> -> memref<16384xf32, #tpu.memory_space<vmem_shared>>
        tpu.enqueue_dma source(%arg7 : memref<16384xf32, #tpu.memory_space<vmem>>) target(%dma_start3A_136 : memref<16384xf32, #tpu.memory_space<vmem_shared>>) target_semaphore(%arg12 : memref<!tpu.dma_semaphore, #tpu.memory_space<semaphore_mem>>)
      }
      %scan3A_92 = arith.constant 4 : i32
      %scan3A_93 = arith.constant 0 : i32
      %scan3A_94 = arith.constant 0 : i32
      %scan3A_95 = arith.constant 4 : i32
      %scan3A_96 = arith.addi %scan3A_94, %scan3A_95 : i32
      %scan3A_97 = arith.constant 1 : i32
      scf.for %scan3A_130 = %scan3A_94 to %scan3A_96 step %scan3A_97  : i32 {
        %mul3A_131 = arith.constant 65536 : i32
        %mul3A_132 = arith.muli %arg1, %mul3A_131 : i32
        %mul3A_133 = arith.constant 16384 : i32
        %mul3A_134 = arith.muli %scan3A_130, %mul3A_133 : i32
        %add3A_135 = arith.addi %mul3A_132, %mul3A_134 : i32
        %dma_wait3A = tpu.memref_slice %arg6[%add3A_135] : memref<1048704xf32, #tpu.memory_space<vmem_shared>> -> memref<16384xf32, #tpu.memory_space<vmem_shared>>
        %dma_wait3A_136 = tpu.memref_slice %arg6[%add3A_135] : memref<1048704xf32, #tpu.memory_space<vmem_shared>> -> memref<16384xf32, #tpu.memory_space<vmem_shared>>
        tpu.wait_dma2 semaphore(%arg12 : memref<!tpu.dma_semaphore, #tpu.memory_space<semaphore_mem>>) src(%arg7 : memref<16384xf32, #tpu.memory_space<vmem>>) dst(%dma_wait3A_136 : memref<16384xf32, #tpu.memory_space<vmem_shared>>)
      }
      %scan3A_98 = arith.constant 4 : i32
      %barrier3A = arith.constant 0 : index
      tpu.barrier barrier_id(%barrier3A)
      %slice3A = vector.extract_strided_slice %get3A_6 {offsets = [14], sizes = [1], strides = [1]} : vector<16xi32> to vector<1xi32>
      %squeeze3A = vector.extract %slice3A[0] : i32 from vector<1xi32>
      %slice3A_99 = vector.extract_strided_slice %get3A_9 {offsets = [14], sizes = [1], strides = [1]} : vector<16xi32> to vector<1xi32>
      %squeeze3A_100 = vector.extract %slice3A_99[0] : i32 from vector<1xi32>
      %sub3A = arith.subi %squeeze3A_100, %squeeze3A : i32
      %add3A = arith.constant 15 : i32
      %add3A_101 = arith.addi %sub3A, %add3A : i32
      %shift_right_arithmetic3A = arith.constant 4 : i32
      %shift_right_arithmetic3A_102 = arith.shrsi %add3A_101, %shift_right_arithmetic3A : i32
      %mul3A = arith.muli %arg1, %shift_right_arithmetic3A_102 : i32
      %add3A_103 = arith.addi %squeeze3A, %mul3A : i32
      %add3A_104 = arith.addi %add3A_103, %shift_right_arithmetic3A_102 : i32
      %min3A = arith.minsi %add3A_104, %squeeze3A_100 : i32
      %add3A_105 = arith.constant 8 : i32
      %add3A_106 = arith.addi %shift_right_arithmetic3A_102, %add3A_105 : i32
      %add3A_107 = arith.constant 8192 : i32
      %add3A_108 = arith.addi %add3A_106, %add3A_107 : i32
      %sub3A_109 = arith.constant 1 : i32
      %sub3A_110 = arith.subi %add3A_108, %sub3A_109 : i32
      %shift_right_arithmetic3A_111 = arith.constant 13 : i32
      %shift_right_arithmetic3A_112 = arith.shrsi %sub3A_110, %shift_right_arithmetic3A_111 : i32
      %while3A = arith.constant 0 : i32
      %while3A_113 = arith.constant 0 : i32
      %while3A_114 = arith.subi %shift_right_arithmetic3A_112, %while3A_113 : i32
      %while3A_115 = arith.addi %while3A_113, %while3A_114 : i32
      %while3A_116 = arith.constant 1 : i32
      %while3A_117 = arith.divsi %while3A_114, %while3A_116 : i32
      %while3A_118 = arith.muli %while3A_117, %while3A_116 : i32
      %while3A_119 = arith.addi %while3A_113, %while3A_118 : i32
      %while3A_120 = arith.constant 1 : i32
      scf.for %while3A_130 = %while3A_113 to %while3A_119 step %while3A_120  : i32 {
        %mul3A_131 = arith.constant 8192 : i32
        %mul3A_132 = arith.muli %while3A_130, %mul3A_131 : i32
        %add3A_133 = arith.addi %add3A_103, %mul3A_132 : i32
        %and3A = arith.constant -8 : i32
        %and3A_134 = arith.andi %add3A_133, %and3A : i32
        %multiple_of3A = tpu.assume_multiple %and3A_134, 8 : i32
        "tpu.region"() ({
          %run_scoped3A = tpu.sem_alloc : memref<!tpu.dma_semaphore, #tpu.memory_space<semaphore_mem>>
          %dma_start3A = tpu.memref_slice %arg2[%multiple_of3A] : memref<1065088xi32, #tpu.memory_space<hbm>> -> memref<8208xi32, #tpu.memory_space<hbm>>
          %dma_start3A_141 = tpu.memref_slice %arg2[%multiple_of3A] : memref<1065088xi32, #tpu.memory_space<hbm>> -> memref<8208xi32, #tpu.memory_space<hbm>>
          tpu.enqueue_dma source(%dma_start3A_141 : memref<8208xi32, #tpu.memory_space<hbm>>) target(%arg9 : memref<8208xi32, #tpu.memory_space<vmem>>) target_semaphore(%run_scoped3A : memref<!tpu.dma_semaphore, #tpu.memory_space<semaphore_mem>>)
          %dma_wait3A = tpu.memref_slice %arg2[%multiple_of3A] : memref<1065088xi32, #tpu.memory_space<hbm>> -> memref<8208xi32, #tpu.memory_space<hbm>>
          %dma_wait3A_142 = tpu.memref_slice %arg2[%multiple_of3A] : memref<1065088xi32, #tpu.memory_space<hbm>> -> memref<8208xi32, #tpu.memory_space<hbm>>
          tpu.wait_dma2 semaphore(%run_scoped3A : memref<!tpu.dma_semaphore, #tpu.memory_space<semaphore_mem>>) src(%dma_wait3A_142 : memref<8208xi32, #tpu.memory_space<hbm>>) dst(%arg9 : memref<8208xi32, #tpu.memory_space<vmem>>)
          tpu.yield
        }) : () -> ()
        "tpu.region"() ({
          %run_scoped3A = tpu.sem_alloc : memref<!tpu.dma_semaphore, #tpu.memory_space<semaphore_mem>>
          %dma_start3A = tpu.memref_slice %arg3[%multiple_of3A] : memref<1065088xf32, #tpu.memory_space<hbm>> -> memref<8192xf32, #tpu.memory_space<hbm>>
          %dma_start3A_141 = tpu.memref_slice %arg3[%multiple_of3A] : memref<1065088xf32, #tpu.memory_space<hbm>> -> memref<8192xf32, #tpu.memory_space<hbm>>
          tpu.enqueue_dma source(%dma_start3A_141 : memref<8192xf32, #tpu.memory_space<hbm>>) target(%arg10 : memref<8192xf32, #tpu.memory_space<vmem>>) target_semaphore(%run_scoped3A : memref<!tpu.dma_semaphore, #tpu.memory_space<semaphore_mem>>)
          %dma_wait3A = tpu.memref_slice %arg3[%multiple_of3A] : memref<1065088xf32, #tpu.memory_space<hbm>> -> memref<8192xf32, #tpu.memory_space<hbm>>
          %dma_wait3A_142 = tpu.memref_slice %arg3[%multiple_of3A] : memref<1065088xf32, #tpu.memory_space<hbm>> -> memref<8192xf32, #tpu.memory_space<hbm>>
          tpu.wait_dma2 semaphore(%run_scoped3A : memref<!tpu.dma_semaphore, #tpu.memory_space<semaphore_mem>>) src(%dma_wait3A_142 : memref<8192xf32, #tpu.memory_space<hbm>>) dst(%arg10 : memref<8192xf32, #tpu.memory_space<vmem>>)
          tpu.yield
        }) : () -> ()
        %scan3A_135 = arith.constant 0 : i32
        %scan3A_136 = arith.constant 0 : i32
        %scan3A_137 = arith.constant 512 : i32
        %scan3A_138 = arith.addi %scan3A_136, %scan3A_137 : i32
        %scan3A_139 = arith.constant 1 : i32
        scf.for %scan3A_141 = %scan3A_136 to %scan3A_138 step %scan3A_139  : i32 {
          %mul3A_142 = arith.constant 16 : i32
          %mul3A_143 = arith.muli %scan3A_141, %mul3A_142 : i32
          %get3A_144 = arith.index_cast %mul3A_143 : i32 to index
          %get3A_145 = tpu.vector_load %arg9[%get3A_144] {strides = array<i32>} : memref<8208xi32, #tpu.memory_space<vmem>>, vector<16xi32>,
          %get3A_146 = vector.shape_cast %get3A_145 : vector<16xi32> to vector<16xi32>
          %add3A_147 = arith.constant 1 : i32
          %add3A_148 = arith.addi %mul3A_143, %add3A_147 : i32
          %get3A_149 = arith.index_cast %add3A_148 : i32 to index
          %get3A_150 = tpu.vector_load %arg9[%get3A_149] {strides = array<i32>} : memref<8208xi32, #tpu.memory_space<vmem>>, vector<16xi32>,
          %get3A_151 = vector.shape_cast %get3A_150 : vector<16xi32> to vector<16xi32>
          %add3A_152 = arith.addi %multiple_of3A, %mul3A_143 : i32
          %add3A_153 = vector.broadcast %add3A_152 : i32 to vector<16xi32>
          %add3A_154 = arith.addi %add3A_153, %iota3A : vector<16xi32>
          %ne3A = arith.cmpi ne, %get3A_146, %get3A_151 : vector<16xi32>
          %ge3A = vector.broadcast %add3A_103 : i32 to vector<16xi32>
          %ge3A_155 = arith.cmpi sge, %add3A_154, %ge3A : vector<16xi32>
          %and3A_156 = arith.andi %ne3A, %ge3A_155 : vector<16xi1>
          %lt3A = vector.broadcast %min3A : i32 to vector<16xi32>
          %lt3A_157 = arith.cmpi slt, %add3A_154, %lt3A : vector<16xi32>
          %and3A_158 = arith.andi %and3A_156, %lt3A_157 : vector<16xi1>
          %and3A_159 = arith.constant 112 : i32
          %and3A_160 = arith.andi %mul3A_143, %and3A_159 : i32
          %add3A_161 = arith.constant 1048576 : i32
          %add3A_162 = arith.addi %add3A_161, %and3A_160 : i32
          %add3A_163 = vector.broadcast %add3A_162 : i32 to vector<16xi32>
          %add3A_164 = arith.addi %add3A_163, %iota3A : vector<16xi32>
          %sub3A_165 = arith.constant 14680064 : i32
          %sub3A_166 = vector.broadcast %sub3A_165 : i32 to vector<16xi32>
          %sub3A_167 = arith.subi %get3A_146, %sub3A_166 : vector<16xi32>
          %select_n3A = arith.select %and3A_158, %sub3A_167, %add3A_164 : vector<16xi1>, vector<16xi32>
          %swap3A = arith.index_cast %mul3A_143 : i32 to index
          %swap3A_168 = tpu.vector_load %arg11[%swap3A] {strides = array<i32>} : memref<8192xi32, #tpu.memory_space<vmem>>, vector<16xi32>,
          %swap3A_169 = vector.shape_cast %swap3A_168 : vector<16xi32> to vector<16xi32>
          %swap3A_170 = vector.shape_cast %select_n3A : vector<16xi32> to vector<16xi32>
          tpu.vector_store %arg11[%swap3A], %swap3A_170 {strides = array<i32>} : memref<8192xi32, #tpu.memory_space<vmem>>, vector<16xi32>,
        }
        %scan3A_140 = arith.constant 512 : i32
        "tpu.region"() ({
          %run_scoped3A = tpu.sem_alloc : memref<!tpu.dma_semaphore, #tpu.memory_space<semaphore_mem>>
          %dma_start3A = arith.constant 0 : i32
          %dma_start3A_141 = tpu.memref_slice %arg6[%dma_start3A] : memref<1048704xf32, #tpu.memory_space<vmem_shared>> -> memref<1048704xf32, #tpu.memory_space<vmem_shared>>
          tpu.enqueue_indirect_dma source(%arg10 : memref<8192xf32, #tpu.memory_space<vmem>>) target(%dma_start3A_141 : memref<1048704xf32, #tpu.memory_space<vmem_shared>>) offsets(%arg11 : memref<8192xi32, #tpu.memory_space<vmem>>) semaphore(%run_scoped3A : memref<!tpu.dma_semaphore, #tpu.memory_space<semaphore_mem>>) {add = true}
          %dma_wait3A = arith.constant 0 : i32
          %dma_wait3A_142 = tpu.memref_slice %arg6[%dma_wait3A] : memref<1048704xf32, #tpu.memory_space<vmem_shared>> -> memref<1048704xf32, #tpu.memory_space<vmem_shared>>
          tpu.wait_indirect_dma semaphore(%run_scoped3A : memref<!tpu.dma_semaphore, #tpu.memory_space<semaphore_mem>>) src(%arg10 : memref<8192xf32, #tpu.memory_space<vmem>>) dst(%dma_wait3A_142 : memref<1048704xf32, #tpu.memory_space<vmem_shared>>)
          tpu.yield
        }) : () -> ()
      }
      %while3A_121 = arith.constant 1 : i32
      scf.for %while3A_130 = %while3A_119 to %while3A_115 step %while3A_121  : i32 {
        %mul3A_131 = arith.constant 8192 : i32
        %mul3A_132 = arith.muli %while3A_130, %mul3A_131 : i32
        %add3A_133 = arith.addi %add3A_103, %mul3A_132 : i32
        %and3A = arith.constant -8 : i32
        %and3A_134 = arith.andi %add3A_133, %and3A : i32
        %multiple_of3A = tpu.assume_multiple %and3A_134, 8 : i32
        "tpu.region"() ({
          %run_scoped3A = tpu.sem_alloc : memref<!tpu.dma_semaphore, #tpu.memory_space<semaphore_mem>>
          %dma_start3A = tpu.memref_slice %arg2[%multiple_of3A] : memref<1065088xi32, #tpu.memory_space<hbm>> -> memref<8208xi32, #tpu.memory_space<hbm>>
          %dma_start3A_141 = tpu.memref_slice %arg2[%multiple_of3A] : memref<1065088xi32, #tpu.memory_space<hbm>> -> memref<8208xi32, #tpu.memory_space<hbm>>
          tpu.enqueue_dma source(%dma_start3A_141 : memref<8208xi32, #tpu.memory_space<hbm>>) target(%arg9 : memref<8208xi32, #tpu.memory_space<vmem>>) target_semaphore(%run_scoped3A : memref<!tpu.dma_semaphore, #tpu.memory_space<semaphore_mem>>)
          %dma_wait3A = tpu.memref_slice %arg2[%multiple_of3A] : memref<1065088xi32, #tpu.memory_space<hbm>> -> memref<8208xi32, #tpu.memory_space<hbm>>
          %dma_wait3A_142 = tpu.memref_slice %arg2[%multiple_of3A] : memref<1065088xi32, #tpu.memory_space<hbm>> -> memref<8208xi32, #tpu.memory_space<hbm>>
          tpu.wait_dma2 semaphore(%run_scoped3A : memref<!tpu.dma_semaphore, #tpu.memory_space<semaphore_mem>>) src(%dma_wait3A_142 : memref<8208xi32, #tpu.memory_space<hbm>>) dst(%arg9 : memref<8208xi32, #tpu.memory_space<vmem>>)
          tpu.yield
        }) : () -> ()
        "tpu.region"() ({
          %run_scoped3A = tpu.sem_alloc : memref<!tpu.dma_semaphore, #tpu.memory_space<semaphore_mem>>
          %dma_start3A = tpu.memref_slice %arg3[%multiple_of3A] : memref<1065088xf32, #tpu.memory_space<hbm>> -> memref<8192xf32, #tpu.memory_space<hbm>>
          %dma_start3A_141 = tpu.memref_slice %arg3[%multiple_of3A] : memref<1065088xf32, #tpu.memory_space<hbm>> -> memref<8192xf32, #tpu.memory_space<hbm>>
          tpu.enqueue_dma source(%dma_start3A_141 : memref<8192xf32, #tpu.memory_space<hbm>>) target(%arg10 : memref<8192xf32, #tpu.memory_space<vmem>>) target_semaphore(%run_scoped3A : memref<!tpu.dma_semaphore, #tpu.memory_space<semaphore_mem>>)
          %dma_wait3A = tpu.memref_slice %arg3[%multiple_of3A] : memref<1065088xf32, #tpu.memory_space<hbm>> -> memref<8192xf32, #tpu.memory_space<hbm>>
          %dma_wait3A_142 = tpu.memref_slice %arg3[%multiple_of3A] : memref<1065088xf32, #tpu.memory_space<hbm>> -> memref<8192xf32, #tpu.memory_space<hbm>>
          tpu.wait_dma2 semaphore(%run_scoped3A : memref<!tpu.dma_semaphore, #tpu.memory_space<semaphore_mem>>) src(%dma_wait3A_142 : memref<8192xf32, #tpu.memory_space<hbm>>) dst(%arg10 : memref<8192xf32, #tpu.memory_space<vmem>>)
          tpu.yield
        }) : () -> ()
        %scan3A_135 = arith.constant 0 : i32
        %scan3A_136 = arith.constant 0 : i32
        %scan3A_137 = arith.constant 512 : i32
        %scan3A_138 = arith.addi %scan3A_136, %scan3A_137 : i32
        %scan3A_139 = arith.constant 1 : i32
        scf.for %scan3A_141 = %scan3A_136 to %scan3A_138 step %scan3A_139  : i32 {
          %mul3A_142 = arith.constant 16 : i32
          %mul3A_143 = arith.muli %scan3A_141, %mul3A_142 : i32
          %get3A_144 = arith.index_cast %mul3A_143 : i32 to index
          %get3A_145 = tpu.vector_load %arg9[%get3A_144] {strides = array<i32>} : memref<8208xi32, #tpu.memory_space<vmem>>, vector<16xi32>,
          %get3A_146 = vector.shape_cast %get3A_145 : vector<16xi32> to vector<16xi32>
          %add3A_147 = arith.constant 1 : i32
          %add3A_148 = arith.addi %mul3A_143, %add3A_147 : i32
          %get3A_149 = arith.index_cast %add3A_148 : i32 to index
          %get3A_150 = tpu.vector_load %arg9[%get3A_149] {strides = array<i32>} : memref<8208xi32, #tpu.memory_space<vmem>>, vector<16xi32>,
          %get3A_151 = vector.shape_cast %get3A_150 : vector<16xi32> to vector<16xi32>
          %add3A_152 = arith.addi %multiple_of3A, %mul3A_143 : i32
          %add3A_153 = vector.broadcast %add3A_152 : i32 to vector<16xi32>
          %add3A_154 = arith.addi %add3A_153, %iota3A : vector<16xi32>
          %ne3A = arith.cmpi ne, %get3A_146, %get3A_151 : vector<16xi32>
          %ge3A = vector.broadcast %add3A_103 : i32 to vector<16xi32>
          %ge3A_155 = arith.cmpi sge, %add3A_154, %ge3A : vector<16xi32>
          %and3A_156 = arith.andi %ne3A, %ge3A_155 : vector<16xi1>
          %lt3A = vector.broadcast %min3A : i32 to vector<16xi32>
          %lt3A_157 = arith.cmpi slt, %add3A_154, %lt3A : vector<16xi32>
          %and3A_158 = arith.andi %and3A_156, %lt3A_157 : vector<16xi1>
          %and3A_159 = arith.constant 112 : i32
          %and3A_160 = arith.andi %mul3A_143, %and3A_159 : i32
          %add3A_161 = arith.constant 1048576 : i32
          %add3A_162 = arith.addi %add3A_161, %and3A_160 : i32
          %add3A_163 = vector.broadcast %add3A_162 : i32 to vector<16xi32>
          %add3A_164 = arith.addi %add3A_163, %iota3A : vector<16xi32>
          %sub3A_165 = arith.constant 14680064 : i32
          %sub3A_166 = vector.broadcast %sub3A_165 : i32 to vector<16xi32>
          %sub3A_167 = arith.subi %get3A_146, %sub3A_166 : vector<16xi32>
          %select_n3A = arith.select %and3A_158, %sub3A_167, %add3A_164 : vector<16xi1>, vector<16xi32>
          %swap3A = arith.index_cast %mul3A_143 : i32 to index
          %swap3A_168 = tpu.vector_load %arg11[%swap3A] {strides = array<i32>} : memref<8192xi32, #tpu.memory_space<vmem>>, vector<16xi32>,
          %swap3A_169 = vector.shape_cast %swap3A_168 : vector<16xi32> to vector<16xi32>
          %swap3A_170 = vector.shape_cast %select_n3A : vector<16xi32> to vector<16xi32>
          tpu.vector_store %arg11[%swap3A], %swap3A_170 {strides = array<i32>} : memref<8192xi32, #tpu.memory_space<vmem>>, vector<16xi32>,
        }
        %scan3A_140 = arith.constant 512 : i32
        "tpu.region"() ({
          %run_scoped3A = tpu.sem_alloc : memref<!tpu.dma_semaphore, #tpu.memory_space<semaphore_mem>>
          %dma_start3A = arith.constant 0 : i32
          %dma_start3A_141 = tpu.memref_slice %arg6[%dma_start3A] : memref<1048704xf32, #tpu.memory_space<vmem_shared>> -> memref<1048704xf32, #tpu.memory_space<vmem_shared>>
          tpu.enqueue_indirect_dma source(%arg10 : memref<8192xf32, #tpu.memory_space<vmem>>) target(%dma_start3A_141 : memref<1048704xf32, #tpu.memory_space<vmem_shared>>) offsets(%arg11 : memref<8192xi32, #tpu.memory_space<vmem>>) semaphore(%run_scoped3A : memref<!tpu.dma_semaphore, #tpu.memory_space<semaphore_mem>>) {add = true}
          %dma_wait3A = arith.constant 0 : i32
          %dma_wait3A_142 = tpu.memref_slice %arg6[%dma_wait3A] : memref<1048704xf32, #tpu.memory_space<vmem_shared>> -> memref<1048704xf32, #tpu.memory_space<vmem_shared>>
          tpu.wait_indirect_dma semaphore(%run_scoped3A : memref<!tpu.dma_semaphore, #tpu.memory_space<semaphore_mem>>) src(%arg10 : memref<8192xf32, #tpu.memory_space<vmem>>) dst(%dma_wait3A_142 : memref<1048704xf32, #tpu.memory_space<vmem_shared>>)
          tpu.yield
        }) : () -> ()
      }
      %barrier3A_122 = arith.constant 0 : index
      tpu.barrier barrier_id(%barrier3A_122)
      %mul3A_123 = arith.constant 65536 : i32
      %mul3A_124 = arith.muli %arg1, %mul3A_123 : i32
      %mul3A_125 = arith.constant 65536 : i32
      %mul3A_126 = arith.muli %arg1, %mul3A_125 : i32
      %add3A_127 = arith.constant 14680064 : i32
      %add3A_128 = arith.addi %add3A_127, %mul3A_126 : i32
      "tpu.region"() ({
        %run_scoped3A = tpu.sem_alloc : memref<!tpu.dma_semaphore, #tpu.memory_space<semaphore_mem>>
        %dma_start3A = tpu.memref_slice %arg5[%add3A_128] : memref<16777216xf32, #tpu.memory_space<hbm>> -> memref<65536xf32, #tpu.memory_space<hbm>>
        %dma_start3A_130 = tpu.memref_slice %arg6[%mul3A_124] : memref<1048704xf32, #tpu.memory_space<vmem_shared>> -> memref<65536xf32, #tpu.memory_space<vmem_shared>>
        tpu.enqueue_dma source(%dma_start3A_130 : memref<65536xf32, #tpu.memory_space<vmem_shared>>) target(%dma_start3A : memref<65536xf32, #tpu.memory_space<hbm>>) target_semaphore(%run_scoped3A : memref<!tpu.dma_semaphore, #tpu.memory_space<semaphore_mem>>)
        %dma_wait3A = tpu.memref_slice %arg5[%add3A_128] : memref<16777216xf32, #tpu.memory_space<hbm>> -> memref<65536xf32, #tpu.memory_space<hbm>>
        %dma_wait3A_131 = tpu.memref_slice %arg6[%mul3A_124] : memref<1048704xf32, #tpu.memory_space<vmem_shared>> -> memref<65536xf32, #tpu.memory_space<vmem_shared>>
        tpu.wait_dma2 semaphore(%run_scoped3A : memref<!tpu.dma_semaphore, #tpu.memory_space<semaphore_mem>>) src(%dma_wait3A_131 : memref<65536xf32, #tpu.memory_space<vmem_shared>>) dst(%dma_wait3A : memref<65536xf32, #tpu.memory_space<hbm>>)
        tpu.yield
      }) : () -> ()
      %barrier3A_129 = arith.constant 0 : index
      tpu.barrier barrier_id(%barrier3A_129)
    } else {
    }
    %eq3A_77 = arith.constant 0 : i32
    %eq3A_78 = arith.cmpi eq, %arg0, %eq3A_77 : i32
    %convert_element_type3A_79 = arith.extui %eq3A_78 : i1 to i32
    %cond3A_80 = arith.constant 0 : i32
    %cond3A_81 = arith.cmpi ne, %convert_element_type3A_79, %cond3A_80 : i32
    scf.if %cond3A_81 {
      %scan3A_87 = arith.constant 0 : i32
      %scan3A_88 = arith.constant 0 : i32
      %scan3A_89 = arith.constant 4 : i32
      %scan3A_90 = arith.addi %scan3A_88, %scan3A_89 : i32
      %scan3A_91 = arith.constant 1 : i32
      scf.for %scan3A_130 = %scan3A_88 to %scan3A_90 step %scan3A_91  : i32 {
        %mul3A_131 = arith.constant 65536 : i32
        %mul3A_132 = arith.muli %arg1, %mul3A_131 : i32
        %mul3A_133 = arith.constant 16384 : i32
        %mul3A_134 = arith.muli %scan3A_130, %mul3A_133 : i32
        %add3A_135 = arith.addi %mul3A_132, %mul3A_134 : i32
        %dma_start3A = tpu.memref_slice %arg6[%add3A_135] : memref<1048704xf32, #tpu.memory_space<vmem_shared>> -> memref<16384xf32, #tpu.memory_space<vmem_shared>>
        %dma_start3A_136 = tpu.memref_slice %arg6[%add3A_135] : memref<1048704xf32, #tpu.memory_space<vmem_shared>> -> memref<16384xf32, #tpu.memory_space<vmem_shared>>
        tpu.enqueue_dma source(%arg7 : memref<16384xf32, #tpu.memory_space<vmem>>) target(%dma_start3A_136 : memref<16384xf32, #tpu.memory_space<vmem_shared>>) target_semaphore(%arg12 : memref<!tpu.dma_semaphore, #tpu.memory_space<semaphore_mem>>)
      }
      %scan3A_92 = arith.constant 4 : i32
      %scan3A_93 = arith.constant 0 : i32
      %scan3A_94 = arith.constant 0 : i32
      %scan3A_95 = arith.constant 4 : i32
      %scan3A_96 = arith.addi %scan3A_94, %scan3A_95 : i32
      %scan3A_97 = arith.constant 1 : i32
      scf.for %scan3A_130 = %scan3A_94 to %scan3A_96 step %scan3A_97  : i32 {
        %mul3A_131 = arith.constant 65536 : i32
        %mul3A_132 = arith.muli %arg1, %mul3A_131 : i32
        %mul3A_133 = arith.constant 16384 : i32
        %mul3A_134 = arith.muli %scan3A_130, %mul3A_133 : i32
        %add3A_135 = arith.addi %mul3A_132, %mul3A_134 : i32
        %dma_wait3A = tpu.memref_slice %arg6[%add3A_135] : memref<1048704xf32, #tpu.memory_space<vmem_shared>> -> memref<16384xf32, #tpu.memory_space<vmem_shared>>
        %dma_wait3A_136 = tpu.memref_slice %arg6[%add3A_135] : memref<1048704xf32, #tpu.memory_space<vmem_shared>> -> memref<16384xf32, #tpu.memory_space<vmem_shared>>
        tpu.wait_dma2 semaphore(%arg12 : memref<!tpu.dma_semaphore, #tpu.memory_space<semaphore_mem>>) src(%arg7 : memref<16384xf32, #tpu.memory_space<vmem>>) dst(%dma_wait3A_136 : memref<16384xf32, #tpu.memory_space<vmem_shared>>)
      }
      %scan3A_98 = arith.constant 4 : i32
      %barrier3A = arith.constant 0 : index
      tpu.barrier barrier_id(%barrier3A)
      %slice3A = vector.extract_strided_slice %get3A_6 {offsets = [7], sizes = [1], strides = [1]} : vector<16xi32> to vector<1xi32>
      %squeeze3A = vector.extract %slice3A[0] : i32 from vector<1xi32>
      %slice3A_99 = vector.extract_strided_slice %get3A_9 {offsets = [7], sizes = [1], strides = [1]} : vector<16xi32> to vector<1xi32>
      %squeeze3A_100 = vector.extract %slice3A_99[0] : i32 from vector<1xi32>
      %sub3A = arith.subi %squeeze3A_100, %squeeze3A : i32
      %add3A = arith.constant 15 : i32
      %add3A_101 = arith.addi %sub3A, %add3A : i32
      %shift_right_arithmetic3A = arith.constant 4 : i32
      %shift_right_arithmetic3A_102 = arith.shrsi %add3A_101, %shift_right_arithmetic3A : i32
      %mul3A = arith.muli %arg1, %shift_right_arithmetic3A_102 : i32
      %add3A_103 = arith.addi %squeeze3A, %mul3A : i32
      %add3A_104 = arith.addi %add3A_103, %shift_right_arithmetic3A_102 : i32
      %min3A = arith.minsi %add3A_104, %squeeze3A_100 : i32
      %add3A_105 = arith.constant 8 : i32
      %add3A_106 = arith.addi %shift_right_arithmetic3A_102, %add3A_105 : i32
      %add3A_107 = arith.constant 8192 : i32
      %add3A_108 = arith.addi %add3A_106, %add3A_107 : i32
      %sub3A_109 = arith.constant 1 : i32
      %sub3A_110 = arith.subi %add3A_108, %sub3A_109 : i32
      %shift_right_arithmetic3A_111 = arith.constant 13 : i32
      %shift_right_arithmetic3A_112 = arith.shrsi %sub3A_110, %shift_right_arithmetic3A_111 : i32
      %while3A = arith.constant 0 : i32
      %while3A_113 = arith.constant 0 : i32
      %while3A_114 = arith.subi %shift_right_arithmetic3A_112, %while3A_113 : i32
      %while3A_115 = arith.addi %while3A_113, %while3A_114 : i32
      %while3A_116 = arith.constant 1 : i32
      %while3A_117 = arith.divsi %while3A_114, %while3A_116 : i32
      %while3A_118 = arith.muli %while3A_117, %while3A_116 : i32
      %while3A_119 = arith.addi %while3A_113, %while3A_118 : i32
      %while3A_120 = arith.constant 1 : i32
      scf.for %while3A_130 = %while3A_113 to %while3A_119 step %while3A_120  : i32 {
        %mul3A_131 = arith.constant 8192 : i32
        %mul3A_132 = arith.muli %while3A_130, %mul3A_131 : i32
        %add3A_133 = arith.addi %add3A_103, %mul3A_132 : i32
        %and3A = arith.constant -8 : i32
        %and3A_134 = arith.andi %add3A_133, %and3A : i32
        %multiple_of3A = tpu.assume_multiple %and3A_134, 8 : i32
        "tpu.region"() ({
          %run_scoped3A = tpu.sem_alloc : memref<!tpu.dma_semaphore, #tpu.memory_space<semaphore_mem>>
          %dma_start3A = tpu.memref_slice %arg2[%multiple_of3A] : memref<1065088xi32, #tpu.memory_space<hbm>> -> memref<8208xi32, #tpu.memory_space<hbm>>
          %dma_start3A_141 = tpu.memref_slice %arg2[%multiple_of3A] : memref<1065088xi32, #tpu.memory_space<hbm>> -> memref<8208xi32, #tpu.memory_space<hbm>>
          tpu.enqueue_dma source(%dma_start3A_141 : memref<8208xi32, #tpu.memory_space<hbm>>) target(%arg9 : memref<8208xi32, #tpu.memory_space<vmem>>) target_semaphore(%run_scoped3A : memref<!tpu.dma_semaphore, #tpu.memory_space<semaphore_mem>>)
          %dma_wait3A = tpu.memref_slice %arg2[%multiple_of3A] : memref<1065088xi32, #tpu.memory_space<hbm>> -> memref<8208xi32, #tpu.memory_space<hbm>>
          %dma_wait3A_142 = tpu.memref_slice %arg2[%multiple_of3A] : memref<1065088xi32, #tpu.memory_space<hbm>> -> memref<8208xi32, #tpu.memory_space<hbm>>
          tpu.wait_dma2 semaphore(%run_scoped3A : memref<!tpu.dma_semaphore, #tpu.memory_space<semaphore_mem>>) src(%dma_wait3A_142 : memref<8208xi32, #tpu.memory_space<hbm>>) dst(%arg9 : memref<8208xi32, #tpu.memory_space<vmem>>)
          tpu.yield
        }) : () -> ()
        "tpu.region"() ({
          %run_scoped3A = tpu.sem_alloc : memref<!tpu.dma_semaphore, #tpu.memory_space<semaphore_mem>>
          %dma_start3A = tpu.memref_slice %arg3[%multiple_of3A] : memref<1065088xf32, #tpu.memory_space<hbm>> -> memref<8192xf32, #tpu.memory_space<hbm>>
          %dma_start3A_141 = tpu.memref_slice %arg3[%multiple_of3A] : memref<1065088xf32, #tpu.memory_space<hbm>> -> memref<8192xf32, #tpu.memory_space<hbm>>
          tpu.enqueue_dma source(%dma_start3A_141 : memref<8192xf32, #tpu.memory_space<hbm>>) target(%arg10 : memref<8192xf32, #tpu.memory_space<vmem>>) target_semaphore(%run_scoped3A : memref<!tpu.dma_semaphore, #tpu.memory_space<semaphore_mem>>)
          %dma_wait3A = tpu.memref_slice %arg3[%multiple_of3A] : memref<1065088xf32, #tpu.memory_space<hbm>> -> memref<8192xf32, #tpu.memory_space<hbm>>
          %dma_wait3A_142 = tpu.memref_slice %arg3[%multiple_of3A] : memref<1065088xf32, #tpu.memory_space<hbm>> -> memref<8192xf32, #tpu.memory_space<hbm>>
          tpu.wait_dma2 semaphore(%run_scoped3A : memref<!tpu.dma_semaphore, #tpu.memory_space<semaphore_mem>>) src(%dma_wait3A_142 : memref<8192xf32, #tpu.memory_space<hbm>>) dst(%arg10 : memref<8192xf32, #tpu.memory_space<vmem>>)
          tpu.yield
        }) : () -> ()
        %scan3A_135 = arith.constant 0 : i32
        %scan3A_136 = arith.constant 0 : i32
        %scan3A_137 = arith.constant 512 : i32
        %scan3A_138 = arith.addi %scan3A_136, %scan3A_137 : i32
        %scan3A_139 = arith.constant 1 : i32
        scf.for %scan3A_141 = %scan3A_136 to %scan3A_138 step %scan3A_139  : i32 {
          %mul3A_142 = arith.constant 16 : i32
          %mul3A_143 = arith.muli %scan3A_141, %mul3A_142 : i32
          %get3A_144 = arith.index_cast %mul3A_143 : i32 to index
          %get3A_145 = tpu.vector_load %arg9[%get3A_144] {strides = array<i32>} : memref<8208xi32, #tpu.memory_space<vmem>>, vector<16xi32>,
          %get3A_146 = vector.shape_cast %get3A_145 : vector<16xi32> to vector<16xi32>
          %add3A_147 = arith.constant 1 : i32
          %add3A_148 = arith.addi %mul3A_143, %add3A_147 : i32
          %get3A_149 = arith.index_cast %add3A_148 : i32 to index
          %get3A_150 = tpu.vector_load %arg9[%get3A_149] {strides = array<i32>} : memref<8208xi32, #tpu.memory_space<vmem>>, vector<16xi32>,
          %get3A_151 = vector.shape_cast %get3A_150 : vector<16xi32> to vector<16xi32>
          %add3A_152 = arith.addi %multiple_of3A, %mul3A_143 : i32
          %add3A_153 = vector.broadcast %add3A_152 : i32 to vector<16xi32>
          %add3A_154 = arith.addi %add3A_153, %iota3A : vector<16xi32>
          %ne3A = arith.cmpi ne, %get3A_146, %get3A_151 : vector<16xi32>
          %ge3A = vector.broadcast %add3A_103 : i32 to vector<16xi32>
          %ge3A_155 = arith.cmpi sge, %add3A_154, %ge3A : vector<16xi32>
          %and3A_156 = arith.andi %ne3A, %ge3A_155 : vector<16xi1>
          %lt3A = vector.broadcast %min3A : i32 to vector<16xi32>
          %lt3A_157 = arith.cmpi slt, %add3A_154, %lt3A : vector<16xi32>
          %and3A_158 = arith.andi %and3A_156, %lt3A_157 : vector<16xi1>
          %and3A_159 = arith.constant 112 : i32
          %and3A_160 = arith.andi %mul3A_143, %and3A_159 : i32
          %add3A_161 = arith.constant 1048576 : i32
          %add3A_162 = arith.addi %add3A_161, %and3A_160 : i32
          %add3A_163 = vector.broadcast %add3A_162 : i32 to vector<16xi32>
          %add3A_164 = arith.addi %add3A_163, %iota3A : vector<16xi32>
          %sub3A_165 = arith.constant 7340032 : i32
          %sub3A_166 = vector.broadcast %sub3A_165 : i32 to vector<16xi32>
          %sub3A_167 = arith.subi %get3A_146, %sub3A_166 : vector<16xi32>
          %select_n3A = arith.select %and3A_158, %sub3A_167, %add3A_164 : vector<16xi1>, vector<16xi32>
          %swap3A = arith.index_cast %mul3A_143 : i32 to index
          %swap3A_168 = tpu.vector_load %arg11[%swap3A] {strides = array<i32>} : memref<8192xi32, #tpu.memory_space<vmem>>, vector<16xi32>,
          %swap3A_169 = vector.shape_cast %swap3A_168 : vector<16xi32> to vector<16xi32>
          %swap3A_170 = vector.shape_cast %select_n3A : vector<16xi32> to vector<16xi32>
          tpu.vector_store %arg11[%swap3A], %swap3A_170 {strides = array<i32>} : memref<8192xi32, #tpu.memory_space<vmem>>, vector<16xi32>,
        }
        %scan3A_140 = arith.constant 512 : i32
        "tpu.region"() ({
          %run_scoped3A = tpu.sem_alloc : memref<!tpu.dma_semaphore, #tpu.memory_space<semaphore_mem>>
          %dma_start3A = arith.constant 0 : i32
          %dma_start3A_141 = tpu.memref_slice %arg6[%dma_start3A] : memref<1048704xf32, #tpu.memory_space<vmem_shared>> -> memref<1048704xf32, #tpu.memory_space<vmem_shared>>
          tpu.enqueue_indirect_dma source(%arg10 : memref<8192xf32, #tpu.memory_space<vmem>>) target(%dma_start3A_141 : memref<1048704xf32, #tpu.memory_space<vmem_shared>>) offsets(%arg11 : memref<8192xi32, #tpu.memory_space<vmem>>) semaphore(%run_scoped3A : memref<!tpu.dma_semaphore, #tpu.memory_space<semaphore_mem>>) {add = true}
          %dma_wait3A = arith.constant 0 : i32
          %dma_wait3A_142 = tpu.memref_slice %arg6[%dma_wait3A] : memref<1048704xf32, #tpu.memory_space<vmem_shared>> -> memref<1048704xf32, #tpu.memory_space<vmem_shared>>
          tpu.wait_indirect_dma semaphore(%run_scoped3A : memref<!tpu.dma_semaphore, #tpu.memory_space<semaphore_mem>>) src(%arg10 : memref<8192xf32, #tpu.memory_space<vmem>>) dst(%dma_wait3A_142 : memref<1048704xf32, #tpu.memory_space<vmem_shared>>)
          tpu.yield
        }) : () -> ()
      }
      %while3A_121 = arith.constant 1 : i32
      scf.for %while3A_130 = %while3A_119 to %while3A_115 step %while3A_121  : i32 {
        %mul3A_131 = arith.constant 8192 : i32
        %mul3A_132 = arith.muli %while3A_130, %mul3A_131 : i32
        %add3A_133 = arith.addi %add3A_103, %mul3A_132 : i32
        %and3A = arith.constant -8 : i32
        %and3A_134 = arith.andi %add3A_133, %and3A : i32
        %multiple_of3A = tpu.assume_multiple %and3A_134, 8 : i32
        "tpu.region"() ({
          %run_scoped3A = tpu.sem_alloc : memref<!tpu.dma_semaphore, #tpu.memory_space<semaphore_mem>>
          %dma_start3A = tpu.memref_slice %arg2[%multiple_of3A] : memref<1065088xi32, #tpu.memory_space<hbm>> -> memref<8208xi32, #tpu.memory_space<hbm>>
          %dma_start3A_141 = tpu.memref_slice %arg2[%multiple_of3A] : memref<1065088xi32, #tpu.memory_space<hbm>> -> memref<8208xi32, #tpu.memory_space<hbm>>
          tpu.enqueue_dma source(%dma_start3A_141 : memref<8208xi32, #tpu.memory_space<hbm>>) target(%arg9 : memref<8208xi32, #tpu.memory_space<vmem>>) target_semaphore(%run_scoped3A : memref<!tpu.dma_semaphore, #tpu.memory_space<semaphore_mem>>)
          %dma_wait3A = tpu.memref_slice %arg2[%multiple_of3A] : memref<1065088xi32, #tpu.memory_space<hbm>> -> memref<8208xi32, #tpu.memory_space<hbm>>
          %dma_wait3A_142 = tpu.memref_slice %arg2[%multiple_of3A] : memref<1065088xi32, #tpu.memory_space<hbm>> -> memref<8208xi32, #tpu.memory_space<hbm>>
          tpu.wait_dma2 semaphore(%run_scoped3A : memref<!tpu.dma_semaphore, #tpu.memory_space<semaphore_mem>>) src(%dma_wait3A_142 : memref<8208xi32, #tpu.memory_space<hbm>>) dst(%arg9 : memref<8208xi32, #tpu.memory_space<vmem>>)
          tpu.yield
        }) : () -> ()
        "tpu.region"() ({
          %run_scoped3A = tpu.sem_alloc : memref<!tpu.dma_semaphore, #tpu.memory_space<semaphore_mem>>
          %dma_start3A = tpu.memref_slice %arg3[%multiple_of3A] : memref<1065088xf32, #tpu.memory_space<hbm>> -> memref<8192xf32, #tpu.memory_space<hbm>>
          %dma_start3A_141 = tpu.memref_slice %arg3[%multiple_of3A] : memref<1065088xf32, #tpu.memory_space<hbm>> -> memref<8192xf32, #tpu.memory_space<hbm>>
          tpu.enqueue_dma source(%dma_start3A_141 : memref<8192xf32, #tpu.memory_space<hbm>>) target(%arg10 : memref<8192xf32, #tpu.memory_space<vmem>>) target_semaphore(%run_scoped3A : memref<!tpu.dma_semaphore, #tpu.memory_space<semaphore_mem>>)
          %dma_wait3A = tpu.memref_slice %arg3[%multiple_of3A] : memref<1065088xf32, #tpu.memory_space<hbm>> -> memref<8192xf32, #tpu.memory_space<hbm>>
          %dma_wait3A_142 = tpu.memref_slice %arg3[%multiple_of3A] : memref<1065088xf32, #tpu.memory_space<hbm>> -> memref<8192xf32, #tpu.memory_space<hbm>>
          tpu.wait_dma2 semaphore(%run_scoped3A : memref<!tpu.dma_semaphore, #tpu.memory_space<semaphore_mem>>) src(%dma_wait3A_142 : memref<8192xf32, #tpu.memory_space<hbm>>) dst(%arg10 : memref<8192xf32, #tpu.memory_space<vmem>>)
          tpu.yield
        }) : () -> ()
        %scan3A_135 = arith.constant 0 : i32
        %scan3A_136 = arith.constant 0 : i32
        %scan3A_137 = arith.constant 512 : i32
        %scan3A_138 = arith.addi %scan3A_136, %scan3A_137 : i32
        %scan3A_139 = arith.constant 1 : i32
        scf.for %scan3A_141 = %scan3A_136 to %scan3A_138 step %scan3A_139  : i32 {
          %mul3A_142 = arith.constant 16 : i32
          %mul3A_143 = arith.muli %scan3A_141, %mul3A_142 : i32
          %get3A_144 = arith.index_cast %mul3A_143 : i32 to index
          %get3A_145 = tpu.vector_load %arg9[%get3A_144] {strides = array<i32>} : memref<8208xi32, #tpu.memory_space<vmem>>, vector<16xi32>,
          %get3A_146 = vector.shape_cast %get3A_145 : vector<16xi32> to vector<16xi32>
          %add3A_147 = arith.constant 1 : i32
          %add3A_148 = arith.addi %mul3A_143, %add3A_147 : i32
          %get3A_149 = arith.index_cast %add3A_148 : i32 to index
          %get3A_150 = tpu.vector_load %arg9[%get3A_149] {strides = array<i32>} : memref<8208xi32, #tpu.memory_space<vmem>>, vector<16xi32>,
          %get3A_151 = vector.shape_cast %get3A_150 : vector<16xi32> to vector<16xi32>
          %add3A_152 = arith.addi %multiple_of3A, %mul3A_143 : i32
          %add3A_153 = vector.broadcast %add3A_152 : i32 to vector<16xi32>
          %add3A_154 = arith.addi %add3A_153, %iota3A : vector<16xi32>
          %ne3A = arith.cmpi ne, %get3A_146, %get3A_151 : vector<16xi32>
          %ge3A = vector.broadcast %add3A_103 : i32 to vector<16xi32>
          %ge3A_155 = arith.cmpi sge, %add3A_154, %ge3A : vector<16xi32>
          %and3A_156 = arith.andi %ne3A, %ge3A_155 : vector<16xi1>
          %lt3A = vector.broadcast %min3A : i32 to vector<16xi32>
          %lt3A_157 = arith.cmpi slt, %add3A_154, %lt3A : vector<16xi32>
          %and3A_158 = arith.andi %and3A_156, %lt3A_157 : vector<16xi1>
          %and3A_159 = arith.constant 112 : i32
          %and3A_160 = arith.andi %mul3A_143, %and3A_159 : i32
          %add3A_161 = arith.constant 1048576 : i32
          %add3A_162 = arith.addi %add3A_161, %and3A_160 : i32
          %add3A_163 = vector.broadcast %add3A_162 : i32 to vector<16xi32>
          %add3A_164 = arith.addi %add3A_163, %iota3A : vector<16xi32>
          %sub3A_165 = arith.constant 7340032 : i32
          %sub3A_166 = vector.broadcast %sub3A_165 : i32 to vector<16xi32>
          %sub3A_167 = arith.subi %get3A_146, %sub3A_166 : vector<16xi32>
          %select_n3A = arith.select %and3A_158, %sub3A_167, %add3A_164 : vector<16xi1>, vector<16xi32>
          %swap3A = arith.index_cast %mul3A_143 : i32 to index
          %swap3A_168 = tpu.vector_load %arg11[%swap3A] {strides = array<i32>} : memref<8192xi32, #tpu.memory_space<vmem>>, vector<16xi32>,
          %swap3A_169 = vector.shape_cast %swap3A_168 : vector<16xi32> to vector<16xi32>
          %swap3A_170 = vector.shape_cast %select_n3A : vector<16xi32> to vector<16xi32>
          tpu.vector_store %arg11[%swap3A], %swap3A_170 {strides = array<i32>} : memref<8192xi32, #tpu.memory_space<vmem>>, vector<16xi32>,
        }
        %scan3A_140 = arith.constant 512 : i32
        "tpu.region"() ({
          %run_scoped3A = tpu.sem_alloc : memref<!tpu.dma_semaphore, #tpu.memory_space<semaphore_mem>>
          %dma_start3A = arith.constant 0 : i32
          %dma_start3A_141 = tpu.memref_slice %arg6[%dma_start3A] : memref<1048704xf32, #tpu.memory_space<vmem_shared>> -> memref<1048704xf32, #tpu.memory_space<vmem_shared>>
          tpu.enqueue_indirect_dma source(%arg10 : memref<8192xf32, #tpu.memory_space<vmem>>) target(%dma_start3A_141 : memref<1048704xf32, #tpu.memory_space<vmem_shared>>) offsets(%arg11 : memref<8192xi32, #tpu.memory_space<vmem>>) semaphore(%run_scoped3A : memref<!tpu.dma_semaphore, #tpu.memory_space<semaphore_mem>>) {add = true}
          %dma_wait3A = arith.constant 0 : i32
          %dma_wait3A_142 = tpu.memref_slice %arg6[%dma_wait3A] : memref<1048704xf32, #tpu.memory_space<vmem_shared>> -> memref<1048704xf32, #tpu.memory_space<vmem_shared>>
          tpu.wait_indirect_dma semaphore(%run_scoped3A : memref<!tpu.dma_semaphore, #tpu.memory_space<semaphore_mem>>) src(%arg10 : memref<8192xf32, #tpu.memory_space<vmem>>) dst(%dma_wait3A_142 : memref<1048704xf32, #tpu.memory_space<vmem_shared>>)
          tpu.yield
        }) : () -> ()
      }
      %barrier3A_122 = arith.constant 0 : index
      tpu.barrier barrier_id(%barrier3A_122)
      %mul3A_123 = arith.constant 65536 : i32
      %mul3A_124 = arith.muli %arg1, %mul3A_123 : i32
      %mul3A_125 = arith.constant 65536 : i32
      %mul3A_126 = arith.muli %arg1, %mul3A_125 : i32
      %add3A_127 = arith.constant 7340032 : i32
      %add3A_128 = arith.addi %add3A_127, %mul3A_126 : i32
      "tpu.region"() ({
        %run_scoped3A = tpu.sem_alloc : memref<!tpu.dma_semaphore, #tpu.memory_space<semaphore_mem>>
        %dma_start3A = tpu.memref_slice %arg5[%add3A_128] : memref<16777216xf32, #tpu.memory_space<hbm>> -> memref<65536xf32, #tpu.memory_space<hbm>>
        %dma_start3A_130 = tpu.memref_slice %arg6[%mul3A_124] : memref<1048704xf32, #tpu.memory_space<vmem_shared>> -> memref<65536xf32, #tpu.memory_space<vmem_shared>>
        tpu.enqueue_dma source(%dma_start3A_130 : memref<65536xf32, #tpu.memory_space<vmem_shared>>) target(%dma_start3A : memref<65536xf32, #tpu.memory_space<hbm>>) target_semaphore(%run_scoped3A : memref<!tpu.dma_semaphore, #tpu.memory_space<semaphore_mem>>)
        %dma_wait3A = tpu.memref_slice %arg5[%add3A_128] : memref<16777216xf32, #tpu.memory_space<hbm>> -> memref<65536xf32, #tpu.memory_space<hbm>>
        %dma_wait3A_131 = tpu.memref_slice %arg6[%mul3A_124] : memref<1048704xf32, #tpu.memory_space<vmem_shared>> -> memref<65536xf32, #tpu.memory_space<vmem_shared>>
        tpu.wait_dma2 semaphore(%run_scoped3A : memref<!tpu.dma_semaphore, #tpu.memory_space<semaphore_mem>>) src(%dma_wait3A_131 : memref<65536xf32, #tpu.memory_space<vmem_shared>>) dst(%dma_wait3A : memref<65536xf32, #tpu.memory_space<hbm>>)
        tpu.yield
      }) : () -> ()
      %barrier3A_129 = arith.constant 0 : index
      tpu.barrier barrier_id(%barrier3A_129)
    } else {
    }
    %eq3A_82 = arith.constant 1 : i32
    %eq3A_83 = arith.cmpi eq, %arg0, %eq3A_82 : i32
    %convert_element_type3A_84 = arith.extui %eq3A_83 : i1 to i32
    %cond3A_85 = arith.constant 0 : i32
    %cond3A_86 = arith.cmpi ne, %convert_element_type3A_84, %cond3A_85 : i32
    scf.if %cond3A_86 {
      %scan3A_87 = arith.constant 0 : i32
      %scan3A_88 = arith.constant 0 : i32
      %scan3A_89 = arith.constant 4 : i32
      %scan3A_90 = arith.addi %scan3A_88, %scan3A_89 : i32
      %scan3A_91 = arith.constant 1 : i32
      scf.for %scan3A_130 = %scan3A_88 to %scan3A_90 step %scan3A_91  : i32 {
        %mul3A_131 = arith.constant 65536 : i32
        %mul3A_132 = arith.muli %arg1, %mul3A_131 : i32
        %mul3A_133 = arith.constant 16384 : i32
        %mul3A_134 = arith.muli %scan3A_130, %mul3A_133 : i32
        %add3A_135 = arith.addi %mul3A_132, %mul3A_134 : i32
        %dma_start3A = tpu.memref_slice %arg6[%add3A_135] : memref<1048704xf32, #tpu.memory_space<vmem_shared>> -> memref<16384xf32, #tpu.memory_space<vmem_shared>>
        %dma_start3A_136 = tpu.memref_slice %arg6[%add3A_135] : memref<1048704xf32, #tpu.memory_space<vmem_shared>> -> memref<16384xf32, #tpu.memory_space<vmem_shared>>
        tpu.enqueue_dma source(%arg7 : memref<16384xf32, #tpu.memory_space<vmem>>) target(%dma_start3A_136 : memref<16384xf32, #tpu.memory_space<vmem_shared>>) target_semaphore(%arg12 : memref<!tpu.dma_semaphore, #tpu.memory_space<semaphore_mem>>)
      }
      %scan3A_92 = arith.constant 4 : i32
      %scan3A_93 = arith.constant 0 : i32
      %scan3A_94 = arith.constant 0 : i32
      %scan3A_95 = arith.constant 4 : i32
      %scan3A_96 = arith.addi %scan3A_94, %scan3A_95 : i32
      %scan3A_97 = arith.constant 1 : i32
      scf.for %scan3A_130 = %scan3A_94 to %scan3A_96 step %scan3A_97  : i32 {
        %mul3A_131 = arith.constant 65536 : i32
        %mul3A_132 = arith.muli %arg1, %mul3A_131 : i32
        %mul3A_133 = arith.constant 16384 : i32
        %mul3A_134 = arith.muli %scan3A_130, %mul3A_133 : i32
        %add3A_135 = arith.addi %mul3A_132, %mul3A_134 : i32
        %dma_wait3A = tpu.memref_slice %arg6[%add3A_135] : memref<1048704xf32, #tpu.memory_space<vmem_shared>> -> memref<16384xf32, #tpu.memory_space<vmem_shared>>
        %dma_wait3A_136 = tpu.memref_slice %arg6[%add3A_135] : memref<1048704xf32, #tpu.memory_space<vmem_shared>> -> memref<16384xf32, #tpu.memory_space<vmem_shared>>
        tpu.wait_dma2 semaphore(%arg12 : memref<!tpu.dma_semaphore, #tpu.memory_space<semaphore_mem>>) src(%arg7 : memref<16384xf32, #tpu.memory_space<vmem>>) dst(%dma_wait3A_136 : memref<16384xf32, #tpu.memory_space<vmem_shared>>)
      }
      %scan3A_98 = arith.constant 4 : i32
      %barrier3A = arith.constant 0 : index
      tpu.barrier barrier_id(%barrier3A)
      %slice3A = vector.extract_strided_slice %get3A_6 {offsets = [15], sizes = [1], strides = [1]} : vector<16xi32> to vector<1xi32>
      %squeeze3A = vector.extract %slice3A[0] : i32 from vector<1xi32>
      %slice3A_99 = vector.extract_strided_slice %get3A_9 {offsets = [15], sizes = [1], strides = [1]} : vector<16xi32> to vector<1xi32>
      %squeeze3A_100 = vector.extract %slice3A_99[0] : i32 from vector<1xi32>
      %sub3A = arith.subi %squeeze3A_100, %squeeze3A : i32
      %add3A = arith.constant 15 : i32
      %add3A_101 = arith.addi %sub3A, %add3A : i32
      %shift_right_arithmetic3A = arith.constant 4 : i32
      %shift_right_arithmetic3A_102 = arith.shrsi %add3A_101, %shift_right_arithmetic3A : i32
      %mul3A = arith.muli %arg1, %shift_right_arithmetic3A_102 : i32
      %add3A_103 = arith.addi %squeeze3A, %mul3A : i32
      %add3A_104 = arith.addi %add3A_103, %shift_right_arithmetic3A_102 : i32
      %min3A = arith.minsi %add3A_104, %squeeze3A_100 : i32
      %add3A_105 = arith.constant 8 : i32
      %add3A_106 = arith.addi %shift_right_arithmetic3A_102, %add3A_105 : i32
      %add3A_107 = arith.constant 8192 : i32
      %add3A_108 = arith.addi %add3A_106, %add3A_107 : i32
      %sub3A_109 = arith.constant 1 : i32
      %sub3A_110 = arith.subi %add3A_108, %sub3A_109 : i32
      %shift_right_arithmetic3A_111 = arith.constant 13 : i32
      %shift_right_arithmetic3A_112 = arith.shrsi %sub3A_110, %shift_right_arithmetic3A_111 : i32
      %while3A = arith.constant 0 : i32
      %while3A_113 = arith.constant 0 : i32
      %while3A_114 = arith.subi %shift_right_arithmetic3A_112, %while3A_113 : i32
      %while3A_115 = arith.addi %while3A_113, %while3A_114 : i32
      %while3A_116 = arith.constant 1 : i32
      %while3A_117 = arith.divsi %while3A_114, %while3A_116 : i32
      %while3A_118 = arith.muli %while3A_117, %while3A_116 : i32
      %while3A_119 = arith.addi %while3A_113, %while3A_118 : i32
      %while3A_120 = arith.constant 1 : i32
      scf.for %while3A_130 = %while3A_113 to %while3A_119 step %while3A_120  : i32 {
        %mul3A_131 = arith.constant 8192 : i32
        %mul3A_132 = arith.muli %while3A_130, %mul3A_131 : i32
        %add3A_133 = arith.addi %add3A_103, %mul3A_132 : i32
        %and3A = arith.constant -8 : i32
        %and3A_134 = arith.andi %add3A_133, %and3A : i32
        %multiple_of3A = tpu.assume_multiple %and3A_134, 8 : i32
        "tpu.region"() ({
          %run_scoped3A = tpu.sem_alloc : memref<!tpu.dma_semaphore, #tpu.memory_space<semaphore_mem>>
          %dma_start3A = tpu.memref_slice %arg2[%multiple_of3A] : memref<1065088xi32, #tpu.memory_space<hbm>> -> memref<8208xi32, #tpu.memory_space<hbm>>
          %dma_start3A_141 = tpu.memref_slice %arg2[%multiple_of3A] : memref<1065088xi32, #tpu.memory_space<hbm>> -> memref<8208xi32, #tpu.memory_space<hbm>>
          tpu.enqueue_dma source(%dma_start3A_141 : memref<8208xi32, #tpu.memory_space<hbm>>) target(%arg9 : memref<8208xi32, #tpu.memory_space<vmem>>) target_semaphore(%run_scoped3A : memref<!tpu.dma_semaphore, #tpu.memory_space<semaphore_mem>>)
          %dma_wait3A = tpu.memref_slice %arg2[%multiple_of3A] : memref<1065088xi32, #tpu.memory_space<hbm>> -> memref<8208xi32, #tpu.memory_space<hbm>>
          %dma_wait3A_142 = tpu.memref_slice %arg2[%multiple_of3A] : memref<1065088xi32, #tpu.memory_space<hbm>> -> memref<8208xi32, #tpu.memory_space<hbm>>
          tpu.wait_dma2 semaphore(%run_scoped3A : memref<!tpu.dma_semaphore, #tpu.memory_space<semaphore_mem>>) src(%dma_wait3A_142 : memref<8208xi32, #tpu.memory_space<hbm>>) dst(%arg9 : memref<8208xi32, #tpu.memory_space<vmem>>)
          tpu.yield
        }) : () -> ()
        "tpu.region"() ({
          %run_scoped3A = tpu.sem_alloc : memref<!tpu.dma_semaphore, #tpu.memory_space<semaphore_mem>>
          %dma_start3A = tpu.memref_slice %arg3[%multiple_of3A] : memref<1065088xf32, #tpu.memory_space<hbm>> -> memref<8192xf32, #tpu.memory_space<hbm>>
          %dma_start3A_141 = tpu.memref_slice %arg3[%multiple_of3A] : memref<1065088xf32, #tpu.memory_space<hbm>> -> memref<8192xf32, #tpu.memory_space<hbm>>
          tpu.enqueue_dma source(%dma_start3A_141 : memref<8192xf32, #tpu.memory_space<hbm>>) target(%arg10 : memref<8192xf32, #tpu.memory_space<vmem>>) target_semaphore(%run_scoped3A : memref<!tpu.dma_semaphore, #tpu.memory_space<semaphore_mem>>)
          %dma_wait3A = tpu.memref_slice %arg3[%multiple_of3A] : memref<1065088xf32, #tpu.memory_space<hbm>> -> memref<8192xf32, #tpu.memory_space<hbm>>
          %dma_wait3A_142 = tpu.memref_slice %arg3[%multiple_of3A] : memref<1065088xf32, #tpu.memory_space<hbm>> -> memref<8192xf32, #tpu.memory_space<hbm>>
          tpu.wait_dma2 semaphore(%run_scoped3A : memref<!tpu.dma_semaphore, #tpu.memory_space<semaphore_mem>>) src(%dma_wait3A_142 : memref<8192xf32, #tpu.memory_space<hbm>>) dst(%arg10 : memref<8192xf32, #tpu.memory_space<vmem>>)
          tpu.yield
        }) : () -> ()
        %scan3A_135 = arith.constant 0 : i32
        %scan3A_136 = arith.constant 0 : i32
        %scan3A_137 = arith.constant 512 : i32
        %scan3A_138 = arith.addi %scan3A_136, %scan3A_137 : i32
        %scan3A_139 = arith.constant 1 : i32
        scf.for %scan3A_141 = %scan3A_136 to %scan3A_138 step %scan3A_139  : i32 {
          %mul3A_142 = arith.constant 16 : i32
          %mul3A_143 = arith.muli %scan3A_141, %mul3A_142 : i32
          %get3A_144 = arith.index_cast %mul3A_143 : i32 to index
          %get3A_145 = tpu.vector_load %arg9[%get3A_144] {strides = array<i32>} : memref<8208xi32, #tpu.memory_space<vmem>>, vector<16xi32>,
          %get3A_146 = vector.shape_cast %get3A_145 : vector<16xi32> to vector<16xi32>
          %add3A_147 = arith.constant 1 : i32
          %add3A_148 = arith.addi %mul3A_143, %add3A_147 : i32
          %get3A_149 = arith.index_cast %add3A_148 : i32 to index
          %get3A_150 = tpu.vector_load %arg9[%get3A_149] {strides = array<i32>} : memref<8208xi32, #tpu.memory_space<vmem>>, vector<16xi32>,
          %get3A_151 = vector.shape_cast %get3A_150 : vector<16xi32> to vector<16xi32>
          %add3A_152 = arith.addi %multiple_of3A, %mul3A_143 : i32
          %add3A_153 = vector.broadcast %add3A_152 : i32 to vector<16xi32>
          %add3A_154 = arith.addi %add3A_153, %iota3A : vector<16xi32>
          %ne3A = arith.cmpi ne, %get3A_146, %get3A_151 : vector<16xi32>
          %ge3A = vector.broadcast %add3A_103 : i32 to vector<16xi32>
          %ge3A_155 = arith.cmpi sge, %add3A_154, %ge3A : vector<16xi32>
          %and3A_156 = arith.andi %ne3A, %ge3A_155 : vector<16xi1>
          %lt3A = vector.broadcast %min3A : i32 to vector<16xi32>
          %lt3A_157 = arith.cmpi slt, %add3A_154, %lt3A : vector<16xi32>
          %and3A_158 = arith.andi %and3A_156, %lt3A_157 : vector<16xi1>
          %and3A_159 = arith.constant 112 : i32
          %and3A_160 = arith.andi %mul3A_143, %and3A_159 : i32
          %add3A_161 = arith.constant 1048576 : i32
          %add3A_162 = arith.addi %add3A_161, %and3A_160 : i32
          %add3A_163 = vector.broadcast %add3A_162 : i32 to vector<16xi32>
          %add3A_164 = arith.addi %add3A_163, %iota3A : vector<16xi32>
          %sub3A_165 = arith.constant 15728640 : i32
          %sub3A_166 = vector.broadcast %sub3A_165 : i32 to vector<16xi32>
          %sub3A_167 = arith.subi %get3A_146, %sub3A_166 : vector<16xi32>
          %select_n3A = arith.select %and3A_158, %sub3A_167, %add3A_164 : vector<16xi1>, vector<16xi32>
          %swap3A = arith.index_cast %mul3A_143 : i32 to index
          %swap3A_168 = tpu.vector_load %arg11[%swap3A] {strides = array<i32>} : memref<8192xi32, #tpu.memory_space<vmem>>, vector<16xi32>,
          %swap3A_169 = vector.shape_cast %swap3A_168 : vector<16xi32> to vector<16xi32>
          %swap3A_170 = vector.shape_cast %select_n3A : vector<16xi32> to vector<16xi32>
          tpu.vector_store %arg11[%swap3A], %swap3A_170 {strides = array<i32>} : memref<8192xi32, #tpu.memory_space<vmem>>, vector<16xi32>,
        }
        %scan3A_140 = arith.constant 512 : i32
        "tpu.region"() ({
          %run_scoped3A = tpu.sem_alloc : memref<!tpu.dma_semaphore, #tpu.memory_space<semaphore_mem>>
          %dma_start3A = arith.constant 0 : i32
          %dma_start3A_141 = tpu.memref_slice %arg6[%dma_start3A] : memref<1048704xf32, #tpu.memory_space<vmem_shared>> -> memref<1048704xf32, #tpu.memory_space<vmem_shared>>
          tpu.enqueue_indirect_dma source(%arg10 : memref<8192xf32, #tpu.memory_space<vmem>>) target(%dma_start3A_141 : memref<1048704xf32, #tpu.memory_space<vmem_shared>>) offsets(%arg11 : memref<8192xi32, #tpu.memory_space<vmem>>) semaphore(%run_scoped3A : memref<!tpu.dma_semaphore, #tpu.memory_space<semaphore_mem>>) {add = true}
          %dma_wait3A = arith.constant 0 : i32
          %dma_wait3A_142 = tpu.memref_slice %arg6[%dma_wait3A] : memref<1048704xf32, #tpu.memory_space<vmem_shared>> -> memref<1048704xf32, #tpu.memory_space<vmem_shared>>
          tpu.wait_indirect_dma semaphore(%run_scoped3A : memref<!tpu.dma_semaphore, #tpu.memory_space<semaphore_mem>>) src(%arg10 : memref<8192xf32, #tpu.memory_space<vmem>>) dst(%dma_wait3A_142 : memref<1048704xf32, #tpu.memory_space<vmem_shared>>)
          tpu.yield
        }) : () -> ()
      }
      %while3A_121 = arith.constant 1 : i32
      scf.for %while3A_130 = %while3A_119 to %while3A_115 step %while3A_121  : i32 {
        %mul3A_131 = arith.constant 8192 : i32
        %mul3A_132 = arith.muli %while3A_130, %mul3A_131 : i32
        %add3A_133 = arith.addi %add3A_103, %mul3A_132 : i32
        %and3A = arith.constant -8 : i32
        %and3A_134 = arith.andi %add3A_133, %and3A : i32
        %multiple_of3A = tpu.assume_multiple %and3A_134, 8 : i32
        "tpu.region"() ({
          %run_scoped3A = tpu.sem_alloc : memref<!tpu.dma_semaphore, #tpu.memory_space<semaphore_mem>>
          %dma_start3A = tpu.memref_slice %arg2[%multiple_of3A] : memref<1065088xi32, #tpu.memory_space<hbm>> -> memref<8208xi32, #tpu.memory_space<hbm>>
          %dma_start3A_141 = tpu.memref_slice %arg2[%multiple_of3A] : memref<1065088xi32, #tpu.memory_space<hbm>> -> memref<8208xi32, #tpu.memory_space<hbm>>
          tpu.enqueue_dma source(%dma_start3A_141 : memref<8208xi32, #tpu.memory_space<hbm>>) target(%arg9 : memref<8208xi32, #tpu.memory_space<vmem>>) target_semaphore(%run_scoped3A : memref<!tpu.dma_semaphore, #tpu.memory_space<semaphore_mem>>)
          %dma_wait3A = tpu.memref_slice %arg2[%multiple_of3A] : memref<1065088xi32, #tpu.memory_space<hbm>> -> memref<8208xi32, #tpu.memory_space<hbm>>
          %dma_wait3A_142 = tpu.memref_slice %arg2[%multiple_of3A] : memref<1065088xi32, #tpu.memory_space<hbm>> -> memref<8208xi32, #tpu.memory_space<hbm>>
          tpu.wait_dma2 semaphore(%run_scoped3A : memref<!tpu.dma_semaphore, #tpu.memory_space<semaphore_mem>>) src(%dma_wait3A_142 : memref<8208xi32, #tpu.memory_space<hbm>>) dst(%arg9 : memref<8208xi32, #tpu.memory_space<vmem>>)
          tpu.yield
        }) : () -> ()
        "tpu.region"() ({
          %run_scoped3A = tpu.sem_alloc : memref<!tpu.dma_semaphore, #tpu.memory_space<semaphore_mem>>
          %dma_start3A = tpu.memref_slice %arg3[%multiple_of3A] : memref<1065088xf32, #tpu.memory_space<hbm>> -> memref<8192xf32, #tpu.memory_space<hbm>>
          %dma_start3A_141 = tpu.memref_slice %arg3[%multiple_of3A] : memref<1065088xf32, #tpu.memory_space<hbm>> -> memref<8192xf32, #tpu.memory_space<hbm>>
          tpu.enqueue_dma source(%dma_start3A_141 : memref<8192xf32, #tpu.memory_space<hbm>>) target(%arg10 : memref<8192xf32, #tpu.memory_space<vmem>>) target_semaphore(%run_scoped3A : memref<!tpu.dma_semaphore, #tpu.memory_space<semaphore_mem>>)
          %dma_wait3A = tpu.memref_slice %arg3[%multiple_of3A] : memref<1065088xf32, #tpu.memory_space<hbm>> -> memref<8192xf32, #tpu.memory_space<hbm>>
          %dma_wait3A_142 = tpu.memref_slice %arg3[%multiple_of3A] : memref<1065088xf32, #tpu.memory_space<hbm>> -> memref<8192xf32, #tpu.memory_space<hbm>>
          tpu.wait_dma2 semaphore(%run_scoped3A : memref<!tpu.dma_semaphore, #tpu.memory_space<semaphore_mem>>) src(%dma_wait3A_142 : memref<8192xf32, #tpu.memory_space<hbm>>) dst(%arg10 : memref<8192xf32, #tpu.memory_space<vmem>>)
          tpu.yield
        }) : () -> ()
        %scan3A_135 = arith.constant 0 : i32
        %scan3A_136 = arith.constant 0 : i32
        %scan3A_137 = arith.constant 512 : i32
        %scan3A_138 = arith.addi %scan3A_136, %scan3A_137 : i32
        %scan3A_139 = arith.constant 1 : i32
        scf.for %scan3A_141 = %scan3A_136 to %scan3A_138 step %scan3A_139  : i32 {
          %mul3A_142 = arith.constant 16 : i32
          %mul3A_143 = arith.muli %scan3A_141, %mul3A_142 : i32
          %get3A_144 = arith.index_cast %mul3A_143 : i32 to index
          %get3A_145 = tpu.vector_load %arg9[%get3A_144] {strides = array<i32>} : memref<8208xi32, #tpu.memory_space<vmem>>, vector<16xi32>,
          %get3A_146 = vector.shape_cast %get3A_145 : vector<16xi32> to vector<16xi32>
          %add3A_147 = arith.constant 1 : i32
          %add3A_148 = arith.addi %mul3A_143, %add3A_147 : i32
          %get3A_149 = arith.index_cast %add3A_148 : i32 to index
          %get3A_150 = tpu.vector_load %arg9[%get3A_149] {strides = array<i32>} : memref<8208xi32, #tpu.memory_space<vmem>>, vector<16xi32>,
          %get3A_151 = vector.shape_cast %get3A_150 : vector<16xi32> to vector<16xi32>
          %add3A_152 = arith.addi %multiple_of3A, %mul3A_143 : i32
          %add3A_153 = vector.broadcast %add3A_152 : i32 to vector<16xi32>
          %add3A_154 = arith.addi %add3A_153, %iota3A : vector<16xi32>
          %ne3A = arith.cmpi ne, %get3A_146, %get3A_151 : vector<16xi32>
          %ge3A = vector.broadcast %add3A_103 : i32 to vector<16xi32>
          %ge3A_155 = arith.cmpi sge, %add3A_154, %ge3A : vector<16xi32>
          %and3A_156 = arith.andi %ne3A, %ge3A_155 : vector<16xi1>
          %lt3A = vector.broadcast %min3A : i32 to vector<16xi32>
          %lt3A_157 = arith.cmpi slt, %add3A_154, %lt3A : vector<16xi32>
          %and3A_158 = arith.andi %and3A_156, %lt3A_157 : vector<16xi1>
          %and3A_159 = arith.constant 112 : i32
          %and3A_160 = arith.andi %mul3A_143, %and3A_159 : i32
          %add3A_161 = arith.constant 1048576 : i32
          %add3A_162 = arith.addi %add3A_161, %and3A_160 : i32
          %add3A_163 = vector.broadcast %add3A_162 : i32 to vector<16xi32>
          %add3A_164 = arith.addi %add3A_163, %iota3A : vector<16xi32>
          %sub3A_165 = arith.constant 15728640 : i32
          %sub3A_166 = vector.broadcast %sub3A_165 : i32 to vector<16xi32>
          %sub3A_167 = arith.subi %get3A_146, %sub3A_166 : vector<16xi32>
          %select_n3A = arith.select %and3A_158, %sub3A_167, %add3A_164 : vector<16xi1>, vector<16xi32>
          %swap3A = arith.index_cast %mul3A_143 : i32 to index
          %swap3A_168 = tpu.vector_load %arg11[%swap3A] {strides = array<i32>} : memref<8192xi32, #tpu.memory_space<vmem>>, vector<16xi32>,
          %swap3A_169 = vector.shape_cast %swap3A_168 : vector<16xi32> to vector<16xi32>
          %swap3A_170 = vector.shape_cast %select_n3A : vector<16xi32> to vector<16xi32>
          tpu.vector_store %arg11[%swap3A], %swap3A_170 {strides = array<i32>} : memref<8192xi32, #tpu.memory_space<vmem>>, vector<16xi32>,
        }
        %scan3A_140 = arith.constant 512 : i32
        "tpu.region"() ({
          %run_scoped3A = tpu.sem_alloc : memref<!tpu.dma_semaphore, #tpu.memory_space<semaphore_mem>>
          %dma_start3A = arith.constant 0 : i32
          %dma_start3A_141 = tpu.memref_slice %arg6[%dma_start3A] : memref<1048704xf32, #tpu.memory_space<vmem_shared>> -> memref<1048704xf32, #tpu.memory_space<vmem_shared>>
          tpu.enqueue_indirect_dma source(%arg10 : memref<8192xf32, #tpu.memory_space<vmem>>) target(%dma_start3A_141 : memref<1048704xf32, #tpu.memory_space<vmem_shared>>) offsets(%arg11 : memref<8192xi32, #tpu.memory_space<vmem>>) semaphore(%run_scoped3A : memref<!tpu.dma_semaphore, #tpu.memory_space<semaphore_mem>>) {add = true}
          %dma_wait3A = arith.constant 0 : i32
          %dma_wait3A_142 = tpu.memref_slice %arg6[%dma_wait3A] : memref<1048704xf32, #tpu.memory_space<vmem_shared>> -> memref<1048704xf32, #tpu.memory_space<vmem_shared>>
          tpu.wait_indirect_dma semaphore(%run_scoped3A : memref<!tpu.dma_semaphore, #tpu.memory_space<semaphore_mem>>) src(%arg10 : memref<8192xf32, #tpu.memory_space<vmem>>) dst(%dma_wait3A_142 : memref<1048704xf32, #tpu.memory_space<vmem_shared>>)
          tpu.yield
        }) : () -> ()
      }
      %barrier3A_122 = arith.constant 0 : index
      tpu.barrier barrier_id(%barrier3A_122)
      %mul3A_123 = arith.constant 65536 : i32
      %mul3A_124 = arith.muli %arg1, %mul3A_123 : i32
      %mul3A_125 = arith.constant 65536 : i32
      %mul3A_126 = arith.muli %arg1, %mul3A_125 : i32
      %add3A_127 = arith.constant 15728640 : i32
      %add3A_128 = arith.addi %add3A_127, %mul3A_126 : i32
      "tpu.region"() ({
        %run_scoped3A = tpu.sem_alloc : memref<!tpu.dma_semaphore, #tpu.memory_space<semaphore_mem>>
        %dma_start3A = tpu.memref_slice %arg5[%add3A_128] : memref<16777216xf32, #tpu.memory_space<hbm>> -> memref<65536xf32, #tpu.memory_space<hbm>>
        %dma_start3A_130 = tpu.memref_slice %arg6[%mul3A_124] : memref<1048704xf32, #tpu.memory_space<vmem_shared>> -> memref<65536xf32, #tpu.memory_space<vmem_shared>>
        tpu.enqueue_dma source(%dma_start3A_130 : memref<65536xf32, #tpu.memory_space<vmem_shared>>) target(%dma_start3A : memref<65536xf32, #tpu.memory_space<hbm>>) target_semaphore(%run_scoped3A : memref<!tpu.dma_semaphore, #tpu.memory_space<semaphore_mem>>)
        %dma_wait3A = tpu.memref_slice %arg5[%add3A_128] : memref<16777216xf32, #tpu.memory_space<hbm>> -> memref<65536xf32, #tpu.memory_space<hbm>>
        %dma_wait3A_131 = tpu.memref_slice %arg6[%mul3A_124] : memref<1048704xf32, #tpu.memory_space<vmem_shared>> -> memref<65536xf32, #tpu.memory_space<vmem_shared>>
        tpu.wait_dma2 semaphore(%run_scoped3A : memref<!tpu.dma_semaphore, #tpu.memory_space<semaphore_mem>>) src(%dma_wait3A_131 : memref<65536xf32, #tpu.memory_space<vmem_shared>>) dst(%dma_wait3A : memref<65536xf32, #tpu.memory_space<hbm>>)
        tpu.yield
      }) : () -> ()
      %barrier3A_129 = arith.constant 0 : index
      tpu.barrier barrier_id(%barrier3A_129)
    } else {
    }
    return
  }
}

module attributes {stable_mosaic.version = 14 : i64} {
  func.func @_prep_body(%arg0: i32, %arg1: memref<128x1024xf32, #tpu.memory_space<vmem>>, %arg2: memref<128x1024xf32, #tpu.memory_space<vmem>>, %arg3: memref<1x1xf32, #tpu.memory_space<smem>>) attributes {dimension_semantics = [#tpu.dimension_semantics<arbitrary>], iteration_bounds = array<i64: 8>, scalar_prefetch = 0 : i64, scratch_operands = 0 : i64, tpu.core_type = #tpu.core_type<tc>, window_params = [{transform_indices = @transform_0, window_bounds = array<i64: 128, 1024>}, {transform_indices = @transform_1, window_bounds = array<i64: 128, 1024>}, {transform_indices = @transform_2, window_bounds = array<i64: 1, 1>}]} {
    %get3A = arith.constant 0 : index
    %get3A_0 = arith.constant 0 : index
    %get3A_1 = vector.load %arg1[%get3A, %get3A_0] : memref<128x1024xf32, #tpu.memory_space<vmem>>, vector<128x1024xf32>
    %logistic3A = arith.negf %get3A_1 : vector<128x1024xf32>
    %logistic3A_2 = math.exp %logistic3A : vector<128x1024xf32>
    %logistic3A_3 = arith.constant 1.000000e+00 : f32
    %logistic3A_4 = vector.broadcast %logistic3A_3 : f32 to vector<128x1024xf32>
    %logistic3A_5 = arith.addf %logistic3A_4, %logistic3A_2 : vector<128x1024xf32>
    %logistic3A_6 = arith.divf %logistic3A_4, %logistic3A_5 : vector<128x1024xf32>
    %swap3A = arith.constant 0 : index
    %swap3A_7 = arith.constant 0 : index
    %swap3A_8 = vector.load %arg2[%swap3A, %swap3A_7] : memref<128x1024xf32, #tpu.memory_space<vmem>>, vector<128x1024xf32>
    tpu.vector_store %arg2[%swap3A, %swap3A_7], %logistic3A_6 {strides = array<i32>} : memref<128x1024xf32, #tpu.memory_space<vmem>>, vector<128x1024xf32>,
    %add3A = arith.constant 1.000000e-10 : f32
    %add3A_9 = vector.broadcast %add3A : f32 to vector<128x1024xf32>
    %add3A_10 = arith.addf %logistic3A_6, %add3A_9 : vector<128x1024xf32>
    %log3A = math.log %add3A_10 : vector<128x1024xf32>
    %mul3A = arith.mulf %logistic3A_6, %log3A : vector<128x1024xf32>
    %sub3A = arith.constant 1.000000e+00 : f32
    %sub3A_11 = vector.broadcast %sub3A : f32 to vector<128x1024xf32>
    %sub3A_12 = arith.subf %sub3A_11, %logistic3A_6 : vector<128x1024xf32>
    %sub3A_13 = arith.constant 1.000000e+00 : f32
    %sub3A_14 = vector.broadcast %sub3A_13 : f32 to vector<128x1024xf32>
    %sub3A_15 = arith.subf %sub3A_14, %logistic3A_6 : vector<128x1024xf32>
    %add3A_16 = arith.constant 1.000000e-10 : f32
    %add3A_17 = vector.broadcast %add3A_16 : f32 to vector<128x1024xf32>
    %add3A_18 = arith.addf %sub3A_15, %add3A_17 : vector<128x1024xf32>
    %log3A_19 = math.log %add3A_18 : vector<128x1024xf32>
    %mul3A_20 = arith.mulf %sub3A_12, %log3A_19 : vector<128x1024xf32>
    %add3A_21 = arith.addf %mul3A, %mul3A_20 : vector<128x1024xf32>
    %neg3A = arith.constant 0.000000e+00 : f32
    %neg3A_22 = vector.broadcast %neg3A : f32 to vector<128x1024xf32>
    %neg3A_23 = arith.subf %neg3A_22, %add3A_21 : vector<128x1024xf32>
    %reduce_sum3A = vector.shape_cast %neg3A_23 : vector<128x1024xf32> to vector<1x128x1024xf32>
    %reduce_sum3A_24 = arith.constant dense<0.000000e+00> : vector<1xf32>
    %reduce_sum3A_25 = vector.multi_reduction <add>, %reduce_sum3A, %reduce_sum3A_24 [1, 2] : vector<1x128x1024xf32> to vector<1xf32>
    %reduce_sum3A_26 = vector.shape_cast %reduce_sum3A_25 : vector<1xf32> to vector<1x1x1xf32>
    %reduce_sum3A_27 = vector.extract %reduce_sum3A_26[0, 0, 0] : f32 from vector<1x1x1xf32>
    %mul3A_28 = arith.constant 9.53674316E-7 : f32
    %mul3A_29 = arith.mulf %reduce_sum3A_27, %mul3A_28 : f32
    %eq3A = arith.constant 0 : i32
    %eq3A_30 = arith.cmpi eq, %arg0, %eq3A : i32
    %convert_element_type3A = arith.extui %eq3A_30 : i1 to i32
    %cond3A = arith.constant 0 : i32
    %cond3A_31 = arith.cmpi ne, %convert_element_type3A, %cond3A : i32
    scf.if %cond3A_31 {
      %swap3A_39 = arith.constant 0.000000e+00 : f32
      %swap3A_40 = arith.constant 0 : index
      %swap3A_41 = arith.constant 0 : index
      %swap3A_42 = memref.load %arg3[%swap3A_40, %swap3A_41] : memref<1x1xf32, #tpu.memory_space<smem>>
      memref.store %swap3A_39, %arg3[%swap3A_40, %swap3A_41] : memref<1x1xf32, #tpu.memory_space<smem>>
    } else {
    }
    %get3A_32 = arith.constant 0 : index
    %get3A_33 = arith.constant 0 : index
    %get3A_34 = memref.load %arg3[%get3A_32, %get3A_33] : memref<1x1xf32, #tpu.memory_space<smem>>
    %add3A_35 = arith.addf %get3A_34, %mul3A_29 : f32
    %swap3A_36 = arith.constant 0 : index
    %swap3A_37 = arith.constant 0 : index
    %swap3A_38 = memref.load %arg3[%swap3A_36, %swap3A_37] : memref<1x1xf32, #tpu.memory_space<smem>>
    memref.store %add3A_35, %arg3[%swap3A_36, %swap3A_37] : memref<1x1xf32, #tpu.memory_space<smem>>
    return
  }
  func.func @transform_0(%arg0: i32) -> (i32, i32) {
    %c0_i32 = arith.constant 0 : i32
    %c0_i32_0 = arith.constant 0 : i32
    return %arg0, %c0_i32 : i32, i32
  }
  func.func @transform_1(%arg0: i32) -> (i32, i32) {
    %c0_i32 = arith.constant 0 : i32
    %c0_i32_0 = arith.constant 0 : i32
    return %arg0, %c0_i32 : i32, i32
  }
  func.func @transform_2(%arg0: i32) -> (i32, i32) {
    %c0_i32 = arith.constant 0 : i32
    %c0_i32_0 = arith.constant 0 : i32
    %c0_i32_1 = arith.constant 0 : i32
    return %c0_i32, %c0_i32_0 : i32, i32
  }
}

</mosaic_0001>

<sc_bundles>
// kernel: kernel.4.cloned.1.call-start
scs
__scs_entry_jumppad:
0x0: {  	(pc) =	sbr.rel $0x88, $3  }
0x1: {  	(tag) =	ssettag $0x0;
	lr =	simm.s32 $0x1  }
0x2: {  	[smem:$0x3F9E] =	sst lr;
	_ =	strace $0xD0000000  }
0x3: {  	_ = 	snop  }
0x4: {  	_ = 	snop  }
0x5: {  	_ = 	snop  }
0x6: {  	_ = 	snop  }
0x7: {  	_ = 	snop  }
__scs_overlays_trampoline_lowered:
0x8: {  	[smem:$0x3FAD] =	sst s0  }
0x9: {  	[smem:$0x3FAE] =	sst s1  }
0xa: {  	[smem:$0x3FAF] =	sst s2  }
0xb: {  	[smem:$0x3FB0] =	sst s3  }
0xc: {  	[smem:$0x3FB1] =	sst s4  }
0xd: {  	[smem:$0x3FB2] =	sst s5  }
0xe: {  	[smem:$0x3FB3] =	sst s6  }
0xf: {  	[smem:$0x3FB4] =	sst s7  }
0x10: {  	[smem:$0x3FB5] =	sst s8  }
0x11: {  	[smem:$0x3FB6] =	sst s9;
	s0 =	simm.s32 @!p0 $0x0  }
0x12: {  	s1 =	sld [smem:$0x3F9C];
	s0 =	simm.s32 @p0 $0x1  }
0x13: {  	[smem:$0x3FB7] =	sst s0;
	s0 =	simm.s32 @!p1 $0x0  }
0x14: {  	s2 =	sld [smem:$0x3F9B];
	s0 =	simm.s32 @p1 $0x1  }
0x15: {  	[smem:$0x3FB8] =	sst s0;
	s0 =	simm.s32 @!p2 $0x0  }
0x16: {  	s3 =	sld [smem:$0x3FDB];
	s0 =	simm.s32 @p2 $0x1  }
0x17: {  	s4 =	simm.s32 $0x1BF5;
	[smem:$0x3FBA] =	sst s0  }
0x18: {  	s0 =	sld [smem:$0x3F9D];
	_ =	swait.ge [sflag:s4], $0x0  }
0x19: {  	s7 =	sld [smem:$0x3F9E]  }
0x1a: {  	s8 =	sadd.s32 $0xFFFFE003, lr  }
0x1b: {  	s9 =	sadd.s32 $0xFFFFFEF7, lr;
	s5 =	simm.s32 $0xFFFFFFFF;
	p2 =	slt.u32 s8, $0xFFFFF086  }
0x1c: {  	p1 =	slt.u32 s9, $0xF7A;
	s5 =	simm.s32 @!p2 $0x0  }
0x1d: {  	s5 =	simm.s32 @p1 $0x1;
	p0 =	seq.s32 s7, s2  }
0x1e: {  	s7 =	smul.u32 @!p0 $0xF7A, s2;
	p2 =	seq.s32 @!p0 s5, $0x0  }
0x1f: {  	s9 =	smul.u32 $0xF7A, s1;
	s8 =	simm.s32 @!p0 $0x1BF5;
	p2 =	por !p2, p0  }
0x20: {  	[sflag:s8] =	ssyncset.s32 @!p0 $0xFFFFF086;
	s6 =	sadd.s32 @!p0 s3, s7;
	s7 =	simm.s32 @!p0 $0x108  }
0x21: {  	s3 =	sadd.s32 s3, s9;
	s6 =	sadd.s32 @!p0 $0x88, s6;
	s7 =	simm.s32 @p2 $0x1082  }
0x22: {  	[simem:s7], [sflag:s8] =	dma.local @!p0 [hbm:s6], $0xF7A  }
0x23: {  	s9 =	sor.u32 $0xD0000000, s2;
	s6 =	simm.s32 $0x108;
	_ =	swait.ge @!p0 [sflag:s8], $0x0  }
0x24: {  	s3 =	sadd.s32 $0x88, s3;
	s6 =	simm.s32 @!p1 $0x1082;
	[sflag:s4] =	ssyncset.s32 $0xFFFFF086  }
0x25: {  	[simem:s6], [sflag:s4] =	dma.local [hbm:s3], $0xF7A  }
0x26: {  	[smem:$0x3F9E] =	sst s1;
	(tag) =	ssettag s2;
	_ =	strace s9  }
0x27: {  	s1 =	sld [smem:$0x3FAE]  }
0x28: {  	s2 =	sld [smem:$0x3FAF]  }
0x29: {  	s4 =	sld [smem:$0x3FB1]  }
0x2a: {  	p0 =	seq.s32 s5, $0x0;
	s5 =	sld [smem:$0x3FB2]  }
0x2b: {  	s6 =	sld [smem:$0x3FB3]  }
0x2c: {  	s7 =	sld [smem:$0x3FB4]  }
0x2d: {  	s3 =	simm.s32 $0x108;
	s8 =	sld [smem:$0x3FB5]  }
0x2e: {  	s3 =	simm.s32 @!p0 $0x1082;
	s9 =	sld [smem:$0x3FB6]  }
0x2f: {  	lr =	sadd.s32 s0, s3;
	s0 =	sld [smem:$0x3FAD]  }
0x30: {  	s3 =	sld [smem:$0x3FB0]  }
0x31: {  	[smem:$0x3FB9] =	sst s10  }
0x32: {  	s10 =	sld [smem:$0x3FB7];
	_ =	sdelay $0x3  }
0x33: {  	p0 =	seq.s32 s10, $0x1;
	s10 =	sld [smem:$0x3FB9];
	_ =	sdelay $0x3  }
0x34: {  	[smem:$0x3FB9] =	sst s10  }
0x35: {  	s10 =	sld [smem:$0x3FB8];
	_ =	sdelay $0x3  }
0x36: {  	p1 =	seq.s32 s10, $0x1;
	s10 =	sld [smem:$0x3FB9];
	_ =	sdelay $0x3  }
0x37: {  	[smem:$0x3FB9] =	sst s10  }
0x38: {  	s10 =	sld [smem:$0x3FBA]  }
0x39: {  	_ = 	snop;
	(pc) =	sbr.ind lr, $3  }
0x3a: {  	_ = 	snop  }
0x3b: {  	_ = 	snop  }
0x3c: {  	p2 =	seq.s32 s10, $0x1;
	s10 =	sld [smem:$0x3FB9]  }
0x3d: {  	_ =	shalt  }
0x3e: {  	_ =	shalt  }
0x3f: {  	_ =	shalt  }
0x40: {  	_ =	shalt  }
0x41: {  	_ =	shalt  }
0x42: {  	_ =	shalt  }
0x43: {  	_ =	shalt  }
0x44: {  	_ =	shalt  }
0x45: {  	_ =	shalt  }
0x46: {  	_ =	shalt  }
0x47: {  	_ =	shalt  }
0x48: {  	_ =	shalt  }
0x49: {  	_ =	shalt  }
0x4a: {  	_ =	shalt  }
0x4b: {  	_ =	shalt  }
0x4c: {  	_ =	shalt  }
0x4d: {  	_ =	shalt  }
0x4e: {  	_ =	shalt  }
0x4f: {  	_ =	shalt  }
0x50: {  	_ =	shalt  }
0x51: {  	_ =	shalt  }
0x52: {  	_ =	shalt  }
0x53: {  	_ =	shalt  }
0x54: {  	_ =	shalt  }
0x55: {  	_ =	shalt  }
0x56: {  	_ =	shalt  }
0x57: {  	_ =	shalt  }
0x58: {  	_ =	shalt  }
0x59: {  	_ =	shalt  }
0x5a: {  	_ =	shalt  }
0x5b: {  	_ =	shalt  }
0x5c: {  	_ =	shalt  }
0x5d: {  	_ =	shalt  }
0x5e: {  	_ =	shalt  }
0x5f: {  	_ =	shalt  }
0x60: {  	_ =	shalt  }
0x61: {  	_ =	shalt  }
0x62: {  	_ =	shalt  }
0x63: {  	_ =	shalt  }
0x64: {  	_ =	shalt  }
0x65: {  	_ =	shalt  }
0x66: {  	_ =	shalt  }
0x67: {  	_ =	shalt  }
0x68: {  	_ =	shalt  }
0x69: {  	_ =	shalt  }
0x6a: {  	_ =	shalt  }
0x6b: {  	_ =	shalt  }
0x6c: {  	_ =	shalt  }
0x6d: {  	_ =	shalt  }
0x6e: {  	_ =	shalt  }
0x6f: {  	_ =	shalt  }
0x70: {  	_ =	shalt  }
0x71: {  	_ =	shalt  }
0x72: {  	_ =	shalt  }
0x73: {  	_ =	shalt  }
0x74: {  	_ =	shalt  }
0x75: {  	_ =	shalt  }
0x76: {  	_ =	shalt  }
0x77: {  	_ =	shalt  }
0x78: {  	_ =	shalt  }
0x79: {  	_ =	shalt  }
0x7a: {  	_ =	shalt  }
0x7b: {  	_ =	shalt  }
0x7c: {  	_ =	shalt  }
0x7d: {  	_ =	shalt  }
0x7e: {  	_ =	shalt  }
0x7f: {  	_ =	shalt  }
0x80: {  	_ =	shalt  }
0x81: {  	_ =	shalt  }
0x82: {  	_ =	shalt  }
0x83: {  	_ =	shalt  }
0x84: {  	_ =	shalt  }
0x85: {  	_ =	shalt  }
0x86: {  	_ =	shalt  }
0x87: {  	_ =	shalt  }
.Lfunc_end0:
.L_simem_size_0:
called_computation_lowered:
.L_overlay_start_0:
0x88: {  	s2 =	sld [smem:$0x3FD9]  }
0x89: {  	s3 =	sld [smem:$0x3FFE];
	_ =	sdelay $0x1  }
0x8a: {  	s1 =	srdreg.scid  }
0x8b: {  	s0 =	sand.u32 $0x1, s1  }
0x8c: {  	s14 =	sshll.u32 s0, $0xA;
	s2 =	sadd.s32 s3, s2  }
0x8d: {  	s2 =	sadd.s32 s2, s14  }
0x8e: {  	[smem:$0x3FC5] =	sst s2  }
0x8f: {  	_ = 	snop  }
0x90: {  	s2 =	sld [smem:$0x3FD0];
	_ =	sdelay $0x2  }
0x91: {  	s15 =	simm.s32 $0xA;
	s4 =	simm.s32 $0x10  }
0x92: {  	[smem:s4], [sflag:s15] =	dma.local [hbm:s2], $0x1  }
0x93: {  	_ =	swait.eq [sflag:s15], $0x1  }
0x94: {  	[sflag:s15] =	ssyncset.done $0x0  }
0x95: {  	[sflag:s15] =	ssyncadd.s32 $0xFFFFFFFF  }
0x96: {  	s16 =	sld [smem:$0x10];
	(tm) =	ssettm $0x1  }
0x97: {  	s17 =	sld [smem:$0x3FFB];
	_ =	sdelay $0x3  }
0x98: {  	_ =	strace s17  }
0x99: {  	s3 =	sld [smem:$0x3FFC];
	_ =	sdelay $0x3  }
0x9a: {  	_ =	strace s3  }
0x9b: {  	s3 =	sld [smem:$0x3FFD];
	_ =	sdelay $0x3  }
0x9c: {  	_ =	strace s3  }
0x9d: {  	_ =	strace $0x8FFFFFFF  }
0x9e: {  	s18 =	sld [smem:$0x3FDB];
	_ =	sdelay $0x1  }
0x9f: {  	s19 =	simm.s32 $_scs_section_size  }
0xa0: {  	s5 =	simm.s32 $_size__tile_overlayer_lowered;
	s6 =	simm.s32 $_tile_overlayer_lowered  }
0xa1: {  	s22 =	simm.s32 $0x1BFF;
	s21 =	sshll.u32 s6, $0x1;
	s3 =	sadd.s32 s19, s18  }
0xa2: {  	s7 =	simm.s32 $0x0;
	s20 =	sshll.u32 s5, $0x1;
	s5 =	sadd.s32 s21, s3  }
0xa3: {  	[timem:s7], [sflag:s22] =	dma.local [hbm:s5], s20  }
0xa4: {  	_ =	swait.ge [sflag:s22], s20  }
0xa5: {  	s4 =	ssub.s32 $0x0, s20;
	[sflag:s22] =	ssyncset.done $0x0  }
0xa6: {  	[sflag:s22] =	ssyncadd.s32 s4;
	_ =	sdelay $0x1  }
0xa7: {  	s23 =	simm.s32 $0x1B8B  }
0xa8: {  	_ =	swait.ge [sflag:s23], $0x1  }
0xa9: {  	[sflag:s23] =	ssyncset.done $0x0  }
0xaa: {  	s25 =	simm.s32 $0x1B8E;
	s24 =	sld [smem:$0x3FFE];
	[sflag:s23] =	ssyncadd.s32 $0xFFFFFFFF  }
0xab: {  	s26 =	simm.s32 $execute0_lowered;
	[smem:$0x3FD2] =	sst s25  }
0xac: {  	s5 =	sshll.u32 s26, $0x1;
	_ =	strace $0x80000046;
	[dreg:$0x1] =	wrdreg $0xFFFFFFFF  }
0xad: {  	s28 =	simm.s32 $_size_execute0_lowered;
	s3 =	sadd.s32 s3, s5;
	[dreg:$0x0] =	wrdreg $0x0  }
0xae: {  	s5 =	sshll.u32 s28, $0x1;
	[dreg:$0x2] =	wrdreg s3  }
0xaf: {  	[dreg:$0x3] =	wrdreg s5  }
0xb0: {  	[dreg:$0x4] =	wrdreg $0xC0  }
0xb1: {  	_ =	task [dreg:s7], $0x5FFFF  }
0xb2: {  	[dreg:$0x1] =	wrdreg $0xFFFFFFFF  }
0xb3: {  	[dreg:$0x0] =	wrdreg $0x60  }
0xb4: {  	[dreg:$0x2] =	wrdreg s16  }
0xb5: {  	[dreg:$0x3] =	wrdreg s24  }
0xb6: {  	[dreg:$0x4] =	wrdreg $0x0  }
0xb7: {  	[dreg:$0x5] =	wrdreg $0x9  }
0xb8: {  	_ =	task.clear_ibuf [dreg:s7], $0x6FFFF;
	_ =	strace $0x90000046  }
0xb9: {  	s29 =	simm.s32 $0x9;
	_ =	strace $0x80000048  }
0xba: {  	_ =	swait.ge [sflag:s29], $0x1  }
0xbb: {  	[sflag:s29] =	ssyncadd.s32 $0xFFFFFFFF  }
0xbc: {  	_ =	strace $0x90000048  }
0xbd: {  	_ =	sfence  }
0xbe: {  	s30 =	sld [smem:$0x0];
	_ =	sdelay $0x2  }
0xbf: {  	s31 =	sshll.u32 s1, $0xD;
	s1 =	sshrl.u32 s1, $0x2  }
0xc0: {  	s3 =	sand.u32 $0x4000, s31;
	s1 =	sadd.s32 s1, s30  }
0xc1: {  	s0 =	sor.u32 s3, s0;
	s1 =	sshll.u32 s1, $0x11  }
0xc2: {  	s0 =	sor.u32 s1, s0  }
0xc3: {  	s0 =	sadd.s32 $0x8F2B, s0  }
0xc4: {  	[sflag:s0] =	ssyncadd.remote.s32 $0x1  }
0xc5: {  	_ =	sfence.sel $0xFFFF  }
0xc6: {  	[dreg:$0x0] =	wrdreg $0xFFFFFFFF;
	(pc) =	sbr.abs _section_cstart, $3  }
0xc7: {  	[dreg:$0x1] =	wrdreg $0xFFFFFFFF  }
0xc8: {  	_ =	task.clear_ibuf [dreg:s7], $0x2FFFF;
	_ =	strace $0x9FFFFFFF  }
0xc9: {  	(tm) =	ssettm $0x7FFFFFFF  }
tec
execute0_lowered:
.L_overlay_start_1:
0x0: {  	(tag) =	ssettag $0x1  }
0x1: {  	s1 =	rddreg [dreg:$0x0];
	s2 =	simm.s32 $0x0  }
0x2: {  	[smem:$0x7FF] =	sst s2;
	s2 =	stileid.u32  }
0x3: {  	s0 =	rddreg [dreg:$0x1];
	s6 =	sshll.u32 s2, $0xD  }
0x4: {  	s3 =	rddreg [dreg:$0x2];
	s7 =	sadd.s32 s6, s0  }
0x5: {  	s4 =	srdreg.scid;
	s30 =	simm.s32 $0x2;
	s9 =	sadd.s32 $0x121600, s7  }
0x6: {  	_ =	strace $0x80000047;
	s12 =	sadd.s32 $0x21600, s7;
	[dreg:$0x4] =	wrdreg s9  }
0x7: {  	s31 =	simm.s32 $0x10008;
	s13 =	sadd.s32 $0x141600, s7;
	[dreg:$0x5] =	wrdreg s12  }
0x8: {  	s29 =	simm.s32 $0x14088;
	s14 =	sadd.s32 $0x41600, s7;
	[dreg:$0x6] =	wrdreg s13  }
0x9: {  	s4 =	sand.u32 $0x1, s4;
	s15 =	sadd.s32 $0x61600, s7;
	[dreg:$0x7] =	wrdreg s14  }
0xa: {  	s5 =	sadd.s32 $0xA00, s0;
	s16 =	sadd.s32 $0x161600, s7;
	[dreg:$0x8] =	wrdreg s15  }
0xb: {  	s8 =	ssub.s32 $0x2, s4;
	s17 =	sadd.s32 $0x81600, s7;
	[dreg:$0x9] =	wrdreg s16  }
0xc: {  	s20 =	sshll.u32 s2, $0x10;
	s18 =	sadd.s32 $0x181600, s7;
	[dreg:$0xa] =	wrdreg s17  }
0xd: {  	p0 =	seq.s32 s4, $0x0;
	s19 =	sadd.s32 $0xA1600, s7;
	[dreg:$0xb] =	wrdreg s18  }
0xe: {  	p1 =	sne.s32 s4, $0x0;
	s21 =	sadd.s32 $0x1A1600, s7;
	[dreg:$0xc] =	wrdreg s19  }
0xf: {  	s4 =	simm.s32 $0x16108;
	s22 =	sadd.s32 $0x1C1600, s7;
	[dreg:$0xd] =	wrdreg s21  }
0x10: {  	s6 =	sadd.s32 $0x21400, s0;
	s23 =	sadd.s32 $0xC1600, s7;
	[dreg:$0xe] =	wrdreg s22  }
0x11: {  	s11 =	sshrl.u32 s8, $0x1;
	s24 =	sadd.s32 $0xE1600, s7;
	[dreg:$0xf] =	wrdreg s23  }
0x12: {  	s0 =	ssub.s32 s8, s11;
	s25 =	sadd.s32 $0x1E1600, s7;
	[dreg:$0x10] =	wrdreg s24  }
.Ltmp0:
0x13: {  	s26 =	sadd.s32 $0x101600, s7;
	[dreg:$0x11] =	wrdreg s25;
	(pc) =	sbr.rel .LBB2_1-.Ltmp0, $4  }
0x14: {  	s7 =	sadd.s32 $0x201600, s7;
	s8 =	simm.s32 $0x18108;
	[dreg:$0x12] =	wrdreg s26  }
0x15: {  	s21 =	sadd.s32 s20, s3;
	[dreg:$0x13] =	wrdreg s7;
	s24 =	smax.u32 s0, $0x1  }
0x16: {  	s0 =	simm.s32 $0x1;
	s7 =	simm.s32 $0x2000;
	s9 =	simm.s32 $0x0  }
0x17: {  	v0 =	vimm.f32 $0.0e+00;
	v1 =	vlaneseq.u32;
	s25 =	sadd.s32 $0x4000, s21;
	s26 =	sadd.s32 $0x8000, s21;
	s28 =	sadd.s32 $0xC000, s21  }
.LBB2_92:
0x18: {  	s10 =	sshll.u32 s2, $0x6;
	[bflag:$0x0] =	sbarrier.arrive $0xFFFF  }
0x19: {  	s11 =	sshrl.u32 s21, $0x3;
	s10 =	sor.u32 $0x1C02, s10;
	s12 =	rddreg [dreg:$0x13]  }
0x1a: {  	[hbm:s12], [sflag:s10] =	dma.local [spmem:s11], $0x2000  }
0x1b: {  	_ =	swait.ge [sflag:s30], $0x2000  }
0x1c: {  	[sflag:s30] =	ssyncset.done $0x0  }
0x1d: {  	[sflag:s30] =	ssyncadd.s32 $0xFFFFE000  }
0x1e: {  	[bflag:$0x0] =	sbarrier.arrive $0xFFFF  }
.LBB2_93:
0x1f: {  	s9 =	sadd.s32 $0x1, s9  }
0x20: {  	p2 =	sne.s32 s9, s24  }
.Ltmp1:
0x21: {  	_ = 	snop;
	(pc) =	sbr.rel @!p2 .LBB2_94-.Ltmp1, $1  }
0x22: {  	_ =	sdelay $0x3  }
.LBB2_1:
0x23: {  	s10 =	simm.s32 $0x40;
	s11 =	simm.s32 $0x0  }
.LBB2_2:
0x24: {  	p2 =	sne.s32 s10, $0xFFC0;
	[tilespmem:s11+$0x10008] =	vst v0;
	s11 =	smov.u32 s10;
	s10 =	sadd.s32 $0x40, s10  }
.Ltmp2:
0x25: {  	(pc) =	sbr.rel @p2 .LBB2_2-.Ltmp2, $2  }
0x26: {  	_ =	sdelay $0x2  }
0x27: {  	s11 =	sshra.s32 s11, $0x2  }
0x28: {  	[tilespmem:s11+$0x10008] =	vst v0;
	s10 =	simm.s32 $0x0;
	s23 =	simm.s32 $0x14008  }
0x29: {  	[tilespmem:s23], [sflag:$0x2] =	stream.linear.gather [hbm4b:s6+s10], $0x80, $0x38;
	[tilespmem:$0x1A108] =	vst v63  }
.Ltmp3:
0x2a: {  	_ =	swait.ge [sflag:s30], $0x80;
	(pc) =	sbr.rel @!p0 .LBB2_4-.Ltmp3, $4  }
0x2b: {  	[sflag:s30] =	ssyncset.done $0x0  }
0x2c: {  	[sflag:s30] =	ssyncadd.s32 $0xFFFFFF80  }
0x2d: {  	v2 =	vld [tilespmem:$0x14008]  }
0x2e: {  	v3 =	vld [tilespmem:$0x14018];
	[spmem:s21] =	stream.linear.scatter [tilespmem:s31], [sflag:$0x1], $0x4000, $0x38  }
0x2f: {  	[spmem:s25] =	stream.linear.scatter [tilespmem:s31], [sflag:$0x1], $0x4000, $0x38;
	[tilespmem:$0x1A108] =	vst v63  }
0x30: {  	_ = 	snop  }
0x31: {  	[spmem:s26] =	stream.linear.scatter [tilespmem:s31], [sflag:$0x1], $0x4000, $0x38;
	[tilespmem:$0x1A108] =	vst v63  }
0x32: {  	_ = 	snop  }
0x33: {  	[spmem:s28] =	stream.linear.scatter [tilespmem:s31], [sflag:$0x1], $0x4000, $0x38;
	[tilespmem:$0x1A108] =	vst v63  }
0x34: {  	_ =	swait.ge [sflag:s0], $0x4000  }
0x35: {  	[sflag:s0] =	ssyncset.done $0x0  }
0x36: {  	[sflag:s0] =	ssyncadd.s32 $0xFFFFC000  }
0x37: {  	_ =	swait.ge [sflag:s0], $0x4000  }
0x38: {  	[sflag:s0] =	ssyncset.done $0x0  }
0x39: {  	[sflag:s0] =	ssyncadd.s32 $0xFFFFC000  }
0x3a: {  	_ =	swait.ge [sflag:s0], $0x4000  }
0x3b: {  	[sflag:s0] =	ssyncset.done $0x0  }
0x3c: {  	[sflag:s0] =	ssyncadd.s32 $0xFFFFC000  }
0x3d: {  	_ =	swait.ge [sflag:s0], $0x4000  }
0x3e: {  	[sflag:s0] =	ssyncset.done $0x0  }
0x3f: {  	[sflag:s0] =	ssyncadd.s32 $0xFFFFC000  }
0x40: {  	[bflag:$0x0] =	sbarrier.arrive $0xFFFF  }
0x41: {  	(v2sf) =	vpush v2, $0x0  }
0x42: {  	(v2sf) =	vpush v3, $0x0;
	_ =	sdelay $0xd  }
0x43: {  	s11 =	spop (v2sf)  }
0x44: {  	s12 =	spop (v2sf)  }
0x45: {  	s10 =	ssub.s32 s12, s11  }
0x46: {  	s10 =	sadd.s32 $0xF, s10  }
0x47: {  	s13 =	sshra.s32 s10, $0x4  }
0x48: {  	s10 =	sadd.s32 $0x2007, s13  }
0x49: {  	s10 =	sshra.s32 s10, $0xD  }
0x4a: {  	p2 =	slt.s32 s10, $0x1  }
.Ltmp4:
0x4b: {  	_ = 	snop;
	(pc) =	sbr.rel @p2 .LBB2_30-.Ltmp4, $1  }
0x4c: {  	_ =	sdelay $0x3  }
0x4d: {  	s14 =	smul.u32 s2, s13;
	_ =	sdelay $0x1  }
0x4e: {  	s11 =	sadd.s32 s11, s14  }
0x4f: {  	s13 =	sadd.s32 s13, s11  }
0x50: {  	p2 =	slt.s32 s13, s12  }
0x51: {  	s12 =	smov.u32 @p2 s13  }
0x52: {  	s14 =	simm.s32 $0x0;
	v4 =	vmov s11;
	s13 =	smov.u32 s11;
	v5 =	vmov s12;
	s12 =	simm.s32 $0x0  }
.LBB2_27:
0x53: {  	s15 =	sshll.u32 s14, $0xD  }
0x54: {  	s15 =	sadd.s32 s11, s15  }
0x55: {  	s15 =	sshrl.u32 s15, $0x3  }
0x56: {  	s17 =	sadd.s32 s1, s15  }
0x57: {  	[tilespmem:s29], [sflag:$0x2] =	stream.linear.gather [hbm4b:s17+s12], $0x2010, $0x38;
	[tilespmem:$0x1A108] =	vst v63  }
0x58: {  	_ =	swait.ge [sflag:s30], $0x2010  }
0x59: {  	[sflag:s30] =	ssyncset.done $0x0  }
0x5a: {  	s15 =	sadd.s32 s5, s15;
	[sflag:s30] =	ssyncadd.s32 $0xFFFFDFF0  }
0x5b: {  	[tilespmem:s4], [sflag:$0x2] =	stream.linear.gather [hbm4b:s15+s12], $0x2000, $0x38;
	[tilespmem:$0x1A108] =	vst v63  }
0x5c: {  	_ =	swait.ge [sflag:s30], $0x2000  }
0x5d: {  	[sflag:s30] =	ssyncset.done $0x0  }
0x5e: {  	s20 =	simm.s32 $0x14089;
	[sflag:s30] =	ssyncadd.s32 $0xFFFFE000  }
0x5f: {  	v6 =	vld [tilespmem:s20+$0x0]  }
0x60: {  	v7 =	vld [tilespmem:s20+$0xFFFFFFFF];
	_ =	sdelay $0x1  }
0x61: {  	s15 =	sand.u32 $0xFFFFFFF8, s13  }
0x62: {  	s22 =	sadd.s32 $0x0, s15  }
0x63: {  	v8 =	vadd.s32 s22, v1  }
0x64: {  	s23 =	sand.u32 $0x70, s12;
	vm1 =	vge.s32 v8, v4;
	vm0 =	vne.s32 v7, v6  }
0x65: {  	s17 =	sor.u32 $0x100000, s23;
	vm15 =	vlt.s32 v8, v5;
	vm0 =	vmand vm1, vm0  }
0x66: {  	v6 =	vor.u32 s17, v1;
	vm0 =	vmand vm15, vm0  }
0x67: {  	s18 =	simm.s32 $0x18108;
	v6 =	vsel vm0, v7, v6  }
0x68: {  	s20 =	simm.s32 $0x14099;
	[tilespmem:s18+$0x0] =	vst v6  }
0x69: {  	v7 =	vld [tilespmem:s20+$0x0]  }
0x6a: {  	s19 =	simm.s32 $0x10;
	s17 =	simm.s32 $0x20;
	v6 =	vld [tilespmem:s20+$0xFFFFFFFF]  }
.LBB2_28:
0x6b: {  	p2 =	sne.s32 s17, $0x1FF0;
	_ =	sdelay $0x1  }
0x6c: {  	s22 =	sadd.s32 s19, s15  }
0x6d: {  	v8 =	vadd.s32 s22, v1  }
0x6e: {  	s22 =	sand.u32 $0x70, s19;
	s19 =	smov.u32 s17;
	vm1 =	vge.s32 v8, v4;
	vm0 =	vne.s32 v6, v7  }
0x6f: {  	s22 =	sor.u32 $0x100000, s22;
	vm0 =	vmand vm1, vm0;
	vm1 =	vlt.s32 v8, v5  }
.Ltmp5:
0x70: {  	v7 =	vor.u32 s22, v1;
	vm0 =	vmand vm1, vm0;
	(pc) =	sbr.rel @p2 .LBB2_28-.Ltmp5, $4  }
0x71: {  	s18 =	sadd.s32 $0x10, s18;
	v6 =	vsel vm0, v6, v7  }
0x72: {  	s20 =	sadd.s32 $0x10, s20;
	[tilespmem:s18+$0x0] =	vst v6  }
0x73: {  	v7 =	vld [tilespmem:s20+$0x0]  }
0x74: {  	s17 =	sadd.s32 $0x10, s17;
	v6 =	vld [tilespmem:s20+$0xFFFFFFFF]  }
0x75: {  	_ =	sdelay $0x1  }
0x76: {  	s15 =	sadd.s32 s19, s15  }
0x77: {  	v8 =	vadd.s32 s15, v1  }
0x78: {  	s22 =	sand.u32 $0x70, s19;
	vm1 =	vge.s32 v8, v4;
	vm0 =	vne.s32 v6, v7  }
0x79: {  	s15 =	sor.u32 $0x100000, s22;
	vm15 =	vlt.s32 v8, v5;
	vm0 =	vmand vm1, vm0  }
0x7a: {  	s14 =	sadd.s32 $0x1, s14;
	v7 =	vor.u32 s15, v1;
	vm0 =	vmand vm15, vm0  }
0x7b: {  	s23 =	sadd.s32 $0x10, s18;
	p2 =	sne.s32 s14, s10;
	v6 =	vsel vm0, v6, v7  }
.Ltmp6:
0x7c: {  	[tilespmem:s23+$0x0] =	vst v6;
	(pc) =	sbr.rel @p2 .LBB2_27-.Ltmp6, $4  }
0x7d: {  	[spmem:s3] =	stream.indirect.scatter.add.f32 [tilespmem:s4], [sflag:$0x2], $0x1, s8, s7, $0xb8;
	[tilespmem:$0x1A108] =	vst v63  }
0x7e: {  	_ =	swait.ge [sflag:s30], $0x2000  }
0x7f: {  	[sflag:s30] =	ssyncset.done $0x0  }
0x80: {  	s13 =	sadd.s32 $0x2000, s13;
	[sflag:s30] =	ssyncadd.s32 $0xFFFFE000  }
.LBB2_30:
0x81: {  	s10 =	sshll.u32 s2, $0x6;
	[bflag:$0x0] =	sbarrier.arrive $0xFFFF  }
0x82: {  	s11 =	sshrl.u32 s21, $0x3;
	s10 =	sor.u32 $0x1C02, s10;
	s12 =	rddreg [dreg:$0x5]  }
0x83: {  	[hbm:s12], [sflag:s10] =	dma.local [spmem:s11], $0x2000  }
0x84: {  	_ =	swait.ge [sflag:s30], $0x2000  }
0x85: {  	[sflag:s30] =	ssyncset.done $0x0  }
0x86: {  	[sflag:s30] =	ssyncadd.s32 $0xFFFFE000  }
0x87: {  	[bflag:$0x0] =	sbarrier.arrive $0xFFFF  }
0x88: {  	[spmem:s21] =	stream.linear.scatter [tilespmem:s31], [sflag:$0x1], $0x4000, $0x38;
	[tilespmem:$0x1A108] =	vst v63  }
0x89: {  	_ = 	snop  }
0x8a: {  	[spmem:s25] =	stream.linear.scatter [tilespmem:s31], [sflag:$0x1], $0x4000, $0x38;
	[tilespmem:$0x1A108] =	vst v63  }
0x8b: {  	_ = 	snop  }
0x8c: {  	[spmem:s26] =	stream.linear.scatter [tilespmem:s31], [sflag:$0x1], $0x4000, $0x38;
	[tilespmem:$0x1A108] =	vst v63  }
0x8d: {  	_ = 	snop  }
0x8e: {  	[spmem:s28] =	stream.linear.scatter [tilespmem:s31], [sflag:$0x1], $0x4000, $0x38;
	[tilespmem:$0x1A108] =	vst v63  }
0x8f: {  	_ =	swait.ge [sflag:s0], $0x4000  }
0x90: {  	[sflag:s0] =	ssyncset.done $0x0  }
0x91: {  	[sflag:s0] =	ssyncadd.s32 $0xFFFFC000  }
0x92: {  	_ =	swait.ge [sflag:s0], $0x4000  }
0x93: {  	[sflag:s0] =	ssyncset.done $0x0  }
0x94: {  	[sflag:s0] =	ssyncadd.s32 $0xFFFFC000  }
0x95: {  	_ =	swait.ge [sflag:s0], $0x4000  }
0x96: {  	[sflag:s0] =	ssyncset.done $0x0  }
0x97: {  	[sflag:s0] =	ssyncadd.s32 $0xFFFFC000  }
0x98: {  	_ =	swait.ge [sflag:s0], $0x4000  }
0x99: {  	[sflag:s0] =	ssyncset.done $0x0  }
0x9a: {  	[sflag:s0] =	ssyncadd.s32 $0xFFFFC000  }
0x9b: {  	[bflag:$0x0] =	sbarrier.arrive $0xFFFF  }
0x9c: {  	(v2sf) =	vpush v2, $0x1  }
0x9d: {  	(v2sf) =	vpush v3, $0x1;
	_ =	sdelay $0xd  }
0x9e: {  	s14 =	spop (v2sf)  }
0x9f: {  	s13 =	spop (v2sf)  }
0xa0: {  	s23 =	ssub.s32 s13, s14  }
0xa1: {  	s12 =	sadd.s32 $0xF, s23  }
0xa2: {  	s17 =	sshra.s32 s12, $0x4  }
0xa3: {  	s12 =	sadd.s32 $0x2007, s17  }
0xa4: {  	s12 =	sshra.s32 s12, $0xD  }
0xa5: {  	p2 =	sgt.s32 s12, $0x0  }
.Ltmp7:
0xa6: {  	_ = 	snop;
	(pc) =	sbr.rel @!p2 .LBB2_35-.Ltmp7, $1  }
0xa7: {  	_ =	sdelay $0x3  }
0xa8: {  	s15 =	smul.u32 s2, s17;
	_ =	sdelay $0x1  }
0xa9: {  	s15 =	sadd.s32 s14, s15  }
0xaa: {  	s14 =	sadd.s32 s17, s15  }
0xab: {  	p2 =	slt.s32 s14, s13  }
0xac: {  	s13 =	smov.u32 @p2 s14  }
0xad: {  	s18 =	simm.s32 $0x0;
	v4 =	vmov s15;
	s14 =	simm.s32 $0x0;
	v5 =	vmov s13;
	s13 =	smov.u32 s15  }
.LBB2_32:
0xae: {  	s17 =	sshll.u32 s18, $0xD  }
0xaf: {  	s17 =	sadd.s32 s15, s17  }
0xb0: {  	s17 =	sshrl.u32 s17, $0x3  }
0xb1: {  	s19 =	sadd.s32 s1, s17  }
0xb2: {  	[tilespmem:s29], [sflag:$0x2] =	stream.linear.gather [hbm4b:s19+s14], $0x2010, $0x38;
	[tilespmem:$0x1A108] =	vst v63  }
0xb3: {  	_ =	swait.ge [sflag:s30], $0x2010  }
0xb4: {  	[sflag:s30] =	ssyncset.done $0x0  }
0xb5: {  	s17 =	sadd.s32 s5, s17;
	[sflag:s30] =	ssyncadd.s32 $0xFFFFDFF0  }
0xb6: {  	[tilespmem:s4], [sflag:$0x2] =	stream.linear.gather [hbm4b:s17+s14], $0x2000, $0x38;
	[tilespmem:$0x1A108] =	vst v63  }
0xb7: {  	_ =	swait.ge [sflag:s30], $0x2000  }
0xb8: {  	[sflag:s30] =	ssyncset.done $0x0  }
0xb9: {  	s20 =	simm.s32 $0x14089;
	[sflag:s30] =	ssyncadd.s32 $0xFFFFE000  }
0xba: {  	v6 =	vld [tilespmem:s20+$0x0]  }
0xbb: {  	v7 =	vld [tilespmem:s20+$0xFFFFFFFF];
	_ =	sdelay $0x1  }
0xbc: {  	s19 =	sand.u32 $0xFFFFFFF8, s13  }
0xbd: {  	s22 =	sadd.s32 $0x0, s19  }
0xbe: {  	v8 =	vadd.s32 s22, v1  }
0xbf: {  	s23 =	sand.u32 $0x70, s14;
	vm1 =	vge.s32 v8, v4;
	vm0 =	vne.s32 v7, v6  }
0xc0: {  	vm15 =	vlt.s32 v8, v5;
	s17 =	sor.u32 $0x100000, s23;
	vm0 =	vmand vm1, vm0  }
0xc1: {  	v6 =	vor.u32 s17, v1;
	v7 =	vadd.s32 $0xFFF00000, v7;
	vm0 =	vmand vm15, vm0  }
0xc2: {  	s22 =	simm.s32 $0x18108;
	v6 =	vsel vm0, v7, v6  }
0xc3: {  	s20 =	simm.s32 $0x14099;
	[tilespmem:s22+$0x0] =	vst v6  }
0xc4: {  	v7 =	vld [tilespmem:s20+$0x0]  }
0xc5: {  	s23 =	simm.s32 $0x10;
	s17 =	simm.s32 $0x20;
	v6 =	vld [tilespmem:s20+$0xFFFFFFFF]  }
.LBB2_33:
0xc6: {  	p2 =	sne.s32 s17, $0x1FF0;
	_ =	sdelay $0x1  }
0xc7: {  	s16 =	sadd.s32 s23, s19  }
0xc8: {  	v8 =	vadd.s32 s16, v1  }
0xc9: {  	s16 =	sand.u32 $0x70, s23;
	s23 =	smov.u32 s17;
	vm1 =	vge.s32 v8, v4;
	vm0 =	vne.s32 v6, v7  }
0xca: {  	s16 =	sor.u32 $0x100000, s16;
	vm0 =	vmand vm1, vm0;
	vm1 =	vlt.s32 v8, v5  }
.Ltmp8:
0xcb: {  	v7 =	vor.u32 s16, v1;
	v6 =	vadd.s32 $0xFFF00000, v6;
	vm0 =	vmand vm1, vm0;
	(pc) =	sbr.rel @p2 .LBB2_33-.Ltmp8, $4  }
0xcc: {  	s22 =	sadd.s32 $0x10, s22;
	v6 =	vsel vm0, v6, v7  }
0xcd: {  	s20 =	sadd.s32 $0x10, s20;
	[tilespmem:s22+$0x0] =	vst v6  }
0xce: {  	v7 =	vld [tilespmem:s20+$0x0]  }
0xcf: {  	s17 =	sadd.s32 $0x10, s17;
	v6 =	vld [tilespmem:s20+$0xFFFFFFFF]  }
0xd0: {  	_ =	sdelay $0x1  }
0xd1: {  	s16 =	sadd.s32 s23, s19  }
0xd2: {  	v8 =	vadd.s32 s16, v1  }
0xd3: {  	s20 =	sand.u32 $0x70, s23;
	vm1 =	vge.s32 v8, v4;
	vm0 =	vne.s32 v6, v7  }
0xd4: {  	s16 =	sor.u32 $0x100000, s20;
	vm15 =	vlt.s32 v8, v5;
	vm0 =	vmand vm1, vm0  }
0xd5: {  	s18 =	sadd.s32 $0x1, s18;
	v7 =	vor.u32 s16, v1;
	v6 =	vadd.s32 $0xFFF00000, v6;
	vm0 =	vmand vm15, vm0  }
0xd6: {  	s23 =	sadd.s32 $0x10, s22;
	p2 =	seq.s32 s18, s12;
	v6 =	vsel vm0, v6, v7  }
.Ltmp9:
0xd7: {  	[tilespmem:s23+$0x0] =	vst v6;
	(pc) =	sbr.rel @!p2 .LBB2_32-.Ltmp9, $4  }
0xd8: {  	[spmem:s3] =	stream.indirect.scatter.add.f32 [tilespmem:s4], [sflag:$0x2], $0x1, s8, s7, $0xb8;
	[tilespmem:$0x1A108] =	vst v63  }
0xd9: {  	_ =	swait.ge [sflag:s30], $0x2000  }
0xda: {  	[sflag:s30] =	ssyncset.done $0x0  }
0xdb: {  	s13 =	sadd.s32 $0x2000, s13;
	[sflag:s30] =	ssyncadd.s32 $0xFFFFE000  }
.LBB2_35:
0xdc: {  	[bflag:$0x0] =	sbarrier.arrive $0xFFFF  }
0xdd: {  	s12 =	rddreg [dreg:$0x7]  }
0xde: {  	[hbm:s12], [sflag:s10] =	dma.local [spmem:s11], $0x2000  }
0xdf: {  	_ =	swait.ge [sflag:s30], $0x2000  }
0xe0: {  	[sflag:s30] =	ssyncset.done $0x0  }
0xe1: {  	[sflag:s30] =	ssyncadd.s32 $0xFFFFE000  }
0xe2: {  	[bflag:$0x0] =	sbarrier.arrive $0xFFFF  }
0xe3: {  	[spmem:s21] =	stream.linear.scatter [tilespmem:s31], [sflag:$0x1], $0x4000, $0x38;
	[tilespmem:$0x1A108] =	vst v63  }
0xe4: {  	_ = 	snop  }
0xe5: {  	[spmem:s25] =	stream.linear.scatter [tilespmem:s31], [sflag:$0x1], $0x4000, $0x38;
	[tilespmem:$0x1A108] =	vst v63  }
0xe6: {  	_ = 	snop  }
0xe7: {  	[spmem:s26] =	stream.linear.scatter [tilespmem:s31], [sflag:$0x1], $0x4000, $0x38;
	[tilespmem:$0x1A108] =	vst v63  }
0xe8: {  	_ = 	snop  }
0xe9: {  	[spmem:s28] =	stream.linear.scatter [tilespmem:s31], [sflag:$0x1], $0x4000, $0x38;
	[tilespmem:$0x1A108] =	vst v63  }
0xea: {  	_ =	swait.ge [sflag:s0], $0x4000  }
0xeb: {  	[sflag:s0] =	ssyncset.done $0x0  }
0xec: {  	[sflag:s0] =	ssyncadd.s32 $0xFFFFC000  }
0xed: {  	_ =	swait.ge [sflag:s0], $0x4000  }
0xee: {  	[sflag:s0] =	ssyncset.done $0x0  }
0xef: {  	[sflag:s0] =	ssyncadd.s32 $0xFFFFC000  }
0xf0: {  	_ =	swait.ge [sflag:s0], $0x4000  }
0xf1: {  	[sflag:s0] =	ssyncset.done $0x0  }
0xf2: {  	[sflag:s0] =	ssyncadd.s32 $0xFFFFC000  }
0xf3: {  	_ =	swait.ge [sflag:s0], $0x4000  }
0xf4: {  	[sflag:s0] =	ssyncset.done $0x0  }
0xf5: {  	[sflag:s0] =	ssyncadd.s32 $0xFFFFC000  }
0xf6: {  	[bflag:$0x0] =	sbarrier.arrive $0xFFFF  }
0xf7: {  	(v2sf) =	vpush v2, $0x2  }
0xf8: {  	(v2sf) =	vpush v3, $0x2;
	_ =	sdelay $0xd  }
0xf9: {  	s13 =	spop (v2sf)  }
0xfa: {  	s14 =	spop (v2sf)  }
0xfb: {  	s23 =	ssub.s32 s14, s13  }
0xfc: {  	s12 =	sadd.s32 $0xF, s23  }
0xfd: {  	s15 =	sshra.s32 s12, $0x4  }
0xfe: {  	s12 =	sadd.s32 $0x2007, s15  }
0xff: {  	s12 =	sshra.s32 s12, $0xD  }
0x100: {  	p2 =	slt.s32 s12, $0x1  }
.Ltmp10:
0x101: {  	_ = 	snop;
	(pc) =	sbr.rel @p2 .LBB2_40-.Ltmp10, $1  }
0x102: {  	_ =	sdelay $0x3  }
0x103: {  	s16 =	smul.u32 s2, s15;
	_ =	sdelay $0x1  }
0x104: {  	s13 =	sadd.s32 s13, s16  }
0x105: {  	s15 =	sadd.s32 s15, s13  }
0x106: {  	p2 =	slt.s32 s15, s14  }
0x107: {  	s14 =	smov.u32 @p2 s15  }
0x108: {  	s18 =	simm.s32 $0x0;
	v4 =	vmov s13;
	s15 =	smov.u32 s13;
	v5 =	vmov s14;
	s14 =	simm.s32 $0x0  }
.LBB2_37:
0x109: {  	s16 =	sshll.u32 s18, $0xD  }
0x10a: {  	s16 =	sadd.s32 s13, s16  }
0x10b: {  	s16 =	sshrl.u32 s16, $0x3  }
0x10c: {  	s17 =	sadd.s32 s1, s16  }
0x10d: {  	[tilespmem:s29], [sflag:$0x2] =	stream.linear.gather [hbm4b:s17+s14], $0x2010, $0x38;
	[tilespmem:$0x1A108] =	vst v63  }
0x10e: {  	_ =	swait.ge [sflag:s30], $0x2010  }
0x10f: {  	[sflag:s30] =	ssyncset.done $0x0  }
0x110: {  	s16 =	sadd.s32 s5, s16;
	[sflag:s30] =	ssyncadd.s32 $0xFFFFDFF0  }
0x111: {  	[tilespmem:s4], [sflag:$0x2] =	stream.linear.gather [hbm4b:s16+s14], $0x2000, $0x38;
	[tilespmem:$0x1A108] =	vst v63  }
0x112: {  	_ =	swait.ge [sflag:s30], $0x2000  }
0x113: {  	[sflag:s30] =	ssyncset.done $0x0  }
0x114: {  	s20 =	simm.s32 $0x14089;
	[sflag:s30] =	ssyncadd.s32 $0xFFFFE000  }
0x115: {  	v6 =	vld [tilespmem:s20+$0x0]  }
0x116: {  	v7 =	vld [tilespmem:s20+$0xFFFFFFFF];
	_ =	sdelay $0x1  }
0x117: {  	s19 =	sand.u32 $0xFFFFFFF8, s15  }
0x118: {  	s22 =	sadd.s32 $0x0, s19  }
0x119: {  	v8 =	vadd.s32 s22, v1  }
0x11a: {  	s23 =	sand.u32 $0x70, s14;
	vm1 =	vge.s32 v8, v4;
	vm0 =	vne.s32 v7, v6  }
0x11b: {  	vm15 =	vlt.s32 v8, v5;
	s16 =	sor.u32 $0x100000, s23;
	vm0 =	vmand vm1, vm0  }
0x11c: {  	v6 =	vor.u32 s16, v1;
	v7 =	vadd.s32 $0xFFE00000, v7;
	vm0 =	vmand vm15, vm0  }
0x11d: {  	s22 =	simm.s32 $0x18108;
	v6 =	vsel vm0, v7, v6  }
0x11e: {  	s20 =	simm.s32 $0x14099;
	[tilespmem:s22+$0x0] =	vst v6  }
0x11f: {  	v7 =	vld [tilespmem:s20+$0x0]  }
0x120: {  	s17 =	simm.s32 $0x20;
	s23 =	simm.s32 $0x10;
	v6 =	vld [tilespmem:s20+$0xFFFFFFFF]  }
.LBB2_38:
0x121: {  	p2 =	sne.s32 s17, $0x1FF0;
	_ =	sdelay $0x1  }
0x122: {  	s16 =	sadd.s32 s23, s19  }
0x123: {  	v8 =	vadd.s32 s16, v1  }
0x124: {  	s16 =	sand.u32 $0x70, s23;
	s23 =	smov.u32 s17;
	vm1 =	vge.s32 v8, v4;
	vm0 =	vne.s32 v6, v7  }
0x125: {  	s16 =	sor.u32 $0x100000, s16;
	vm0 =	vmand vm1, vm0;
	vm1 =	vlt.s32 v8, v5  }
.Ltmp11:
0x126: {  	v7 =	vor.u32 s16, v1;
	v6 =	vadd.s32 $0xFFE00000, v6;
	vm0 =	vmand vm1, vm0;
	(pc) =	sbr.rel @p2 .LBB2_38-.Ltmp11, $4  }
0x127: {  	s22 =	sadd.s32 $0x10, s22;
	v6 =	vsel vm0, v6, v7  }
0x128: {  	s20 =	sadd.s32 $0x10, s20;
	[tilespmem:s22+$0x0] =	vst v6  }
0x129: {  	v7 =	vld [tilespmem:s20+$0x0]  }
0x12a: {  	s17 =	sadd.s32 $0x10, s17;
	v6 =	vld [tilespmem:s20+$0xFFFFFFFF]  }
0x12b: {  	_ =	sdelay $0x1  }
0x12c: {  	s16 =	sadd.s32 s23, s19  }
0x12d: {  	v8 =	vadd.s32 s16, v1  }
0x12e: {  	s20 =	sand.u32 $0x70, s23;
	vm1 =	vge.s32 v8, v4;
	vm0 =	vne.s32 v6, v7  }
0x12f: {  	s16 =	sor.u32 $0x100000, s20;
	vm15 =	vlt.s32 v8, v5;
	vm0 =	vmand vm1, vm0  }
0x130: {  	s18 =	sadd.s32 $0x1, s18;
	v7 =	vor.u32 s16, v1;
	v6 =	vadd.s32 $0xFFE00000, v6;
	vm0 =	vmand vm15, vm0  }
0x131: {  	s23 =	sadd.s32 $0x10, s22;
	p2 =	sne.s32 s18, s12;
	v6 =	vsel vm0, v6, v7  }
.Ltmp12:
0x132: {  	[tilespmem:s23+$0x0] =	vst v6;
	(pc) =	sbr.rel @p2 .LBB2_37-.Ltmp12, $4  }
0x133: {  	[spmem:s3] =	stream.indirect.scatter.add.f32 [tilespmem:s4], [sflag:$0x2], $0x1, s8, s7, $0xb8;
	[tilespmem:$0x1A108] =	vst v63  }
0x134: {  	_ =	swait.ge [sflag:s30], $0x2000  }
0x135: {  	[sflag:s30] =	ssyncset.done $0x0  }
0x136: {  	s15 =	sadd.s32 $0x2000, s15;
	[sflag:s30] =	ssyncadd.s32 $0xFFFFE000  }
.LBB2_40:
0x137: {  	[bflag:$0x0] =	sbarrier.arrive $0xFFFF  }
0x138: {  	s12 =	rddreg [dreg:$0x8]  }
0x139: {  	[hbm:s12], [sflag:s10] =	dma.local [spmem:s11], $0x2000  }
0x13a: {  	_ =	swait.ge [sflag:s30], $0x2000  }
0x13b: {  	[sflag:s30] =	ssyncset.done $0x0  }
0x13c: {  	[sflag:s30] =	ssyncadd.s32 $0xFFFFE000  }
0x13d: {  	[bflag:$0x0] =	sbarrier.arrive $0xFFFF  }
0x13e: {  	[spmem:s21] =	stream.linear.scatter [tilespmem:s31], [sflag:$0x1], $0x4000, $0x38;
	[tilespmem:$0x1A108] =	vst v63  }
0x13f: {  	_ = 	snop  }
0x140: {  	[spmem:s25] =	stream.linear.scatter [tilespmem:s31], [sflag:$0x1], $0x4000, $0x38;
	[tilespmem:$0x1A108] =	vst v63  }
0x141: {  	_ = 	snop  }
0x142: {  	[spmem:s26] =	stream.linear.scatter [tilespmem:s31], [sflag:$0x1], $0x4000, $0x38;
	[tilespmem:$0x1A108] =	vst v63  }
0x143: {  	_ = 	snop  }
0x144: {  	[spmem:s28] =	stream.linear.scatter [tilespmem:s31], [sflag:$0x1], $0x4000, $0x38;
	[tilespmem:$0x1A108] =	vst v63  }
0x145: {  	_ =	swait.ge [sflag:s0], $0x4000  }
0x146: {  	[sflag:s0] =	ssyncset.done $0x0  }
0x147: {  	[sflag:s0] =	ssyncadd.s32 $0xFFFFC000  }
0x148: {  	_ =	swait.ge [sflag:s0], $0x4000  }
0x149: {  	[sflag:s0] =	ssyncset.done $0x0  }
0x14a: {  	[sflag:s0] =	ssyncadd.s32 $0xFFFFC000  }
0x14b: {  	_ =	swait.ge [sflag:s0], $0x4000  }
0x14c: {  	[sflag:s0] =	ssyncset.done $0x0  }
0x14d: {  	[sflag:s0] =	ssyncadd.s32 $0xFFFFC000  }
0x14e: {  	_ =	swait.ge [sflag:s0], $0x4000  }
0x14f: {  	[sflag:s0] =	ssyncset.done $0x0  }
0x150: {  	[sflag:s0] =	ssyncadd.s32 $0xFFFFC000  }
0x151: {  	[bflag:$0x0] =	sbarrier.arrive $0xFFFF  }
0x152: {  	(v2sf) =	vpush v2, $0x3  }
0x153: {  	(v2sf) =	vpush v3, $0x3;
	_ =	sdelay $0xd  }
0x154: {  	s13 =	spop (v2sf)  }
0x155: {  	s14 =	spop (v2sf)  }
0x156: {  	s23 =	ssub.s32 s14, s13  }
0x157: {  	s12 =	sadd.s32 $0xF, s23  }
0x158: {  	s15 =	sshra.s32 s12, $0x4  }
0x159: {  	s12 =	sadd.s32 $0x2007, s15  }
0x15a: {  	s12 =	sshra.s32 s12, $0xD  }
0x15b: {  	p2 =	sgt.s32 s12, $0x0  }
.Ltmp13:
0x15c: {  	_ = 	snop;
	(pc) =	sbr.rel @!p2 .LBB2_45-.Ltmp13, $1  }
0x15d: {  	_ =	sdelay $0x3  }
0x15e: {  	s16 =	smul.u32 s2, s15;
	_ =	sdelay $0x1  }
0x15f: {  	s13 =	sadd.s32 s13, s16  }
0x160: {  	s15 =	sadd.s32 s15, s13  }
0x161: {  	p2 =	slt.s32 s15, s14  }
0x162: {  	s14 =	smov.u32 @p2 s15  }
0x163: {  	s18 =	simm.s32 $0x0;
	v4 =	vmov s13;
	s15 =	smov.u32 s13;
	v5 =	vmov s14;
	s14 =	simm.s32 $0x0  }
.LBB2_42:
0x164: {  	s16 =	sshll.u32 s18, $0xD  }
0x165: {  	s16 =	sadd.s32 s13, s16  }
0x166: {  	s16 =	sshrl.u32 s16, $0x3  }
0x167: {  	s17 =	sadd.s32 s1, s16  }
0x168: {  	[tilespmem:s29], [sflag:$0x2] =	stream.linear.gather [hbm4b:s17+s14], $0x2010, $0x38;
	[tilespmem:$0x1A108] =	vst v63  }
0x169: {  	_ =	swait.ge [sflag:s30], $0x2010  }
0x16a: {  	[sflag:s30] =	ssyncset.done $0x0  }
0x16b: {  	s16 =	sadd.s32 s5, s16;
	[sflag:s30] =	ssyncadd.s32 $0xFFFFDFF0  }
0x16c: {  	[tilespmem:s4], [sflag:$0x2] =	stream.linear.gather [hbm4b:s16+s14], $0x2000, $0x38;
	[tilespmem:$0x1A108] =	vst v63  }
0x16d: {  	_ =	swait.ge [sflag:s30], $0x2000  }
0x16e: {  	[sflag:s30] =	ssyncset.done $0x0  }
0x16f: {  	s20 =	simm.s32 $0x14089;
	[sflag:s30] =	ssyncadd.s32 $0xFFFFE000  }
0x170: {  	v6 =	vld [tilespmem:s20+$0x0]  }
0x171: {  	v7 =	vld [tilespmem:s20+$0xFFFFFFFF];
	_ =	sdelay $0x1  }
0x172: {  	s19 =	sand.u32 $0xFFFFFFF8, s15  }
0x173: {  	s22 =	sadd.s32 $0x0, s19  }
0x174: {  	v8 =	vadd.s32 s22, v1  }
0x175: {  	s23 =	sand.u32 $0x70, s14;
	vm1 =	vge.s32 v8, v4;
	vm0 =	vne.s32 v7, v6  }
0x176: {  	vm15 =	vlt.s32 v8, v5;
	s16 =	sor.u32 $0x100000, s23;
	vm0 =	vmand vm1, vm0  }
0x177: {  	v6 =	vor.u32 s16, v1;
	v7 =	vadd.s32 $0xFFD00000, v7;
	vm0 =	vmand vm15, vm0  }
0x178: {  	s22 =	simm.s32 $0x18108;
	v6 =	vsel vm0, v7, v6  }
0x179: {  	s20 =	simm.s32 $0x14099;
	[tilespmem:s22+$0x0] =	vst v6  }
0x17a: {  	v7 =	vld [tilespmem:s20+$0x0]  }
0x17b: {  	s17 =	simm.s32 $0x20;
	s23 =	simm.s32 $0x10;
	v6 =	vld [tilespmem:s20+$0xFFFFFFFF]  }
.LBB2_43:
0x17c: {  	p2 =	sne.s32 s17, $0x1FF0;
	_ =	sdelay $0x1  }
0x17d: {  	s16 =	sadd.s32 s23, s19  }
0x17e: {  	v8 =	vadd.s32 s16, v1  }
0x17f: {  	s16 =	sand.u32 $0x70, s23;
	s23 =	smov.u32 s17;
	vm1 =	vge.s32 v8, v4;
	vm0 =	vne.s32 v6, v7  }
0x180: {  	s16 =	sor.u32 $0x100000, s16;
	vm0 =	vmand vm1, vm0;
	vm1 =	vlt.s32 v8, v5  }
.Ltmp14:
0x181: {  	v7 =	vor.u32 s16, v1;
	v6 =	vadd.s32 $0xFFD00000, v6;
	vm0 =	vmand vm1, vm0;
	(pc) =	sbr.rel @p2 .LBB2_43-.Ltmp14, $4  }
0x182: {  	s22 =	sadd.s32 $0x10, s22;
	v6 =	vsel vm0, v6, v7  }
0x183: {  	s20 =	sadd.s32 $0x10, s20;
	[tilespmem:s22+$0x0] =	vst v6  }
0x184: {  	v7 =	vld [tilespmem:s20+$0x0]  }
0x185: {  	s17 =	sadd.s32 $0x10, s17;
	v6 =	vld [tilespmem:s20+$0xFFFFFFFF]  }
0x186: {  	_ =	sdelay $0x1  }
0x187: {  	s16 =	sadd.s32 s23, s19  }
0x188: {  	v8 =	vadd.s32 s16, v1  }
0x189: {  	s20 =	sand.u32 $0x70, s23;
	vm1 =	vge.s32 v8, v4;
	vm0 =	vne.s32 v6, v7  }
0x18a: {  	s16 =	sor.u32 $0x100000, s20;
	vm15 =	vlt.s32 v8, v5;
	vm0 =	vmand vm1, vm0  }
0x18b: {  	s18 =	sadd.s32 $0x1, s18;
	v7 =	vor.u32 s16, v1;
	v6 =	vadd.s32 $0xFFD00000, v6;
	vm0 =	vmand vm15, vm0  }
0x18c: {  	s23 =	sadd.s32 $0x10, s22;
	p2 =	sne.s32 s18, s12;
	v6 =	vsel vm0, v6, v7  }
.Ltmp15:
0x18d: {  	[tilespmem:s23+$0x0] =	vst v6;
	(pc) =	sbr.rel @p2 .LBB2_42-.Ltmp15, $4  }
0x18e: {  	[spmem:s3] =	stream.indirect.scatter.add.f32 [tilespmem:s4], [sflag:$0x2], $0x1, s8, s7, $0xb8;
	[tilespmem:$0x1A108] =	vst v63  }
0x18f: {  	_ =	swait.ge [sflag:s30], $0x2000  }
0x190: {  	[sflag:s30] =	ssyncset.done $0x0  }
0x191: {  	s15 =	sadd.s32 $0x2000, s15;
	[sflag:s30] =	ssyncadd.s32 $0xFFFFE000  }
.LBB2_45:
0x192: {  	[bflag:$0x0] =	sbarrier.arrive $0xFFFF  }
0x193: {  	s12 =	rddreg [dreg:$0xa]  }
0x194: {  	[hbm:s12], [sflag:s10] =	dma.local [spmem:s11], $0x2000  }
0x195: {  	_ =	swait.ge [sflag:s30], $0x2000  }
0x196: {  	[sflag:s30] =	ssyncset.done $0x0  }
0x197: {  	[sflag:s30] =	ssyncadd.s32 $0xFFFFE000  }
0x198: {  	[bflag:$0x0] =	sbarrier.arrive $0xFFFF  }
0x199: {  	[spmem:s21] =	stream.linear.scatter [tilespmem:s31], [sflag:$0x1], $0x4000, $0x38;
	[tilespmem:$0x1A108] =	vst v63  }
0x19a: {  	_ = 	snop  }
0x19b: {  	[spmem:s25] =	stream.linear.scatter [tilespmem:s31], [sflag:$0x1], $0x4000, $0x38;
	[tilespmem:$0x1A108] =	vst v63  }
0x19c: {  	_ = 	snop  }
0x19d: {  	[spmem:s26] =	stream.linear.scatter [tilespmem:s31], [sflag:$0x1], $0x4000, $0x38;
	[tilespmem:$0x1A108] =	vst v63  }
0x19e: {  	_ = 	snop  }
0x19f: {  	[spmem:s28] =	stream.linear.scatter [tilespmem:s31], [sflag:$0x1], $0x4000, $0x38;
	[tilespmem:$0x1A108] =	vst v63  }
0x1a0: {  	_ =	swait.ge [sflag:s0], $0x4000  }
0x1a1: {  	[sflag:s0] =	ssyncset.done $0x0  }
0x1a2: {  	[sflag:s0] =	ssyncadd.s32 $0xFFFFC000  }
0x1a3: {  	_ =	swait.ge [sflag:s0], $0x4000  }
0x1a4: {  	[sflag:s0] =	ssyncset.done $0x0  }
0x1a5: {  	[sflag:s0] =	ssyncadd.s32 $0xFFFFC000  }
0x1a6: {  	_ =	swait.ge [sflag:s0], $0x4000  }
0x1a7: {  	[sflag:s0] =	ssyncset.done $0x0  }
0x1a8: {  	[sflag:s0] =	ssyncadd.s32 $0xFFFFC000  }
0x1a9: {  	_ =	swait.ge [sflag:s0], $0x4000  }
0x1aa: {  	[sflag:s0] =	ssyncset.done $0x0  }
0x1ab: {  	[sflag:s0] =	ssyncadd.s32 $0xFFFFC000  }
0x1ac: {  	[bflag:$0x0] =	sbarrier.arrive $0xFFFF  }
0x1ad: {  	(v2sf) =	vpush v2, $0x4  }
0x1ae: {  	(v2sf) =	vpush v3, $0x4;
	_ =	sdelay $0xd  }
0x1af: {  	s13 =	spop (v2sf)  }
0x1b0: {  	s14 =	spop (v2sf)  }
0x1b1: {  	s23 =	ssub.s32 s14, s13  }
0x1b2: {  	s12 =	sadd.s32 $0xF, s23  }
0x1b3: {  	s15 =	sshra.s32 s12, $0x4  }
0x1b4: {  	s12 =	sadd.s32 $0x2007, s15  }
0x1b5: {  	s12 =	sshra.s32 s12, $0xD  }
0x1b6: {  	p2 =	sgt.s32 s12, $0x0  }
.Ltmp16:
0x1b7: {  	_ = 	snop;
	(pc) =	sbr.rel @!p2 .LBB2_50-.Ltmp16, $1  }
0x1b8: {  	_ =	sdelay $0x3  }
0x1b9: {  	s16 =	smul.u32 s2, s15;
	_ =	sdelay $0x1  }
0x1ba: {  	s13 =	sadd.s32 s13, s16  }
0x1bb: {  	s15 =	sadd.s32 s15, s13  }
0x1bc: {  	p2 =	slt.s32 s15, s14  }
0x1bd: {  	s14 =	smov.u32 @p2 s15  }
0x1be: {  	s18 =	simm.s32 $0x0;
	v4 =	vmov s13;
	s15 =	smov.u32 s13;
	v5 =	vmov s14;
	s14 =	simm.s32 $0x0  }
.LBB2_47:
0x1bf: {  	s16 =	sshll.u32 s18, $0xD  }
0x1c0: {  	s16 =	sadd.s32 s13, s16  }
0x1c1: {  	s16 =	sshrl.u32 s16, $0x3  }
0x1c2: {  	s17 =	sadd.s32 s1, s16  }
0x1c3: {  	[tilespmem:s29], [sflag:$0x2] =	stream.linear.gather [hbm4b:s17+s14], $0x2010, $0x38;
	[tilespmem:$0x1A108] =	vst v63  }
0x1c4: {  	_ =	swait.ge [sflag:s30], $0x2010  }
0x1c5: {  	[sflag:s30] =	ssyncset.done $0x0  }
0x1c6: {  	s16 =	sadd.s32 s5, s16;
	[sflag:s30] =	ssyncadd.s32 $0xFFFFDFF0  }
0x1c7: {  	[tilespmem:s4], [sflag:$0x2] =	stream.linear.gather [hbm4b:s16+s14], $0x2000, $0x38;
	[tilespmem:$0x1A108] =	vst v63  }
0x1c8: {  	_ =	swait.ge [sflag:s30], $0x2000  }
0x1c9: {  	[sflag:s30] =	ssyncset.done $0x0  }
0x1ca: {  	s20 =	simm.s32 $0x14089;
	[sflag:s30] =	ssyncadd.s32 $0xFFFFE000  }
0x1cb: {  	v6 =	vld [tilespmem:s20+$0x0]  }
0x1cc: {  	v7 =	vld [tilespmem:s20+$0xFFFFFFFF];
	_ =	sdelay $0x1  }
0x1cd: {  	s19 =	sand.u32 $0xFFFFFFF8, s15  }
0x1ce: {  	s22 =	sadd.s32 $0x0, s19  }
0x1cf: {  	v8 =	vadd.s32 s22, v1  }
0x1d0: {  	s23 =	sand.u32 $0x70, s14;
	vm1 =	vge.s32 v8, v4;
	vm0 =	vne.s32 v7, v6  }
0x1d1: {  	vm15 =	vlt.s32 v8, v5;
	s16 =	sor.u32 $0x100000, s23;
	vm0 =	vmand vm1, vm0  }
0x1d2: {  	v6 =	vor.u32 s16, v1;
	v7 =	vadd.s32 $0xFFC00000, v7;
	vm0 =	vmand vm15, vm0  }
0x1d3: {  	s22 =	simm.s32 $0x18108;
	v6 =	vsel vm0, v7, v6  }
0x1d4: {  	s20 =	simm.s32 $0x14099;
	[tilespmem:s22+$0x0] =	vst v6  }
0x1d5: {  	v7 =	vld [tilespmem:s20+$0x0]  }
0x1d6: {  	s17 =	simm.s32 $0x20;
	s23 =	simm.s32 $0x10;
	v6 =	vld [tilespmem:s20+$0xFFFFFFFF]  }
.LBB2_48:
0x1d7: {  	p2 =	sne.s32 s17, $0x1FF0;
	_ =	sdelay $0x1  }
0x1d8: {  	s16 =	sadd.s32 s23, s19  }
0x1d9: {  	v8 =	vadd.s32 s16, v1  }
0x1da: {  	s16 =	sand.u32 $0x70, s23;
	s23 =	smov.u32 s17;
	vm1 =	vge.s32 v8, v4;
	vm0 =	vne.s32 v6, v7  }
0x1db: {  	s16 =	sor.u32 $0x100000, s16;
	vm0 =	vmand vm1, vm0;
	vm1 =	vlt.s32 v8, v5  }
.Ltmp17:
0x1dc: {  	v7 =	vor.u32 s16, v1;
	v6 =	vadd.s32 $0xFFC00000, v6;
	vm0 =	vmand vm1, vm0;
	(pc) =	sbr.rel @p2 .LBB2_48-.Ltmp17, $4  }
0x1dd: {  	s22 =	sadd.s32 $0x10, s22;
	v6 =	vsel vm0, v6, v7  }
0x1de: {  	s20 =	sadd.s32 $0x10, s20;
	[tilespmem:s22+$0x0] =	vst v6  }
0x1df: {  	v7 =	vld [tilespmem:s20+$0x0]  }
0x1e0: {  	s17 =	sadd.s32 $0x10, s17;
	v6 =	vld [tilespmem:s20+$0xFFFFFFFF]  }
0x1e1: {  	_ =	sdelay $0x1  }
0x1e2: {  	s16 =	sadd.s32 s23, s19  }
0x1e3: {  	v8 =	vadd.s32 s16, v1  }
0x1e4: {  	s20 =	sand.u32 $0x70, s23;
	vm1 =	vge.s32 v8, v4;
	vm0 =	vne.s32 v6, v7  }
0x1e5: {  	s16 =	sor.u32 $0x100000, s20;
	vm15 =	vlt.s32 v8, v5;
	vm0 =	vmand vm1, vm0  }
0x1e6: {  	s18 =	sadd.s32 $0x1, s18;
	v7 =	vor.u32 s16, v1;
	v6 =	vadd.s32 $0xFFC00000, v6;
	vm0 =	vmand vm15, vm0  }
0x1e7: {  	s23 =	sadd.s32 $0x10, s22;
	p2 =	sne.s32 s18, s12;
	v6 =	vsel vm0, v6, v7  }
.Ltmp18:
0x1e8: {  	[tilespmem:s23+$0x0] =	vst v6;
	(pc) =	sbr.rel @p2 .LBB2_47-.Ltmp18, $4  }
0x1e9: {  	[spmem:s3] =	stream.indirect.scatter.add.f32 [tilespmem:s4], [sflag:$0x2], $0x1, s8, s7, $0xb8;
	[tilespmem:$0x1A108] =	vst v63  }
0x1ea: {  	_ =	swait.ge [sflag:s30], $0x2000  }
0x1eb: {  	[sflag:s30] =	ssyncset.done $0x0  }
0x1ec: {  	s15 =	sadd.s32 $0x2000, s15;
	[sflag:s30] =	ssyncadd.s32 $0xFFFFE000  }
.LBB2_50:
0x1ed: {  	[bflag:$0x0] =	sbarrier.arrive $0xFFFF  }
0x1ee: {  	s12 =	rddreg [dreg:$0xc]  }
0x1ef: {  	[hbm:s12], [sflag:s10] =	dma.local [spmem:s11], $0x2000  }
.Ltmp19:
0x1f0: {  	_ =	swait.ge [sflag:s30], $0x2000;
	(pc) =	sbr.rel @p0 .LBB2_57-.Ltmp19, $4  }
.Ltmp20:
0x1f1: {  	[sflag:s30] =	ssyncset.done $0x0;
	(pc) =	sbr.rel @!p0 .LBB2_51-.Ltmp20, $4  }
0x1f2: {  	[sflag:s30] =	ssyncadd.s32 $0xFFFFE000  }
0x1f3: {  	[bflag:$0x0] =	sbarrier.arrive $0xFFFF  }
0x1f4: {  	_ = 	snop  }
0x1f5: {  	_ = 	snop  }
.LBB2_4:
0x1f6: {  	[spmem:s25] =	stream.linear.scatter [tilespmem:s31], [sflag:$0x1], $0x4000, $0x38;
	[tilespmem:$0x1A108] =	vst v63  }
0x1f7: {  	_ = 	snop  }
0x1f8: {  	[spmem:s26] =	stream.linear.scatter [tilespmem:s31], [sflag:$0x1], $0x4000, $0x38;
	[tilespmem:$0x1A108] =	vst v63  }
0x1f9: {  	_ = 	snop  }
0x1fa: {  	[spmem:s28] =	stream.linear.scatter [tilespmem:s31], [sflag:$0x1], $0x4000, $0x38;
	[tilespmem:$0x1A108] =	vst v63  }
0x1fb: {  	_ =	swait.ge [sflag:s0], $0x4000  }
0x1fc: {  	[sflag:s0] =	ssyncset.done $0x0  }
0x1fd: {  	[sflag:s0] =	ssyncadd.s32 $0xFFFFC000  }
0x1fe: {  	_ =	swait.ge [sflag:s0], $0x4000  }
0x1ff: {  	[sflag:s0] =	ssyncset.done $0x0  }
0x200: {  	[sflag:s0] =	ssyncadd.s32 $0xFFFFC000  }
0x201: {  	_ =	swait.ge [sflag:s0], $0x4000  }
0x202: {  	[sflag:s0] =	ssyncset.done $0x0  }
0x203: {  	[sflag:s0] =	ssyncadd.s32 $0xFFFFC000  }
0x204: {  	_ =	swait.ge [sflag:s0], $0x4000  }
0x205: {  	[sflag:s0] =	ssyncset.done $0x0  }
0x206: {  	[sflag:s0] =	ssyncadd.s32 $0xFFFFC000  }
0x207: {  	[bflag:$0x0] =	sbarrier.arrive $0xFFFF  }
0x208: {  	(v2sf) =	vpush v2, $0x8  }
0x209: {  	(v2sf) =	vpush v3, $0x8;
	_ =	sdelay $0xd  }
0x20a: {  	s11 =	spop (v2sf)  }
0x20b: {  	s12 =	spop (v2sf)  }
0x20c: {  	s10 =	ssub.s32 s12, s11  }
0x20d: {  	s10 =	sadd.s32 $0xF, s10  }
0x20e: {  	s13 =	sshra.s32 s10, $0x4  }
0x20f: {  	s10 =	sadd.s32 $0x2007, s13  }
0x210: {  	s10 =	sshra.s32 s10, $0xD  }
0x211: {  	p2 =	sgt.s32 s10, $0x0  }
.Ltmp21:
0x212: {  	_ = 	snop;
	(pc) =	sbr.rel @!p2 .LBB2_9-.Ltmp21, $1  }
0x213: {  	_ =	sdelay $0x3  }
0x214: {  	s14 =	smul.u32 s2, s13;
	_ =	sdelay $0x1  }
0x215: {  	s11 =	sadd.s32 s11, s14  }
0x216: {  	s13 =	sadd.s32 s13, s11  }
0x217: {  	p2 =	slt.s32 s13, s12  }
0x218: {  	s12 =	smov.u32 @p2 s13  }
0x219: {  	s14 =	simm.s32 $0x0;
	v4 =	vmov s11;
	s13 =	smov.u32 s11;
	v5 =	vmov s12;
	s12 =	simm.s32 $0x0  }
.LBB2_6:
0x21a: {  	s15 =	sshll.u32 s14, $0xD  }
0x21b: {  	s15 =	sadd.s32 s11, s15  }
0x21c: {  	s15 =	sshrl.u32 s15, $0x3  }
0x21d: {  	s17 =	sadd.s32 s1, s15  }
0x21e: {  	[tilespmem:s29], [sflag:$0x2] =	stream.linear.gather [hbm4b:s17+s12], $0x2010, $0x38;
	[tilespmem:$0x1A108] =	vst v63  }
0x21f: {  	_ =	swait.ge [sflag:s30], $0x2010  }
0x220: {  	[sflag:s30] =	ssyncset.done $0x0  }
0x221: {  	s15 =	sadd.s32 s5, s15;
	[sflag:s30] =	ssyncadd.s32 $0xFFFFDFF0  }
0x222: {  	[tilespmem:s4], [sflag:$0x2] =	stream.linear.gather [hbm4b:s15+s12], $0x2000, $0x38;
	[tilespmem:$0x1A108] =	vst v63  }
0x223: {  	_ =	swait.ge [sflag:s30], $0x2000  }
0x224: {  	[sflag:s30] =	ssyncset.done $0x0  }
0x225: {  	s20 =	simm.s32 $0x14089;
	[sflag:s30] =	ssyncadd.s32 $0xFFFFE000  }
0x226: {  	v6 =	vld [tilespmem:s20+$0x0]  }
0x227: {  	v7 =	vld [tilespmem:s20+$0xFFFFFFFF];
	_ =	sdelay $0x1  }
0x228: {  	s15 =	sand.u32 $0xFFFFFFF8, s13  }
0x229: {  	s22 =	sadd.s32 $0x0, s15  }
0x22a: {  	v8 =	vadd.s32 s22, v1  }
0x22b: {  	s23 =	sand.u32 $0x70, s12;
	vm1 =	vge.s32 v8, v4;
	vm0 =	vne.s32 v7, v6  }
0x22c: {  	s17 =	sor.u32 $0x100000, s23;
	vm15 =	vlt.s32 v8, v5;
	vm0 =	vmand vm1, vm0  }
0x22d: {  	v6 =	vor.u32 s17, v1;
	v7 =	vadd.s32 $0xFF800000, v7;
	vm0 =	vmand vm15, vm0  }
0x22e: {  	s18 =	simm.s32 $0x18108;
	v6 =	vsel vm0, v7, v6  }
0x22f: {  	s22 =	simm.s32 $0x14099;
	[tilespmem:s18+$0x0] =	vst v6  }
0x230: {  	v7 =	vld [tilespmem:s22+$0x0]  }
0x231: {  	s19 =	simm.s32 $0x10;
	s20 =	simm.s32 $0x20;
	v6 =	vld [tilespmem:s22+$0xFFFFFFFF]  }
.LBB2_7:
0x232: {  	p2 =	sne.s32 s20, $0x1FF0;
	_ =	sdelay $0x1  }
0x233: {  	s17 =	sadd.s32 s19, s15  }
0x234: {  	v8 =	vadd.s32 s17, v1  }
0x235: {  	s17 =	sand.u32 $0x70, s19;
	s19 =	smov.u32 s20;
	vm1 =	vge.s32 v8, v4;
	vm0 =	vne.s32 v6, v7  }
0x236: {  	s17 =	sor.u32 $0x100000, s17;
	vm0 =	vmand vm1, vm0;
	vm1 =	vlt.s32 v8, v5  }
.Ltmp22:
0x237: {  	v7 =	vor.u32 s17, v1;
	v6 =	vadd.s32 $0xFF800000, v6;
	vm0 =	vmand vm1, vm0;
	(pc) =	sbr.rel @p2 .LBB2_7-.Ltmp22, $4  }
0x238: {  	s18 =	sadd.s32 $0x10, s18;
	v6 =	vsel vm0, v6, v7  }
0x239: {  	s22 =	sadd.s32 $0x10, s22;
	[tilespmem:s18+$0x0] =	vst v6  }
0x23a: {  	v7 =	vld [tilespmem:s22+$0x0]  }
0x23b: {  	s20 =	sadd.s32 $0x10, s20;
	v6 =	vld [tilespmem:s22+$0xFFFFFFFF]  }
0x23c: {  	_ =	sdelay $0x1  }
0x23d: {  	s15 =	sadd.s32 s19, s15  }
0x23e: {  	v8 =	vadd.s32 s15, v1  }
0x23f: {  	s22 =	sand.u32 $0x70, s19;
	vm1 =	vge.s32 v8, v4;
	vm0 =	vne.s32 v6, v7  }
0x240: {  	s15 =	sor.u32 $0x100000, s22;
	vm15 =	vlt.s32 v8, v5;
	vm0 =	vmand vm1, vm0  }
0x241: {  	s14 =	sadd.s32 $0x1, s14;
	v7 =	vor.u32 s15, v1;
	v6 =	vadd.s32 $0xFF800000, v6;
	vm0 =	vmand vm15, vm0  }
0x242: {  	s23 =	sadd.s32 $0x10, s18;
	p2 =	seq.s32 s14, s10;
	v6 =	vsel vm0, v6, v7  }
.Ltmp23:
0x243: {  	[tilespmem:s23+$0x0] =	vst v6;
	(pc) =	sbr.rel @!p2 .LBB2_6-.Ltmp23, $4  }
0x244: {  	[spmem:s3] =	stream.indirect.scatter.add.f32 [tilespmem:s4], [sflag:$0x2], $0x1, s8, s7, $0xb8;
	[tilespmem:$0x1A108] =	vst v63  }
0x245: {  	_ =	swait.ge [sflag:s30], $0x2000  }
0x246: {  	[sflag:s30] =	ssyncset.done $0x0  }
0x247: {  	s13 =	sadd.s32 $0x2000, s13;
	[sflag:s30] =	ssyncadd.s32 $0xFFFFE000  }
.LBB2_9:
0x248: {  	s10 =	sshll.u32 s2, $0x6;
	[bflag:$0x0] =	sbarrier.arrive $0xFFFF  }
0x249: {  	s11 =	sshrl.u32 s21, $0x3;
	s10 =	sor.u32 $0x1C02, s10;
	s12 =	rddreg [dreg:$0x4]  }
0x24a: {  	[hbm:s12], [sflag:s10] =	dma.local [spmem:s11], $0x2000  }
0x24b: {  	_ =	swait.ge [sflag:s30], $0x2000  }
0x24c: {  	[sflag:s30] =	ssyncset.done $0x0  }
0x24d: {  	[sflag:s30] =	ssyncadd.s32 $0xFFFFE000  }
0x24e: {  	[bflag:$0x0] =	sbarrier.arrive $0xFFFF  }
0x24f: {  	[spmem:s21] =	stream.linear.scatter [tilespmem:s31], [sflag:$0x1], $0x4000, $0x38;
	[tilespmem:$0x1A108] =	vst v63  }
0x250: {  	_ = 	snop  }
0x251: {  	[spmem:s25] =	stream.linear.scatter [tilespmem:s31], [sflag:$0x1], $0x4000, $0x38;
	[tilespmem:$0x1A108] =	vst v63  }
0x252: {  	_ = 	snop  }
0x253: {  	[spmem:s26] =	stream.linear.scatter [tilespmem:s31], [sflag:$0x1], $0x4000, $0x38;
	[tilespmem:$0x1A108] =	vst v63  }
0x254: {  	_ = 	snop  }
0x255: {  	[spmem:s28] =	stream.linear.scatter [tilespmem:s31], [sflag:$0x1], $0x4000, $0x38;
	[tilespmem:$0x1A108] =	vst v63  }
0x256: {  	_ =	swait.ge [sflag:s0], $0x4000  }
0x257: {  	[sflag:s0] =	ssyncset.done $0x0  }
0x258: {  	[sflag:s0] =	ssyncadd.s32 $0xFFFFC000  }
0x259: {  	_ =	swait.ge [sflag:s0], $0x4000  }
0x25a: {  	[sflag:s0] =	ssyncset.done $0x0  }
0x25b: {  	[sflag:s0] =	ssyncadd.s32 $0xFFFFC000  }
0x25c: {  	_ =	swait.ge [sflag:s0], $0x4000  }
0x25d: {  	[sflag:s0] =	ssyncset.done $0x0  }
0x25e: {  	[sflag:s0] =	ssyncadd.s32 $0xFFFFC000  }
0x25f: {  	_ =	swait.ge [sflag:s0], $0x4000  }
0x260: {  	[sflag:s0] =	ssyncset.done $0x0  }
0x261: {  	[sflag:s0] =	ssyncadd.s32 $0xFFFFC000  }
0x262: {  	[bflag:$0x0] =	sbarrier.arrive $0xFFFF  }
0x263: {  	(v2sf) =	vpush v2, $0x9  }
0x264: {  	(v2sf) =	vpush v3, $0x9;
	_ =	sdelay $0xd  }
0x265: {  	s13 =	spop (v2sf)  }
0x266: {  	s14 =	spop (v2sf)  }
0x267: {  	s23 =	ssub.s32 s14, s13  }
0x268: {  	s12 =	sadd.s32 $0xF, s23  }
0x269: {  	s15 =	sshra.s32 s12, $0x4  }
0x26a: {  	s12 =	sadd.s32 $0x2007, s15  }
0x26b: {  	s12 =	sshra.s32 s12, $0xD  }
0x26c: {  	p2 =	slt.s32 s12, $0x1  }
.Ltmp24:
0x26d: {  	_ = 	snop;
	(pc) =	sbr.rel @p2 .LBB2_14-.Ltmp24, $1  }
0x26e: {  	_ =	sdelay $0x3  }
0x26f: {  	s16 =	smul.u32 s2, s15;
	_ =	sdelay $0x1  }
0x270: {  	s13 =	sadd.s32 s13, s16  }
0x271: {  	s15 =	sadd.s32 s15, s13  }
0x272: {  	p2 =	slt.s32 s15, s14  }
0x273: {  	s14 =	smov.u32 @p2 s15  }
0x274: {  	s18 =	simm.s32 $0x0;
	v4 =	vmov s13;
	s15 =	smov.u32 s13;
	v5 =	vmov s14;
	s14 =	simm.s32 $0x0  }
.LBB2_11:
0x275: {  	s16 =	sshll.u32 s18, $0xD  }
0x276: {  	s16 =	sadd.s32 s13, s16  }
0x277: {  	s16 =	sshrl.u32 s16, $0x3  }
0x278: {  	s17 =	sadd.s32 s1, s16  }
0x279: {  	[tilespmem:s29], [sflag:$0x2] =	stream.linear.gather [hbm4b:s17+s14], $0x2010, $0x38;
	[tilespmem:$0x1A108] =	vst v63  }
0x27a: {  	_ =	swait.ge [sflag:s30], $0x2010  }
0x27b: {  	[sflag:s30] =	ssyncset.done $0x0  }
0x27c: {  	s16 =	sadd.s32 s5, s16;
	[sflag:s30] =	ssyncadd.s32 $0xFFFFDFF0  }
0x27d: {  	[tilespmem:s4], [sflag:$0x2] =	stream.linear.gather [hbm4b:s16+s14], $0x2000, $0x38;
	[tilespmem:$0x1A108] =	vst v63  }
0x27e: {  	_ =	swait.ge [sflag:s30], $0x2000  }
0x27f: {  	[sflag:s30] =	ssyncset.done $0x0  }
0x280: {  	s20 =	simm.s32 $0x14089;
	[sflag:s30] =	ssyncadd.s32 $0xFFFFE000  }
0x281: {  	v6 =	vld [tilespmem:s20+$0x0]  }
0x282: {  	v7 =	vld [tilespmem:s20+$0xFFFFFFFF];
	_ =	sdelay $0x1  }
0x283: {  	s19 =	sand.u32 $0xFFFFFFF8, s15  }
0x284: {  	s22 =	sadd.s32 $0x0, s19  }
0x285: {  	v8 =	vadd.s32 s22, v1  }
0x286: {  	s23 =	sand.u32 $0x70, s14;
	vm1 =	vge.s32 v8, v4;
	vm0 =	vne.s32 v7, v6  }
0x287: {  	vm15 =	vlt.s32 v8, v5;
	s16 =	sor.u32 $0x100000, s23;
	vm0 =	vmand vm1, vm0  }
0x288: {  	v6 =	vor.u32 s16, v1;
	v7 =	vadd.s32 $0xFF700000, v7;
	vm0 =	vmand vm15, vm0  }
0x289: {  	s22 =	simm.s32 $0x18108;
	v6 =	vsel vm0, v7, v6  }
0x28a: {  	s20 =	simm.s32 $0x14099;
	[tilespmem:s22+$0x0] =	vst v6  }
0x28b: {  	v7 =	vld [tilespmem:s20+$0x0]  }
0x28c: {  	s17 =	simm.s32 $0x20;
	s23 =	simm.s32 $0x10;
	v6 =	vld [tilespmem:s20+$0xFFFFFFFF]  }
.LBB2_12:
0x28d: {  	p2 =	sne.s32 s17, $0x1FF0;
	_ =	sdelay $0x1  }
0x28e: {  	s16 =	sadd.s32 s23, s19  }
0x28f: {  	v8 =	vadd.s32 s16, v1  }
0x290: {  	s16 =	sand.u32 $0x70, s23;
	s23 =	smov.u32 s17;
	vm1 =	vge.s32 v8, v4;
	vm0 =	vne.s32 v6, v7  }
0x291: {  	s16 =	sor.u32 $0x100000, s16;
	vm0 =	vmand vm1, vm0;
	vm1 =	vlt.s32 v8, v5  }
.Ltmp25:
0x292: {  	v7 =	vor.u32 s16, v1;
	v6 =	vadd.s32 $0xFF700000, v6;
	vm0 =	vmand vm1, vm0;
	(pc) =	sbr.rel @p2 .LBB2_12-.Ltmp25, $4  }
0x293: {  	s22 =	sadd.s32 $0x10, s22;
	v6 =	vsel vm0, v6, v7  }
0x294: {  	s20 =	sadd.s32 $0x10, s20;
	[tilespmem:s22+$0x0] =	vst v6  }
0x295: {  	v7 =	vld [tilespmem:s20+$0x0]  }
0x296: {  	s17 =	sadd.s32 $0x10, s17;
	v6 =	vld [tilespmem:s20+$0xFFFFFFFF]  }
0x297: {  	_ =	sdelay $0x1  }
0x298: {  	s16 =	sadd.s32 s23, s19  }
0x299: {  	v8 =	vadd.s32 s16, v1  }
0x29a: {  	s20 =	sand.u32 $0x70, s23;
	vm1 =	vge.s32 v8, v4;
	vm0 =	vne.s32 v6, v7  }
0x29b: {  	s16 =	sor.u32 $0x100000, s20;
	vm15 =	vlt.s32 v8, v5;
	vm0 =	vmand vm1, vm0  }
0x29c: {  	s18 =	sadd.s32 $0x1, s18;
	v7 =	vor.u32 s16, v1;
	v6 =	vadd.s32 $0xFF700000, v6;
	vm0 =	vmand vm15, vm0  }
0x29d: {  	s23 =	sadd.s32 $0x10, s22;
	p2 =	sne.s32 s18, s12;
	v6 =	vsel vm0, v6, v7  }
.Ltmp26:
0x29e: {  	[tilespmem:s23+$0x0] =	vst v6;
	(pc) =	sbr.rel @p2 .LBB2_11-.Ltmp26, $4  }
0x29f: {  	[spmem:s3] =	stream.indirect.scatter.add.f32 [tilespmem:s4], [sflag:$0x2], $0x1, s8, s7, $0xb8;
	[tilespmem:$0x1A108] =	vst v63  }
0x2a0: {  	_ =	swait.ge [sflag:s30], $0x2000  }
0x2a1: {  	[sflag:s30] =	ssyncset.done $0x0  }
0x2a2: {  	s15 =	sadd.s32 $0x2000, s15;
	[sflag:s30] =	ssyncadd.s32 $0xFFFFE000  }
.LBB2_14:
0x2a3: {  	[bflag:$0x0] =	sbarrier.arrive $0xFFFF  }
0x2a4: {  	s12 =	rddreg [dreg:$0x6]  }
0x2a5: {  	[hbm:s12], [sflag:s10] =	dma.local [spmem:s11], $0x2000  }
0x2a6: {  	_ =	swait.ge [sflag:s30], $0x2000  }
0x2a7: {  	[sflag:s30] =	ssyncset.done $0x0  }
0x2a8: {  	[sflag:s30] =	ssyncadd.s32 $0xFFFFE000  }
0x2a9: {  	[bflag:$0x0] =	sbarrier.arrive $0xFFFF  }
0x2aa: {  	[spmem:s21] =	stream.linear.scatter [tilespmem:s31], [sflag:$0x1], $0x4000, $0x38;
	[tilespmem:$0x1A108] =	vst v63  }
0x2ab: {  	_ = 	snop  }
0x2ac: {  	[spmem:s25] =	stream.linear.scatter [tilespmem:s31], [sflag:$0x1], $0x4000, $0x38;
	[tilespmem:$0x1A108] =	vst v63  }
0x2ad: {  	_ = 	snop  }
0x2ae: {  	[spmem:s26] =	stream.linear.scatter [tilespmem:s31], [sflag:$0x1], $0x4000, $0x38;
	[tilespmem:$0x1A108] =	vst v63  }
0x2af: {  	_ = 	snop  }
0x2b0: {  	[spmem:s28] =	stream.linear.scatter [tilespmem:s31], [sflag:$0x1], $0x4000, $0x38;
	[tilespmem:$0x1A108] =	vst v63  }
0x2b1: {  	_ =	swait.ge [sflag:s0], $0x4000  }
0x2b2: {  	[sflag:s0] =	ssyncset.done $0x0  }
0x2b3: {  	[sflag:s0] =	ssyncadd.s32 $0xFFFFC000  }
0x2b4: {  	_ =	swait.ge [sflag:s0], $0x4000  }
0x2b5: {  	[sflag:s0] =	ssyncset.done $0x0  }
0x2b6: {  	[sflag:s0] =	ssyncadd.s32 $0xFFFFC000  }
0x2b7: {  	_ =	swait.ge [sflag:s0], $0x4000  }
0x2b8: {  	[sflag:s0] =	ssyncset.done $0x0  }
0x2b9: {  	[sflag:s0] =	ssyncadd.s32 $0xFFFFC000  }
0x2ba: {  	_ =	swait.ge [sflag:s0], $0x4000  }
0x2bb: {  	[sflag:s0] =	ssyncset.done $0x0  }
0x2bc: {  	[sflag:s0] =	ssyncadd.s32 $0xFFFFC000  }
0x2bd: {  	[bflag:$0x0] =	sbarrier.arrive $0xFFFF  }
0x2be: {  	(v2sf) =	vpush v2, $0xA  }
0x2bf: {  	(v2sf) =	vpush v3, $0xA;
	_ =	sdelay $0xd  }
0x2c0: {  	s13 =	spop (v2sf)  }
0x2c1: {  	s14 =	spop (v2sf)  }
0x2c2: {  	s23 =	ssub.s32 s14, s13  }
0x2c3: {  	s12 =	sadd.s32 $0xF, s23  }
0x2c4: {  	s15 =	sshra.s32 s12, $0x4  }
0x2c5: {  	s12 =	sadd.s32 $0x2007, s15  }
0x2c6: {  	s12 =	sshra.s32 s12, $0xD  }
0x2c7: {  	p2 =	sgt.s32 s12, $0x0  }
.Ltmp27:
0x2c8: {  	_ = 	snop;
	(pc) =	sbr.rel @!p2 .LBB2_19-.Ltmp27, $1  }
0x2c9: {  	_ =	sdelay $0x3  }
0x2ca: {  	s16 =	smul.u32 s2, s15;
	_ =	sdelay $0x1  }
0x2cb: {  	s13 =	sadd.s32 s13, s16  }
0x2cc: {  	s15 =	sadd.s32 s15, s13  }
0x2cd: {  	p2 =	slt.s32 s15, s14  }
0x2ce: {  	s14 =	smov.u32 @p2 s15  }
0x2cf: {  	s18 =	simm.s32 $0x0;
	v4 =	vmov s13;
	s15 =	smov.u32 s13;
	v5 =	vmov s14;
	s14 =	simm.s32 $0x0  }
.LBB2_16:
0x2d0: {  	s16 =	sshll.u32 s18, $0xD  }
0x2d1: {  	s16 =	sadd.s32 s13, s16  }
0x2d2: {  	s16 =	sshrl.u32 s16, $0x3  }
0x2d3: {  	s17 =	sadd.s32 s1, s16  }
0x2d4: {  	[tilespmem:s29], [sflag:$0x2] =	stream.linear.gather [hbm4b:s17+s14], $0x2010, $0x38;
	[tilespmem:$0x1A108] =	vst v63  }
0x2d5: {  	_ =	swait.ge [sflag:s30], $0x2010  }
0x2d6: {  	[sflag:s30] =	ssyncset.done $0x0  }
0x2d7: {  	s16 =	sadd.s32 s5, s16;
	[sflag:s30] =	ssyncadd.s32 $0xFFFFDFF0  }
0x2d8: {  	[tilespmem:s4], [sflag:$0x2] =	stream.linear.gather [hbm4b:s16+s14], $0x2000, $0x38;
	[tilespmem:$0x1A108] =	vst v63  }
0x2d9: {  	_ =	swait.ge [sflag:s30], $0x2000  }
0x2da: {  	[sflag:s30] =	ssyncset.done $0x0  }
0x2db: {  	s20 =	simm.s32 $0x14089;
	[sflag:s30] =	ssyncadd.s32 $0xFFFFE000  }
0x2dc: {  	v6 =	vld [tilespmem:s20+$0x0]  }
0x2dd: {  	v7 =	vld [tilespmem:s20+$0xFFFFFFFF];
	_ =	sdelay $0x1  }
0x2de: {  	s19 =	sand.u32 $0xFFFFFFF8, s15  }
0x2df: {  	s22 =	sadd.s32 $0x0, s19  }
0x2e0: {  	v8 =	vadd.s32 s22, v1  }
0x2e1: {  	s23 =	sand.u32 $0x70, s14;
	vm1 =	vge.s32 v8, v4;
	vm0 =	vne.s32 v7, v6  }
0x2e2: {  	vm15 =	vlt.s32 v8, v5;
	s16 =	sor.u32 $0x100000, s23;
	vm0 =	vmand vm1, vm0  }
0x2e3: {  	v6 =	vor.u32 s16, v1;
	v7 =	vadd.s32 $0xFF600000, v7;
	vm0 =	vmand vm15, vm0  }
0x2e4: {  	s22 =	simm.s32 $0x18108;
	v6 =	vsel vm0, v7, v6  }
0x2e5: {  	s20 =	simm.s32 $0x14099;
	[tilespmem:s22+$0x0] =	vst v6  }
0x2e6: {  	v7 =	vld [tilespmem:s20+$0x0]  }
0x2e7: {  	s17 =	simm.s32 $0x20;
	s23 =	simm.s32 $0x10;
	v6 =	vld [tilespmem:s20+$0xFFFFFFFF]  }
.LBB2_17:
0x2e8: {  	p2 =	sne.s32 s17, $0x1FF0;
	_ =	sdelay $0x1  }
0x2e9: {  	s16 =	sadd.s32 s23, s19  }
0x2ea: {  	v8 =	vadd.s32 s16, v1  }
0x2eb: {  	s16 =	sand.u32 $0x70, s23;
	s23 =	smov.u32 s17;
	vm1 =	vge.s32 v8, v4;
	vm0 =	vne.s32 v6, v7  }
0x2ec: {  	s16 =	sor.u32 $0x100000, s16;
	vm0 =	vmand vm1, vm0;
	vm1 =	vlt.s32 v8, v5  }
.Ltmp28:
0x2ed: {  	v7 =	vor.u32 s16, v1;
	v6 =	vadd.s32 $0xFF600000, v6;
	vm0 =	vmand vm1, vm0;
	(pc) =	sbr.rel @p2 .LBB2_17-.Ltmp28, $4  }
0x2ee: {  	s22 =	sadd.s32 $0x10, s22;
	v6 =	vsel vm0, v6, v7  }
0x2ef: {  	s20 =	sadd.s32 $0x10, s20;
	[tilespmem:s22+$0x0] =	vst v6  }
0x2f0: {  	v7 =	vld [tilespmem:s20+$0x0]  }
0x2f1: {  	s17 =	sadd.s32 $0x10, s17;
	v6 =	vld [tilespmem:s20+$0xFFFFFFFF]  }
0x2f2: {  	_ =	sdelay $0x1  }
0x2f3: {  	s16 =	sadd.s32 s23, s19  }
0x2f4: {  	v8 =	vadd.s32 s16, v1  }
0x2f5: {  	s20 =	sand.u32 $0x70, s23;
	vm1 =	vge.s32 v8, v4;
	vm0 =	vne.s32 v6, v7  }
0x2f6: {  	s16 =	sor.u32 $0x100000, s20;
	vm15 =	vlt.s32 v8, v5;
	vm0 =	vmand vm1, vm0  }
0x2f7: {  	s18 =	sadd.s32 $0x1, s18;
	v7 =	vor.u32 s16, v1;
	v6 =	vadd.s32 $0xFF600000, v6;
	vm0 =	vmand vm15, vm0  }
0x2f8: {  	s23 =	sadd.s32 $0x10, s22;
	p2 =	sne.s32 s18, s12;
	v6 =	vsel vm0, v6, v7  }
.Ltmp29:
0x2f9: {  	[tilespmem:s23+$0x0] =	vst v6;
	(pc) =	sbr.rel @p2 .LBB2_16-.Ltmp29, $4  }
0x2fa: {  	[spmem:s3] =	stream.indirect.scatter.add.f32 [tilespmem:s4], [sflag:$0x2], $0x1, s8, s7, $0xb8;
	[tilespmem:$0x1A108] =	vst v63  }
0x2fb: {  	_ =	swait.ge [sflag:s30], $0x2000  }
0x2fc: {  	[sflag:s30] =	ssyncset.done $0x0  }
0x2fd: {  	s15 =	sadd.s32 $0x2000, s15;
	[sflag:s30] =	ssyncadd.s32 $0xFFFFE000  }
.LBB2_19:
0x2fe: {  	[bflag:$0x0] =	sbarrier.arrive $0xFFFF  }
0x2ff: {  	s12 =	rddreg [dreg:$0x9]  }
0x300: {  	[hbm:s12], [sflag:s10] =	dma.local [spmem:s11], $0x2000  }
0x301: {  	_ =	swait.ge [sflag:s30], $0x2000  }
0x302: {  	[sflag:s30] =	ssyncset.done $0x0  }
0x303: {  	[sflag:s30] =	ssyncadd.s32 $0xFFFFE000  }
0x304: {  	[bflag:$0x0] =	sbarrier.arrive $0xFFFF  }
0x305: {  	[spmem:s21] =	stream.linear.scatter [tilespmem:s31], [sflag:$0x1], $0x4000, $0x38;
	[tilespmem:$0x1A108] =	vst v63  }
0x306: {  	_ = 	snop  }
0x307: {  	[spmem:s25] =	stream.linear.scatter [tilespmem:s31], [sflag:$0x1], $0x4000, $0x38;
	[tilespmem:$0x1A108] =	vst v63  }
0x308: {  	_ = 	snop  }
0x309: {  	[spmem:s26] =	stream.linear.scatter [tilespmem:s31], [sflag:$0x1], $0x4000, $0x38;
	[tilespmem:$0x1A108] =	vst v63  }
0x30a: {  	_ = 	snop  }
0x30b: {  	[spmem:s28] =	stream.linear.scatter [tilespmem:s31], [sflag:$0x1], $0x4000, $0x38;
	[tilespmem:$0x1A108] =	vst v63  }
0x30c: {  	_ =	swait.ge [sflag:s0], $0x4000  }
0x30d: {  	[sflag:s0] =	ssyncset.done $0x0  }
0x30e: {  	[sflag:s0] =	ssyncadd.s32 $0xFFFFC000  }
0x30f: {  	_ =	swait.ge [sflag:s0], $0x4000  }
0x310: {  	[sflag:s0] =	ssyncset.done $0x0  }
0x311: {  	[sflag:s0] =	ssyncadd.s32 $0xFFFFC000  }
0x312: {  	_ =	swait.ge [sflag:s0], $0x4000  }
0x313: {  	[sflag:s0] =	ssyncset.done $0x0  }
0x314: {  	[sflag:s0] =	ssyncadd.s32 $0xFFFFC000  }
0x315: {  	_ =	swait.ge [sflag:s0], $0x4000  }
0x316: {  	[sflag:s0] =	ssyncset.done $0x0  }
0x317: {  	[sflag:s0] =	ssyncadd.s32 $0xFFFFC000  }
0x318: {  	[bflag:$0x0] =	sbarrier.arrive $0xFFFF  }
0x319: {  	(v2sf) =	vpush v2, $0xB  }
0x31a: {  	(v2sf) =	vpush v3, $0xB;
	_ =	sdelay $0xd  }
0x31b: {  	s13 =	spop (v2sf)  }
0x31c: {  	s14 =	spop (v2sf)  }
0x31d: {  	s23 =	ssub.s32 s14, s13  }
0x31e: {  	s12 =	sadd.s32 $0xF, s23  }
0x31f: {  	s15 =	sshra.s32 s12, $0x4  }
0x320: {  	s12 =	sadd.s32 $0x2007, s15  }
0x321: {  	s12 =	sshra.s32 s12, $0xD  }
0x322: {  	p2 =	sgt.s32 s12, $0x0  }
.Ltmp30:
0x323: {  	_ = 	snop;
	(pc) =	sbr.rel @!p2 .LBB2_24-.Ltmp30, $1  }
0x324: {  	_ =	sdelay $0x3  }
0x325: {  	s16 =	smul.u32 s2, s15;
	_ =	sdelay $0x1  }
0x326: {  	s13 =	sadd.s32 s13, s16  }
0x327: {  	s15 =	sadd.s32 s15, s13  }
0x328: {  	p2 =	slt.s32 s15, s14  }
0x329: {  	s14 =	smov.u32 @p2 s15  }
0x32a: {  	s18 =	simm.s32 $0x0;
	v4 =	vmov s13;
	s15 =	smov.u32 s13;
	v5 =	vmov s14;
	s14 =	simm.s32 $0x0  }
.LBB2_21:
0x32b: {  	s16 =	sshll.u32 s18, $0xD  }
0x32c: {  	s16 =	sadd.s32 s13, s16  }
0x32d: {  	s16 =	sshrl.u32 s16, $0x3  }
0x32e: {  	s17 =	sadd.s32 s1, s16  }
0x32f: {  	[tilespmem:s29], [sflag:$0x2] =	stream.linear.gather [hbm4b:s17+s14], $0x2010, $0x38;
	[tilespmem:$0x1A108] =	vst v63  }
0x330: {  	_ =	swait.ge [sflag:s30], $0x2010  }
0x331: {  	[sflag:s30] =	ssyncset.done $0x0  }
0x332: {  	s16 =	sadd.s32 s5, s16;
	[sflag:s30] =	ssyncadd.s32 $0xFFFFDFF0  }
0x333: {  	[tilespmem:s4], [sflag:$0x2] =	stream.linear.gather [hbm4b:s16+s14], $0x2000, $0x38;
	[tilespmem:$0x1A108] =	vst v63  }
0x334: {  	_ =	swait.ge [sflag:s30], $0x2000  }
0x335: {  	[sflag:s30] =	ssyncset.done $0x0  }
0x336: {  	s20 =	simm.s32 $0x14089;
	[sflag:s30] =	ssyncadd.s32 $0xFFFFE000  }
0x337: {  	v6 =	vld [tilespmem:s20+$0x0]  }
0x338: {  	v7 =	vld [tilespmem:s20+$0xFFFFFFFF];
	_ =	sdelay $0x1  }
0x339: {  	s19 =	sand.u32 $0xFFFFFFF8, s15  }
0x33a: {  	s22 =	sadd.s32 $0x0, s19  }
0x33b: {  	v8 =	vadd.s32 s22, v1  }
0x33c: {  	s23 =	sand.u32 $0x70, s14;
	vm1 =	vge.s32 v8, v4;
	vm0 =	vne.s32 v7, v6  }
0x33d: {  	vm15 =	vlt.s32 v8, v5;
	s16 =	sor.u32 $0x100000, s23;
	vm0 =	vmand vm1, vm0  }
0x33e: {  	v6 =	vor.u32 s16, v1;
	v7 =	vadd.s32 $0xFF500000, v7;
	vm0 =	vmand vm15, vm0  }
0x33f: {  	s22 =	simm.s32 $0x18108;
	v6 =	vsel vm0, v7, v6  }
0x340: {  	s20 =	simm.s32 $0x14099;
	[tilespmem:s22+$0x0] =	vst v6  }
0x341: {  	v7 =	vld [tilespmem:s20+$0x0]  }
0x342: {  	s17 =	simm.s32 $0x20;
	s23 =	simm.s32 $0x10;
	v6 =	vld [tilespmem:s20+$0xFFFFFFFF]  }
.LBB2_22:
0x343: {  	p2 =	sne.s32 s17, $0x1FF0;
	_ =	sdelay $0x1  }
0x344: {  	s16 =	sadd.s32 s23, s19  }
0x345: {  	v8 =	vadd.s32 s16, v1  }
0x346: {  	s16 =	sand.u32 $0x70, s23;
	s23 =	smov.u32 s17;
	vm1 =	vge.s32 v8, v4;
	vm0 =	vne.s32 v6, v7  }
0x347: {  	s16 =	sor.u32 $0x100000, s16;
	vm0 =	vmand vm1, vm0;
	vm1 =	vlt.s32 v8, v5  }
.Ltmp31:
0x348: {  	v7 =	vor.u32 s16, v1;
	v6 =	vadd.s32 $0xFF500000, v6;
	vm0 =	vmand vm1, vm0;
	(pc) =	sbr.rel @p2 .LBB2_22-.Ltmp31, $4  }
0x349: {  	s22 =	sadd.s32 $0x10, s22;
	v6 =	vsel vm0, v6, v7  }
0x34a: {  	s20 =	sadd.s32 $0x10, s20;
	[tilespmem:s22+$0x0] =	vst v6  }
0x34b: {  	v7 =	vld [tilespmem:s20+$0x0]  }
0x34c: {  	s17 =	sadd.s32 $0x10, s17;
	v6 =	vld [tilespmem:s20+$0xFFFFFFFF]  }
0x34d: {  	_ =	sdelay $0x1  }
0x34e: {  	s16 =	sadd.s32 s23, s19  }
0x34f: {  	v8 =	vadd.s32 s16, v1  }
0x350: {  	s20 =	sand.u32 $0x70, s23;
	vm1 =	vge.s32 v8, v4;
	vm0 =	vne.s32 v6, v7  }
0x351: {  	s16 =	sor.u32 $0x100000, s20;
	vm15 =	vlt.s32 v8, v5;
	vm0 =	vmand vm1, vm0  }
0x352: {  	s18 =	sadd.s32 $0x1, s18;
	v7 =	vor.u32 s16, v1;
	v6 =	vadd.s32 $0xFF500000, v6;
	vm0 =	vmand vm15, vm0  }
0x353: {  	s23 =	sadd.s32 $0x10, s22;
	p2 =	sne.s32 s18, s12;
	v6 =	vsel vm0, v6, v7  }
.Ltmp32:
0x354: {  	[tilespmem:s23+$0x0] =	vst v6;
	(pc) =	sbr.rel @p2 .LBB2_21-.Ltmp32, $4  }
0x355: {  	[spmem:s3] =	stream.indirect.scatter.add.f32 [tilespmem:s4], [sflag:$0x2], $0x1, s8, s7, $0xb8;
	[tilespmem:$0x1A108] =	vst v63  }
0x356: {  	_ =	swait.ge [sflag:s30], $0x2000  }
0x357: {  	[sflag:s30] =	ssyncset.done $0x0  }
0x358: {  	s15 =	sadd.s32 $0x2000, s15;
	[sflag:s30] =	ssyncadd.s32 $0xFFFFE000  }
.LBB2_24:
0x359: {  	[bflag:$0x0] =	sbarrier.arrive $0xFFFF  }
0x35a: {  	s12 =	rddreg [dreg:$0xb]  }
0x35b: {  	[hbm:s12], [sflag:s10] =	dma.local [spmem:s11], $0x2000  }
0x35c: {  	_ =	swait.ge [sflag:s30], $0x2000  }
0x35d: {  	[sflag:s30] =	ssyncset.done $0x0  }
0x35e: {  	[sflag:s30] =	ssyncadd.s32 $0xFFFFE000  }
0x35f: {  	[bflag:$0x0] =	sbarrier.arrive $0xFFFF  }
.LBB2_51:
0x360: {  	[spmem:s21] =	stream.linear.scatter [tilespmem:s31], [sflag:$0x1], $0x4000, $0x38;
	[tilespmem:$0x1A108] =	vst v63  }
0x361: {  	_ = 	snop  }
0x362: {  	[spmem:s25] =	stream.linear.scatter [tilespmem:s31], [sflag:$0x1], $0x4000, $0x38;
	[tilespmem:$0x1A108] =	vst v63  }
0x363: {  	_ = 	snop  }
0x364: {  	[spmem:s26] =	stream.linear.scatter [tilespmem:s31], [sflag:$0x1], $0x4000, $0x38;
	[tilespmem:$0x1A108] =	vst v63  }
0x365: {  	_ = 	snop  }
0x366: {  	[spmem:s28] =	stream.linear.scatter [tilespmem:s31], [sflag:$0x1], $0x4000, $0x38;
	[tilespmem:$0x1A108] =	vst v63  }
0x367: {  	_ =	swait.ge [sflag:s0], $0x4000  }
0x368: {  	[sflag:s0] =	ssyncset.done $0x0  }
0x369: {  	[sflag:s0] =	ssyncadd.s32 $0xFFFFC000  }
0x36a: {  	_ =	swait.ge [sflag:s0], $0x4000  }
0x36b: {  	[sflag:s0] =	ssyncset.done $0x0  }
0x36c: {  	[sflag:s0] =	ssyncadd.s32 $0xFFFFC000  }
0x36d: {  	_ =	swait.ge [sflag:s0], $0x4000  }
0x36e: {  	[sflag:s0] =	ssyncset.done $0x0  }
0x36f: {  	[sflag:s0] =	ssyncadd.s32 $0xFFFFC000  }
0x370: {  	_ =	swait.ge [sflag:s0], $0x4000  }
0x371: {  	[sflag:s0] =	ssyncset.done $0x0  }
0x372: {  	[sflag:s0] =	ssyncadd.s32 $0xFFFFC000  }
0x373: {  	[bflag:$0x0] =	sbarrier.arrive $0xFFFF  }
0x374: {  	(v2sf) =	vpush v2, $0xC  }
0x375: {  	(v2sf) =	vpush v3, $0xC;
	_ =	sdelay $0xd  }
0x376: {  	s11 =	spop (v2sf)  }
0x377: {  	s12 =	spop (v2sf)  }
0x378: {  	s10 =	ssub.s32 s12, s11  }
0x379: {  	s10 =	sadd.s32 $0xF, s10  }
0x37a: {  	s13 =	sshra.s32 s10, $0x4  }
0x37b: {  	s10 =	sadd.s32 $0x2007, s13  }
0x37c: {  	s10 =	sshra.s32 s10, $0xD  }
0x37d: {  	p2 =	slt.s32 s10, $0x1  }
.Ltmp33:
0x37e: {  	_ = 	snop;
	(pc) =	sbr.rel @p2 .LBB2_56-.Ltmp33, $1  }
0x37f: {  	_ =	sdelay $0x3  }
0x380: {  	s14 =	smul.u32 s2, s13;
	_ =	sdelay $0x1  }
0x381: {  	s11 =	sadd.s32 s11, s14  }
0x382: {  	s13 =	sadd.s32 s13, s11  }
0x383: {  	p2 =	slt.s32 s13, s12  }
0x384: {  	s12 =	smov.u32 @p2 s13  }
0x385: {  	s14 =	simm.s32 $0x0;
	v4 =	vmov s11;
	s13 =	smov.u32 s11;
	v5 =	vmov s12;
	s12 =	simm.s32 $0x0  }
.LBB2_53:
0x386: {  	s15 =	sshll.u32 s14, $0xD  }
0x387: {  	s15 =	sadd.s32 s11, s15  }
0x388: {  	s15 =	sshrl.u32 s15, $0x3  }
0x389: {  	s16 =	sadd.s32 s1, s15  }
0x38a: {  	[tilespmem:s29], [sflag:$0x2] =	stream.linear.gather [hbm4b:s16+s12], $0x2010, $0x38;
	[tilespmem:$0x1A108] =	vst v63  }
0x38b: {  	_ =	swait.ge [sflag:s30], $0x2010  }
0x38c: {  	[sflag:s30] =	ssyncset.done $0x0  }
0x38d: {  	s15 =	sadd.s32 s5, s15;
	[sflag:s30] =	ssyncadd.s32 $0xFFFFDFF0  }
0x38e: {  	[tilespmem:s4], [sflag:$0x2] =	stream.linear.gather [hbm4b:s15+s12], $0x2000, $0x38;
	[tilespmem:$0x1A108] =	vst v63  }
0x38f: {  	_ =	swait.ge [sflag:s30], $0x2000  }
0x390: {  	[sflag:s30] =	ssyncset.done $0x0  }
0x391: {  	s20 =	simm.s32 $0x14089;
	[sflag:s30] =	ssyncadd.s32 $0xFFFFE000  }
0x392: {  	v6 =	vld [tilespmem:s20+$0x0]  }
0x393: {  	v7 =	vld [tilespmem:s20+$0xFFFFFFFF];
	_ =	sdelay $0x1  }
0x394: {  	s15 =	sand.u32 $0xFFFFFFF8, s13  }
0x395: {  	s22 =	sadd.s32 $0x0, s15  }
0x396: {  	v8 =	vadd.s32 s22, v1  }
0x397: {  	s23 =	sand.u32 $0x70, s12;
	vm1 =	vge.s32 v8, v4;
	vm0 =	vne.s32 v7, v6  }
0x398: {  	s16 =	sor.u32 $0x100000, s23;
	vm15 =	vlt.s32 v8, v5;
	vm0 =	vmand vm1, vm0  }
0x399: {  	v6 =	vor.u32 s16, v1;
	v7 =	vadd.s32 $0xFF400000, v7;
	vm0 =	vmand vm15, vm0  }
0x39a: {  	s18 =	simm.s32 $0x18108;
	v6 =	vsel vm0, v7, v6  }
0x39b: {  	s20 =	simm.s32 $0x14099;
	[tilespmem:s18+$0x0] =	vst v6  }
0x39c: {  	v7 =	vld [tilespmem:s20+$0x0]  }
0x39d: {  	s19 =	simm.s32 $0x10;
	s17 =	simm.s32 $0x20;
	v6 =	vld [tilespmem:s20+$0xFFFFFFFF]  }
.LBB2_54:
0x39e: {  	p2 =	sne.s32 s17, $0x1FF0;
	_ =	sdelay $0x1  }
0x39f: {  	s16 =	sadd.s32 s19, s15  }
0x3a0: {  	v8 =	vadd.s32 s16, v1  }
0x3a1: {  	s16 =	sand.u32 $0x70, s19;
	s19 =	smov.u32 s17;
	vm1 =	vge.s32 v8, v4;
	vm0 =	vne.s32 v6, v7  }
0x3a2: {  	s16 =	sor.u32 $0x100000, s16;
	vm0 =	vmand vm1, vm0;
	vm1 =	vlt.s32 v8, v5  }
.Ltmp34:
0x3a3: {  	v7 =	vor.u32 s16, v1;
	v6 =	vadd.s32 $0xFF400000, v6;
	vm0 =	vmand vm1, vm0;
	(pc) =	sbr.rel @p2 .LBB2_54-.Ltmp34, $4  }
0x3a4: {  	s18 =	sadd.s32 $0x10, s18;
	v6 =	vsel vm0, v6, v7  }
0x3a5: {  	s20 =	sadd.s32 $0x10, s20;
	[tilespmem:s18+$0x0] =	vst v6  }
0x3a6: {  	v7 =	vld [tilespmem:s20+$0x0]  }
0x3a7: {  	s17 =	sadd.s32 $0x10, s17;
	v6 =	vld [tilespmem:s20+$0xFFFFFFFF]  }
0x3a8: {  	_ =	sdelay $0x1  }
0x3a9: {  	s15 =	sadd.s32 s19, s15  }
0x3aa: {  	v8 =	vadd.s32 s15, v1  }
0x3ab: {  	s22 =	sand.u32 $0x70, s19;
	vm1 =	vge.s32 v8, v4;
	vm0 =	vne.s32 v6, v7  }
0x3ac: {  	s15 =	sor.u32 $0x100000, s22;
	vm15 =	vlt.s32 v8, v5;
	vm0 =	vmand vm1, vm0  }
0x3ad: {  	s14 =	sadd.s32 $0x1, s14;
	v7 =	vor.u32 s15, v1;
	v6 =	vadd.s32 $0xFF400000, v6;
	vm0 =	vmand vm15, vm0  }
0x3ae: {  	s23 =	sadd.s32 $0x10, s18;
	p2 =	sne.s32 s14, s10;
	v6 =	vsel vm0, v6, v7  }
.Ltmp35:
0x3af: {  	[tilespmem:s23+$0x0] =	vst v6;
	(pc) =	sbr.rel @p2 .LBB2_53-.Ltmp35, $4  }
0x3b0: {  	[spmem:s3] =	stream.indirect.scatter.add.f32 [tilespmem:s4], [sflag:$0x2], $0x1, s8, s7, $0xb8;
	[tilespmem:$0x1A108] =	vst v63  }
0x3b1: {  	_ =	swait.ge [sflag:s30], $0x2000  }
0x3b2: {  	[sflag:s30] =	ssyncset.done $0x0  }
0x3b3: {  	s13 =	sadd.s32 $0x2000, s13;
	[sflag:s30] =	ssyncadd.s32 $0xFFFFE000  }
.LBB2_56:
0x3b4: {  	s10 =	sshll.u32 s2, $0x6;
	[bflag:$0x0] =	sbarrier.arrive $0xFFFF  }
0x3b5: {  	s11 =	sshrl.u32 s21, $0x3;
	s10 =	sor.u32 $0x1C02, s10;
	s12 =	rddreg [dreg:$0xd]  }
0x3b6: {  	[hbm:s12], [sflag:s10] =	dma.local [spmem:s11], $0x2000  }
.Ltmp36:
0x3b7: {  	_ =	swait.ge [sflag:s30], $0x2000;
	(pc) =	sbr.rel @p1 .LBB2_63-.Ltmp36, $3  }
0x3b8: {  	[sflag:s30] =	ssyncset.done $0x0  }
0x3b9: {  	[sflag:s30] =	ssyncadd.s32 $0xFFFFE000  }
0x3ba: {  	[bflag:$0x0] =	sbarrier.arrive $0xFFFF;
	_ =	sdelay $0x1  }
.LBB2_57:
0x3bb: {  	[spmem:s21] =	stream.linear.scatter [tilespmem:s31], [sflag:$0x1], $0x4000, $0x38;
	[tilespmem:$0x1A108] =	vst v63  }
0x3bc: {  	_ = 	snop  }
0x3bd: {  	[spmem:s25] =	stream.linear.scatter [tilespmem:s31], [sflag:$0x1], $0x4000, $0x38;
	[tilespmem:$0x1A108] =	vst v63  }
0x3be: {  	_ = 	snop  }
0x3bf: {  	[spmem:s26] =	stream.linear.scatter [tilespmem:s31], [sflag:$0x1], $0x4000, $0x38;
	[tilespmem:$0x1A108] =	vst v63  }
0x3c0: {  	_ = 	snop  }
0x3c1: {  	[spmem:s28] =	stream.linear.scatter [tilespmem:s31], [sflag:$0x1], $0x4000, $0x38;
	[tilespmem:$0x1A108] =	vst v63  }
0x3c2: {  	_ =	swait.ge [sflag:s0], $0x4000  }
0x3c3: {  	[sflag:s0] =	ssyncset.done $0x0  }
0x3c4: {  	[sflag:s0] =	ssyncadd.s32 $0xFFFFC000  }
0x3c5: {  	_ =	swait.ge [sflag:s0], $0x4000  }
0x3c6: {  	[sflag:s0] =	ssyncset.done $0x0  }
0x3c7: {  	[sflag:s0] =	ssyncadd.s32 $0xFFFFC000  }
0x3c8: {  	_ =	swait.ge [sflag:s0], $0x4000  }
0x3c9: {  	[sflag:s0] =	ssyncset.done $0x0  }
0x3ca: {  	[sflag:s0] =	ssyncadd.s32 $0xFFFFC000  }
0x3cb: {  	_ =	swait.ge [sflag:s0], $0x4000  }
0x3cc: {  	[sflag:s0] =	ssyncset.done $0x0  }
0x3cd: {  	[sflag:s0] =	ssyncadd.s32 $0xFFFFC000  }
0x3ce: {  	[bflag:$0x0] =	sbarrier.arrive $0xFFFF  }
0x3cf: {  	(v2sf) =	vpush v2, $0x5  }
0x3d0: {  	(v2sf) =	vpush v3, $0x5;
	_ =	sdelay $0xd  }
0x3d1: {  	s11 =	spop (v2sf)  }
0x3d2: {  	s12 =	spop (v2sf)  }
0x3d3: {  	s10 =	ssub.s32 s12, s11  }
0x3d4: {  	s10 =	sadd.s32 $0xF, s10  }
0x3d5: {  	s13 =	sshra.s32 s10, $0x4  }
0x3d6: {  	s10 =	sadd.s32 $0x2007, s13  }
0x3d7: {  	s10 =	sshra.s32 s10, $0xD  }
0x3d8: {  	p2 =	slt.s32 s10, $0x1  }
.Ltmp37:
0x3d9: {  	_ = 	snop;
	(pc) =	sbr.rel @p2 .LBB2_62-.Ltmp37, $1  }
0x3da: {  	_ =	sdelay $0x3  }
0x3db: {  	s14 =	smul.u32 s2, s13;
	_ =	sdelay $0x1  }
0x3dc: {  	s11 =	sadd.s32 s11, s14  }
0x3dd: {  	s13 =	sadd.s32 s13, s11  }
0x3de: {  	p2 =	slt.s32 s13, s12  }
0x3df: {  	s12 =	smov.u32 @p2 s13  }
0x3e0: {  	s14 =	simm.s32 $0x0;
	v4 =	vmov s11;
	s13 =	smov.u32 s11;
	v5 =	vmov s12;
	s12 =	simm.s32 $0x0  }
.LBB2_59:
0x3e1: {  	s15 =	sshll.u32 s14, $0xD  }
0x3e2: {  	s15 =	sadd.s32 s11, s15  }
0x3e3: {  	s15 =	sshrl.u32 s15, $0x3  }
0x3e4: {  	s16 =	sadd.s32 s1, s15  }
0x3e5: {  	[tilespmem:s29], [sflag:$0x2] =	stream.linear.gather [hbm4b:s16+s12], $0x2010, $0x38;
	[tilespmem:$0x1A108] =	vst v63  }
0x3e6: {  	_ =	swait.ge [sflag:s30], $0x2010  }
0x3e7: {  	[sflag:s30] =	ssyncset.done $0x0  }
0x3e8: {  	s15 =	sadd.s32 s5, s15;
	[sflag:s30] =	ssyncadd.s32 $0xFFFFDFF0  }
0x3e9: {  	[tilespmem:s4], [sflag:$0x2] =	stream.linear.gather [hbm4b:s15+s12], $0x2000, $0x38;
	[tilespmem:$0x1A108] =	vst v63  }
0x3ea: {  	_ =	swait.ge [sflag:s30], $0x2000  }
0x3eb: {  	[sflag:s30] =	ssyncset.done $0x0  }
0x3ec: {  	s20 =	simm.s32 $0x14089;
	[sflag:s30] =	ssyncadd.s32 $0xFFFFE000  }
0x3ed: {  	v6 =	vld [tilespmem:s20+$0x0]  }
0x3ee: {  	v7 =	vld [tilespmem:s20+$0xFFFFFFFF];
	_ =	sdelay $0x1  }
0x3ef: {  	s15 =	sand.u32 $0xFFFFFFF8, s13  }
0x3f0: {  	s22 =	sadd.s32 $0x0, s15  }
0x3f1: {  	v8 =	vadd.s32 s22, v1  }
0x3f2: {  	s23 =	sand.u32 $0x70, s12;
	vm1 =	vge.s32 v8, v4;
	vm0 =	vne.s32 v7, v6  }
0x3f3: {  	s16 =	sor.u32 $0x100000, s23;
	vm15 =	vlt.s32 v8, v5;
	vm0 =	vmand vm1, vm0  }
0x3f4: {  	v6 =	vor.u32 s16, v1;
	v7 =	vadd.s32 $0xFFB00000, v7;
	vm0 =	vmand vm15, vm0  }
0x3f5: {  	s18 =	simm.s32 $0x18108;
	v6 =	vsel vm0, v7, v6  }
0x3f6: {  	s20 =	simm.s32 $0x14099;
	[tilespmem:s18+$0x0] =	vst v6  }
0x3f7: {  	v7 =	vld [tilespmem:s20+$0x0]  }
0x3f8: {  	s19 =	simm.s32 $0x10;
	s17 =	simm.s32 $0x20;
	v6 =	vld [tilespmem:s20+$0xFFFFFFFF]  }
.LBB2_60:
0x3f9: {  	p2 =	sne.s32 s17, $0x1FF0;
	_ =	sdelay $0x1  }
0x3fa: {  	s16 =	sadd.s32 s19, s15  }
0x3fb: {  	v8 =	vadd.s32 s16, v1  }
0x3fc: {  	s16 =	sand.u32 $0x70, s19;
	s19 =	smov.u32 s17;
	vm1 =	vge.s32 v8, v4;
	vm0 =	vne.s32 v6, v7  }
0x3fd: {  	s16 =	sor.u32 $0x100000, s16;
	vm0 =	vmand vm1, vm0;
	vm1 =	vlt.s32 v8, v5  }
.Ltmp38:
0x3fe: {  	v7 =	vor.u32 s16, v1;
	v6 =	vadd.s32 $0xFFB00000, v6;
	vm0 =	vmand vm1, vm0;
	(pc) =	sbr.rel @p2 .LBB2_60-.Ltmp38, $4  }
0x3ff: {  	s18 =	sadd.s32 $0x10, s18;
	v6 =	vsel vm0, v6, v7  }
0x400: {  	s20 =	sadd.s32 $0x10, s20;
	[tilespmem:s18+$0x0] =	vst v6  }
0x401: {  	v7 =	vld [tilespmem:s20+$0x0]  }
0x402: {  	s17 =	sadd.s32 $0x10, s17;
	v6 =	vld [tilespmem:s20+$0xFFFFFFFF]  }
0x403: {  	_ =	sdelay $0x1  }
0x404: {  	s15 =	sadd.s32 s19, s15  }
0x405: {  	v8 =	vadd.s32 s15, v1  }
0x406: {  	s22 =	sand.u32 $0x70, s19;
	vm1 =	vge.s32 v8, v4;
	vm0 =	vne.s32 v6, v7  }
0x407: {  	s15 =	sor.u32 $0x100000, s22;
	vm15 =	vlt.s32 v8, v5;
	vm0 =	vmand vm1, vm0  }
0x408: {  	s14 =	sadd.s32 $0x1, s14;
	v7 =	vor.u32 s15, v1;
	v6 =	vadd.s32 $0xFFB00000, v6;
	vm0 =	vmand vm15, vm0  }
0x409: {  	s23 =	sadd.s32 $0x10, s18;
	p2 =	sne.s32 s14, s10;
	v6 =	vsel vm0, v6, v7  }
.Ltmp39:
0x40a: {  	[tilespmem:s23+$0x0] =	vst v6;
	(pc) =	sbr.rel @p2 .LBB2_59-.Ltmp39, $4  }
0x40b: {  	[spmem:s3] =	stream.indirect.scatter.add.f32 [tilespmem:s4], [sflag:$0x2], $0x1, s8, s7, $0xb8;
	[tilespmem:$0x1A108] =	vst v63  }
0x40c: {  	_ =	swait.ge [sflag:s30], $0x2000  }
0x40d: {  	[sflag:s30] =	ssyncset.done $0x0  }
0x40e: {  	s13 =	sadd.s32 $0x2000, s13;
	[sflag:s30] =	ssyncadd.s32 $0xFFFFE000  }
.LBB2_62:
0x40f: {  	s10 =	sshll.u32 s2, $0x6;
	[bflag:$0x0] =	sbarrier.arrive $0xFFFF  }
0x410: {  	s11 =	sshrl.u32 s21, $0x3;
	s10 =	sor.u32 $0x1C02, s10;
	s12 =	rddreg [dreg:$0xf]  }
0x411: {  	[hbm:s12], [sflag:s10] =	dma.local [spmem:s11], $0x2000  }
.Ltmp40:
0x412: {  	_ =	swait.ge [sflag:s30], $0x2000;
	(pc) =	sbr.rel @p0 .LBB2_69-.Ltmp40, $3  }
0x413: {  	[sflag:s30] =	ssyncset.done $0x0  }
0x414: {  	[sflag:s30] =	ssyncadd.s32 $0xFFFFE000  }
0x415: {  	[bflag:$0x0] =	sbarrier.arrive $0xFFFF;
	_ =	sdelay $0x1  }
.LBB2_63:
0x416: {  	[spmem:s21] =	stream.linear.scatter [tilespmem:s31], [sflag:$0x1], $0x4000, $0x38;
	[tilespmem:$0x1A108] =	vst v63  }
0x417: {  	_ = 	snop  }
0x418: {  	[spmem:s25] =	stream.linear.scatter [tilespmem:s31], [sflag:$0x1], $0x4000, $0x38;
	[tilespmem:$0x1A108] =	vst v63  }
0x419: {  	_ = 	snop  }
0x41a: {  	[spmem:s26] =	stream.linear.scatter [tilespmem:s31], [sflag:$0x1], $0x4000, $0x38;
	[tilespmem:$0x1A108] =	vst v63  }
0x41b: {  	_ = 	snop  }
0x41c: {  	[spmem:s28] =	stream.linear.scatter [tilespmem:s31], [sflag:$0x1], $0x4000, $0x38;
	[tilespmem:$0x1A108] =	vst v63  }
0x41d: {  	_ =	swait.ge [sflag:s0], $0x4000  }
0x41e: {  	[sflag:s0] =	ssyncset.done $0x0  }
0x41f: {  	[sflag:s0] =	ssyncadd.s32 $0xFFFFC000  }
0x420: {  	_ =	swait.ge [sflag:s0], $0x4000  }
0x421: {  	[sflag:s0] =	ssyncset.done $0x0  }
0x422: {  	[sflag:s0] =	ssyncadd.s32 $0xFFFFC000  }
0x423: {  	_ =	swait.ge [sflag:s0], $0x4000  }
0x424: {  	[sflag:s0] =	ssyncset.done $0x0  }
0x425: {  	[sflag:s0] =	ssyncadd.s32 $0xFFFFC000  }
0x426: {  	_ =	swait.ge [sflag:s0], $0x4000  }
0x427: {  	[sflag:s0] =	ssyncset.done $0x0  }
0x428: {  	[sflag:s0] =	ssyncadd.s32 $0xFFFFC000  }
0x429: {  	[bflag:$0x0] =	sbarrier.arrive $0xFFFF  }
0x42a: {  	(v2sf) =	vpush v2, $0xD  }
0x42b: {  	(v2sf) =	vpush v3, $0xD;
	_ =	sdelay $0xd  }
0x42c: {  	s11 =	spop (v2sf)  }
0x42d: {  	s12 =	spop (v2sf)  }
0x42e: {  	s10 =	ssub.s32 s12, s11  }
0x42f: {  	s10 =	sadd.s32 $0xF, s10  }
0x430: {  	s13 =	sshra.s32 s10, $0x4  }
0x431: {  	s10 =	sadd.s32 $0x2007, s13  }
0x432: {  	s10 =	sshra.s32 s10, $0xD  }
0x433: {  	p2 =	slt.s32 s10, $0x1  }
.Ltmp41:
0x434: {  	_ = 	snop;
	(pc) =	sbr.rel @p2 .LBB2_68-.Ltmp41, $1  }
0x435: {  	_ =	sdelay $0x3  }
0x436: {  	s14 =	smul.u32 s2, s13;
	_ =	sdelay $0x1  }
0x437: {  	s11 =	sadd.s32 s11, s14  }
0x438: {  	s13 =	sadd.s32 s13, s11  }
0x439: {  	p2 =	slt.s32 s13, s12  }
0x43a: {  	s12 =	smov.u32 @p2 s13  }
0x43b: {  	s14 =	simm.s32 $0x0;
	v4 =	vmov s11;
	s13 =	smov.u32 s11;
	v5 =	vmov s12;
	s12 =	simm.s32 $0x0  }
.LBB2_65:
0x43c: {  	s15 =	sshll.u32 s14, $0xD  }
0x43d: {  	s15 =	sadd.s32 s11, s15  }
0x43e: {  	s15 =	sshrl.u32 s15, $0x3  }
0x43f: {  	s16 =	sadd.s32 s1, s15  }
0x440: {  	[tilespmem:s29], [sflag:$0x2] =	stream.linear.gather [hbm4b:s16+s12], $0x2010, $0x38;
	[tilespmem:$0x1A108] =	vst v63  }
0x441: {  	_ =	swait.ge [sflag:s30], $0x2010  }
0x442: {  	[sflag:s30] =	ssyncset.done $0x0  }
0x443: {  	s15 =	sadd.s32 s5, s15;
	[sflag:s30] =	ssyncadd.s32 $0xFFFFDFF0  }
0x444: {  	[tilespmem:s4], [sflag:$0x2] =	stream.linear.gather [hbm4b:s15+s12], $0x2000, $0x38;
	[tilespmem:$0x1A108] =	vst v63  }
0x445: {  	_ =	swait.ge [sflag:s30], $0x2000  }
0x446: {  	[sflag:s30] =	ssyncset.done $0x0  }
0x447: {  	s20 =	simm.s32 $0x14089;
	[sflag:s30] =	ssyncadd.s32 $0xFFFFE000  }
0x448: {  	v6 =	vld [tilespmem:s20+$0x0]  }
0x449: {  	v7 =	vld [tilespmem:s20+$0xFFFFFFFF];
	_ =	sdelay $0x1  }
0x44a: {  	s15 =	sand.u32 $0xFFFFFFF8, s13  }
0x44b: {  	s22 =	sadd.s32 $0x0, s15  }
0x44c: {  	v8 =	vadd.s32 s22, v1  }
0x44d: {  	s23 =	sand.u32 $0x70, s12;
	vm1 =	vge.s32 v8, v4;
	vm0 =	vne.s32 v7, v6  }
0x44e: {  	s16 =	sor.u32 $0x100000, s23;
	vm15 =	vlt.s32 v8, v5;
	vm0 =	vmand vm1, vm0  }
0x44f: {  	v6 =	vor.u32 s16, v1;
	v7 =	vadd.s32 $0xFF300000, v7;
	vm0 =	vmand vm15, vm0  }
0x450: {  	s18 =	simm.s32 $0x18108;
	v6 =	vsel vm0, v7, v6  }
0x451: {  	s20 =	simm.s32 $0x14099;
	[tilespmem:s18+$0x0] =	vst v6  }
0x452: {  	v7 =	vld [tilespmem:s20+$0x0]  }
0x453: {  	s19 =	simm.s32 $0x10;
	s17 =	simm.s32 $0x20;
	v6 =	vld [tilespmem:s20+$0xFFFFFFFF]  }
.LBB2_66:
0x454: {  	p2 =	sne.s32 s17, $0x1FF0;
	_ =	sdelay $0x1  }
0x455: {  	s16 =	sadd.s32 s19, s15  }
0x456: {  	v8 =	vadd.s32 s16, v1  }
0x457: {  	s16 =	sand.u32 $0x70, s19;
	s19 =	smov.u32 s17;
	vm1 =	vge.s32 v8, v4;
	vm0 =	vne.s32 v6, v7  }
0x458: {  	s16 =	sor.u32 $0x100000, s16;
	vm0 =	vmand vm1, vm0;
	vm1 =	vlt.s32 v8, v5  }
.Ltmp42:
0x459: {  	v7 =	vor.u32 s16, v1;
	v6 =	vadd.s32 $0xFF300000, v6;
	vm0 =	vmand vm1, vm0;
	(pc) =	sbr.rel @p2 .LBB2_66-.Ltmp42, $4  }
0x45a: {  	s18 =	sadd.s32 $0x10, s18;
	v6 =	vsel vm0, v6, v7  }
0x45b: {  	s20 =	sadd.s32 $0x10, s20;
	[tilespmem:s18+$0x0] =	vst v6  }
0x45c: {  	v7 =	vld [tilespmem:s20+$0x0]  }
0x45d: {  	s17 =	sadd.s32 $0x10, s17;
	v6 =	vld [tilespmem:s20+$0xFFFFFFFF]  }
0x45e: {  	_ =	sdelay $0x1  }
0x45f: {  	s15 =	sadd.s32 s19, s15  }
0x460: {  	v8 =	vadd.s32 s15, v1  }
0x461: {  	s22 =	sand.u32 $0x70, s19;
	vm1 =	vge.s32 v8, v4;
	vm0 =	vne.s32 v6, v7  }
0x462: {  	s15 =	sor.u32 $0x100000, s22;
	vm15 =	vlt.s32 v8, v5;
	vm0 =	vmand vm1, vm0  }
0x463: {  	s14 =	sadd.s32 $0x1, s14;
	v7 =	vor.u32 s15, v1;
	v6 =	vadd.s32 $0xFF300000, v6;
	vm0 =	vmand vm15, vm0  }
0x464: {  	s23 =	sadd.s32 $0x10, s18;
	p2 =	sne.s32 s14, s10;
	v6 =	vsel vm0, v6, v7  }
.Ltmp43:
0x465: {  	[tilespmem:s23+$0x0] =	vst v6;
	(pc) =	sbr.rel @p2 .LBB2_65-.Ltmp43, $4  }
0x466: {  	[spmem:s3] =	stream.indirect.scatter.add.f32 [tilespmem:s4], [sflag:$0x2], $0x1, s8, s7, $0xb8;
	[tilespmem:$0x1A108] =	vst v63  }
0x467: {  	_ =	swait.ge [sflag:s30], $0x2000  }
0x468: {  	[sflag:s30] =	ssyncset.done $0x0  }
0x469: {  	s13 =	sadd.s32 $0x2000, s13;
	[sflag:s30] =	ssyncadd.s32 $0xFFFFE000  }
.LBB2_68:
0x46a: {  	s10 =	sshll.u32 s2, $0x6;
	[bflag:$0x0] =	sbarrier.arrive $0xFFFF  }
0x46b: {  	s11 =	sshrl.u32 s21, $0x3;
	s10 =	sor.u32 $0x1C02, s10;
	s12 =	rddreg [dreg:$0xe]  }
0x46c: {  	[hbm:s12], [sflag:s10] =	dma.local [spmem:s11], $0x2000  }
.Ltmp44:
0x46d: {  	_ =	swait.ge [sflag:s30], $0x2000;
	(pc) =	sbr.rel @p1 .LBB2_75-.Ltmp44, $3  }
0x46e: {  	[sflag:s30] =	ssyncset.done $0x0  }
0x46f: {  	[sflag:s30] =	ssyncadd.s32 $0xFFFFE000  }
0x470: {  	[bflag:$0x0] =	sbarrier.arrive $0xFFFF;
	_ =	sdelay $0x1  }
.LBB2_69:
0x471: {  	[spmem:s21] =	stream.linear.scatter [tilespmem:s31], [sflag:$0x1], $0x4000, $0x38;
	[tilespmem:$0x1A108] =	vst v63  }
0x472: {  	_ = 	snop  }
0x473: {  	[spmem:s25] =	stream.linear.scatter [tilespmem:s31], [sflag:$0x1], $0x4000, $0x38;
	[tilespmem:$0x1A108] =	vst v63  }
0x474: {  	_ = 	snop  }
0x475: {  	[spmem:s26] =	stream.linear.scatter [tilespmem:s31], [sflag:$0x1], $0x4000, $0x38;
	[tilespmem:$0x1A108] =	vst v63  }
0x476: {  	_ = 	snop  }
0x477: {  	[spmem:s28] =	stream.linear.scatter [tilespmem:s31], [sflag:$0x1], $0x4000, $0x38;
	[tilespmem:$0x1A108] =	vst v63  }
0x478: {  	_ =	swait.ge [sflag:s0], $0x4000  }
0x479: {  	[sflag:s0] =	ssyncset.done $0x0  }
0x47a: {  	[sflag:s0] =	ssyncadd.s32 $0xFFFFC000  }
0x47b: {  	_ =	swait.ge [sflag:s0], $0x4000  }
0x47c: {  	[sflag:s0] =	ssyncset.done $0x0  }
0x47d: {  	[sflag:s0] =	ssyncadd.s32 $0xFFFFC000  }
0x47e: {  	_ =	swait.ge [sflag:s0], $0x4000  }
0x47f: {  	[sflag:s0] =	ssyncset.done $0x0  }
0x480: {  	[sflag:s0] =	ssyncadd.s32 $0xFFFFC000  }
0x481: {  	_ =	swait.ge [sflag:s0], $0x4000  }
0x482: {  	[sflag:s0] =	ssyncset.done $0x0  }
0x483: {  	[sflag:s0] =	ssyncadd.s32 $0xFFFFC000  }
0x484: {  	[bflag:$0x0] =	sbarrier.arrive $0xFFFF  }
0x485: {  	(v2sf) =	vpush v2, $0x6  }
0x486: {  	(v2sf) =	vpush v3, $0x6;
	_ =	sdelay $0xd  }
0x487: {  	s11 =	spop (v2sf)  }
0x488: {  	s12 =	spop (v2sf)  }
0x489: {  	s10 =	ssub.s32 s12, s11  }
0x48a: {  	s10 =	sadd.s32 $0xF, s10  }
0x48b: {  	s13 =	sshra.s32 s10, $0x4  }
0x48c: {  	s10 =	sadd.s32 $0x2007, s13  }
0x48d: {  	s10 =	sshra.s32 s10, $0xD  }
0x48e: {  	p2 =	slt.s32 s10, $0x1  }
.Ltmp45:
0x48f: {  	_ = 	snop;
	(pc) =	sbr.rel @p2 .LBB2_74-.Ltmp45, $1  }
0x490: {  	_ =	sdelay $0x3  }
0x491: {  	s14 =	smul.u32 s2, s13;
	_ =	sdelay $0x1  }
0x492: {  	s11 =	sadd.s32 s11, s14  }
0x493: {  	s13 =	sadd.s32 s13, s11  }
0x494: {  	p2 =	slt.s32 s13, s12  }
0x495: {  	s12 =	smov.u32 @p2 s13  }
0x496: {  	s14 =	simm.s32 $0x0;
	v4 =	vmov s11;
	s13 =	smov.u32 s11;
	v5 =	vmov s12;
	s12 =	simm.s32 $0x0  }
.LBB2_71:
0x497: {  	s15 =	sshll.u32 s14, $0xD  }
0x498: {  	s15 =	sadd.s32 s11, s15  }
0x499: {  	s15 =	sshrl.u32 s15, $0x3  }
0x49a: {  	s16 =	sadd.s32 s1, s15  }
0x49b: {  	[tilespmem:s29], [sflag:$0x2] =	stream.linear.gather [hbm4b:s16+s12], $0x2010, $0x38;
	[tilespmem:$0x1A108] =	vst v63  }
0x49c: {  	_ =	swait.ge [sflag:s30], $0x2010  }
0x49d: {  	[sflag:s30] =	ssyncset.done $0x0  }
0x49e: {  	s15 =	sadd.s32 s5, s15;
	[sflag:s30] =	ssyncadd.s32 $0xFFFFDFF0  }
0x49f: {  	[tilespmem:s4], [sflag:$0x2] =	stream.linear.gather [hbm4b:s15+s12], $0x2000, $0x38;
	[tilespmem:$0x1A108] =	vst v63  }
0x4a0: {  	_ =	swait.ge [sflag:s30], $0x2000  }
0x4a1: {  	[sflag:s30] =	ssyncset.done $0x0  }
0x4a2: {  	s20 =	simm.s32 $0x14089;
	[sflag:s30] =	ssyncadd.s32 $0xFFFFE000  }
0x4a3: {  	v6 =	vld [tilespmem:s20+$0x0]  }
0x4a4: {  	v7 =	vld [tilespmem:s20+$0xFFFFFFFF];
	_ =	sdelay $0x1  }
0x4a5: {  	s15 =	sand.u32 $0xFFFFFFF8, s13  }
0x4a6: {  	s22 =	sadd.s32 $0x0, s15  }
0x4a7: {  	v8 =	vadd.s32 s22, v1  }
0x4a8: {  	s23 =	sand.u32 $0x70, s12;
	vm1 =	vge.s32 v8, v4;
	vm0 =	vne.s32 v7, v6  }
0x4a9: {  	s16 =	sor.u32 $0x100000, s23;
	vm15 =	vlt.s32 v8, v5;
	vm0 =	vmand vm1, vm0  }
0x4aa: {  	v6 =	vor.u32 s16, v1;
	v7 =	vadd.s32 $0xFFA00000, v7;
	vm0 =	vmand vm15, vm0  }
0x4ab: {  	s18 =	simm.s32 $0x18108;
	v6 =	vsel vm0, v7, v6  }
0x4ac: {  	s20 =	simm.s32 $0x14099;
	[tilespmem:s18+$0x0] =	vst v6  }
0x4ad: {  	v7 =	vld [tilespmem:s20+$0x0]  }
0x4ae: {  	s19 =	simm.s32 $0x10;
	s17 =	simm.s32 $0x20;
	v6 =	vld [tilespmem:s20+$0xFFFFFFFF]  }
.LBB2_72:
0x4af: {  	p2 =	sne.s32 s17, $0x1FF0;
	_ =	sdelay $0x1  }
0x4b0: {  	s16 =	sadd.s32 s19, s15  }
0x4b1: {  	v8 =	vadd.s32 s16, v1  }
0x4b2: {  	s16 =	sand.u32 $0x70, s19;
	s19 =	smov.u32 s17;
	vm1 =	vge.s32 v8, v4;
	vm0 =	vne.s32 v6, v7  }
0x4b3: {  	s16 =	sor.u32 $0x100000, s16;
	vm0 =	vmand vm1, vm0;
	vm1 =	vlt.s32 v8, v5  }
.Ltmp46:
0x4b4: {  	v7 =	vor.u32 s16, v1;
	v6 =	vadd.s32 $0xFFA00000, v6;
	vm0 =	vmand vm1, vm0;
	(pc) =	sbr.rel @p2 .LBB2_72-.Ltmp46, $4  }
0x4b5: {  	s18 =	sadd.s32 $0x10, s18;
	v6 =	vsel vm0, v6, v7  }
0x4b6: {  	s20 =	sadd.s32 $0x10, s20;
	[tilespmem:s18+$0x0] =	vst v6  }
0x4b7: {  	v7 =	vld [tilespmem:s20+$0x0]  }
0x4b8: {  	s17 =	sadd.s32 $0x10, s17;
	v6 =	vld [tilespmem:s20+$0xFFFFFFFF]  }
0x4b9: {  	_ =	sdelay $0x1  }
0x4ba: {  	s15 =	sadd.s32 s19, s15  }
0x4bb: {  	v8 =	vadd.s32 s15, v1  }
0x4bc: {  	s22 =	sand.u32 $0x70, s19;
	vm1 =	vge.s32 v8, v4;
	vm0 =	vne.s32 v6, v7  }
0x4bd: {  	s15 =	sor.u32 $0x100000, s22;
	vm15 =	vlt.s32 v8, v5;
	vm0 =	vmand vm1, vm0  }
0x4be: {  	s14 =	sadd.s32 $0x1, s14;
	v7 =	vor.u32 s15, v1;
	v6 =	vadd.s32 $0xFFA00000, v6;
	vm0 =	vmand vm15, vm0  }
0x4bf: {  	s23 =	sadd.s32 $0x10, s18;
	p2 =	sne.s32 s14, s10;
	v6 =	vsel vm0, v6, v7  }
.Ltmp47:
0x4c0: {  	[tilespmem:s23+$0x0] =	vst v6;
	(pc) =	sbr.rel @p2 .LBB2_71-.Ltmp47, $4  }
0x4c1: {  	[spmem:s3] =	stream.indirect.scatter.add.f32 [tilespmem:s4], [sflag:$0x2], $0x1, s8, s7, $0xb8;
	[tilespmem:$0x1A108] =	vst v63  }
0x4c2: {  	_ =	swait.ge [sflag:s30], $0x2000  }
0x4c3: {  	[sflag:s30] =	ssyncset.done $0x0  }
0x4c4: {  	s13 =	sadd.s32 $0x2000, s13;
	[sflag:s30] =	ssyncadd.s32 $0xFFFFE000  }
.LBB2_74:
0x4c5: {  	s10 =	sshll.u32 s2, $0x6;
	[bflag:$0x0] =	sbarrier.arrive $0xFFFF  }
0x4c6: {  	s11 =	sshrl.u32 s21, $0x3;
	s10 =	sor.u32 $0x1C02, s10;
	s12 =	rddreg [dreg:$0x10]  }
0x4c7: {  	[hbm:s12], [sflag:s10] =	dma.local [spmem:s11], $0x2000  }
.Ltmp48:
0x4c8: {  	_ =	swait.ge [sflag:s30], $0x2000;
	(pc) =	sbr.rel @p0 .LBB2_81-.Ltmp48, $3  }
0x4c9: {  	[sflag:s30] =	ssyncset.done $0x0  }
0x4ca: {  	[sflag:s30] =	ssyncadd.s32 $0xFFFFE000  }
0x4cb: {  	[bflag:$0x0] =	sbarrier.arrive $0xFFFF;
	_ =	sdelay $0x1  }
.LBB2_75:
0x4cc: {  	[spmem:s21] =	stream.linear.scatter [tilespmem:s31], [sflag:$0x1], $0x4000, $0x38;
	[tilespmem:$0x1A108] =	vst v63  }
0x4cd: {  	_ = 	snop  }
0x4ce: {  	[spmem:s25] =	stream.linear.scatter [tilespmem:s31], [sflag:$0x1], $0x4000, $0x38;
	[tilespmem:$0x1A108] =	vst v63  }
0x4cf: {  	_ = 	snop  }
0x4d0: {  	[spmem:s26] =	stream.linear.scatter [tilespmem:s31], [sflag:$0x1], $0x4000, $0x38;
	[tilespmem:$0x1A108] =	vst v63  }
0x4d1: {  	_ = 	snop  }
0x4d2: {  	[spmem:s28] =	stream.linear.scatter [tilespmem:s31], [sflag:$0x1], $0x4000, $0x38;
	[tilespmem:$0x1A108] =	vst v63  }
0x4d3: {  	_ =	swait.ge [sflag:s0], $0x4000  }
0x4d4: {  	[sflag:s0] =	ssyncset.done $0x0  }
0x4d5: {  	[sflag:s0] =	ssyncadd.s32 $0xFFFFC000  }
0x4d6: {  	_ =	swait.ge [sflag:s0], $0x4000  }
0x4d7: {  	[sflag:s0] =	ssyncset.done $0x0  }
0x4d8: {  	[sflag:s0] =	ssyncadd.s32 $0xFFFFC000  }
0x4d9: {  	_ =	swait.ge [sflag:s0], $0x4000  }
0x4da: {  	[sflag:s0] =	ssyncset.done $0x0  }
0x4db: {  	[sflag:s0] =	ssyncadd.s32 $0xFFFFC000  }
0x4dc: {  	_ =	swait.ge [sflag:s0], $0x4000  }
0x4dd: {  	[sflag:s0] =	ssyncset.done $0x0  }
0x4de: {  	[sflag:s0] =	ssyncadd.s32 $0xFFFFC000  }
0x4df: {  	[bflag:$0x0] =	sbarrier.arrive $0xFFFF  }
0x4e0: {  	(v2sf) =	vpush v2, $0xE  }
0x4e1: {  	(v2sf) =	vpush v3, $0xE;
	_ =	sdelay $0xd  }
0x4e2: {  	s11 =	spop (v2sf)  }
0x4e3: {  	s12 =	spop (v2sf)  }
0x4e4: {  	s10 =	ssub.s32 s12, s11  }
0x4e5: {  	s10 =	sadd.s32 $0xF, s10  }
0x4e6: {  	s13 =	sshra.s32 s10, $0x4  }
0x4e7: {  	s10 =	sadd.s32 $0x2007, s13  }
0x4e8: {  	s10 =	sshra.s32 s10, $0xD  }
0x4e9: {  	p2 =	slt.s32 s10, $0x1  }
.Ltmp49:
0x4ea: {  	_ = 	snop;
	(pc) =	sbr.rel @p2 .LBB2_80-.Ltmp49, $1  }
0x4eb: {  	_ =	sdelay $0x3  }
0x4ec: {  	s14 =	smul.u32 s2, s13;
	_ =	sdelay $0x1  }
0x4ed: {  	s11 =	sadd.s32 s11, s14  }
0x4ee: {  	s13 =	sadd.s32 s13, s11  }
0x4ef: {  	p2 =	slt.s32 s13, s12  }
0x4f0: {  	s12 =	smov.u32 @p2 s13  }
0x4f1: {  	s14 =	simm.s32 $0x0;
	v4 =	vmov s11;
	s13 =	smov.u32 s11;
	v5 =	vmov s12;
	s12 =	simm.s32 $0x0  }
.LBB2_77:
0x4f2: {  	s15 =	sshll.u32 s14, $0xD  }
0x4f3: {  	s15 =	sadd.s32 s11, s15  }
0x4f4: {  	s15 =	sshrl.u32 s15, $0x3  }
0x4f5: {  	s16 =	sadd.s32 s1, s15  }
0x4f6: {  	[tilespmem:s29], [sflag:$0x2] =	stream.linear.gather [hbm4b:s16+s12], $0x2010, $0x38;
	[tilespmem:$0x1A108] =	vst v63  }
0x4f7: {  	_ =	swait.ge [sflag:s30], $0x2010  }
0x4f8: {  	[sflag:s30] =	ssyncset.done $0x0  }
0x4f9: {  	s15 =	sadd.s32 s5, s15;
	[sflag:s30] =	ssyncadd.s32 $0xFFFFDFF0  }
0x4fa: {  	[tilespmem:s4], [sflag:$0x2] =	stream.linear.gather [hbm4b:s15+s12], $0x2000, $0x38;
	[tilespmem:$0x1A108] =	vst v63  }
0x4fb: {  	_ =	swait.ge [sflag:s30], $0x2000  }
0x4fc: {  	[sflag:s30] =	ssyncset.done $0x0  }
0x4fd: {  	s20 =	simm.s32 $0x14089;
	[sflag:s30] =	ssyncadd.s32 $0xFFFFE000  }
0x4fe: {  	v6 =	vld [tilespmem:s20+$0x0]  }
0x4ff: {  	v7 =	vld [tilespmem:s20+$0xFFFFFFFF];
	_ =	sdelay $0x1  }
0x500: {  	s15 =	sand.u32 $0xFFFFFFF8, s13  }
0x501: {  	s22 =	sadd.s32 $0x0, s15  }
0x502: {  	v8 =	vadd.s32 s22, v1  }
0x503: {  	s23 =	sand.u32 $0x70, s12;
	vm1 =	vge.s32 v8, v4;
	vm0 =	vne.s32 v7, v6  }
0x504: {  	s16 =	sor.u32 $0x100000, s23;
	vm15 =	vlt.s32 v8, v5;
	vm0 =	vmand vm1, vm0  }
0x505: {  	v6 =	vor.u32 s16, v1;
	v7 =	vadd.s32 $0xFF200000, v7;
	vm0 =	vmand vm15, vm0  }
0x506: {  	s18 =	simm.s32 $0x18108;
	v6 =	vsel vm0, v7, v6  }
0x507: {  	s20 =	simm.s32 $0x14099;
	[tilespmem:s18+$0x0] =	vst v6  }
0x508: {  	v7 =	vld [tilespmem:s20+$0x0]  }
0x509: {  	s19 =	simm.s32 $0x10;
	s17 =	simm.s32 $0x20;
	v6 =	vld [tilespmem:s20+$0xFFFFFFFF]  }
.LBB2_78:
0x50a: {  	p2 =	sne.s32 s17, $0x1FF0;
	_ =	sdelay $0x1  }
0x50b: {  	s16 =	sadd.s32 s19, s15  }
0x50c: {  	v8 =	vadd.s32 s16, v1  }
0x50d: {  	s16 =	sand.u32 $0x70, s19;
	s19 =	smov.u32 s17;
	vm1 =	vge.s32 v8, v4;
	vm0 =	vne.s32 v6, v7  }
0x50e: {  	s16 =	sor.u32 $0x100000, s16;
	vm0 =	vmand vm1, vm0;
	vm1 =	vlt.s32 v8, v5  }
.Ltmp50:
0x50f: {  	v7 =	vor.u32 s16, v1;
	v6 =	vadd.s32 $0xFF200000, v6;
	vm0 =	vmand vm1, vm0;
	(pc) =	sbr.rel @p2 .LBB2_78-.Ltmp50, $4  }
0x510: {  	s18 =	sadd.s32 $0x10, s18;
	v6 =	vsel vm0, v6, v7  }
0x511: {  	s20 =	sadd.s32 $0x10, s20;
	[tilespmem:s18+$0x0] =	vst v6  }
0x512: {  	v7 =	vld [tilespmem:s20+$0x0]  }
0x513: {  	s17 =	sadd.s32 $0x10, s17;
	v6 =	vld [tilespmem:s20+$0xFFFFFFFF]  }
0x514: {  	_ =	sdelay $0x1  }
0x515: {  	s15 =	sadd.s32 s19, s15  }
0x516: {  	v8 =	vadd.s32 s15, v1  }
0x517: {  	s22 =	sand.u32 $0x70, s19;
	vm1 =	vge.s32 v8, v4;
	vm0 =	vne.s32 v6, v7  }
0x518: {  	s15 =	sor.u32 $0x100000, s22;
	vm15 =	vlt.s32 v8, v5;
	vm0 =	vmand vm1, vm0  }
0x519: {  	s14 =	sadd.s32 $0x1, s14;
	v7 =	vor.u32 s15, v1;
	v6 =	vadd.s32 $0xFF200000, v6;
	vm0 =	vmand vm15, vm0  }
0x51a: {  	s23 =	sadd.s32 $0x10, s18;
	p2 =	sne.s32 s14, s10;
	v6 =	vsel vm0, v6, v7  }
.Ltmp51:
0x51b: {  	[tilespmem:s23+$0x0] =	vst v6;
	(pc) =	sbr.rel @p2 .LBB2_77-.Ltmp51, $4  }
0x51c: {  	[spmem:s3] =	stream.indirect.scatter.add.f32 [tilespmem:s4], [sflag:$0x2], $0x1, s8, s7, $0xb8;
	[tilespmem:$0x1A108] =	vst v63  }
0x51d: {  	_ =	swait.ge [sflag:s30], $0x2000  }
0x51e: {  	[sflag:s30] =	ssyncset.done $0x0  }
0x51f: {  	s13 =	sadd.s32 $0x2000, s13;
	[sflag:s30] =	ssyncadd.s32 $0xFFFFE000  }
.LBB2_80:
0x520: {  	s10 =	sshll.u32 s2, $0x6;
	[bflag:$0x0] =	sbarrier.arrive $0xFFFF  }
0x521: {  	s11 =	sshrl.u32 s21, $0x3;
	s10 =	sor.u32 $0x1C02, s10;
	s12 =	rddreg [dreg:$0x11]  }
0x522: {  	[hbm:s12], [sflag:s10] =	dma.local [spmem:s11], $0x2000  }
.Ltmp52:
0x523: {  	_ =	swait.ge [sflag:s30], $0x2000;
	(pc) =	sbr.rel @p1 .LBB2_87-.Ltmp52, $3  }
0x524: {  	[sflag:s30] =	ssyncset.done $0x0  }
0x525: {  	[sflag:s30] =	ssyncadd.s32 $0xFFFFE000  }
0x526: {  	[bflag:$0x0] =	sbarrier.arrive $0xFFFF;
	_ =	sdelay $0x1  }
.LBB2_81:
0x527: {  	[spmem:s21] =	stream.linear.scatter [tilespmem:s31], [sflag:$0x1], $0x4000, $0x38;
	[tilespmem:$0x1A108] =	vst v63  }
0x528: {  	_ = 	snop  }
0x529: {  	[spmem:s25] =	stream.linear.scatter [tilespmem:s31], [sflag:$0x1], $0x4000, $0x38;
	[tilespmem:$0x1A108] =	vst v63  }
0x52a: {  	_ = 	snop  }
0x52b: {  	[spmem:s26] =	stream.linear.scatter [tilespmem:s31], [sflag:$0x1], $0x4000, $0x38;
	[tilespmem:$0x1A108] =	vst v63  }
0x52c: {  	_ = 	snop  }
0x52d: {  	[spmem:s28] =	stream.linear.scatter [tilespmem:s31], [sflag:$0x1], $0x4000, $0x38;
	[tilespmem:$0x1A108] =	vst v63  }
0x52e: {  	_ =	swait.ge [sflag:s0], $0x4000  }
0x52f: {  	[sflag:s0] =	ssyncset.done $0x0  }
0x530: {  	[sflag:s0] =	ssyncadd.s32 $0xFFFFC000  }
0x531: {  	_ =	swait.ge [sflag:s0], $0x4000  }
0x532: {  	[sflag:s0] =	ssyncset.done $0x0  }
0x533: {  	[sflag:s0] =	ssyncadd.s32 $0xFFFFC000  }
0x534: {  	_ =	swait.ge [sflag:s0], $0x4000  }
0x535: {  	[sflag:s0] =	ssyncset.done $0x0  }
0x536: {  	[sflag:s0] =	ssyncadd.s32 $0xFFFFC000  }
0x537: {  	_ =	swait.ge [sflag:s0], $0x4000  }
0x538: {  	[sflag:s0] =	ssyncset.done $0x0  }
0x539: {  	[sflag:s0] =	ssyncadd.s32 $0xFFFFC000  }
0x53a: {  	[bflag:$0x0] =	sbarrier.arrive $0xFFFF  }
0x53b: {  	(v2sf) =	vpush v2, $0x7  }
0x53c: {  	(v2sf) =	vpush v3, $0x7;
	_ =	sdelay $0xd  }
0x53d: {  	s11 =	spop (v2sf)  }
0x53e: {  	s12 =	spop (v2sf)  }
0x53f: {  	s10 =	ssub.s32 s12, s11  }
0x540: {  	s10 =	sadd.s32 $0xF, s10  }
0x541: {  	s13 =	sshra.s32 s10, $0x4  }
0x542: {  	s10 =	sadd.s32 $0x2007, s13  }
0x543: {  	s10 =	sshra.s32 s10, $0xD  }
0x544: {  	p2 =	slt.s32 s10, $0x1  }
.Ltmp53:
0x545: {  	_ = 	snop;
	(pc) =	sbr.rel @p2 .LBB2_86-.Ltmp53, $1  }
0x546: {  	_ =	sdelay $0x3  }
0x547: {  	s14 =	smul.u32 s2, s13;
	_ =	sdelay $0x1  }
0x548: {  	s11 =	sadd.s32 s11, s14  }
0x549: {  	s13 =	sadd.s32 s13, s11  }
0x54a: {  	p2 =	slt.s32 s13, s12  }
0x54b: {  	s12 =	smov.u32 @p2 s13  }
0x54c: {  	s14 =	simm.s32 $0x0;
	v4 =	vmov s11;
	s13 =	smov.u32 s11;
	v5 =	vmov s12;
	s12 =	simm.s32 $0x0  }
.LBB2_83:
0x54d: {  	s15 =	sshll.u32 s14, $0xD  }
0x54e: {  	s15 =	sadd.s32 s11, s15  }
0x54f: {  	s15 =	sshrl.u32 s15, $0x3  }
0x550: {  	s16 =	sadd.s32 s1, s15  }
0x551: {  	[tilespmem:s29], [sflag:$0x2] =	stream.linear.gather [hbm4b:s16+s12], $0x2010, $0x38;
	[tilespmem:$0x1A108] =	vst v63  }
0x552: {  	_ =	swait.ge [sflag:s30], $0x2010  }
0x553: {  	[sflag:s30] =	ssyncset.done $0x0  }
0x554: {  	s15 =	sadd.s32 s5, s15;
	[sflag:s30] =	ssyncadd.s32 $0xFFFFDFF0  }
0x555: {  	[tilespmem:s4], [sflag:$0x2] =	stream.linear.gather [hbm4b:s15+s12], $0x2000, $0x38;
	[tilespmem:$0x1A108] =	vst v63  }
0x556: {  	_ =	swait.ge [sflag:s30], $0x2000  }
0x557: {  	[sflag:s30] =	ssyncset.done $0x0  }
0x558: {  	s20 =	simm.s32 $0x14089;
	[sflag:s30] =	ssyncadd.s32 $0xFFFFE000  }
0x559: {  	v6 =	vld [tilespmem:s20+$0x0]  }
0x55a: {  	v7 =	vld [tilespmem:s20+$0xFFFFFFFF];
	_ =	sdelay $0x1  }
0x55b: {  	s15 =	sand.u32 $0xFFFFFFF8, s13  }
0x55c: {  	s22 =	sadd.s32 $0x0, s15  }
0x55d: {  	v8 =	vadd.s32 s22, v1  }
0x55e: {  	s23 =	sand.u32 $0x70, s12;
	vm1 =	vge.s32 v8, v4;
	vm0 =	vne.s32 v7, v6  }
0x55f: {  	s16 =	sor.u32 $0x100000, s23;
	vm15 =	vlt.s32 v8, v5;
	vm0 =	vmand vm1, vm0  }
0x560: {  	v6 =	vor.u32 s16, v1;
	v7 =	vadd.s32 $0xFF900000, v7;
	vm0 =	vmand vm15, vm0  }
0x561: {  	s18 =	simm.s32 $0x18108;
	v6 =	vsel vm0, v7, v6  }
0x562: {  	s20 =	simm.s32 $0x14099;
	[tilespmem:s18+$0x0] =	vst v6  }
0x563: {  	v7 =	vld [tilespmem:s20+$0x0]  }
0x564: {  	s19 =	simm.s32 $0x10;
	s17 =	simm.s32 $0x20;
	v6 =	vld [tilespmem:s20+$0xFFFFFFFF]  }
.LBB2_84:
0x565: {  	p2 =	sne.s32 s17, $0x1FF0;
	_ =	sdelay $0x1  }
0x566: {  	s16 =	sadd.s32 s19, s15  }
0x567: {  	v8 =	vadd.s32 s16, v1  }
0x568: {  	s16 =	sand.u32 $0x70, s19;
	s19 =	smov.u32 s17;
	vm1 =	vge.s32 v8, v4;
	vm0 =	vne.s32 v6, v7  }
0x569: {  	s16 =	sor.u32 $0x100000, s16;
	vm0 =	vmand vm1, vm0;
	vm1 =	vlt.s32 v8, v5  }
.Ltmp54:
0x56a: {  	v7 =	vor.u32 s16, v1;
	v6 =	vadd.s32 $0xFF900000, v6;
	vm0 =	vmand vm1, vm0;
	(pc) =	sbr.rel @p2 .LBB2_84-.Ltmp54, $4  }
0x56b: {  	s18 =	sadd.s32 $0x10, s18;
	v6 =	vsel vm0, v6, v7  }
0x56c: {  	s20 =	sadd.s32 $0x10, s20;
	[tilespmem:s18+$0x0] =	vst v6  }
0x56d: {  	v7 =	vld [tilespmem:s20+$0x0]  }
0x56e: {  	s17 =	sadd.s32 $0x10, s17;
	v6 =	vld [tilespmem:s20+$0xFFFFFFFF]  }
0x56f: {  	_ =	sdelay $0x1  }
0x570: {  	s15 =	sadd.s32 s19, s15  }
0x571: {  	v8 =	vadd.s32 s15, v1  }
0x572: {  	s22 =	sand.u32 $0x70, s19;
	vm1 =	vge.s32 v8, v4;
	vm0 =	vne.s32 v6, v7  }
0x573: {  	s15 =	sor.u32 $0x100000, s22;
	vm15 =	vlt.s32 v8, v5;
	vm0 =	vmand vm1, vm0  }
0x574: {  	s14 =	sadd.s32 $0x1, s14;
	v7 =	vor.u32 s15, v1;
	v6 =	vadd.s32 $0xFF900000, v6;
	vm0 =	vmand vm15, vm0  }
0x575: {  	s23 =	sadd.s32 $0x10, s18;
	p2 =	sne.s32 s14, s10;
	v6 =	vsel vm0, v6, v7  }
.Ltmp55:
0x576: {  	[tilespmem:s23+$0x0] =	vst v6;
	(pc) =	sbr.rel @p2 .LBB2_83-.Ltmp55, $4  }
0x577: {  	[spmem:s3] =	stream.indirect.scatter.add.f32 [tilespmem:s4], [sflag:$0x2], $0x1, s8, s7, $0xb8;
	[tilespmem:$0x1A108] =	vst v63  }
0x578: {  	_ =	swait.ge [sflag:s30], $0x2000  }
0x579: {  	[sflag:s30] =	ssyncset.done $0x0  }
0x57a: {  	s13 =	sadd.s32 $0x2000, s13;
	[sflag:s30] =	ssyncadd.s32 $0xFFFFE000  }
.LBB2_86:
0x57b: {  	s10 =	sshll.u32 s2, $0x6;
	[bflag:$0x0] =	sbarrier.arrive $0xFFFF  }
0x57c: {  	s11 =	sshrl.u32 s21, $0x3;
	s10 =	sor.u32 $0x1C02, s10;
	s12 =	rddreg [dreg:$0x12]  }
0x57d: {  	[hbm:s12], [sflag:s10] =	dma.local [spmem:s11], $0x2000  }
.Ltmp56:
0x57e: {  	_ =	swait.ge [sflag:s30], $0x2000;
	(pc) =	sbr.rel @p0 .LBB2_93-.Ltmp56, $3  }
0x57f: {  	[sflag:s30] =	ssyncset.done $0x0  }
0x580: {  	[sflag:s30] =	ssyncadd.s32 $0xFFFFE000  }
0x581: {  	[bflag:$0x0] =	sbarrier.arrive $0xFFFF;
	_ =	sdelay $0x1  }
.LBB2_87:
0x582: {  	[spmem:s21] =	stream.linear.scatter [tilespmem:s31], [sflag:$0x1], $0x4000, $0x38;
	[tilespmem:$0x1A108] =	vst v63  }
0x583: {  	_ = 	snop  }
0x584: {  	[spmem:s25] =	stream.linear.scatter [tilespmem:s31], [sflag:$0x1], $0x4000, $0x38;
	[tilespmem:$0x1A108] =	vst v63  }
0x585: {  	_ = 	snop  }
0x586: {  	[spmem:s26] =	stream.linear.scatter [tilespmem:s31], [sflag:$0x1], $0x4000, $0x38;
	[tilespmem:$0x1A108] =	vst v63  }
0x587: {  	_ = 	snop  }
0x588: {  	[spmem:s28] =	stream.linear.scatter [tilespmem:s31], [sflag:$0x1], $0x4000, $0x38;
	[tilespmem:$0x1A108] =	vst v63  }
0x589: {  	_ =	swait.ge [sflag:s0], $0x4000  }
0x58a: {  	[sflag:s0] =	ssyncset.done $0x0  }
0x58b: {  	[sflag:s0] =	ssyncadd.s32 $0xFFFFC000  }
0x58c: {  	_ =	swait.ge [sflag:s0], $0x4000  }
0x58d: {  	[sflag:s0] =	ssyncset.done $0x0  }
0x58e: {  	[sflag:s0] =	ssyncadd.s32 $0xFFFFC000  }
0x58f: {  	_ =	swait.ge [sflag:s0], $0x4000  }
0x590: {  	[sflag:s0] =	ssyncset.done $0x0  }
0x591: {  	[sflag:s0] =	ssyncadd.s32 $0xFFFFC000  }
0x592: {  	_ =	swait.ge [sflag:s0], $0x4000  }
0x593: {  	[sflag:s0] =	ssyncset.done $0x0  }
0x594: {  	[sflag:s0] =	ssyncadd.s32 $0xFFFFC000  }
0x595: {  	[bflag:$0x0] =	sbarrier.arrive $0xFFFF  }
0x596: {  	(v2sf) =	vpush v2, $0xF  }
0x597: {  	(v2sf) =	vpush v3, $0xF;
	_ =	sdelay $0xd  }
0x598: {  	s11 =	spop (v2sf)  }
0x599: {  	s12 =	spop (v2sf)  }
0x59a: {  	s10 =	ssub.s32 s12, s11  }
0x59b: {  	s10 =	sadd.s32 $0xF, s10  }
0x59c: {  	s13 =	sshra.s32 s10, $0x4  }
0x59d: {  	s10 =	sadd.s32 $0x2007, s13  }
0x59e: {  	s10 =	sshra.s32 s10, $0xD  }
0x59f: {  	p2 =	slt.s32 s10, $0x1  }
.Ltmp57:
0x5a0: {  	_ = 	snop;
	(pc) =	sbr.rel @p2 .LBB2_92-.Ltmp57, $1  }
0x5a1: {  	_ =	sdelay $0x3  }
0x5a2: {  	s14 =	smul.u32 s2, s13;
	_ =	sdelay $0x1  }
0x5a3: {  	s11 =	sadd.s32 s11, s14  }
0x5a4: {  	s13 =	sadd.s32 s13, s11  }
0x5a5: {  	p2 =	slt.s32 s13, s12  }
0x5a6: {  	s12 =	smov.u32 @p2 s13  }
0x5a7: {  	s14 =	simm.s32 $0x0;
	v2 =	vmov s11;
	s13 =	smov.u32 s11;
	v3 =	vmov s12;
	s12 =	simm.s32 $0x0  }
.LBB2_89:
0x5a8: {  	s15 =	sshll.u32 s14, $0xD  }
0x5a9: {  	s15 =	sadd.s32 s11, s15  }
0x5aa: {  	s15 =	sshrl.u32 s15, $0x3  }
0x5ab: {  	s16 =	sadd.s32 s1, s15  }
0x5ac: {  	[tilespmem:s29], [sflag:$0x2] =	stream.linear.gather [hbm4b:s16+s12], $0x2010, $0x38;
	[tilespmem:$0x1A108] =	vst v63  }
0x5ad: {  	_ =	swait.ge [sflag:s30], $0x2010  }
0x5ae: {  	[sflag:s30] =	ssyncset.done $0x0  }
0x5af: {  	s15 =	sadd.s32 s5, s15;
	[sflag:s30] =	ssyncadd.s32 $0xFFFFDFF0  }
0x5b0: {  	[tilespmem:s4], [sflag:$0x2] =	stream.linear.gather [hbm4b:s15+s12], $0x2000, $0x38;
	[tilespmem:$0x1A108] =	vst v63  }
0x5b1: {  	_ =	swait.ge [sflag:s30], $0x2000  }
0x5b2: {  	[sflag:s30] =	ssyncset.done $0x0  }
0x5b3: {  	s20 =	simm.s32 $0x14089;
	[sflag:s30] =	ssyncadd.s32 $0xFFFFE000  }
0x5b4: {  	v4 =	vld [tilespmem:s20+$0x0]  }
0x5b5: {  	v5 =	vld [tilespmem:s20+$0xFFFFFFFF];
	_ =	sdelay $0x1  }
0x5b6: {  	s15 =	sand.u32 $0xFFFFFFF8, s13  }
0x5b7: {  	s22 =	sadd.s32 $0x0, s15  }
0x5b8: {  	v6 =	vadd.s32 s22, v1  }
0x5b9: {  	s23 =	sand.u32 $0x70, s12;
	vm1 =	vge.s32 v6, v2;
	vm0 =	vne.s32 v5, v4  }
0x5ba: {  	s16 =	sor.u32 $0x100000, s23;
	vm15 =	vlt.s32 v6, v3;
	vm0 =	vmand vm1, vm0  }
0x5bb: {  	v4 =	vor.u32 s16, v1;
	v5 =	vadd.s32 $0xFF100000, v5;
	vm0 =	vmand vm15, vm0  }
0x5bc: {  	s18 =	simm.s32 $0x18108;
	v4 =	vsel vm0, v5, v4  }
0x5bd: {  	s20 =	simm.s32 $0x14099;
	[tilespmem:s18+$0x0] =	vst v4  }
0x5be: {  	v5 =	vld [tilespmem:s20+$0x0]  }
0x5bf: {  	s19 =	simm.s32 $0x10;
	s17 =	simm.s32 $0x20;
	v4 =	vld [tilespmem:s20+$0xFFFFFFFF]  }
.LBB2_90:
0x5c0: {  	p2 =	sne.s32 s17, $0x1FF0;
	_ =	sdelay $0x1  }
0x5c1: {  	s16 =	sadd.s32 s19, s15  }
0x5c2: {  	v6 =	vadd.s32 s16, v1  }
0x5c3: {  	s16 =	sand.u32 $0x70, s19;
	s19 =	smov.u32 s17;
	vm1 =	vge.s32 v6, v2;
	vm0 =	vne.s32 v4, v5  }
0x5c4: {  	s16 =	sor.u32 $0x100000, s16;
	vm0 =	vmand vm1, vm0;
	vm1 =	vlt.s32 v6, v3  }
.Ltmp58:
0x5c5: {  	v5 =	vor.u32 s16, v1;
	v4 =	vadd.s32 $0xFF100000, v4;
	vm0 =	vmand vm1, vm0;
	(pc) =	sbr.rel @p2 .LBB2_90-.Ltmp58, $4  }
0x5c6: {  	s18 =	sadd.s32 $0x10, s18;
	v4 =	vsel vm0, v4, v5  }
0x5c7: {  	s20 =	sadd.s32 $0x10, s20;
	[tilespmem:s18+$0x0] =	vst v4  }
0x5c8: {  	v5 =	vld [tilespmem:s20+$0x0]  }
0x5c9: {  	s17 =	sadd.s32 $0x10, s17;
	v4 =	vld [tilespmem:s20+$0xFFFFFFFF]  }
0x5ca: {  	_ =	sdelay $0x1  }
0x5cb: {  	s15 =	sadd.s32 s19, s15  }
0x5cc: {  	v6 =	vadd.s32 s15, v1  }
0x5cd: {  	s22 =	sand.u32 $0x70, s19;
	vm1 =	vge.s32 v6, v2;
	vm0 =	vne.s32 v4, v5  }
0x5ce: {  	s15 =	sor.u32 $0x100000, s22;
	vm15 =	vlt.s32 v6, v3;
	vm0 =	vmand vm1, vm0  }
0x5cf: {  	v5 =	vor.u32 s15, v1;
	v4 =	vadd.s32 $0xFF100000, v4;
	vm0 =	vmand vm15, vm0  }
0x5d0: {  	s23 =	sadd.s32 $0x10, s18;
	s14 =	sadd.s32 $0x1, s14;
	v4 =	vsel vm0, v4, v5  }
0x5d1: {  	p2 =	sne.s32 s14, s10;
	[tilespmem:s23+$0x0] =	vst v4  }
0x5d2: {  	[spmem:s3] =	stream.indirect.scatter.add.f32 [tilespmem:s4], [sflag:$0x2], $0x1, s8, s7, $0xb8;
	[tilespmem:$0x1A108] =	vst v63  }
.Ltmp59:
0x5d3: {  	_ = 	snop;
	(pc) =	sbr.rel @p2 .LBB2_89-.Ltmp59, $4  }
.Ltmp60:
0x5d4: {  	_ = 	snop;
	(pc) =	sbr.rel @!p2 .LBB2_92-.Ltmp60, $4  }
0x5d5: {  	_ =	swait.ge [sflag:s30], $0x2000  }
0x5d6: {  	[sflag:s30] =	ssyncset.done $0x0  }
0x5d7: {  	s13 =	sadd.s32 $0x2000, s13;
	[sflag:s30] =	ssyncadd.s32 $0xFFFFE000  }
0x5d8: {  	_ = 	snop  }
.LBB2_94:
0x5d9: {  	_ =	sfence.sel $0x180000  }
0x5da: {  	[bflag:$0x0] =	sbarrier.arrive $0xFFFF  }
0x5db: {  	_ =	strace $0x90000047  }
0x5dc: {  	[bflag:$0x2] =	sbarrier.arrive $0xFFFF  }
0x5dd: {  	p0 =	sne.s32 s2, $0x0;
	s0 =	rddreg [dreg:$0x3]  }
0x5de: {  	s0 =	sadd.s32 @!p0 $0x100000, s0  }
0x5df: {  	[sflag:s0] =	ssyncadd.tile.s32 @!p0 $0x1;
	_ =	shalt  }
.Lfunc_end2:
_tile_overlayer_lowered:
.L_overlay_start_2:
0x5e0: {  	(tag) =	ssettag $0x2  }
0x5e1: {  	s0 =	rddreg [dreg:$0x0];
	s2 =	stileid.u32  }
0x5e2: {  	s1 =	rddreg [dreg:$0x1];
	p0 =	sne.s32 s2, $0x0  }
0x5e3: {  	s3 =	rddreg [dreg:$0x2];
	[bflag:$0x3] =	sbarrier.arrive $0xFFFF;
	s2 =	simm.s32 @!p0 $0x1C02  }
0x5e4: {  	[timem:s3], [sflag:s2] =	dma.local @!p0 [hbm:s0], s1  }
0x5e5: {  	s0 =	simm.s32 @!p0 $0x2  }
0x5e6: {  	_ =	swait.ge @!p0 [sflag:s0], s1  }
0x5e7: {  	s1 =	ssub.s32 @!p0 $0x0, s1;
	[sflag:s0] =	ssyncset.done @!p0 $0x0  }
0x5e8: {  	[sflag:s0] =	ssyncadd.s32 @!p0 s1  }
0x5e9: {  	[bflag:$0x3] =	sbarrier.arrive $0xFFFF  }
0x5ea: {  	_ =	shalt  }

</sc_bundles>
